<compile_context>
chip_gen: v7x
topology: tpu7x:2x2x1
jax: 0.10.2.dev20260603
libtpu: 0.0.44.dev20260713+nightly
codegen_flags: <defaults>
</compile_context>

<pallas_src>
import functools

import jax
import jax.numpy as jnp
import numpy as np
from jax import lax
from jax.experimental import pallas as pl
from jax.experimental.pallas import tpu as pltpu
from jax.experimental.pallas import tpu_sc as plsc

_MASK_RATIO = 0.75
_INT_MIN = np.int32(-2147483648)
_L = 16


def _row_select_body(imp_hbm, out_hbm, key_v, out_v, idx_v, hist_v,
                     red_v, part_v, shared, *, hw, len_keep):
    half_n = hw // 2
    nv = half_n // _L
    c = lax.axis_index("c")
    s = lax.axis_index("s")
    row = c * 8 + (s >> 1)
    half = s & 1
    base = half * half_n

    pltpu.sync_copy(imp_hbm.at[row, pl.ds(base, half_n)], key_v)

    lane = lax.iota(jnp.int32, _L)
    lane_base = lane * np.int32(256)
    ones = jnp.full((_L,), 1, jnp.int32)
    zeros16 = jnp.zeros((_L,), jnp.int32)

    def zero_hist(j, _):
        hist_v[pl.ds(j * _L, _L)] = zeros16
        return 0

    def to_key(b):
        m = b >> 31
        return (b ^ (m | _INT_MIN)) - m

    def exchange_and_select(p, prefix, rem):
        def reduce_copies(j, _):
            acc = hist_v[pl.ds(j * _L, _L)]
            for l in range(1, _L):
                acc = acc + hist_v[pl.ds(l * 256 + j * _L, _L)]
            red_v[pl.ds(j * _L, _L)] = acc
            return 0

        lax.fori_loop(0, 16, reduce_copies, 0, unroll=4)
        pltpu.sync_copy(red_v, shared.at[p, s])
        plsc.subcore_barrier()
        pltpu.sync_copy(shared.at[p, s ^ 1], part_v)

        def select(j, sc):
            nlt, below, off = sc
            acc = red_v[pl.ds(j * _L, _L)] + part_v[pl.ds(j * _L, _L)]
            cum = off + plsc.cumsum(acc)
            m = cum < rem
            nlt = nlt + jnp.sum(m.astype(jnp.int32))
            below = below + jnp.sum(jnp.where(m, acc, 0))
            off = off + jnp.sum(acc)
            return nlt, below, off

        bkt, below, _ = lax.fori_loop(0, 16, select,
                                      (jnp.int32(0), jnp.int32(0),
                                       jnp.int32(0)))
        return (prefix << 8) | bkt, rem - below, bkt

    lax.fori_loop(0, 256, zero_hist, 0, unroll=8)

    def rot_base(i):
        return ((lane + i) & np.int32(15)) * np.int32(256)

    def scan0(i, _):
        ku = to_key(key_v[pl.ds(i * _L, _L)])
        key_v[pl.ds(i * _L, _L)] = ku
        bucket = lax.shift_right_logical(ku, 24)
        plsc.addupdate_scatter(hist_v, [rot_base(i) + bucket], ones)
        return 0

    lax.fori_loop(0, nv, scan0, 0, unroll=4)
    prefix, rem, bkt = exchange_and_select(0, jnp.int32(0),
                                           jnp.int32(len_keep))

    lax.fori_loop(0, 256, zero_hist, 0, unroll=8)

    def scan1(i, wpos):
        ku = key_v[pl.ds(i * _L, _L)]
        bucket_hi = lax.shift_right_logical(ku, 24)
        out_v[pl.ds(i * _L, _L)] = jnp.where(bucket_hi < prefix, 0.0, 1.0)
        active = bucket_hi == prefix
        bucket = lax.shift_right_logical(ku, 16) & np.int32(0xFF)
        plsc.addupdate_scatter(hist_v, [rot_base(i) + bucket], ones,
                               mask=active)
        plsc.store_compressed(idx_v.at[pl.ds(wpos, _L)], i * _L + lane,
                              mask=active)
        return wpos + plsc.all_reduce_population_count(active)[0]

    nc = lax.fori_loop(0, nv, scan1, jnp.int32(0), unroll=4)
    prefix, rem, bkt = exchange_and_select(1, prefix, rem)
    nvc = (nc + np.int32(_L - 1)) >> 4

    def gather_keys(j):
        valid = (j * _L + lane) < nc
        idx = jnp.where(valid, idx_v[pl.ds(j * _L, _L)], 0)
        ku = plsc.load_gather(key_v, [idx])
        return idx, ku, valid

    def compact_pass(p, prefix, rem):
        shift = 24 - 8 * p
        lax.fori_loop(0, 256, zero_hist, 0, unroll=8)

        def scanc(j, _):
            _, ku, valid = gather_keys(j)
            active = (lax.shift_right_logical(ku, shift + 8) == prefix) \
                & valid
            bucket = lax.shift_right_logical(ku, shift) & np.int32(0xFF)
            plsc.addupdate_scatter(hist_v, [rot_base(j) + bucket], ones,
                                   mask=active)
            return 0

        lax.fori_loop(0, nvc, scanc, 0)
        return exchange_and_select(p, prefix, rem)

    prefix, rem, bkt = compact_pass(2, prefix, rem)
    prefix, rem, bkt = compact_pass(3, prefix, rem)

    t_ku = prefix
    t_ks = prefix ^ _INT_MIN

    pvec = part_v[pl.ds((bkt >> 4) * _L, _L)]
    peq = jnp.sum(jnp.where(lane == (bkt & 15), pvec, 0))
    running0 = jnp.where(half == 1, peq, jnp.int32(0))

    def fix(j, carry):
        idx, ku, valid = gather_keys(j)
        eq = ku == t_ku
        eqi = (eq & valid).astype(jnp.int32)
        cume = plsc.cumsum(eqi) + carry
        zero = ((ku ^ _INT_MIN) < t_ks) | (eq & (cume <= rem))
        plsc.store_scatter(out_v, [idx],
                           jnp.where(zero, 0.0, 1.0), mask=valid)
        return carry + jnp.sum(eqi)

    lax.fori_loop(0, nvc, fix, running0)
    pltpu.sync_copy(out_v, out_hbm.at[row, pl.ds(base, half_n)])


def kernel(image, importance):
    n, c, h, w = image.shape
    hw = h * w
    len_keep = int(hw * (1 - _MASK_RATIO))
    imp = lax.bitcast_convert_type(importance.reshape(n, hw), jnp.int32)

    body = functools.partial(_row_select_body, hw=hw, len_keep=len_keep)
    mask = pl.kernel(
        body,
        out_type=jax.ShapeDtypeStruct((n, hw), jnp.float32),
        mesh=plsc.VectorSubcoreMesh(core_axis_name="c", subcore_axis_name="s"),
        compiler_params=pltpu.CompilerParams(needs_layout_passes=False),
        scratch_types=[
            pltpu.VMEM((hw // 2,), jnp.int32),
            pltpu.VMEM((hw // 2,), jnp.float32),
            pltpu.VMEM((hw // 2,), jnp.int32),
            pltpu.VMEM((_L * 256,), jnp.int32),
            pltpu.VMEM((256,), jnp.int32),
            pltpu.VMEM((256,), jnp.int32),
            pltpu.VMEM_SHARED((4, 16, 256), jnp.int32),
        ],
    )(imp)
    return mask.reshape(n, 1, h, w)

# --- scband reference (transcript-rebuilt; emitter-appended) ---
"""Pipeline reference for scband-attention-mask-82308753261111 (READ-ONLY COPY).

The authoritative reference and input builder live on the scoring server;
editing this copy changes nothing except your own understanding.
"""

import jax, jax.numpy as jnp
import numpy as np

MASK_RATIO = 0.75

def setup_inputs(seed: int = 0) -> dict:
    key = jax.random.key(seed)
    k1, k2 = jax.random.split(key)
    image = jax.random.normal(k1, (16, 96, 224, 224), dtype=jnp.float32)
    importance = jax.random.normal(k2, (16, 1, 224, 224), dtype=jnp.float32)
    return {"image": image, "importance": importance}

def reference(image, importance):
    N, C, H, W = image.shape
    len_keep = int(H * W * (1 - MASK_RATIO))
    flatten_importance = importance.reshape(N, -1)
    sort_indices = jnp.argsort(flatten_importance, axis=1)
    attention_mask = jnp.ones((N, H * W), dtype=jnp.float32)
    rows = jnp.arange(N)[:, None]
    attention_mask = attention_mask.at[rows, sort_indices[:, :len_keep]].set(0.0)
    attention_mask = attention_mask.reshape(N, 1, H, W)
    return attention_mask

if __name__ == "__main__":
    import jax
    _d = setup_inputs()
    print(jax.jit(kernel)(*tuple(_d.values())))

</pallas_src>

<mosaic_0001>
#map = affine_map<(d0, d1) -> (0, 0)>
module attributes {stable_mosaic.version = 14 : i64} {
  func.func @_row_select_body(%arg0: i32, %arg1: i32, %arg2: memref<16x50176xi32, #tpu.memory_space<hbm>>, %arg3: memref<16x50176xf32, #tpu.memory_space<hbm>>, %arg4: memref<25088xi32, #tpu.memory_space<vmem>>, %arg5: memref<25088xf32, #tpu.memory_space<vmem>>, %arg6: memref<25088xi32, #tpu.memory_space<vmem>>, %arg7: memref<4096xi32, #tpu.memory_space<vmem>>, %arg8: memref<256xi32, #tpu.memory_space<vmem>>, %arg9: memref<256xi32, #tpu.memory_space<vmem>>, %arg10: memref<4x16x256xi32, #tpu.memory_space<vmem_shared>>) attributes {dimension_semantics = [#tpu.dimension_semantics<core_parallel>, #tpu.dimension_semantics<subcore_parallel>], iteration_bounds = array<i64: 2, 16>, scalar_prefetch = 0 : i64, scratch_operands = 7 : i64, tpu.core_type = #tpu.core_type<sc_vector_subcore>, window_params = [{transform_indices = #map}, {transform_indices = #map}]} {
    %mul3A = arith.constant 8 : i32
    %mul3A_0 = arith.muli %arg0, %mul3A : i32
    %shift_right_arithmetic3A = arith.constant 1 : i32
    %shift_right_arithmetic3A_1 = arith.shrsi %arg1, %shift_right_arithmetic3A : i32
    %add3A = arith.addi %mul3A_0, %shift_right_arithmetic3A_1 : i32
    %and3A = arith.constant 1 : i32
    %and3A_2 = arith.andi %arg1, %and3A : i32
    %mul3A_3 = arith.constant 25088 : i32
    %mul3A_4 = arith.muli %and3A_2, %mul3A_3 : i32
    "tpu.region"() ({
      %run_scoped3A_205 = tpu.sem_alloc : memref<!tpu.dma_semaphore, #tpu.memory_space<semaphore_mem>>
      %dma_start3A = tpu.memref_slice %arg2[%add3A, %mul3A_4] : memref<16x50176xi32, #tpu.memory_space<hbm>> -> memref<1x25088xi32, #tpu.memory_space<hbm>>
      %dma_start3A_206 = tpu.memref_squeeze %dma_start3A : memref<1x25088xi32, #tpu.memory_space<hbm>> -> memref<25088xi32, #tpu.memory_space<hbm>>
      %dma_start3A_207 = tpu.memref_slice %arg2[%add3A, %mul3A_4] : memref<16x50176xi32, #tpu.memory_space<hbm>> -> memref<1x25088xi32, #tpu.memory_space<hbm>>
      %dma_start3A_208 = tpu.memref_squeeze %dma_start3A_207 : memref<1x25088xi32, #tpu.memory_space<hbm>> -> memref<25088xi32, #tpu.memory_space<hbm>>
      tpu.enqueue_dma source(%dma_start3A_208 : memref<25088xi32, #tpu.memory_space<hbm>>) target(%arg4 : memref<25088xi32, #tpu.memory_space<vmem>>) target_semaphore(%run_scoped3A_205 : memref<!tpu.dma_semaphore, #tpu.memory_space<semaphore_mem>>)
      %dma_wait3A = tpu.memref_slice %arg2[%add3A, %mul3A_4] : memref<16x50176xi32, #tpu.memory_space<hbm>> -> memref<1x25088xi32, #tpu.memory_space<hbm>>
      %dma_wait3A_209 = tpu.memref_squeeze %dma_wait3A : memref<1x25088xi32, #tpu.memory_space<hbm>> -> memref<25088xi32, #tpu.memory_space<hbm>>
      %dma_wait3A_210 = tpu.memref_slice %arg2[%add3A, %mul3A_4] : memref<16x50176xi32, #tpu.memory_space<hbm>> -> memref<1x25088xi32, #tpu.memory_space<hbm>>
      %dma_wait3A_211 = tpu.memref_squeeze %dma_wait3A_210 : memref<1x25088xi32, #tpu.memory_space<hbm>> -> memref<25088xi32, #tpu.memory_space<hbm>>
      tpu.wait_dma2 semaphore(%run_scoped3A_205 : memref<!tpu.dma_semaphore, #tpu.memory_space<semaphore_mem>>) src(%dma_wait3A_211 : memref<25088xi32, #tpu.memory_space<hbm>>) dst(%arg4 : memref<25088xi32, #tpu.memory_space<vmem>>)
      tpu.yield
    }) : () -> ()
    %iota3A = tpu.iota {dimensions = array<i32: 0>} : vector<16xi32>
    %mul3A_5 = arith.constant 256 : i32
    %mul3A_6 = vector.broadcast %mul3A_5 : i32 to vector<16xi32>
    %mul3A_7 = arith.muli %iota3A, %mul3A_6 : vector<16xi32>
    %broadcast_in_dim3A = arith.constant 1 : i32
    %broadcast_in_dim3A_8 = vector.broadcast %broadcast_in_dim3A : i32 to vector<16xi32>
    %broadcast_in_dim3A_9 = arith.constant 0 : i32
    %broadcast_in_dim3A_10 = vector.broadcast %broadcast_in_dim3A_9 : i32 to vector<16xi32>
    %scan3A = arith.constant 0 : i32
    %scan3A_11 = arith.constant 0 : i32
    %scan3A_12 = arith.constant 256 : i32
    %scan3A_13 = arith.addi %scan3A_11, %scan3A_12 : i32
    %scan3A_14 = arith.constant 8 : i32
    %scan3A_15 = scf.for %scan3A_205 = %scan3A_11 to %scan3A_13 step %scan3A_14 iter_args(%scan3A_206 = %scan3A) -> (i32)  : i32 {
      %mul3A_207 = arith.constant 16 : i32
      %mul3A_208 = arith.muli %scan3A_205, %mul3A_207 : i32
      %swap3A = arith.index_cast %mul3A_208 : i32 to index
      %swap3A_209 = tpu.vector_load %arg7[%swap3A] {strides = array<i32>} : memref<4096xi32, #tpu.memory_space<vmem>>, vector<16xi32>,
      tpu.vector_store %arg7[%swap3A], %broadcast_in_dim3A_10 {strides = array<i32>} : memref<4096xi32, #tpu.memory_space<vmem>>, vector<16xi32>,
      %scan3A_210 = arith.constant 0 : i32
      %scan3A_211 = arith.constant 1 : i32
      %scan3A_212 = arith.addi %scan3A_205, %scan3A_211 : i32
      %mul3A_213 = arith.constant 16 : i32
      %mul3A_214 = arith.muli %scan3A_212, %mul3A_213 : i32
      %swap3A_215 = arith.index_cast %mul3A_214 : i32 to index
      %swap3A_216 = tpu.vector_load %arg7[%swap3A_215] {strides = array<i32>} : memref<4096xi32, #tpu.memory_space<vmem>>, vector<16xi32>,
      tpu.vector_store %arg7[%swap3A_215], %broadcast_in_dim3A_10 {strides = array<i32>} : memref<4096xi32, #tpu.memory_space<vmem>>, vector<16xi32>,
      %scan3A_217 = arith.constant 0 : i32
      %scan3A_218 = arith.constant 2 : i32
      %scan3A_219 = arith.addi %scan3A_205, %scan3A_218 : i32
      %mul3A_220 = arith.constant 16 : i32
      %mul3A_221 = arith.muli %scan3A_219, %mul3A_220 : i32
      %swap3A_222 = arith.index_cast %mul3A_221 : i32 to index
      %swap3A_223 = tpu.vector_load %arg7[%swap3A_222] {strides = array<i32>} : memref<4096xi32, #tpu.memory_space<vmem>>, vector<16xi32>,
      tpu.vector_store %arg7[%swap3A_222], %broadcast_in_dim3A_10 {strides = array<i32>} : memref<4096xi32, #tpu.memory_space<vmem>>, vector<16xi32>,
      %scan3A_224 = arith.constant 0 : i32
      %scan3A_225 = arith.constant 3 : i32
      %scan3A_226 = arith.addi %scan3A_205, %scan3A_225 : i32
      %mul3A_227 = arith.constant 16 : i32
      %mul3A_228 = arith.muli %scan3A_226, %mul3A_227 : i32
      %swap3A_229 = arith.index_cast %mul3A_228 : i32 to index
      %swap3A_230 = tpu.vector_load %arg7[%swap3A_229] {strides = array<i32>} : memref<4096xi32, #tpu.memory_space<vmem>>, vector<16xi32>,
      tpu.vector_store %arg7[%swap3A_229], %broadcast_in_dim3A_10 {strides = array<i32>} : memref<4096xi32, #tpu.memory_space<vmem>>, vector<16xi32>,
      %scan3A_231 = arith.constant 0 : i32
      %scan3A_232 = arith.constant 4 : i32
      %scan3A_233 = arith.addi %scan3A_205, %scan3A_232 : i32
      %mul3A_234 = arith.constant 16 : i32
      %mul3A_235 = arith.muli %scan3A_233, %mul3A_234 : i32
      %swap3A_236 = arith.index_cast %mul3A_235 : i32 to index
      %swap3A_237 = tpu.vector_load %arg7[%swap3A_236] {strides = array<i32>} : memref<4096xi32, #tpu.memory_space<vmem>>, vector<16xi32>,
      tpu.vector_store %arg7[%swap3A_236], %broadcast_in_dim3A_10 {strides = array<i32>} : memref<4096xi32, #tpu.memory_space<vmem>>, vector<16xi32>,
      %scan3A_238 = arith.constant 0 : i32
      %scan3A_239 = arith.constant 5 : i32
      %scan3A_240 = arith.addi %scan3A_205, %scan3A_239 : i32
      %mul3A_241 = arith.constant 16 : i32
      %mul3A_242 = arith.muli %scan3A_240, %mul3A_241 : i32
      %swap3A_243 = arith.index_cast %mul3A_242 : i32 to index
      %swap3A_244 = tpu.vector_load %arg7[%swap3A_243] {strides = array<i32>} : memref<4096xi32, #tpu.memory_space<vmem>>, vector<16xi32>,
      tpu.vector_store %arg7[%swap3A_243], %broadcast_in_dim3A_10 {strides = array<i32>} : memref<4096xi32, #tpu.memory_space<vmem>>, vector<16xi32>,
      %scan3A_245 = arith.constant 0 : i32
      %scan3A_246 = arith.constant 6 : i32
      %scan3A_247 = arith.addi %scan3A_205, %scan3A_246 : i32
      %mul3A_248 = arith.constant 16 : i32
      %mul3A_249 = arith.muli %scan3A_247, %mul3A_248 : i32
      %swap3A_250 = arith.index_cast %mul3A_249 : i32 to index
      %swap3A_251 = tpu.vector_load %arg7[%swap3A_250] {strides = array<i32>} : memref<4096xi32, #tpu.memory_space<vmem>>, vector<16xi32>,
      tpu.vector_store %arg7[%swap3A_250], %broadcast_in_dim3A_10 {strides = array<i32>} : memref<4096xi32, #tpu.memory_space<vmem>>, vector<16xi32>,
      %scan3A_252 = arith.constant 0 : i32
      %scan3A_253 = arith.constant 7 : i32
      %scan3A_254 = arith.addi %scan3A_205, %scan3A_253 : i32
      %mul3A_255 = arith.constant 16 : i32
      %mul3A_256 = arith.muli %scan3A_254, %mul3A_255 : i32
      %swap3A_257 = arith.index_cast %mul3A_256 : i32 to index
      %swap3A_258 = tpu.vector_load %arg7[%swap3A_257] {strides = array<i32>} : memref<4096xi32, #tpu.memory_space<vmem>>, vector<16xi32>,
      tpu.vector_store %arg7[%swap3A_257], %broadcast_in_dim3A_10 {strides = array<i32>} : memref<4096xi32, #tpu.memory_space<vmem>>, vector<16xi32>,
      %scan3A_259 = arith.constant 0 : i32
      scf.yield %scan3A_259 : i32
    }
    %scan3A_16 = arith.constant 256 : i32
    %scan3A_17 = arith.constant 0 : i32
    %scan3A_18 = arith.constant 0 : i32
    %scan3A_19 = arith.constant 1568 : i32
    %scan3A_20 = arith.addi %scan3A_18, %scan3A_19 : i32
    %scan3A_21 = arith.constant 4 : i32
    %scan3A_22 = scf.for %scan3A_205 = %scan3A_18 to %scan3A_20 step %scan3A_21 iter_args(%scan3A_206 = %scan3A_17) -> (i32)  : i32 {
      %mul3A_207 = arith.constant 16 : i32
      %mul3A_208 = arith.muli %scan3A_205, %mul3A_207 : i32
      %get3A_209 = arith.index_cast %mul3A_208 : i32 to index
      %get3A_210 = tpu.vector_load %arg4[%get3A_209] {strides = array<i32>} : memref<25088xi32, #tpu.memory_space<vmem>>, vector<16xi32>,
      %shift_right_arithmetic3A_211 = arith.constant 31 : i32
      %shift_right_arithmetic3A_212 = vector.broadcast %shift_right_arithmetic3A_211 : i32 to vector<16xi32>
      %shift_right_arithmetic3A_213 = arith.shrsi %get3A_210, %shift_right_arithmetic3A_212 : vector<16xi32>
      %or3A_214 = arith.constant -2147483648 : i32
      %or3A_215 = vector.broadcast %or3A_214 : i32 to vector<16xi32>
      %or3A_216 = arith.ori %shift_right_arithmetic3A_213, %or3A_215 : vector<16xi32>
      %xor3A_217 = arith.xori %get3A_210, %or3A_216 : vector<16xi32>
      %sub3A_218 = arith.subi %xor3A_217, %shift_right_arithmetic3A_213 : vector<16xi32>
      %mul3A_219 = arith.constant 16 : i32
      %mul3A_220 = arith.muli %scan3A_205, %mul3A_219 : i32
      %swap3A = arith.index_cast %mul3A_220 : i32 to index
      %swap3A_221 = tpu.vector_load %arg4[%swap3A] {strides = array<i32>} : memref<25088xi32, #tpu.memory_space<vmem>>, vector<16xi32>,
      tpu.vector_store %arg4[%swap3A], %sub3A_218 {strides = array<i32>} : memref<25088xi32, #tpu.memory_space<vmem>>, vector<16xi32>,
      %shift_right_logical3A = arith.constant 24 : i32
      %shift_right_logical3A_222 = vector.broadcast %shift_right_logical3A : i32 to vector<16xi32>
      %shift_right_logical3A_223 = arith.shrui %sub3A_218, %shift_right_logical3A_222 : vector<16xi32>
      %add3A_224 = vector.broadcast %scan3A_205 : i32 to vector<16xi32>
      %add3A_225 = arith.addi %iota3A, %add3A_224 : vector<16xi32>
      %and3A_226 = arith.constant 15 : i32
      %and3A_227 = vector.broadcast %and3A_226 : i32 to vector<16xi32>
      %and3A_228 = arith.andi %add3A_225, %and3A_227 : vector<16xi32>
      %mul3A_229 = arith.constant 256 : i32
      %mul3A_230 = vector.broadcast %mul3A_229 : i32 to vector<16xi32>
      %mul3A_231 = arith.muli %and3A_228, %mul3A_230 : vector<16xi32>
      %add3A_232 = arith.addi %mul3A_231, %shift_right_logical3A_223 : vector<16xi32>
      tpu.vector_store_idx %arg7[%add3A_232], %broadcast_in_dim3A_8 {add = true} : memref<4096xi32, #tpu.memory_space<vmem>>[vector<16xi32>], vector<16xi32>,
      %scan3A_233 = arith.constant 0 : i32
      %scan3A_234 = arith.constant 1 : i32
      %scan3A_235 = arith.addi %scan3A_205, %scan3A_234 : i32
      %mul3A_236 = arith.constant 16 : i32
      %mul3A_237 = arith.muli %scan3A_235, %mul3A_236 : i32
      %get3A_238 = arith.index_cast %mul3A_237 : i32 to index
      %get3A_239 = tpu.vector_load %arg4[%get3A_238] {strides = array<i32>} : memref<25088xi32, #tpu.memory_space<vmem>>, vector<16xi32>,
      %shift_right_arithmetic3A_240 = arith.constant 31 : i32
      %shift_right_arithmetic3A_241 = vector.broadcast %shift_right_arithmetic3A_240 : i32 to vector<16xi32>
      %shift_right_arithmetic3A_242 = arith.shrsi %get3A_239, %shift_right_arithmetic3A_241 : vector<16xi32>
      %or3A_243 = arith.constant -2147483648 : i32
      %or3A_244 = vector.broadcast %or3A_243 : i32 to vector<16xi32>
      %or3A_245 = arith.ori %shift_right_arithmetic3A_242, %or3A_244 : vector<16xi32>
      %xor3A_246 = arith.xori %get3A_239, %or3A_245 : vector<16xi32>
      %sub3A_247 = arith.subi %xor3A_246, %shift_right_arithmetic3A_242 : vector<16xi32>
      %mul3A_248 = arith.constant 16 : i32
      %mul3A_249 = arith.muli %scan3A_235, %mul3A_248 : i32
      %swap3A_250 = arith.index_cast %mul3A_249 : i32 to index
      %swap3A_251 = tpu.vector_load %arg4[%swap3A_250] {strides = array<i32>} : memref<25088xi32, #tpu.memory_space<vmem>>, vector<16xi32>,
      tpu.vector_store %arg4[%swap3A_250], %sub3A_247 {strides = array<i32>} : memref<25088xi32, #tpu.memory_space<vmem>>, vector<16xi32>,
      %shift_right_logical3A_252 = arith.constant 24 : i32
      %shift_right_logical3A_253 = vector.broadcast %shift_right_logical3A_252 : i32 to vector<16xi32>
      %shift_right_logical3A_254 = arith.shrui %sub3A_247, %shift_right_logical3A_253 : vector<16xi32>
      %add3A_255 = vector.broadcast %scan3A_235 : i32 to vector<16xi32>
      %add3A_256 = arith.addi %iota3A, %add3A_255 : vector<16xi32>
      %and3A_257 = arith.constant 15 : i32
      %and3A_258 = vector.broadcast %and3A_257 : i32 to vector<16xi32>
      %and3A_259 = arith.andi %add3A_256, %and3A_258 : vector<16xi32>
      %mul3A_260 = arith.constant 256 : i32
      %mul3A_261 = vector.broadcast %mul3A_260 : i32 to vector<16xi32>
      %mul3A_262 = arith.muli %and3A_259, %mul3A_261 : vector<16xi32>
      %add3A_263 = arith.addi %mul3A_262, %shift_right_logical3A_254 : vector<16xi32>
      tpu.vector_store_idx %arg7[%add3A_263], %broadcast_in_dim3A_8 {add = true} : memref<4096xi32, #tpu.memory_space<vmem>>[vector<16xi32>], vector<16xi32>,
      %scan3A_264 = arith.constant 0 : i32
      %scan3A_265 = arith.constant 2 : i32
      %scan3A_266 = arith.addi %scan3A_205, %scan3A_265 : i32
      %mul3A_267 = arith.constant 16 : i32
      %mul3A_268 = arith.muli %scan3A_266, %mul3A_267 : i32
      %get3A_269 = arith.index_cast %mul3A_268 : i32 to index
      %get3A_270 = tpu.vector_load %arg4[%get3A_269] {strides = array<i32>} : memref<25088xi32, #tpu.memory_space<vmem>>, vector<16xi32>,
      %shift_right_arithmetic3A_271 = arith.constant 31 : i32
      %shift_right_arithmetic3A_272 = vector.broadcast %shift_right_arithmetic3A_271 : i32 to vector<16xi32>
      %shift_right_arithmetic3A_273 = arith.shrsi %get3A_270, %shift_right_arithmetic3A_272 : vector<16xi32>
      %or3A_274 = arith.constant -2147483648 : i32
      %or3A_275 = vector.broadcast %or3A_274 : i32 to vector<16xi32>
      %or3A_276 = arith.ori %shift_right_arithmetic3A_273, %or3A_275 : vector<16xi32>
      %xor3A_277 = arith.xori %get3A_270, %or3A_276 : vector<16xi32>
      %sub3A_278 = arith.subi %xor3A_277, %shift_right_arithmetic3A_273 : vector<16xi32>
      %mul3A_279 = arith.constant 16 : i32
      %mul3A_280 = arith.muli %scan3A_266, %mul3A_279 : i32
      %swap3A_281 = arith.index_cast %mul3A_280 : i32 to index
      %swap3A_282 = tpu.vector_load %arg4[%swap3A_281] {strides = array<i32>} : memref<25088xi32, #tpu.memory_space<vmem>>, vector<16xi32>,
      tpu.vector_store %arg4[%swap3A_281], %sub3A_278 {strides = array<i32>} : memref<25088xi32, #tpu.memory_space<vmem>>, vector<16xi32>,
      %shift_right_logical3A_283 = arith.constant 24 : i32
      %shift_right_logical3A_284 = vector.broadcast %shift_right_logical3A_283 : i32 to vector<16xi32>
      %shift_right_logical3A_285 = arith.shrui %sub3A_278, %shift_right_logical3A_284 : vector<16xi32>
      %add3A_286 = vector.broadcast %scan3A_266 : i32 to vector<16xi32>
      %add3A_287 = arith.addi %iota3A, %add3A_286 : vector<16xi32>
      %and3A_288 = arith.constant 15 : i32
      %and3A_289 = vector.broadcast %and3A_288 : i32 to vector<16xi32>
      %and3A_290 = arith.andi %add3A_287, %and3A_289 : vector<16xi32>
      %mul3A_291 = arith.constant 256 : i32
      %mul3A_292 = vector.broadcast %mul3A_291 : i32 to vector<16xi32>
      %mul3A_293 = arith.muli %and3A_290, %mul3A_292 : vector<16xi32>
      %add3A_294 = arith.addi %mul3A_293, %shift_right_logical3A_285 : vector<16xi32>
      tpu.vector_store_idx %arg7[%add3A_294], %broadcast_in_dim3A_8 {add = true} : memref<4096xi32, #tpu.memory_space<vmem>>[vector<16xi32>], vector<16xi32>,
      %scan3A_295 = arith.constant 0 : i32
      %scan3A_296 = arith.constant 3 : i32
      %scan3A_297 = arith.addi %scan3A_205, %scan3A_296 : i32
      %mul3A_298 = arith.constant 16 : i32
      %mul3A_299 = arith.muli %scan3A_297, %mul3A_298 : i32
      %get3A_300 = arith.index_cast %mul3A_299 : i32 to index
      %get3A_301 = tpu.vector_load %arg4[%get3A_300] {strides = array<i32>} : memref<25088xi32, #tpu.memory_space<vmem>>, vector<16xi32>,
      %shift_right_arithmetic3A_302 = arith.constant 31 : i32
      %shift_right_arithmetic3A_303 = vector.broadcast %shift_right_arithmetic3A_302 : i32 to vector<16xi32>
      %shift_right_arithmetic3A_304 = arith.shrsi %get3A_301, %shift_right_arithmetic3A_303 : vector<16xi32>
      %or3A_305 = arith.constant -2147483648 : i32
      %or3A_306 = vector.broadcast %or3A_305 : i32 to vector<16xi32>
      %or3A_307 = arith.ori %shift_right_arithmetic3A_304, %or3A_306 : vector<16xi32>
      %xor3A_308 = arith.xori %get3A_301, %or3A_307 : vector<16xi32>
      %sub3A_309 = arith.subi %xor3A_308, %shift_right_arithmetic3A_304 : vector<16xi32>
      %mul3A_310 = arith.constant 16 : i32
      %mul3A_311 = arith.muli %scan3A_297, %mul3A_310 : i32
      %swap3A_312 = arith.index_cast %mul3A_311 : i32 to index
      %swap3A_313 = tpu.vector_load %arg4[%swap3A_312] {strides = array<i32>} : memref<25088xi32, #tpu.memory_space<vmem>>, vector<16xi32>,
      tpu.vector_store %arg4[%swap3A_312], %sub3A_309 {strides = array<i32>} : memref<25088xi32, #tpu.memory_space<vmem>>, vector<16xi32>,
      %shift_right_logical3A_314 = arith.constant 24 : i32
      %shift_right_logical3A_315 = vector.broadcast %shift_right_logical3A_314 : i32 to vector<16xi32>
      %shift_right_logical3A_316 = arith.shrui %sub3A_309, %shift_right_logical3A_315 : vector<16xi32>
      %add3A_317 = vector.broadcast %scan3A_297 : i32 to vector<16xi32>
      %add3A_318 = arith.addi %iota3A, %add3A_317 : vector<16xi32>
      %and3A_319 = arith.constant 15 : i32
      %and3A_320 = vector.broadcast %and3A_319 : i32 to vector<16xi32>
      %and3A_321 = arith.andi %add3A_318, %and3A_320 : vector<16xi32>
      %mul3A_322 = arith.constant 256 : i32
      %mul3A_323 = vector.broadcast %mul3A_322 : i32 to vector<16xi32>
      %mul3A_324 = arith.muli %and3A_321, %mul3A_323 : vector<16xi32>
      %add3A_325 = arith.addi %mul3A_324, %shift_right_logical3A_316 : vector<16xi32>
      tpu.vector_store_idx %arg7[%add3A_325], %broadcast_in_dim3A_8 {add = true} : memref<4096xi32, #tpu.memory_space<vmem>>[vector<16xi32>], vector<16xi32>,
      %scan3A_326 = arith.constant 0 : i32
      scf.yield %scan3A_326 : i32
    }
    %scan3A_23 = arith.constant 1568 : i32
    %scan3A_24 = arith.constant 0 : i32
    %scan3A_25 = arith.constant 0 : i32
    %scan3A_26 = arith.constant 16 : i32
    %scan3A_27 = arith.addi %scan3A_25, %scan3A_26 : i32
    %scan3A_28 = arith.constant 4 : i32
    %scan3A_29 = scf.for %scan3A_205 = %scan3A_25 to %scan3A_27 step %scan3A_28 iter_args(%scan3A_206 = %scan3A_24) -> (i32)  : i32 {
      %mul3A_207 = arith.constant 16 : i32
      %mul3A_208 = arith.muli %scan3A_205, %mul3A_207 : i32
      %get3A_209 = arith.index_cast %mul3A_208 : i32 to index
      %get3A_210 = tpu.vector_load %arg7[%get3A_209] {strides = array<i32>} : memref<4096xi32, #tpu.memory_space<vmem>>, vector<16xi32>,
      %mul3A_211 = arith.constant 16 : i32
      %mul3A_212 = arith.muli %scan3A_205, %mul3A_211 : i32
      %add3A_213 = arith.constant 256 : i32
      %add3A_214 = arith.addi %add3A_213, %mul3A_212 : i32
      %get3A_215 = arith.index_cast %add3A_214 : i32 to index
      %get3A_216 = tpu.vector_load %arg7[%get3A_215] {strides = array<i32>} : memref<4096xi32, #tpu.memory_space<vmem>>, vector<16xi32>,
      %add3A_217 = arith.addi %get3A_210, %get3A_216 : vector<16xi32>
      %mul3A_218 = arith.constant 16 : i32
      %mul3A_219 = arith.muli %scan3A_205, %mul3A_218 : i32
      %add3A_220 = arith.constant 512 : i32
      %add3A_221 = arith.addi %add3A_220, %mul3A_219 : i32
      %get3A_222 = arith.index_cast %add3A_221 : i32 to index
      %get3A_223 = tpu.vector_load %arg7[%get3A_222] {strides = array<i32>} : memref<4096xi32, #tpu.memory_space<vmem>>, vector<16xi32>,
      %add3A_224 = arith.addi %add3A_217, %get3A_223 : vector<16xi32>
      %mul3A_225 = arith.constant 16 : i32
      %mul3A_226 = arith.muli %scan3A_205, %mul3A_225 : i32
      %add3A_227 = arith.constant 768 : i32
      %add3A_228 = arith.addi %add3A_227, %mul3A_226 : i32
      %get3A_229 = arith.index_cast %add3A_228 : i32 to index
      %get3A_230 = tpu.vector_load %arg7[%get3A_229] {strides = array<i32>} : memref<4096xi32, #tpu.memory_space<vmem>>, vector<16xi32>,
      %add3A_231 = arith.addi %add3A_224, %get3A_230 : vector<16xi32>
      %mul3A_232 = arith.constant 16 : i32
      %mul3A_233 = arith.muli %scan3A_205, %mul3A_232 : i32
      %add3A_234 = arith.constant 1024 : i32
      %add3A_235 = arith.addi %add3A_234, %mul3A_233 : i32
      %get3A_236 = arith.index_cast %add3A_235 : i32 to index
      %get3A_237 = tpu.vector_load %arg7[%get3A_236] {strides = array<i32>} : memref<4096xi32, #tpu.memory_space<vmem>>, vector<16xi32>,
      %add3A_238 = arith.addi %add3A_231, %get3A_237 : vector<16xi32>
      %mul3A_239 = arith.constant 16 : i32
      %mul3A_240 = arith.muli %scan3A_205, %mul3A_239 : i32
      %add3A_241 = arith.constant 1280 : i32
      %add3A_242 = arith.addi %add3A_241, %mul3A_240 : i32
      %get3A_243 = arith.index_cast %add3A_242 : i32 to index
      %get3A_244 = tpu.vector_load %arg7[%get3A_243] {strides = array<i32>} : memref<4096xi32, #tpu.memory_space<vmem>>, vector<16xi32>,
      %add3A_245 = arith.addi %add3A_238, %get3A_244 : vector<16xi32>
      %mul3A_246 = arith.constant 16 : i32
      %mul3A_247 = arith.muli %scan3A_205, %mul3A_246 : i32
      %add3A_248 = arith.constant 1536 : i32
      %add3A_249 = arith.addi %add3A_248, %mul3A_247 : i32
      %get3A_250 = arith.index_cast %add3A_249 : i32 to index
      %get3A_251 = tpu.vector_load %arg7[%get3A_250] {strides = array<i32>} : memref<4096xi32, #tpu.memory_space<vmem>>, vector<16xi32>,
      %add3A_252 = arith.addi %add3A_245, %get3A_251 : vector<16xi32>
      %mul3A_253 = arith.constant 16 : i32
      %mul3A_254 = arith.muli %scan3A_205, %mul3A_253 : i32
      %add3A_255 = arith.constant 1792 : i32
      %add3A_256 = arith.addi %add3A_255, %mul3A_254 : i32
      %get3A_257 = arith.index_cast %add3A_256 : i32 to index
      %get3A_258 = tpu.vector_load %arg7[%get3A_257] {strides = array<i32>} : memref<4096xi32, #tpu.memory_space<vmem>>, vector<16xi32>,
      %add3A_259 = arith.addi %add3A_252, %get3A_258 : vector<16xi32>
      %mul3A_260 = arith.constant 16 : i32
      %mul3A_261 = arith.muli %scan3A_205, %mul3A_260 : i32
      %add3A_262 = arith.constant 2048 : i32
      %add3A_263 = arith.addi %add3A_262, %mul3A_261 : i32
      %get3A_264 = arith.index_cast %add3A_263 : i32 to index
      %get3A_265 = tpu.vector_load %arg7[%get3A_264] {strides = array<i32>} : memref<4096xi32, #tpu.memory_space<vmem>>, vector<16xi32>,
      %add3A_266 = arith.addi %add3A_259, %get3A_265 : vector<16xi32>
      %mul3A_267 = arith.constant 16 : i32
      %mul3A_268 = arith.muli %scan3A_205, %mul3A_267 : i32
      %add3A_269 = arith.constant 2304 : i32
      %add3A_270 = arith.addi %add3A_269, %mul3A_268 : i32
      %get3A_271 = arith.index_cast %add3A_270 : i32 to index
      %get3A_272 = tpu.vector_load %arg7[%get3A_271] {strides = array<i32>} : memref<4096xi32, #tpu.memory_space<vmem>>, vector<16xi32>,
      %add3A_273 = arith.addi %add3A_266, %get3A_272 : vector<16xi32>
      %mul3A_274 = arith.constant 16 : i32
      %mul3A_275 = arith.muli %scan3A_205, %mul3A_274 : i32
      %add3A_276 = arith.constant 2560 : i32
      %add3A_277 = arith.addi %add3A_276, %mul3A_275 : i32
      %get3A_278 = arith.index_cast %add3A_277 : i32 to index
      %get3A_279 = tpu.vector_load %arg7[%get3A_278] {strides = array<i32>} : memref<4096xi32, #tpu.memory_space<vmem>>, vector<16xi32>,
      %add3A_280 = arith.addi %add3A_273, %get3A_279 : vector<16xi32>
      %mul3A_281 = arith.constant 16 : i32
      %mul3A_282 = arith.muli %scan3A_205, %mul3A_281 : i32
      %add3A_283 = arith.constant 2816 : i32
      %add3A_284 = arith.addi %add3A_283, %mul3A_282 : i32
      %get3A_285 = arith.index_cast %add3A_284 : i32 to index
      %get3A_286 = tpu.vector_load %arg7[%get3A_285] {strides = array<i32>} : memref<4096xi32, #tpu.memory_space<vmem>>, vector<16xi32>,
      %add3A_287 = arith.addi %add3A_280, %get3A_286 : vector<16xi32>
      %mul3A_288 = arith.constant 16 : i32
      %mul3A_289 = arith.muli %scan3A_205, %mul3A_288 : i32
      %add3A_290 = arith.constant 3072 : i32
      %add3A_291 = arith.addi %add3A_290, %mul3A_289 : i32
      %get3A_292 = arith.index_cast %add3A_291 : i32 to index
      %get3A_293 = tpu.vector_load %arg7[%get3A_292] {strides = array<i32>} : memref<4096xi32, #tpu.memory_space<vmem>>, vector<16xi32>,
      %add3A_294 = arith.addi %add3A_287, %get3A_293 : vector<16xi32>
      %mul3A_295 = arith.constant 16 : i32
      %mul3A_296 = arith.muli %scan3A_205, %mul3A_295 : i32
      %add3A_297 = arith.constant 3328 : i32
      %add3A_298 = arith.addi %add3A_297, %mul3A_296 : i32
      %get3A_299 = arith.index_cast %add3A_298 : i32 to index
      %get3A_300 = tpu.vector_load %arg7[%get3A_299] {strides = array<i32>} : memref<4096xi32, #tpu.memory_space<vmem>>, vector<16xi32>,
      %add3A_301 = arith.addi %add3A_294, %get3A_300 : vector<16xi32>
      %mul3A_302 = arith.constant 16 : i32
      %mul3A_303 = arith.muli %scan3A_205, %mul3A_302 : i32
      %add3A_304 = arith.constant 3584 : i32
      %add3A_305 = arith.addi %add3A_304, %mul3A_303 : i32
      %get3A_306 = arith.index_cast %add3A_305 : i32 to index
      %get3A_307 = tpu.vector_load %arg7[%get3A_306] {strides = array<i32>} : memref<4096xi32, #tpu.memory_space<vmem>>, vector<16xi32>,
      %add3A_308 = arith.addi %add3A_301, %get3A_307 : vector<16xi32>
      %mul3A_309 = arith.constant 16 : i32
      %mul3A_310 = arith.muli %scan3A_205, %mul3A_309 : i32
      %add3A_311 = arith.constant 3840 : i32
      %add3A_312 = arith.addi %add3A_311, %mul3A_310 : i32
      %get3A_313 = arith.index_cast %add3A_312 : i32 to index
      %get3A_314 = tpu.vector_load %arg7[%get3A_313] {strides = array<i32>} : memref<4096xi32, #tpu.memory_space<vmem>>, vector<16xi32>,
      %add3A_315 = arith.addi %add3A_308, %get3A_314 : vector<16xi32>
      %mul3A_316 = arith.constant 16 : i32
      %mul3A_317 = arith.muli %scan3A_205, %mul3A_316 : i32
      %swap3A = arith.index_cast %mul3A_317 : i32 to index
      %swap3A_318 = tpu.vector_load %arg8[%swap3A] {strides = array<i32>} : memref<256xi32, #tpu.memory_space<vmem>>, vector<16xi32>,
      tpu.vector_store %arg8[%swap3A], %add3A_315 {strides = array<i32>} : memref<256xi32, #tpu.memory_space<vmem>>, vector<16xi32>,
      %scan3A_319 = arith.constant 0 : i32
      %scan3A_320 = arith.constant 1 : i32
      %scan3A_321 = arith.addi %scan3A_205, %scan3A_320 : i32
      %mul3A_322 = arith.constant 16 : i32
      %mul3A_323 = arith.muli %scan3A_321, %mul3A_322 : i32
      %get3A_324 = arith.index_cast %mul3A_323 : i32 to index
      %get3A_325 = tpu.vector_load %arg7[%get3A_324] {strides = array<i32>} : memref<4096xi32, #tpu.memory_space<vmem>>, vector<16xi32>,
      %mul3A_326 = arith.constant 16 : i32
      %mul3A_327 = arith.muli %scan3A_321, %mul3A_326 : i32
      %add3A_328 = arith.constant 256 : i32
      %add3A_329 = arith.addi %add3A_328, %mul3A_327 : i32
      %get3A_330 = arith.index_cast %add3A_329 : i32 to index
      %get3A_331 = tpu.vector_load %arg7[%get3A_330] {strides = array<i32>} : memref<4096xi32, #tpu.memory_space<vmem>>, vector<16xi32>,
      %add3A_332 = arith.addi %get3A_325, %get3A_331 : vector<16xi32>
      %mul3A_333 = arith.constant 16 : i32
      %mul3A_334 = arith.muli %scan3A_321, %mul3A_333 : i32
      %add3A_335 = arith.constant 512 : i32
      %add3A_336 = arith.addi %add3A_335, %mul3A_334 : i32
      %get3A_337 = arith.index_cast %add3A_336 : i32 to index
      %get3A_338 = tpu.vector_load %arg7[%get3A_337] {strides = array<i32>} : memref<4096xi32, #tpu.memory_space<vmem>>, vector<16xi32>,
      %add3A_339 = arith.addi %add3A_332, %get3A_338 : vector<16xi32>
      %mul3A_340 = arith.constant 16 : i32
      %mul3A_341 = arith.muli %scan3A_321, %mul3A_340 : i32
      %add3A_342 = arith.constant 768 : i32
      %add3A_343 = arith.addi %add3A_342, %mul3A_341 : i32
      %get3A_344 = arith.index_cast %add3A_343 : i32 to index
      %get3A_345 = tpu.vector_load %arg7[%get3A_344] {strides = array<i32>} : memref<4096xi32, #tpu.memory_space<vmem>>, vector<16xi32>,
      %add3A_346 = arith.addi %add3A_339, %get3A_345 : vector<16xi32>
      %mul3A_347 = arith.constant 16 : i32
      %mul3A_348 = arith.muli %scan3A_321, %mul3A_347 : i32
      %add3A_349 = arith.constant 1024 : i32
      %add3A_350 = arith.addi %add3A_349, %mul3A_348 : i32
      %get3A_351 = arith.index_cast %add3A_350 : i32 to index
      %get3A_352 = tpu.vector_load %arg7[%get3A_351] {strides = array<i32>} : memref<4096xi32, #tpu.memory_space<vmem>>, vector<16xi32>,
      %add3A_353 = arith.addi %add3A_346, %get3A_352 : vector<16xi32>
      %mul3A_354 = arith.constant 16 : i32
      %mul3A_355 = arith.muli %scan3A_321, %mul3A_354 : i32
      %add3A_356 = arith.constant 1280 : i32
      %add3A_357 = arith.addi %add3A_356, %mul3A_355 : i32
      %get3A_358 = arith.index_cast %add3A_357 : i32 to index
      %get3A_359 = tpu.vector_load %arg7[%get3A_358] {strides = array<i32>} : memref<4096xi32, #tpu.memory_space<vmem>>, vector<16xi32>,
      %add3A_360 = arith.addi %add3A_353, %get3A_359 : vector<16xi32>
      %mul3A_361 = arith.constant 16 : i32
      %mul3A_362 = arith.muli %scan3A_321, %mul3A_361 : i32
      %add3A_363 = arith.constant 1536 : i32
      %add3A_364 = arith.addi %add3A_363, %mul3A_362 : i32
      %get3A_365 = arith.index_cast %add3A_364 : i32 to index
      %get3A_366 = tpu.vector_load %arg7[%get3A_365] {strides = array<i32>} : memref<4096xi32, #tpu.memory_space<vmem>>, vector<16xi32>,
      %add3A_367 = arith.addi %add3A_360, %get3A_366 : vector<16xi32>
      %mul3A_368 = arith.constant 16 : i32
      %mul3A_369 = arith.muli %scan3A_321, %mul3A_368 : i32
      %add3A_370 = arith.constant 1792 : i32
      %add3A_371 = arith.addi %add3A_370, %mul3A_369 : i32
      %get3A_372 = arith.index_cast %add3A_371 : i32 to index
      %get3A_373 = tpu.vector_load %arg7[%get3A_372] {strides = array<i32>} : memref<4096xi32, #tpu.memory_space<vmem>>, vector<16xi32>,
      %add3A_374 = arith.addi %add3A_367, %get3A_373 : vector<16xi32>
      %mul3A_375 = arith.constant 16 : i32
      %mul3A_376 = arith.muli %scan3A_321, %mul3A_375 : i32
      %add3A_377 = arith.constant 2048 : i32
      %add3A_378 = arith.addi %add3A_377, %mul3A_376 : i32
      %get3A_379 = arith.index_cast %add3A_378 : i32 to index
      %get3A_380 = tpu.vector_load %arg7[%get3A_379] {strides = array<i32>} : memref<4096xi32, #tpu.memory_space<vmem>>, vector<16xi32>,
      %add3A_381 = arith.addi %add3A_374, %get3A_380 : vector<16xi32>
      %mul3A_382 = arith.constant 16 : i32
      %mul3A_383 = arith.muli %scan3A_321, %mul3A_382 : i32
      %add3A_384 = arith.constant 2304 : i32
      %add3A_385 = arith.addi %add3A_384, %mul3A_383 : i32
      %get3A_386 = arith.index_cast %add3A_385 : i32 to index
      %get3A_387 = tpu.vector_load %arg7[%get3A_386] {strides = array<i32>} : memref<4096xi32, #tpu.memory_space<vmem>>, vector<16xi32>,
      %add3A_388 = arith.addi %add3A_381, %get3A_387 : vector<16xi32>
      %mul3A_389 = arith.constant 16 : i32
      %mul3A_390 = arith.muli %scan3A_321, %mul3A_389 : i32
      %add3A_391 = arith.constant 2560 : i32
      %add3A_392 = arith.addi %add3A_391, %mul3A_390 : i32
      %get3A_393 = arith.index_cast %add3A_392 : i32 to index
      %get3A_394 = tpu.vector_load %arg7[%get3A_393] {strides = array<i32>} : memref<4096xi32, #tpu.memory_space<vmem>>, vector<16xi32>,
      %add3A_395 = arith.addi %add3A_388, %get3A_394 : vector<16xi32>
      %mul3A_396 = arith.constant 16 : i32
      %mul3A_397 = arith.muli %scan3A_321, %mul3A_396 : i32
      %add3A_398 = arith.constant 2816 : i32
      %add3A_399 = arith.addi %add3A_398, %mul3A_397 : i32
      %get3A_400 = arith.index_cast %add3A_399 : i32 to index
      %get3A_401 = tpu.vector_load %arg7[%get3A_400] {strides = array<i32>} : memref<4096xi32, #tpu.memory_space<vmem>>, vector<16xi32>,
      %add3A_402 = arith.addi %add3A_395, %get3A_401 : vector<16xi32>
      %mul3A_403 = arith.constant 16 : i32
      %mul3A_404 = arith.muli %scan3A_321, %mul3A_403 : i32
      %add3A_405 = arith.constant 3072 : i32
      %add3A_406 = arith.addi %add3A_405, %mul3A_404 : i32
      %get3A_407 = arith.index_cast %add3A_406 : i32 to index
      %get3A_408 = tpu.vector_load %arg7[%get3A_407] {strides = array<i32>} : memref<4096xi32, #tpu.memory_space<vmem>>, vector<16xi32>,
      %add3A_409 = arith.addi %add3A_402, %get3A_408 : vector<16xi32>
      %mul3A_410 = arith.constant 16 : i32
      %mul3A_411 = arith.muli %scan3A_321, %mul3A_410 : i32
      %add3A_412 = arith.constant 3328 : i32
      %add3A_413 = arith.addi %add3A_412, %mul3A_411 : i32
      %get3A_414 = arith.index_cast %add3A_413 : i32 to index
      %get3A_415 = tpu.vector_load %arg7[%get3A_414] {strides = array<i32>} : memref<4096xi32, #tpu.memory_space<vmem>>, vector<16xi32>,
      %add3A_416 = arith.addi %add3A_409, %get3A_415 : vector<16xi32>
      %mul3A_417 = arith.constant 16 : i32
      %mul3A_418 = arith.muli %scan3A_321, %mul3A_417 : i32
      %add3A_419 = arith.constant 3584 : i32
      %add3A_420 = arith.addi %add3A_419, %mul3A_418 : i32
      %get3A_421 = arith.index_cast %add3A_420 : i32 to index
      %get3A_422 = tpu.vector_load %arg7[%get3A_421] {strides = array<i32>} : memref<4096xi32, #tpu.memory_space<vmem>>, vector<16xi32>,
      %add3A_423 = arith.addi %add3A_416, %get3A_422 : vector<16xi32>
      %mul3A_424 = arith.constant 16 : i32
      %mul3A_425 = arith.muli %scan3A_321, %mul3A_424 : i32
      %add3A_426 = arith.constant 3840 : i32
      %add3A_427 = arith.addi %add3A_426, %mul3A_425 : i32
      %get3A_428 = arith.index_cast %add3A_427 : i32 to index
      %get3A_429 = tpu.vector_load %arg7[%get3A_428] {strides = array<i32>} : memref<4096xi32, #tpu.memory_space<vmem>>, vector<16xi32>,
      %add3A_430 = arith.addi %add3A_423, %get3A_429 : vector<16xi32>
      %mul3A_431 = arith.constant 16 : i32
      %mul3A_432 = arith.muli %scan3A_321, %mul3A_431 : i32
      %swap3A_433 = arith.index_cast %mul3A_432 : i32 to index
      %swap3A_434 = tpu.vector_load %arg8[%swap3A_433] {strides = array<i32>} : memref<256xi32, #tpu.memory_space<vmem>>, vector<16xi32>,
      tpu.vector_store %arg8[%swap3A_433], %add3A_430 {strides = array<i32>} : memref<256xi32, #tpu.memory_space<vmem>>, vector<16xi32>,
      %scan3A_435 = arith.constant 0 : i32
      %scan3A_436 = arith.constant 2 : i32
      %scan3A_437 = arith.addi %scan3A_205, %scan3A_436 : i32
      %mul3A_438 = arith.constant 16 : i32
      %mul3A_439 = arith.muli %scan3A_437, %mul3A_438 : i32
      %get3A_440 = arith.index_cast %mul3A_439 : i32 to index
      %get3A_441 = tpu.vector_load %arg7[%get3A_440] {strides = array<i32>} : memref<4096xi32, #tpu.memory_space<vmem>>, vector<16xi32>,
      %mul3A_442 = arith.constant 16 : i32
      %mul3A_443 = arith.muli %scan3A_437, %mul3A_442 : i32
      %add3A_444 = arith.constant 256 : i32
      %add3A_445 = arith.addi %add3A_444, %mul3A_443 : i32
      %get3A_446 = arith.index_cast %add3A_445 : i32 to index
      %get3A_447 = tpu.vector_load %arg7[%get3A_446] {strides = array<i32>} : memref<4096xi32, #tpu.memory_space<vmem>>, vector<16xi32>,
      %add3A_448 = arith.addi %get3A_441, %get3A_447 : vector<16xi32>
      %mul3A_449 = arith.constant 16 : i32
      %mul3A_450 = arith.muli %scan3A_437, %mul3A_449 : i32
      %add3A_451 = arith.constant 512 : i32
      %add3A_452 = arith.addi %add3A_451, %mul3A_450 : i32
      %get3A_453 = arith.index_cast %add3A_452 : i32 to index
      %get3A_454 = tpu.vector_load %arg7[%get3A_453] {strides = array<i32>} : memref<4096xi32, #tpu.memory_space<vmem>>, vector<16xi32>,
      %add3A_455 = arith.addi %add3A_448, %get3A_454 : vector<16xi32>
      %mul3A_456 = arith.constant 16 : i32
      %mul3A_457 = arith.muli %scan3A_437, %mul3A_456 : i32
      %add3A_458 = arith.constant 768 : i32
      %add3A_459 = arith.addi %add3A_458, %mul3A_457 : i32
      %get3A_460 = arith.index_cast %add3A_459 : i32 to index
      %get3A_461 = tpu.vector_load %arg7[%get3A_460] {strides = array<i32>} : memref<4096xi32, #tpu.memory_space<vmem>>, vector<16xi32>,
      %add3A_462 = arith.addi %add3A_455, %get3A_461 : vector<16xi32>
      %mul3A_463 = arith.constant 16 : i32
      %mul3A_464 = arith.muli %scan3A_437, %mul3A_463 : i32
      %add3A_465 = arith.constant 1024 : i32
      %add3A_466 = arith.addi %add3A_465, %mul3A_464 : i32
      %get3A_467 = arith.index_cast %add3A_466 : i32 to index
      %get3A_468 = tpu.vector_load %arg7[%get3A_467] {strides = array<i32>} : memref<4096xi32, #tpu.memory_space<vmem>>, vector<16xi32>,
      %add3A_469 = arith.addi %add3A_462, %get3A_468 : vector<16xi32>
      %mul3A_470 = arith.constant 16 : i32
      %mul3A_471 = arith.muli %scan3A_437, %mul3A_470 : i32
      %add3A_472 = arith.constant 1280 : i32
      %add3A_473 = arith.addi %add3A_472, %mul3A_471 : i32
      %get3A_474 = arith.index_cast %add3A_473 : i32 to index
      %get3A_475 = tpu.vector_load %arg7[%get3A_474] {strides = array<i32>} : memref<4096xi32, #tpu.memory_space<vmem>>, vector<16xi32>,
      %add3A_476 = arith.addi %add3A_469, %get3A_475 : vector<16xi32>
      %mul3A_477 = arith.constant 16 : i32
      %mul3A_478 = arith.muli %scan3A_437, %mul3A_477 : i32
      %add3A_479 = arith.constant 1536 : i32
      %add3A_480 = arith.addi %add3A_479, %mul3A_478 : i32
      %get3A_481 = arith.index_cast %add3A_480 : i32 to index
      %get3A_482 = tpu.vector_load %arg7[%get3A_481] {strides = array<i32>} : memref<4096xi32, #tpu.memory_space<vmem>>, vector<16xi32>,
      %add3A_483 = arith.addi %add3A_476, %get3A_482 : vector<16xi32>
      %mul3A_484 = arith.constant 16 : i32
      %mul3A_485 = arith.muli %scan3A_437, %mul3A_484 : i32
      %add3A_486 = arith.constant 1792 : i32
      %add3A_487 = arith.addi %add3A_486, %mul3A_485 : i32
      %get3A_488 = arith.index_cast %add3A_487 : i32 to index
      %get3A_489 = tpu.vector_load %arg7[%get3A_488] {strides = array<i32>} : memref<4096xi32, #tpu.memory_space<vmem>>, vector<16xi32>,
      %add3A_490 = arith.addi %add3A_483, %get3A_489 : vector<16xi32>
      %mul3A_491 = arith.constant 16 : i32
      %mul3A_492 = arith.muli %scan3A_437, %mul3A_491 : i32
      %add3A_493 = arith.constant 2048 : i32
      %add3A_494 = arith.addi %add3A_493, %mul3A_492 : i32
      %get3A_495 = arith.index_cast %add3A_494 : i32 to index
      %get3A_496 = tpu.vector_load %arg7[%get3A_495] {strides = array<i32>} : memref<4096xi32, #tpu.memory_space<vmem>>, vector<16xi32>,
      %add3A_497 = arith.addi %add3A_490, %get3A_496 : vector<16xi32>
      %mul3A_498 = arith.constant 16 : i32
      %mul3A_499 = arith.muli %scan3A_437, %mul3A_498 : i32
      %add3A_500 = arith.constant 2304 : i32
      %add3A_501 = arith.addi %add3A_500, %mul3A_499 : i32
      %get3A_502 = arith.index_cast %add3A_501 : i32 to index
      %get3A_503 = tpu.vector_load %arg7[%get3A_502] {strides = array<i32>} : memref<4096xi32, #tpu.memory_space<vmem>>, vector<16xi32>,
      %add3A_504 = arith.addi %add3A_497, %get3A_503 : vector<16xi32>
      %mul3A_505 = arith.constant 16 : i32
      %mul3A_506 = arith.muli %scan3A_437, %mul3A_505 : i32
      %add3A_507 = arith.constant 2560 : i32
      %add3A_508 = arith.addi %add3A_507, %mul3A_506 : i32
      %get3A_509 = arith.index_cast %add3A_508 : i32 to index
      %get3A_510 = tpu.vector_load %arg7[%get3A_509] {strides = array<i32>} : memref<4096xi32, #tpu.memory_space<vmem>>, vector<16xi32>,
      %add3A_511 = arith.addi %add3A_504, %get3A_510 : vector<16xi32>
      %mul3A_512 = arith.constant 16 : i32
      %mul3A_513 = arith.muli %scan3A_437, %mul3A_512 : i32
      %add3A_514 = arith.constant 2816 : i32
      %add3A_515 = arith.addi %add3A_514, %mul3A_513 : i32
      %get3A_516 = arith.index_cast %add3A_515 : i32 to index
      %get3A_517 = tpu.vector_load %arg7[%get3A_516] {strides = array<i32>} : memref<4096xi32, #tpu.memory_space<vmem>>, vector<16xi32>,
      %add3A_518 = arith.addi %add3A_511, %get3A_517 : vector<16xi32>
      %mul3A_519 = arith.constant 16 : i32
      %mul3A_520 = arith.muli %scan3A_437, %mul3A_519 : i32
      %add3A_521 = arith.constant 3072 : i32
      %add3A_522 = arith.addi %add3A_521, %mul3A_520 : i32
      %get3A_523 = arith.index_cast %add3A_522 : i32 to index
      %get3A_524 = tpu.vector_load %arg7[%get3A_523] {strides = array<i32>} : memref<4096xi32, #tpu.memory_space<vmem>>, vector<16xi32>,
      %add3A_525 = arith.addi %add3A_518, %get3A_524 : vector<16xi32>
      %mul3A_526 = arith.constant 16 : i32
      %mul3A_527 = arith.muli %scan3A_437, %mul3A_526 : i32
      %add3A_528 = arith.constant 3328 : i32
      %add3A_529 = arith.addi %add3A_528, %mul3A_527 : i32
      %get3A_530 = arith.index_cast %add3A_529 : i32 to index
      %get3A_531 = tpu.vector_load %arg7[%get3A_530] {strides = array<i32>} : memref<4096xi32, #tpu.memory_space<vmem>>, vector<16xi32>,
      %add3A_532 = arith.addi %add3A_525, %get3A_531 : vector<16xi32>
      %mul3A_533 = arith.constant 16 : i32
      %mul3A_534 = arith.muli %scan3A_437, %mul3A_533 : i32
      %add3A_535 = arith.constant 3584 : i32
      %add3A_536 = arith.addi %add3A_535, %mul3A_534 : i32
      %get3A_537 = arith.index_cast %add3A_536 : i32 to index
      %get3A_538 = tpu.vector_load %arg7[%get3A_537] {strides = array<i32>} : memref<4096xi32, #tpu.memory_space<vmem>>, vector<16xi32>,
      %add3A_539 = arith.addi %add3A_532, %get3A_538 : vector<16xi32>
      %mul3A_540 = arith.constant 16 : i32
      %mul3A_541 = arith.muli %scan3A_437, %mul3A_540 : i32
      %add3A_542 = arith.constant 3840 : i32
      %add3A_543 = arith.addi %add3A_542, %mul3A_541 : i32
      %get3A_544 = arith.index_cast %add3A_543 : i32 to index
      %get3A_545 = tpu.vector_load %arg7[%get3A_544] {strides = array<i32>} : memref<4096xi32, #tpu.memory_space<vmem>>, vector<16xi32>,
      %add3A_546 = arith.addi %add3A_539, %get3A_545 : vector<16xi32>
      %mul3A_547 = arith.constant 16 : i32
      %mul3A_548 = arith.muli %scan3A_437, %mul3A_547 : i32
      %swap3A_549 = arith.index_cast %mul3A_548 : i32 to index
      %swap3A_550 = tpu.vector_load %arg8[%swap3A_549] {strides = array<i32>} : memref<256xi32, #tpu.memory_space<vmem>>, vector<16xi32>,
      tpu.vector_store %arg8[%swap3A_549], %add3A_546 {strides = array<i32>} : memref<256xi32, #tpu.memory_space<vmem>>, vector<16xi32>,
      %scan3A_551 = arith.constant 0 : i32
      %scan3A_552 = arith.constant 3 : i32
      %scan3A_553 = arith.addi %scan3A_205, %scan3A_552 : i32
      %mul3A_554 = arith.constant 16 : i32
      %mul3A_555 = arith.muli %scan3A_553, %mul3A_554 : i32
      %get3A_556 = arith.index_cast %mul3A_555 : i32 to index
      %get3A_557 = tpu.vector_load %arg7[%get3A_556] {strides = array<i32>} : memref<4096xi32, #tpu.memory_space<vmem>>, vector<16xi32>,
      %mul3A_558 = arith.constant 16 : i32
      %mul3A_559 = arith.muli %scan3A_553, %mul3A_558 : i32
      %add3A_560 = arith.constant 256 : i32
      %add3A_561 = arith.addi %add3A_560, %mul3A_559 : i32
      %get3A_562 = arith.index_cast %add3A_561 : i32 to index
      %get3A_563 = tpu.vector_load %arg7[%get3A_562] {strides = array<i32>} : memref<4096xi32, #tpu.memory_space<vmem>>, vector<16xi32>,
      %add3A_564 = arith.addi %get3A_557, %get3A_563 : vector<16xi32>
      %mul3A_565 = arith.constant 16 : i32
      %mul3A_566 = arith.muli %scan3A_553, %mul3A_565 : i32
      %add3A_567 = arith.constant 512 : i32
      %add3A_568 = arith.addi %add3A_567, %mul3A_566 : i32
      %get3A_569 = arith.index_cast %add3A_568 : i32 to index
      %get3A_570 = tpu.vector_load %arg7[%get3A_569] {strides = array<i32>} : memref<4096xi32, #tpu.memory_space<vmem>>, vector<16xi32>,
      %add3A_571 = arith.addi %add3A_564, %get3A_570 : vector<16xi32>
      %mul3A_572 = arith.constant 16 : i32
      %mul3A_573 = arith.muli %scan3A_553, %mul3A_572 : i32
      %add3A_574 = arith.constant 768 : i32
      %add3A_575 = arith.addi %add3A_574, %mul3A_573 : i32
      %get3A_576 = arith.index_cast %add3A_575 : i32 to index
      %get3A_577 = tpu.vector_load %arg7[%get3A_576] {strides = array<i32>} : memref<4096xi32, #tpu.memory_space<vmem>>, vector<16xi32>,
      %add3A_578 = arith.addi %add3A_571, %get3A_577 : vector<16xi32>
      %mul3A_579 = arith.constant 16 : i32
      %mul3A_580 = arith.muli %scan3A_553, %mul3A_579 : i32
      %add3A_581 = arith.constant 1024 : i32
      %add3A_582 = arith.addi %add3A_581, %mul3A_580 : i32
      %get3A_583 = arith.index_cast %add3A_582 : i32 to index
      %get3A_584 = tpu.vector_load %arg7[%get3A_583] {strides = array<i32>} : memref<4096xi32, #tpu.memory_space<vmem>>, vector<16xi32>,
      %add3A_585 = arith.addi %add3A_578, %get3A_584 : vector<16xi32>
      %mul3A_586 = arith.constant 16 : i32
      %mul3A_587 = arith.muli %scan3A_553, %mul3A_586 : i32
      %add3A_588 = arith.constant 1280 : i32
      %add3A_589 = arith.addi %add3A_588, %mul3A_587 : i32
      %get3A_590 = arith.index_cast %add3A_589 : i32 to index
      %get3A_591 = tpu.vector_load %arg7[%get3A_590] {strides = array<i32>} : memref<4096xi32, #tpu.memory_space<vmem>>, vector<16xi32>,
      %add3A_592 = arith.addi %add3A_585, %get3A_591 : vector<16xi32>
      %mul3A_593 = arith.constant 16 : i32
      %mul3A_594 = arith.muli %scan3A_553, %mul3A_593 : i32
      %add3A_595 = arith.constant 1536 : i32
      %add3A_596 = arith.addi %add3A_595, %mul3A_594 : i32
      %get3A_597 = arith.index_cast %add3A_596 : i32 to index
      %get3A_598 = tpu.vector_load %arg7[%get3A_597] {strides = array<i32>} : memref<4096xi32, #tpu.memory_space<vmem>>, vector<16xi32>,
      %add3A_599 = arith.addi %add3A_592, %get3A_598 : vector<16xi32>
      %mul3A_600 = arith.constant 16 : i32
      %mul3A_601 = arith.muli %scan3A_553, %mul3A_600 : i32
      %add3A_602 = arith.constant 1792 : i32
      %add3A_603 = arith.addi %add3A_602, %mul3A_601 : i32
      %get3A_604 = arith.index_cast %add3A_603 : i32 to index
      %get3A_605 = tpu.vector_load %arg7[%get3A_604] {strides = array<i32>} : memref<4096xi32, #tpu.memory_space<vmem>>, vector<16xi32>,
      %add3A_606 = arith.addi %add3A_599, %get3A_605 : vector<16xi32>
      %mul3A_607 = arith.constant 16 : i32
      %mul3A_608 = arith.muli %scan3A_553, %mul3A_607 : i32
      %add3A_609 = arith.constant 2048 : i32
      %add3A_610 = arith.addi %add3A_609, %mul3A_608 : i32
      %get3A_611 = arith.index_cast %add3A_610 : i32 to index
      %get3A_612 = tpu.vector_load %arg7[%get3A_611] {strides = array<i32>} : memref<4096xi32, #tpu.memory_space<vmem>>, vector<16xi32>,
      %add3A_613 = arith.addi %add3A_606, %get3A_612 : vector<16xi32>
      %mul3A_614 = arith.constant 16 : i32
      %mul3A_615 = arith.muli %scan3A_553, %mul3A_614 : i32
      %add3A_616 = arith.constant 2304 : i32
      %add3A_617 = arith.addi %add3A_616, %mul3A_615 : i32
      %get3A_618 = arith.index_cast %add3A_617 : i32 to index
      %get3A_619 = tpu.vector_load %arg7[%get3A_618] {strides = array<i32>} : memref<4096xi32, #tpu.memory_space<vmem>>, vector<16xi32>,
      %add3A_620 = arith.addi %add3A_613, %get3A_619 : vector<16xi32>
      %mul3A_621 = arith.constant 16 : i32
      %mul3A_622 = arith.muli %scan3A_553, %mul3A_621 : i32
      %add3A_623 = arith.constant 2560 : i32
      %add3A_624 = arith.addi %add3A_623, %mul3A_622 : i32
      %get3A_625 = arith.index_cast %add3A_624 : i32 to index
      %get3A_626 = tpu.vector_load %arg7[%get3A_625] {strides = array<i32>} : memref<4096xi32, #tpu.memory_space<vmem>>, vector<16xi32>,
      %add3A_627 = arith.addi %add3A_620, %get3A_626 : vector<16xi32>
      %mul3A_628 = arith.constant 16 : i32
      %mul3A_629 = arith.muli %scan3A_553, %mul3A_628 : i32
      %add3A_630 = arith.constant 2816 : i32
      %add3A_631 = arith.addi %add3A_630, %mul3A_629 : i32
      %get3A_632 = arith.index_cast %add3A_631 : i32 to index
      %get3A_633 = tpu.vector_load %arg7[%get3A_632] {strides = array<i32>} : memref<4096xi32, #tpu.memory_space<vmem>>, vector<16xi32>,
      %add3A_634 = arith.addi %add3A_627, %get3A_633 : vector<16xi32>
      %mul3A_635 = arith.constant 16 : i32
      %mul3A_636 = arith.muli %scan3A_553, %mul3A_635 : i32
      %add3A_637 = arith.constant 3072 : i32
      %add3A_638 = arith.addi %add3A_637, %mul3A_636 : i32
      %get3A_639 = arith.index_cast %add3A_638 : i32 to index
      %get3A_640 = tpu.vector_load %arg7[%get3A_639] {strides = array<i32>} : memref<4096xi32, #tpu.memory_space<vmem>>, vector<16xi32>,
      %add3A_641 = arith.addi %add3A_634, %get3A_640 : vector<16xi32>
      %mul3A_642 = arith.constant 16 : i32
      %mul3A_643 = arith.muli %scan3A_553, %mul3A_642 : i32
      %add3A_644 = arith.constant 3328 : i32
      %add3A_645 = arith.addi %add3A_644, %mul3A_643 : i32
      %get3A_646 = arith.index_cast %add3A_645 : i32 to index
      %get3A_647 = tpu.vector_load %arg7[%get3A_646] {strides = array<i32>} : memref<4096xi32, #tpu.memory_space<vmem>>, vector<16xi32>,
      %add3A_648 = arith.addi %add3A_641, %get3A_647 : vector<16xi32>
      %mul3A_649 = arith.constant 16 : i32
      %mul3A_650 = arith.muli %scan3A_553, %mul3A_649 : i32
      %add3A_651 = arith.constant 3584 : i32
      %add3A_652 = arith.addi %add3A_651, %mul3A_650 : i32
      %get3A_653 = arith.index_cast %add3A_652 : i32 to index
      %get3A_654 = tpu.vector_load %arg7[%get3A_653] {strides = array<i32>} : memref<4096xi32, #tpu.memory_space<vmem>>, vector<16xi32>,
      %add3A_655 = arith.addi %add3A_648, %get3A_654 : vector<16xi32>
      %mul3A_656 = arith.constant 16 : i32
      %mul3A_657 = arith.muli %scan3A_553, %mul3A_656 : i32
      %add3A_658 = arith.constant 3840 : i32
      %add3A_659 = arith.addi %add3A_658, %mul3A_657 : i32
      %get3A_660 = arith.index_cast %add3A_659 : i32 to index
      %get3A_661 = tpu.vector_load %arg7[%get3A_660] {strides = array<i32>} : memref<4096xi32, #tpu.memory_space<vmem>>, vector<16xi32>,
      %add3A_662 = arith.addi %add3A_655, %get3A_661 : vector<16xi32>
      %mul3A_663 = arith.constant 16 : i32
      %mul3A_664 = arith.muli %scan3A_553, %mul3A_663 : i32
      %swap3A_665 = arith.index_cast %mul3A_664 : i32 to index
      %swap3A_666 = tpu.vector_load %arg8[%swap3A_665] {strides = array<i32>} : memref<256xi32, #tpu.memory_space<vmem>>, vector<16xi32>,
      tpu.vector_store %arg8[%swap3A_665], %add3A_662 {strides = array<i32>} : memref<256xi32, #tpu.memory_space<vmem>>, vector<16xi32>,
      %scan3A_667 = arith.constant 0 : i32
      scf.yield %scan3A_667 : i32
    }
    %scan3A_30 = arith.constant 16 : i32
    %run_scoped3A = arith.constant 0 : i32
    "tpu.region"() ({
      %run_scoped3A_205 = tpu.sem_alloc : memref<!tpu.dma_semaphore, #tpu.memory_space<semaphore_mem>>
      %dma_start3A = arith.constant 0 : i32
      %dma_start3A_206 = tpu.memref_slice %arg10[%run_scoped3A, %arg1, %dma_start3A] : memref<4x16x256xi32, #tpu.memory_space<vmem_shared>> -> memref<1x1x256xi32, #tpu.memory_space<vmem_shared>>
      %dma_start3A_207 = tpu.memref_squeeze %dma_start3A_206 : memref<1x1x256xi32, #tpu.memory_space<vmem_shared>> -> memref<256xi32, #tpu.memory_space<vmem_shared>>
      %dma_start3A_208 = arith.constant 0 : i32
      %dma_start3A_209 = tpu.memref_slice %arg10[%run_scoped3A, %arg1, %dma_start3A_208] : memref<4x16x256xi32, #tpu.memory_space<vmem_shared>> -> memref<1x1x256xi32, #tpu.memory_space<vmem_shared>>
      %dma_start3A_210 = tpu.memref_squeeze %dma_start3A_209 : memref<1x1x256xi32, #tpu.memory_space<vmem_shared>> -> memref<256xi32, #tpu.memory_space<vmem_shared>>
      tpu.enqueue_dma source(%arg8 : memref<256xi32, #tpu.memory_space<vmem>>) target(%dma_start3A_210 : memref<256xi32, #tpu.memory_space<vmem_shared>>) target_semaphore(%run_scoped3A_205 : memref<!tpu.dma_semaphore, #tpu.memory_space<semaphore_mem>>)
      %dma_wait3A = arith.constant 0 : i32
      %dma_wait3A_211 = tpu.memref_slice %arg10[%run_scoped3A, %arg1, %dma_wait3A] : memref<4x16x256xi32, #tpu.memory_space<vmem_shared>> -> memref<1x1x256xi32, #tpu.memory_space<vmem_shared>>
      %dma_wait3A_212 = tpu.memref_squeeze %dma_wait3A_211 : memref<1x1x256xi32, #tpu.memory_space<vmem_shared>> -> memref<256xi32, #tpu.memory_space<vmem_shared>>
      %dma_wait3A_213 = arith.constant 0 : i32
      %dma_wait3A_214 = tpu.memref_slice %arg10[%run_scoped3A, %arg1, %dma_wait3A_213] : memref<4x16x256xi32, #tpu.memory_space<vmem_shared>> -> memref<1x1x256xi32, #tpu.memory_space<vmem_shared>>
      %dma_wait3A_215 = tpu.memref_squeeze %dma_wait3A_214 : memref<1x1x256xi32, #tpu.memory_space<vmem_shared>> -> memref<256xi32, #tpu.memory_space<vmem_shared>>
      tpu.wait_dma2 semaphore(%run_scoped3A_205 : memref<!tpu.dma_semaphore, #tpu.memory_space<semaphore_mem>>) src(%arg8 : memref<256xi32, #tpu.memory_space<vmem>>) dst(%dma_wait3A_215 : memref<256xi32, #tpu.memory_space<vmem_shared>>)
      tpu.yield
    }) : () -> ()
    %barrier3A = arith.constant 0 : index
    tpu.barrier barrier_id(%barrier3A)
    %xor3A = arith.constant 1 : i32
    %xor3A_31 = arith.xori %arg1, %xor3A : i32
    %run_scoped3A_32 = arith.constant 0 : i32
    "tpu.region"() ({
      %run_scoped3A_205 = tpu.sem_alloc : memref<!tpu.dma_semaphore, #tpu.memory_space<semaphore_mem>>
      %dma_start3A = arith.constant 0 : i32
      %dma_start3A_206 = tpu.memref_slice %arg10[%run_scoped3A_32, %xor3A_31, %dma_start3A] : memref<4x16x256xi32, #tpu.memory_space<vmem_shared>> -> memref<1x1x256xi32, #tpu.memory_space<vmem_shared>>
      %dma_start3A_207 = tpu.memref_squeeze %dma_start3A_206 : memref<1x1x256xi32, #tpu.memory_space<vmem_shared>> -> memref<256xi32, #tpu.memory_space<vmem_shared>>
      %dma_start3A_208 = arith.constant 0 : i32
      %dma_start3A_209 = tpu.memref_slice %arg10[%run_scoped3A_32, %xor3A_31, %dma_start3A_208] : memref<4x16x256xi32, #tpu.memory_space<vmem_shared>> -> memref<1x1x256xi32, #tpu.memory_space<vmem_shared>>
      %dma_start3A_210 = tpu.memref_squeeze %dma_start3A_209 : memref<1x1x256xi32, #tpu.memory_space<vmem_shared>> -> memref<256xi32, #tpu.memory_space<vmem_shared>>
      tpu.enqueue_dma source(%dma_start3A_210 : memref<256xi32, #tpu.memory_space<vmem_shared>>) target(%arg9 : memref<256xi32, #tpu.memory_space<vmem>>) target_semaphore(%run_scoped3A_205 : memref<!tpu.dma_semaphore, #tpu.memory_space<semaphore_mem>>)
      %dma_wait3A = arith.constant 0 : i32
      %dma_wait3A_211 = tpu.memref_slice %arg10[%run_scoped3A_32, %xor3A_31, %dma_wait3A] : memref<4x16x256xi32, #tpu.memory_space<vmem_shared>> -> memref<1x1x256xi32, #tpu.memory_space<vmem_shared>>
      %dma_wait3A_212 = tpu.memref_squeeze %dma_wait3A_211 : memref<1x1x256xi32, #tpu.memory_space<vmem_shared>> -> memref<256xi32, #tpu.memory_space<vmem_shared>>
      %dma_wait3A_213 = arith.constant 0 : i32
      %dma_wait3A_214 = tpu.memref_slice %arg10[%run_scoped3A_32, %xor3A_31, %dma_wait3A_213] : memref<4x16x256xi32, #tpu.memory_space<vmem_shared>> -> memref<1x1x256xi32, #tpu.memory_space<vmem_shared>>
      %dma_wait3A_215 = tpu.memref_squeeze %dma_wait3A_214 : memref<1x1x256xi32, #tpu.memory_space<vmem_shared>> -> memref<256xi32, #tpu.memory_space<vmem_shared>>
      tpu.wait_dma2 semaphore(%run_scoped3A_205 : memref<!tpu.dma_semaphore, #tpu.memory_space<semaphore_mem>>) src(%dma_wait3A_215 : memref<256xi32, #tpu.memory_space<vmem_shared>>) dst(%arg9 : memref<256xi32, #tpu.memory_space<vmem>>)
      tpu.yield
    }) : () -> ()
    %scan3A_33 = arith.constant 12544 : i32
    %scan3A_34 = arith.constant 0 : i32
    %scan3A_35 = arith.constant 0 : i32
    %scan3A_36 = arith.constant 0 : i32
    %scan3A_37 = arith.constant 0 : i32
    %scan3A_38 = arith.constant 16 : i32
    %scan3A_39 = arith.addi %scan3A_37, %scan3A_38 : i32
    %scan3A_40 = arith.constant 1 : i32
    %scan3A_41:3 = scf.for %scan3A_205 = %scan3A_37 to %scan3A_39 step %scan3A_40 iter_args(%scan3A_206 = %scan3A_34, %scan3A_207 = %scan3A_35, %scan3A_208 = %scan3A_36) -> (i32, i32, i32)  : i32 {
      %mul3A_209 = arith.constant 16 : i32
      %mul3A_210 = arith.muli %scan3A_205, %mul3A_209 : i32
      %get3A_211 = arith.index_cast %mul3A_210 : i32 to index
      %get3A_212 = tpu.vector_load %arg8[%get3A_211] {strides = array<i32>} : memref<256xi32, #tpu.memory_space<vmem>>, vector<16xi32>,
      %mul3A_213 = arith.constant 16 : i32
      %mul3A_214 = arith.muli %scan3A_205, %mul3A_213 : i32
      %get3A_215 = arith.index_cast %mul3A_214 : i32 to index
      %get3A_216 = tpu.vector_load %arg9[%get3A_215] {strides = array<i32>} : memref<256xi32, #tpu.memory_space<vmem>>, vector<16xi32>,
      %add3A_217 = arith.addi %get3A_212, %get3A_216 : vector<16xi32>
      %broadcast_in_dim3A_218 = arith.constant true
      %broadcast_in_dim3A_219 = vector.broadcast %broadcast_in_dim3A_218 : i1 to vector<16xi1>
      %masked_cumsum3A = tpu.scan <sum>, %add3A_217 masked %broadcast_in_dim3A_219 : vector<16xi32>, vector<16xi1> -> vector<16xi32>
      %add3A_220 = vector.broadcast %scan3A_208 : i32 to vector<16xi32>
      %add3A_221 = arith.addi %add3A_220, %masked_cumsum3A : vector<16xi32>
      %lt3A = vector.broadcast %scan3A_33 : i32 to vector<16xi32>
      %lt3A_222 = arith.cmpi slt, %add3A_221, %lt3A : vector<16xi32>
      %convert_element_type3A = arith.extui %lt3A_222 : vector<16xi1> to vector<16xi32>
      %reduce_sum3A_223 = arith.constant true
      %reduce_sum3A_224 = vector.broadcast %reduce_sum3A_223 : i1 to vector<16xi1>
      %reduce_sum3A_225 = tpu.scan <sum>, %convert_element_type3A masked %reduce_sum3A_224 : vector<16xi32>, vector<16xi1> -> vector<16xi32>
      %reduce_sum3A_226 = vector.extract %reduce_sum3A_225[15] : i32 from vector<16xi32>
      %add3A_227 = arith.addi %scan3A_206, %reduce_sum3A_226 : i32
      %jit3A_228 = arith.constant 0 : i32
      %broadcast_in_dim3A_229 = vector.broadcast %jit3A_228 : i32 to vector<16xi32>
      %select_n3A_230 = arith.select %lt3A_222, %add3A_217, %broadcast_in_dim3A_229 : vector<16xi1>, vector<16xi32>
      %reduce_sum3A_231 = arith.constant true
      %reduce_sum3A_232 = vector.broadcast %reduce_sum3A_231 : i1 to vector<16xi1>
      %reduce_sum3A_233 = tpu.scan <sum>, %select_n3A_230 masked %reduce_sum3A_232 : vector<16xi32>, vector<16xi1> -> vector<16xi32>
      %reduce_sum3A_234 = vector.extract %reduce_sum3A_233[15] : i32 from vector<16xi32>
      %add3A_235 = arith.addi %scan3A_207, %reduce_sum3A_234 : i32
      %reduce_sum3A_236 = arith.constant true
      %reduce_sum3A_237 = vector.broadcast %reduce_sum3A_236 : i1 to vector<16xi1>
      %reduce_sum3A_238 = tpu.scan <sum>, %add3A_217 masked %reduce_sum3A_237 : vector<16xi32>, vector<16xi1> -> vector<16xi32>
      %reduce_sum3A_239 = vector.extract %reduce_sum3A_238[15] : i32 from vector<16xi32>
      %add3A_240 = arith.addi %scan3A_208, %reduce_sum3A_239 : i32
      scf.yield %add3A_227, %add3A_235, %add3A_240 : i32, i32, i32
    }
    %scan3A_42 = arith.constant 16 : i32
    %shift_left3A = arith.constant 0 : i32
    %shift_left3A_43 = arith.constant 8 : i32
    %shift_left3A_44 = arith.shli %shift_left3A, %shift_left3A_43 : i32
    %or3A = arith.ori %shift_left3A_44, %scan3A_41#0 : i32
    %sub3A = arith.constant 12544 : i32
    %sub3A_45 = arith.subi %sub3A, %scan3A_41#1 : i32
    %scan3A_46 = arith.constant 0 : i32
    %scan3A_47 = arith.constant 0 : i32
    %scan3A_48 = arith.constant 256 : i32
    %scan3A_49 = arith.addi %scan3A_47, %scan3A_48 : i32
    %scan3A_50 = arith.constant 8 : i32
    %scan3A_51 = scf.for %scan3A_205 = %scan3A_47 to %scan3A_49 step %scan3A_50 iter_args(%scan3A_206 = %scan3A_46) -> (i32)  : i32 {
      %mul3A_207 = arith.constant 16 : i32
      %mul3A_208 = arith.muli %scan3A_205, %mul3A_207 : i32
      %swap3A = arith.index_cast %mul3A_208 : i32 to index
      %swap3A_209 = tpu.vector_load %arg7[%swap3A] {strides = array<i32>} : memref<4096xi32, #tpu.memory_space<vmem>>, vector<16xi32>,
      tpu.vector_store %arg7[%swap3A], %broadcast_in_dim3A_10 {strides = array<i32>} : memref<4096xi32, #tpu.memory_space<vmem>>, vector<16xi32>,
      %scan3A_210 = arith.constant 0 : i32
      %scan3A_211 = arith.constant 1 : i32
      %scan3A_212 = arith.addi %scan3A_205, %scan3A_211 : i32
      %mul3A_213 = arith.constant 16 : i32
      %mul3A_214 = arith.muli %scan3A_212, %mul3A_213 : i32
      %swap3A_215 = arith.index_cast %mul3A_214 : i32 to index
      %swap3A_216 = tpu.vector_load %arg7[%swap3A_215] {strides = array<i32>} : memref<4096xi32, #tpu.memory_space<vmem>>, vector<16xi32>,
      tpu.vector_store %arg7[%swap3A_215], %broadcast_in_dim3A_10 {strides = array<i32>} : memref<4096xi32, #tpu.memory_space<vmem>>, vector<16xi32>,
      %scan3A_217 = arith.constant 0 : i32
      %scan3A_218 = arith.constant 2 : i32
      %scan3A_219 = arith.addi %scan3A_205, %scan3A_218 : i32
      %mul3A_220 = arith.constant 16 : i32
      %mul3A_221 = arith.muli %scan3A_219, %mul3A_220 : i32
      %swap3A_222 = arith.index_cast %mul3A_221 : i32 to index
      %swap3A_223 = tpu.vector_load %arg7[%swap3A_222] {strides = array<i32>} : memref<4096xi32, #tpu.memory_space<vmem>>, vector<16xi32>,
      tpu.vector_store %arg7[%swap3A_222], %broadcast_in_dim3A_10 {strides = array<i32>} : memref<4096xi32, #tpu.memory_space<vmem>>, vector<16xi32>,
      %scan3A_224 = arith.constant 0 : i32
      %scan3A_225 = arith.constant 3 : i32
      %scan3A_226 = arith.addi %scan3A_205, %scan3A_225 : i32
      %mul3A_227 = arith.constant 16 : i32
      %mul3A_228 = arith.muli %scan3A_226, %mul3A_227 : i32
      %swap3A_229 = arith.index_cast %mul3A_228 : i32 to index
      %swap3A_230 = tpu.vector_load %arg7[%swap3A_229] {strides = array<i32>} : memref<4096xi32, #tpu.memory_space<vmem>>, vector<16xi32>,
      tpu.vector_store %arg7[%swap3A_229], %broadcast_in_dim3A_10 {strides = array<i32>} : memref<4096xi32, #tpu.memory_space<vmem>>, vector<16xi32>,
      %scan3A_231 = arith.constant 0 : i32
      %scan3A_232 = arith.constant 4 : i32
      %scan3A_233 = arith.addi %scan3A_205, %scan3A_232 : i32
      %mul3A_234 = arith.constant 16 : i32
      %mul3A_235 = arith.muli %scan3A_233, %mul3A_234 : i32
      %swap3A_236 = arith.index_cast %mul3A_235 : i32 to index
      %swap3A_237 = tpu.vector_load %arg7[%swap3A_236] {strides = array<i32>} : memref<4096xi32, #tpu.memory_space<vmem>>, vector<16xi32>,
      tpu.vector_store %arg7[%swap3A_236], %broadcast_in_dim3A_10 {strides = array<i32>} : memref<4096xi32, #tpu.memory_space<vmem>>, vector<16xi32>,
      %scan3A_238 = arith.constant 0 : i32
      %scan3A_239 = arith.constant 5 : i32
      %scan3A_240 = arith.addi %scan3A_205, %scan3A_239 : i32
      %mul3A_241 = arith.constant 16 : i32
      %mul3A_242 = arith.muli %scan3A_240, %mul3A_241 : i32
      %swap3A_243 = arith.index_cast %mul3A_242 : i32 to index
      %swap3A_244 = tpu.vector_load %arg7[%swap3A_243] {strides = array<i32>} : memref<4096xi32, #tpu.memory_space<vmem>>, vector<16xi32>,
      tpu.vector_store %arg7[%swap3A_243], %broadcast_in_dim3A_10 {strides = array<i32>} : memref<4096xi32, #tpu.memory_space<vmem>>, vector<16xi32>,
      %scan3A_245 = arith.constant 0 : i32
      %scan3A_246 = arith.constant 6 : i32
      %scan3A_247 = arith.addi %scan3A_205, %scan3A_246 : i32
      %mul3A_248 = arith.constant 16 : i32
      %mul3A_249 = arith.muli %scan3A_247, %mul3A_248 : i32
      %swap3A_250 = arith.index_cast %mul3A_249 : i32 to index
      %swap3A_251 = tpu.vector_load %arg7[%swap3A_250] {strides = array<i32>} : memref<4096xi32, #tpu.memory_space<vmem>>, vector<16xi32>,
      tpu.vector_store %arg7[%swap3A_250], %broadcast_in_dim3A_10 {strides = array<i32>} : memref<4096xi32, #tpu.memory_space<vmem>>, vector<16xi32>,
      %scan3A_252 = arith.constant 0 : i32
      %scan3A_253 = arith.constant 7 : i32
      %scan3A_254 = arith.addi %scan3A_205, %scan3A_253 : i32
      %mul3A_255 = arith.constant 16 : i32
      %mul3A_256 = arith.muli %scan3A_254, %mul3A_255 : i32
      %swap3A_257 = arith.index_cast %mul3A_256 : i32 to index
      %swap3A_258 = tpu.vector_load %arg7[%swap3A_257] {strides = array<i32>} : memref<4096xi32, #tpu.memory_space<vmem>>, vector<16xi32>,
      tpu.vector_store %arg7[%swap3A_257], %broadcast_in_dim3A_10 {strides = array<i32>} : memref<4096xi32, #tpu.memory_space<vmem>>, vector<16xi32>,
      %scan3A_259 = arith.constant 0 : i32
      scf.yield %scan3A_259 : i32
    }
    %scan3A_52 = arith.constant 256 : i32
    %scan3A_53 = arith.constant 0 : i32
    %scan3A_54 = arith.constant 0 : i32
    %scan3A_55 = arith.constant 1568 : i32
    %scan3A_56 = arith.addi %scan3A_54, %scan3A_55 : i32
    %scan3A_57 = arith.constant 4 : i32
    %scan3A_58 = scf.for %scan3A_205 = %scan3A_54 to %scan3A_56 step %scan3A_57 iter_args(%scan3A_206 = %scan3A_53) -> (i32)  : i32 {
      %mul3A_207 = arith.constant 16 : i32
      %mul3A_208 = arith.muli %scan3A_205, %mul3A_207 : i32
      %get3A_209 = arith.index_cast %mul3A_208 : i32 to index
      %get3A_210 = tpu.vector_load %arg4[%get3A_209] {strides = array<i32>} : memref<25088xi32, #tpu.memory_space<vmem>>, vector<16xi32>,
      %shift_right_logical3A = arith.constant 24 : i32
      %shift_right_logical3A_211 = vector.broadcast %shift_right_logical3A : i32 to vector<16xi32>
      %shift_right_logical3A_212 = arith.shrui %get3A_210, %shift_right_logical3A_211 : vector<16xi32>
      %lt3A = vector.broadcast %or3A : i32 to vector<16xi32>
      %lt3A_213 = arith.cmpi slt, %shift_right_logical3A_212, %lt3A : vector<16xi32>
      %jit3A_214 = arith.constant 0.000000e+00 : f32
      %jit3A_215 = arith.constant 1.000000e+00 : f32
      %broadcast_in_dim3A_216 = vector.broadcast %jit3A_214 : f32 to vector<16xf32>
      %broadcast_in_dim3A_217 = vector.broadcast %jit3A_215 : f32 to vector<16xf32>
      %select_n3A_218 = arith.select %lt3A_213, %broadcast_in_dim3A_216, %broadcast_in_dim3A_217 : vector<16xi1>, vector<16xf32>
      %mul3A_219 = arith.constant 16 : i32
      %mul3A_220 = arith.muli %scan3A_205, %mul3A_219 : i32
      %swap3A = arith.index_cast %mul3A_220 : i32 to index
      %swap3A_221 = tpu.vector_load %arg5[%swap3A] {strides = array<i32>} : memref<25088xf32, #tpu.memory_space<vmem>>, vector<16xf32>,
      tpu.vector_store %arg5[%swap3A], %select_n3A_218 {strides = array<i32>} : memref<25088xf32, #tpu.memory_space<vmem>>, vector<16xf32>,
      %eq3A_222 = vector.broadcast %or3A : i32 to vector<16xi32>
      %eq3A_223 = arith.cmpi eq, %shift_right_logical3A_212, %eq3A_222 : vector<16xi32>
      %shift_right_logical3A_224 = arith.constant 16 : i32
      %shift_right_logical3A_225 = vector.broadcast %shift_right_logical3A_224 : i32 to vector<16xi32>
      %shift_right_logical3A_226 = arith.shrui %get3A_210, %shift_right_logical3A_225 : vector<16xi32>
      %and3A_227 = arith.constant 255 : i32
      %and3A_228 = vector.broadcast %and3A_227 : i32 to vector<16xi32>
      %and3A_229 = arith.andi %shift_right_logical3A_226, %and3A_228 : vector<16xi32>
      %add3A_230 = vector.broadcast %scan3A_205 : i32 to vector<16xi32>
      %add3A_231 = arith.addi %iota3A, %add3A_230 : vector<16xi32>
      %and3A_232 = arith.constant 15 : i32
      %and3A_233 = vector.broadcast %and3A_232 : i32 to vector<16xi32>
      %and3A_234 = arith.andi %add3A_231, %and3A_233 : vector<16xi32>
      %mul3A_235 = arith.constant 256 : i32
      %mul3A_236 = vector.broadcast %mul3A_235 : i32 to vector<16xi32>
      %mul3A_237 = arith.muli %and3A_234, %mul3A_236 : vector<16xi32>
      %add3A_238 = arith.addi %mul3A_237, %and3A_229 : vector<16xi32>
      tpu.vector_store_idx %arg7[%add3A_238], %broadcast_in_dim3A_8 masked %eq3A_223 {add = true} : memref<4096xi32, #tpu.memory_space<vmem>>[vector<16xi32>], vector<16xi32>, vector<16xi1>
      %mul3A_239 = arith.constant 16 : i32
      %mul3A_240 = arith.muli %scan3A_205, %mul3A_239 : i32
      %add3A_241 = vector.broadcast %mul3A_240 : i32 to vector<16xi32>
      %add3A_242 = arith.addi %add3A_241, %iota3A : vector<16xi32>
      %swap3A_243 = arith.index_cast %scan3A_206 : i32 to index
      %swap3A_244 = tpu.vector_load %arg6[%swap3A_243] masked %eq3A_223 {strides = array<i32>} : memref<25088xi32, #tpu.memory_space<vmem>>, vector<16xi32>, vector<16xi1>
      tpu.vector_store %arg6[%swap3A_243], %add3A_242 masked %eq3A_223 {strides = array<i32>} : memref<25088xi32, #tpu.memory_space<vmem>>, vector<16xi32>, vector<16xi1>
      %all_reduce_population_count3A = tpu.all_reduce %eq3A_223 {dim = 0 : i64, kind = #tpu.reduction_kind<sum>} : vector<16xi1> -> vector<16xi32>
      %slice3A = vector.extract_strided_slice %all_reduce_population_count3A {offsets = [0], sizes = [1], strides = [1]} : vector<16xi32> to vector<1xi32>
      %squeeze3A = vector.extract %slice3A[0] : i32 from vector<1xi32>
      %add3A_245 = arith.addi %scan3A_206, %squeeze3A : i32
      %scan3A_246 = arith.constant 1 : i32
      %scan3A_247 = arith.addi %scan3A_205, %scan3A_246 : i32
      %mul3A_248 = arith.constant 16 : i32
      %mul3A_249 = arith.muli %scan3A_247, %mul3A_248 : i32
      %get3A_250 = arith.index_cast %mul3A_249 : i32 to index
      %get3A_251 = tpu.vector_load %arg4[%get3A_250] {strides = array<i32>} : memref<25088xi32, #tpu.memory_space<vmem>>, vector<16xi32>,
      %shift_right_logical3A_252 = arith.constant 24 : i32
      %shift_right_logical3A_253 = vector.broadcast %shift_right_logical3A_252 : i32 to vector<16xi32>
      %shift_right_logical3A_254 = arith.shrui %get3A_251, %shift_right_logical3A_253 : vector<16xi32>
      %lt3A_255 = vector.broadcast %or3A : i32 to vector<16xi32>
      %lt3A_256 = arith.cmpi slt, %shift_right_logical3A_254, %lt3A_255 : vector<16xi32>
      %jit3A_257 = arith.constant 0.000000e+00 : f32
      %jit3A_258 = arith.constant 1.000000e+00 : f32
      %broadcast_in_dim3A_259 = vector.broadcast %jit3A_257 : f32 to vector<16xf32>
      %broadcast_in_dim3A_260 = vector.broadcast %jit3A_258 : f32 to vector<16xf32>
      %select_n3A_261 = arith.select %lt3A_256, %broadcast_in_dim3A_259, %broadcast_in_dim3A_260 : vector<16xi1>, vector<16xf32>
      %mul3A_262 = arith.constant 16 : i32
      %mul3A_263 = arith.muli %scan3A_247, %mul3A_262 : i32
      %swap3A_264 = arith.index_cast %mul3A_263 : i32 to index
      %swap3A_265 = tpu.vector_load %arg5[%swap3A_264] {strides = array<i32>} : memref<25088xf32, #tpu.memory_space<vmem>>, vector<16xf32>,
      tpu.vector_store %arg5[%swap3A_264], %select_n3A_261 {strides = array<i32>} : memref<25088xf32, #tpu.memory_space<vmem>>, vector<16xf32>,
      %eq3A_266 = vector.broadcast %or3A : i32 to vector<16xi32>
      %eq3A_267 = arith.cmpi eq, %shift_right_logical3A_254, %eq3A_266 : vector<16xi32>
      %shift_right_logical3A_268 = arith.constant 16 : i32
      %shift_right_logical3A_269 = vector.broadcast %shift_right_logical3A_268 : i32 to vector<16xi32>
      %shift_right_logical3A_270 = arith.shrui %get3A_251, %shift_right_logical3A_269 : vector<16xi32>
      %and3A_271 = arith.constant 255 : i32
      %and3A_272 = vector.broadcast %and3A_271 : i32 to vector<16xi32>
      %and3A_273 = arith.andi %shift_right_logical3A_270, %and3A_272 : vector<16xi32>
      %add3A_274 = vector.broadcast %scan3A_247 : i32 to vector<16xi32>
      %add3A_275 = arith.addi %iota3A, %add3A_274 : vector<16xi32>
      %and3A_276 = arith.constant 15 : i32
      %and3A_277 = vector.broadcast %and3A_276 : i32 to vector<16xi32>
      %and3A_278 = arith.andi %add3A_275, %and3A_277 : vector<16xi32>
      %mul3A_279 = arith.constant 256 : i32
      %mul3A_280 = vector.broadcast %mul3A_279 : i32 to vector<16xi32>
      %mul3A_281 = arith.muli %and3A_278, %mul3A_280 : vector<16xi32>
      %add3A_282 = arith.addi %mul3A_281, %and3A_273 : vector<16xi32>
      tpu.vector_store_idx %arg7[%add3A_282], %broadcast_in_dim3A_8 masked %eq3A_267 {add = true} : memref<4096xi32, #tpu.memory_space<vmem>>[vector<16xi32>], vector<16xi32>, vector<16xi1>
      %mul3A_283 = arith.constant 16 : i32
      %mul3A_284 = arith.muli %scan3A_247, %mul3A_283 : i32
      %add3A_285 = vector.broadcast %mul3A_284 : i32 to vector<16xi32>
      %add3A_286 = arith.addi %add3A_285, %iota3A : vector<16xi32>
      %swap3A_287 = arith.index_cast %add3A_245 : i32 to index
      %swap3A_288 = tpu.vector_load %arg6[%swap3A_287] masked %eq3A_267 {strides = array<i32>} : memref<25088xi32, #tpu.memory_space<vmem>>, vector<16xi32>, vector<16xi1>
      tpu.vector_store %arg6[%swap3A_287], %add3A_286 masked %eq3A_267 {strides = array<i32>} : memref<25088xi32, #tpu.memory_space<vmem>>, vector<16xi32>, vector<16xi1>
      %all_reduce_population_count3A_289 = tpu.all_reduce %eq3A_267 {dim = 0 : i64, kind = #tpu.reduction_kind<sum>} : vector<16xi1> -> vector<16xi32>
      %slice3A_290 = vector.extract_strided_slice %all_reduce_population_count3A_289 {offsets = [0], sizes = [1], strides = [1]} : vector<16xi32> to vector<1xi32>
      %squeeze3A_291 = vector.extract %slice3A_290[0] : i32 from vector<1xi32>
      %add3A_292 = arith.addi %add3A_245, %squeeze3A_291 : i32
      %scan3A_293 = arith.constant 2 : i32
      %scan3A_294 = arith.addi %scan3A_205, %scan3A_293 : i32
      %mul3A_295 = arith.constant 16 : i32
      %mul3A_296 = arith.muli %scan3A_294, %mul3A_295 : i32
      %get3A_297 = arith.index_cast %mul3A_296 : i32 to index
      %get3A_298 = tpu.vector_load %arg4[%get3A_297] {strides = array<i32>} : memref<25088xi32, #tpu.memory_space<vmem>>, vector<16xi32>,
      %shift_right_logical3A_299 = arith.constant 24 : i32
      %shift_right_logical3A_300 = vector.broadcast %shift_right_logical3A_299 : i32 to vector<16xi32>
      %shift_right_logical3A_301 = arith.shrui %get3A_298, %shift_right_logical3A_300 : vector<16xi32>
      %lt3A_302 = vector.broadcast %or3A : i32 to vector<16xi32>
      %lt3A_303 = arith.cmpi slt, %shift_right_logical3A_301, %lt3A_302 : vector<16xi32>
      %jit3A_304 = arith.constant 0.000000e+00 : f32
      %jit3A_305 = arith.constant 1.000000e+00 : f32
      %broadcast_in_dim3A_306 = vector.broadcast %jit3A_304 : f32 to vector<16xf32>
      %broadcast_in_dim3A_307 = vector.broadcast %jit3A_305 : f32 to vector<16xf32>
      %select_n3A_308 = arith.select %lt3A_303, %broadcast_in_dim3A_306, %broadcast_in_dim3A_307 : vector<16xi1>, vector<16xf32>
      %mul3A_309 = arith.constant 16 : i32
      %mul3A_310 = arith.muli %scan3A_294, %mul3A_309 : i32
      %swap3A_311 = arith.index_cast %mul3A_310 : i32 to index
      %swap3A_312 = tpu.vector_load %arg5[%swap3A_311] {strides = array<i32>} : memref<25088xf32, #tpu.memory_space<vmem>>, vector<16xf32>,
      tpu.vector_store %arg5[%swap3A_311], %select_n3A_308 {strides = array<i32>} : memref<25088xf32, #tpu.memory_space<vmem>>, vector<16xf32>,
      %eq3A_313 = vector.broadcast %or3A : i32 to vector<16xi32>
      %eq3A_314 = arith.cmpi eq, %shift_right_logical3A_301, %eq3A_313 : vector<16xi32>
      %shift_right_logical3A_315 = arith.constant 16 : i32
      %shift_right_logical3A_316 = vector.broadcast %shift_right_logical3A_315 : i32 to vector<16xi32>
      %shift_right_logical3A_317 = arith.shrui %get3A_298, %shift_right_logical3A_316 : vector<16xi32>
      %and3A_318 = arith.constant 255 : i32
      %and3A_319 = vector.broadcast %and3A_318 : i32 to vector<16xi32>
      %and3A_320 = arith.andi %shift_right_logical3A_317, %and3A_319 : vector<16xi32>
      %add3A_321 = vector.broadcast %scan3A_294 : i32 to vector<16xi32>
      %add3A_322 = arith.addi %iota3A, %add3A_321 : vector<16xi32>
      %and3A_323 = arith.constant 15 : i32
      %and3A_324 = vector.broadcast %and3A_323 : i32 to vector<16xi32>
      %and3A_325 = arith.andi %add3A_322, %and3A_324 : vector<16xi32>
      %mul3A_326 = arith.constant 256 : i32
      %mul3A_327 = vector.broadcast %mul3A_326 : i32 to vector<16xi32>
      %mul3A_328 = arith.muli %and3A_325, %mul3A_327 : vector<16xi32>
      %add3A_329 = arith.addi %mul3A_328, %and3A_320 : vector<16xi32>
      tpu.vector_store_idx %arg7[%add3A_329], %broadcast_in_dim3A_8 masked %eq3A_314 {add = true} : memref<4096xi32, #tpu.memory_space<vmem>>[vector<16xi32>], vector<16xi32>, vector<16xi1>
      %mul3A_330 = arith.constant 16 : i32
      %mul3A_331 = arith.muli %scan3A_294, %mul3A_330 : i32
      %add3A_332 = vector.broadcast %mul3A_331 : i32 to vector<16xi32>
      %add3A_333 = arith.addi %add3A_332, %iota3A : vector<16xi32>
      %swap3A_334 = arith.index_cast %add3A_292 : i32 to index
      %swap3A_335 = tpu.vector_load %arg6[%swap3A_334] masked %eq3A_314 {strides = array<i32>} : memref<25088xi32, #tpu.memory_space<vmem>>, vector<16xi32>, vector<16xi1>
      tpu.vector_store %arg6[%swap3A_334], %add3A_333 masked %eq3A_314 {strides = array<i32>} : memref<25088xi32, #tpu.memory_space<vmem>>, vector<16xi32>, vector<16xi1>
      %all_reduce_population_count3A_336 = tpu.all_reduce %eq3A_314 {dim = 0 : i64, kind = #tpu.reduction_kind<sum>} : vector<16xi1> -> vector<16xi32>
      %slice3A_337 = vector.extract_strided_slice %all_reduce_population_count3A_336 {offsets = [0], sizes = [1], strides = [1]} : vector<16xi32> to vector<1xi32>
      %squeeze3A_338 = vector.extract %slice3A_337[0] : i32 from vector<1xi32>
      %add3A_339 = arith.addi %add3A_292, %squeeze3A_338 : i32
      %scan3A_340 = arith.constant 3 : i32
      %scan3A_341 = arith.addi %scan3A_205, %scan3A_340 : i32
      %mul3A_342 = arith.constant 16 : i32
      %mul3A_343 = arith.muli %scan3A_341, %mul3A_342 : i32
      %get3A_344 = arith.index_cast %mul3A_343 : i32 to index
      %get3A_345 = tpu.vector_load %arg4[%get3A_344] {strides = array<i32>} : memref<25088xi32, #tpu.memory_space<vmem>>, vector<16xi32>,
      %shift_right_logical3A_346 = arith.constant 24 : i32
      %shift_right_logical3A_347 = vector.broadcast %shift_right_logical3A_346 : i32 to vector<16xi32>
      %shift_right_logical3A_348 = arith.shrui %get3A_345, %shift_right_logical3A_347 : vector<16xi32>
      %lt3A_349 = vector.broadcast %or3A : i32 to vector<16xi32>
      %lt3A_350 = arith.cmpi slt, %shift_right_logical3A_348, %lt3A_349 : vector<16xi32>
      %jit3A_351 = arith.constant 0.000000e+00 : f32
      %jit3A_352 = arith.constant 1.000000e+00 : f32
      %broadcast_in_dim3A_353 = vector.broadcast %jit3A_351 : f32 to vector<16xf32>
      %broadcast_in_dim3A_354 = vector.broadcast %jit3A_352 : f32 to vector<16xf32>
      %select_n3A_355 = arith.select %lt3A_350, %broadcast_in_dim3A_353, %broadcast_in_dim3A_354 : vector<16xi1>, vector<16xf32>
      %mul3A_356 = arith.constant 16 : i32
      %mul3A_357 = arith.muli %scan3A_341, %mul3A_356 : i32
      %swap3A_358 = arith.index_cast %mul3A_357 : i32 to index
      %swap3A_359 = tpu.vector_load %arg5[%swap3A_358] {strides = array<i32>} : memref<25088xf32, #tpu.memory_space<vmem>>, vector<16xf32>,
      tpu.vector_store %arg5[%swap3A_358], %select_n3A_355 {strides = array<i32>} : memref<25088xf32, #tpu.memory_space<vmem>>, vector<16xf32>,
      %eq3A_360 = vector.broadcast %or3A : i32 to vector<16xi32>
      %eq3A_361 = arith.cmpi eq, %shift_right_logical3A_348, %eq3A_360 : vector<16xi32>
      %shift_right_logical3A_362 = arith.constant 16 : i32
      %shift_right_logical3A_363 = vector.broadcast %shift_right_logical3A_362 : i32 to vector<16xi32>
      %shift_right_logical3A_364 = arith.shrui %get3A_345, %shift_right_logical3A_363 : vector<16xi32>
      %and3A_365 = arith.constant 255 : i32
      %and3A_366 = vector.broadcast %and3A_365 : i32 to vector<16xi32>
      %and3A_367 = arith.andi %shift_right_logical3A_364, %and3A_366 : vector<16xi32>
      %add3A_368 = vector.broadcast %scan3A_341 : i32 to vector<16xi32>
      %add3A_369 = arith.addi %iota3A, %add3A_368 : vector<16xi32>
      %and3A_370 = arith.constant 15 : i32
      %and3A_371 = vector.broadcast %and3A_370 : i32 to vector<16xi32>
      %and3A_372 = arith.andi %add3A_369, %and3A_371 : vector<16xi32>
      %mul3A_373 = arith.constant 256 : i32
      %mul3A_374 = vector.broadcast %mul3A_373 : i32 to vector<16xi32>
      %mul3A_375 = arith.muli %and3A_372, %mul3A_374 : vector<16xi32>
      %add3A_376 = arith.addi %mul3A_375, %and3A_367 : vector<16xi32>
      tpu.vector_store_idx %arg7[%add3A_376], %broadcast_in_dim3A_8 masked %eq3A_361 {add = true} : memref<4096xi32, #tpu.memory_space<vmem>>[vector<16xi32>], vector<16xi32>, vector<16xi1>
      %mul3A_377 = arith.constant 16 : i32
      %mul3A_378 = arith.muli %scan3A_341, %mul3A_377 : i32
      %add3A_379 = vector.broadcast %mul3A_378 : i32 to vector<16xi32>
      %add3A_380 = arith.addi %add3A_379, %iota3A : vector<16xi32>
      %swap3A_381 = arith.index_cast %add3A_339 : i32 to index
      %swap3A_382 = tpu.vector_load %arg6[%swap3A_381] masked %eq3A_361 {strides = array<i32>} : memref<25088xi32, #tpu.memory_space<vmem>>, vector<16xi32>, vector<16xi1>
      tpu.vector_store %arg6[%swap3A_381], %add3A_380 masked %eq3A_361 {strides = array<i32>} : memref<25088xi32, #tpu.memory_space<vmem>>, vector<16xi32>, vector<16xi1>
      %all_reduce_population_count3A_383 = tpu.all_reduce %eq3A_361 {dim = 0 : i64, kind = #tpu.reduction_kind<sum>} : vector<16xi1> -> vector<16xi32>
      %slice3A_384 = vector.extract_strided_slice %all_reduce_population_count3A_383 {offsets = [0], sizes = [1], strides = [1]} : vector<16xi32> to vector<1xi32>
      %squeeze3A_385 = vector.extract %slice3A_384[0] : i32 from vector<1xi32>
      %add3A_386 = arith.addi %add3A_339, %squeeze3A_385 : i32
      scf.yield %add3A_386 : i32
    }
    %scan3A_59 = arith.constant 1568 : i32
    %scan3A_60 = arith.constant 0 : i32
    %scan3A_61 = arith.constant 0 : i32
    %scan3A_62 = arith.constant 16 : i32
    %scan3A_63 = arith.addi %scan3A_61, %scan3A_62 : i32
    %scan3A_64 = arith.constant 4 : i32
    %scan3A_65 = scf.for %scan3A_205 = %scan3A_61 to %scan3A_63 step %scan3A_64 iter_args(%scan3A_206 = %scan3A_60) -> (i32)  : i32 {
      %mul3A_207 = arith.constant 16 : i32
      %mul3A_208 = arith.muli %scan3A_205, %mul3A_207 : i32
      %get3A_209 = arith.index_cast %mul3A_208 : i32 to index
      %get3A_210 = tpu.vector_load %arg7[%get3A_209] {strides = array<i32>} : memref<4096xi32, #tpu.memory_space<vmem>>, vector<16xi32>,
      %mul3A_211 = arith.constant 16 : i32
      %mul3A_212 = arith.muli %scan3A_205, %mul3A_211 : i32
      %add3A_213 = arith.constant 256 : i32
      %add3A_214 = arith.addi %add3A_213, %mul3A_212 : i32
      %get3A_215 = arith.index_cast %add3A_214 : i32 to index
      %get3A_216 = tpu.vector_load %arg7[%get3A_215] {strides = array<i32>} : memref<4096xi32, #tpu.memory_space<vmem>>, vector<16xi32>,
      %add3A_217 = arith.addi %get3A_210, %get3A_216 : vector<16xi32>
      %mul3A_218 = arith.constant 16 : i32
      %mul3A_219 = arith.muli %scan3A_205, %mul3A_218 : i32
      %add3A_220 = arith.constant 512 : i32
      %add3A_221 = arith.addi %add3A_220, %mul3A_219 : i32
      %get3A_222 = arith.index_cast %add3A_221 : i32 to index
      %get3A_223 = tpu.vector_load %arg7[%get3A_222] {strides = array<i32>} : memref<4096xi32, #tpu.memory_space<vmem>>, vector<16xi32>,
      %add3A_224 = arith.addi %add3A_217, %get3A_223 : vector<16xi32>
      %mul3A_225 = arith.constant 16 : i32
      %mul3A_226 = arith.muli %scan3A_205, %mul3A_225 : i32
      %add3A_227 = arith.constant 768 : i32
      %add3A_228 = arith.addi %add3A_227, %mul3A_226 : i32
      %get3A_229 = arith.index_cast %add3A_228 : i32 to index
      %get3A_230 = tpu.vector_load %arg7[%get3A_229] {strides = array<i32>} : memref<4096xi32, #tpu.memory_space<vmem>>, vector<16xi32>,
      %add3A_231 = arith.addi %add3A_224, %get3A_230 : vector<16xi32>
      %mul3A_232 = arith.constant 16 : i32
      %mul3A_233 = arith.muli %scan3A_205, %mul3A_232 : i32
      %add3A_234 = arith.constant 1024 : i32
      %add3A_235 = arith.addi %add3A_234, %mul3A_233 : i32
      %get3A_236 = arith.index_cast %add3A_235 : i32 to index
      %get3A_237 = tpu.vector_load %arg7[%get3A_236] {strides = array<i32>} : memref<4096xi32, #tpu.memory_space<vmem>>, vector<16xi32>,
      %add3A_238 = arith.addi %add3A_231, %get3A_237 : vector<16xi32>
      %mul3A_239 = arith.constant 16 : i32
      %mul3A_240 = arith.muli %scan3A_205, %mul3A_239 : i32
      %add3A_241 = arith.constant 1280 : i32
      %add3A_242 = arith.addi %add3A_241, %mul3A_240 : i32
      %get3A_243 = arith.index_cast %add3A_242 : i32 to index
      %get3A_244 = tpu.vector_load %arg7[%get3A_243] {strides = array<i32>} : memref<4096xi32, #tpu.memory_space<vmem>>, vector<16xi32>,
      %add3A_245 = arith.addi %add3A_238, %get3A_244 : vector<16xi32>
      %mul3A_246 = arith.constant 16 : i32
      %mul3A_247 = arith.muli %scan3A_205, %mul3A_246 : i32
      %add3A_248 = arith.constant 1536 : i32
      %add3A_249 = arith.addi %add3A_248, %mul3A_247 : i32
      %get3A_250 = arith.index_cast %add3A_249 : i32 to index
      %get3A_251 = tpu.vector_load %arg7[%get3A_250] {strides = array<i32>} : memref<4096xi32, #tpu.memory_space<vmem>>, vector<16xi32>,
      %add3A_252 = arith.addi %add3A_245, %get3A_251 : vector<16xi32>
      %mul3A_253 = arith.constant 16 : i32
      %mul3A_254 = arith.muli %scan3A_205, %mul3A_253 : i32
      %add3A_255 = arith.constant 1792 : i32
      %add3A_256 = arith.addi %add3A_255, %mul3A_254 : i32
      %get3A_257 = arith.index_cast %add3A_256 : i32 to index
      %get3A_258 = tpu.vector_load %arg7[%get3A_257] {strides = array<i32>} : memref<4096xi32, #tpu.memory_space<vmem>>, vector<16xi32>,
      %add3A_259 = arith.addi %add3A_252, %get3A_258 : vector<16xi32>
      %mul3A_260 = arith.constant 16 : i32
      %mul3A_261 = arith.muli %scan3A_205, %mul3A_260 : i32
      %add3A_262 = arith.constant 2048 : i32
      %add3A_263 = arith.addi %add3A_262, %mul3A_261 : i32
      %get3A_264 = arith.index_cast %add3A_263 : i32 to index
      %get3A_265 = tpu.vector_load %arg7[%get3A_264] {strides = array<i32>} : memref<4096xi32, #tpu.memory_space<vmem>>, vector<16xi32>,
      %add3A_266 = arith.addi %add3A_259, %get3A_265 : vector<16xi32>
      %mul3A_267 = arith.constant 16 : i32
      %mul3A_268 = arith.muli %scan3A_205, %mul3A_267 : i32
      %add3A_269 = arith.constant 2304 : i32
      %add3A_270 = arith.addi %add3A_269, %mul3A_268 : i32
      %get3A_271 = arith.index_cast %add3A_270 : i32 to index
      %get3A_272 = tpu.vector_load %arg7[%get3A_271] {strides = array<i32>} : memref<4096xi32, #tpu.memory_space<vmem>>, vector<16xi32>,
      %add3A_273 = arith.addi %add3A_266, %get3A_272 : vector<16xi32>
      %mul3A_274 = arith.constant 16 : i32
      %mul3A_275 = arith.muli %scan3A_205, %mul3A_274 : i32
      %add3A_276 = arith.constant 2560 : i32
      %add3A_277 = arith.addi %add3A_276, %mul3A_275 : i32
      %get3A_278 = arith.index_cast %add3A_277 : i32 to index
      %get3A_279 = tpu.vector_load %arg7[%get3A_278] {strides = array<i32>} : memref<4096xi32, #tpu.memory_space<vmem>>, vector<16xi32>,
      %add3A_280 = arith.addi %add3A_273, %get3A_279 : vector<16xi32>
      %mul3A_281 = arith.constant 16 : i32
      %mul3A_282 = arith.muli %scan3A_205, %mul3A_281 : i32
      %add3A_283 = arith.constant 2816 : i32
      %add3A_284 = arith.addi %add3A_283, %mul3A_282 : i32
      %get3A_285 = arith.index_cast %add3A_284 : i32 to index
      %get3A_286 = tpu.vector_load %arg7[%get3A_285] {strides = array<i32>} : memref<4096xi32, #tpu.memory_space<vmem>>, vector<16xi32>,
      %add3A_287 = arith.addi %add3A_280, %get3A_286 : vector<16xi32>
      %mul3A_288 = arith.constant 16 : i32
      %mul3A_289 = arith.muli %scan3A_205, %mul3A_288 : i32
      %add3A_290 = arith.constant 3072 : i32
      %add3A_291 = arith.addi %add3A_290, %mul3A_289 : i32
      %get3A_292 = arith.index_cast %add3A_291 : i32 to index
      %get3A_293 = tpu.vector_load %arg7[%get3A_292] {strides = array<i32>} : memref<4096xi32, #tpu.memory_space<vmem>>, vector<16xi32>,
      %add3A_294 = arith.addi %add3A_287, %get3A_293 : vector<16xi32>
      %mul3A_295 = arith.constant 16 : i32
      %mul3A_296 = arith.muli %scan3A_205, %mul3A_295 : i32
      %add3A_297 = arith.constant 3328 : i32
      %add3A_298 = arith.addi %add3A_297, %mul3A_296 : i32
      %get3A_299 = arith.index_cast %add3A_298 : i32 to index
      %get3A_300 = tpu.vector_load %arg7[%get3A_299] {strides = array<i32>} : memref<4096xi32, #tpu.memory_space<vmem>>, vector<16xi32>,
      %add3A_301 = arith.addi %add3A_294, %get3A_300 : vector<16xi32>
      %mul3A_302 = arith.constant 16 : i32
      %mul3A_303 = arith.muli %scan3A_205, %mul3A_302 : i32
      %add3A_304 = arith.constant 3584 : i32
      %add3A_305 = arith.addi %add3A_304, %mul3A_303 : i32
      %get3A_306 = arith.index_cast %add3A_305 : i32 to index
      %get3A_307 = tpu.vector_load %arg7[%get3A_306] {strides = array<i32>} : memref<4096xi32, #tpu.memory_space<vmem>>, vector<16xi32>,
      %add3A_308 = arith.addi %add3A_301, %get3A_307 : vector<16xi32>
      %mul3A_309 = arith.constant 16 : i32
      %mul3A_310 = arith.muli %scan3A_205, %mul3A_309 : i32
      %add3A_311 = arith.constant 3840 : i32
      %add3A_312 = arith.addi %add3A_311, %mul3A_310 : i32
      %get3A_313 = arith.index_cast %add3A_312 : i32 to index
      %get3A_314 = tpu.vector_load %arg7[%get3A_313] {strides = array<i32>} : memref<4096xi32, #tpu.memory_space<vmem>>, vector<16xi32>,
      %add3A_315 = arith.addi %add3A_308, %get3A_314 : vector<16xi32>
      %mul3A_316 = arith.constant 16 : i32
      %mul3A_317 = arith.muli %scan3A_205, %mul3A_316 : i32
      %swap3A = arith.index_cast %mul3A_317 : i32 to index
      %swap3A_318 = tpu.vector_load %arg8[%swap3A] {strides = array<i32>} : memref<256xi32, #tpu.memory_space<vmem>>, vector<16xi32>,
      tpu.vector_store %arg8[%swap3A], %add3A_315 {strides = array<i32>} : memref<256xi32, #tpu.memory_space<vmem>>, vector<16xi32>,
      %scan3A_319 = arith.constant 0 : i32
      %scan3A_320 = arith.constant 1 : i32
      %scan3A_321 = arith.addi %scan3A_205, %scan3A_320 : i32
      %mul3A_322 = arith.constant 16 : i32
      %mul3A_323 = arith.muli %scan3A_321, %mul3A_322 : i32
      %get3A_324 = arith.index_cast %mul3A_323 : i32 to index
      %get3A_325 = tpu.vector_load %arg7[%get3A_324] {strides = array<i32>} : memref<4096xi32, #tpu.memory_space<vmem>>, vector<16xi32>,
      %mul3A_326 = arith.constant 16 : i32
      %mul3A_327 = arith.muli %scan3A_321, %mul3A_326 : i32
      %add3A_328 = arith.constant 256 : i32
      %add3A_329 = arith.addi %add3A_328, %mul3A_327 : i32
      %get3A_330 = arith.index_cast %add3A_329 : i32 to index
      %get3A_331 = tpu.vector_load %arg7[%get3A_330] {strides = array<i32>} : memref<4096xi32, #tpu.memory_space<vmem>>, vector<16xi32>,
      %add3A_332 = arith.addi %get3A_325, %get3A_331 : vector<16xi32>
      %mul3A_333 = arith.constant 16 : i32
      %mul3A_334 = arith.muli %scan3A_321, %mul3A_333 : i32
      %add3A_335 = arith.constant 512 : i32
      %add3A_336 = arith.addi %add3A_335, %mul3A_334 : i32
      %get3A_337 = arith.index_cast %add3A_336 : i32 to index
      %get3A_338 = tpu.vector_load %arg7[%get3A_337] {strides = array<i32>} : memref<4096xi32, #tpu.memory_space<vmem>>, vector<16xi32>,
      %add3A_339 = arith.addi %add3A_332, %get3A_338 : vector<16xi32>
      %mul3A_340 = arith.constant 16 : i32
      %mul3A_341 = arith.muli %scan3A_321, %mul3A_340 : i32
      %add3A_342 = arith.constant 768 : i32
      %add3A_343 = arith.addi %add3A_342, %mul3A_341 : i32
      %get3A_344 = arith.index_cast %add3A_343 : i32 to index
      %get3A_345 = tpu.vector_load %arg7[%get3A_344] {strides = array<i32>} : memref<4096xi32, #tpu.memory_space<vmem>>, vector<16xi32>,
      %add3A_346 = arith.addi %add3A_339, %get3A_345 : vector<16xi32>
      %mul3A_347 = arith.constant 16 : i32
      %mul3A_348 = arith.muli %scan3A_321, %mul3A_347 : i32
      %add3A_349 = arith.constant 1024 : i32
      %add3A_350 = arith.addi %add3A_349, %mul3A_348 : i32
      %get3A_351 = arith.index_cast %add3A_350 : i32 to index
      %get3A_352 = tpu.vector_load %arg7[%get3A_351] {strides = array<i32>} : memref<4096xi32, #tpu.memory_space<vmem>>, vector<16xi32>,
      %add3A_353 = arith.addi %add3A_346, %get3A_352 : vector<16xi32>
      %mul3A_354 = arith.constant 16 : i32
      %mul3A_355 = arith.muli %scan3A_321, %mul3A_354 : i32
      %add3A_356 = arith.constant 1280 : i32
      %add3A_357 = arith.addi %add3A_356, %mul3A_355 : i32
      %get3A_358 = arith.index_cast %add3A_357 : i32 to index
      %get3A_359 = tpu.vector_load %arg7[%get3A_358] {strides = array<i32>} : memref<4096xi32, #tpu.memory_space<vmem>>, vector<16xi32>,
      %add3A_360 = arith.addi %add3A_353, %get3A_359 : vector<16xi32>
      %mul3A_361 = arith.constant 16 : i32
      %mul3A_362 = arith.muli %scan3A_321, %mul3A_361 : i32
      %add3A_363 = arith.constant 1536 : i32
      %add3A_364 = arith.addi %add3A_363, %mul3A_362 : i32
      %get3A_365 = arith.index_cast %add3A_364 : i32 to index
      %get3A_366 = tpu.vector_load %arg7[%get3A_365] {strides = array<i32>} : memref<4096xi32, #tpu.memory_space<vmem>>, vector<16xi32>,
      %add3A_367 = arith.addi %add3A_360, %get3A_366 : vector<16xi32>
      %mul3A_368 = arith.constant 16 : i32
      %mul3A_369 = arith.muli %scan3A_321, %mul3A_368 : i32
      %add3A_370 = arith.constant 1792 : i32
      %add3A_371 = arith.addi %add3A_370, %mul3A_369 : i32
      %get3A_372 = arith.index_cast %add3A_371 : i32 to index
      %get3A_373 = tpu.vector_load %arg7[%get3A_372] {strides = array<i32>} : memref<4096xi32, #tpu.memory_space<vmem>>, vector<16xi32>,
      %add3A_374 = arith.addi %add3A_367, %get3A_373 : vector<16xi32>
      %mul3A_375 = arith.constant 16 : i32
      %mul3A_376 = arith.muli %scan3A_321, %mul3A_375 : i32
      %add3A_377 = arith.constant 2048 : i32
      %add3A_378 = arith.addi %add3A_377, %mul3A_376 : i32
      %get3A_379 = arith.index_cast %add3A_378 : i32 to index
      %get3A_380 = tpu.vector_load %arg7[%get3A_379] {strides = array<i32>} : memref<4096xi32, #tpu.memory_space<vmem>>, vector<16xi32>,
      %add3A_381 = arith.addi %add3A_374, %get3A_380 : vector<16xi32>
      %mul3A_382 = arith.constant 16 : i32
      %mul3A_383 = arith.muli %scan3A_321, %mul3A_382 : i32
      %add3A_384 = arith.constant 2304 : i32
      %add3A_385 = arith.addi %add3A_384, %mul3A_383 : i32
      %get3A_386 = arith.index_cast %add3A_385 : i32 to index
      %get3A_387 = tpu.vector_load %arg7[%get3A_386] {strides = array<i32>} : memref<4096xi32, #tpu.memory_space<vmem>>, vector<16xi32>,
      %add3A_388 = arith.addi %add3A_381, %get3A_387 : vector<16xi32>
      %mul3A_389 = arith.constant 16 : i32
      %mul3A_390 = arith.muli %scan3A_321, %mul3A_389 : i32
      %add3A_391 = arith.constant 2560 : i32
      %add3A_392 = arith.addi %add3A_391, %mul3A_390 : i32
      %get3A_393 = arith.index_cast %add3A_392 : i32 to index
      %get3A_394 = tpu.vector_load %arg7[%get3A_393] {strides = array<i32>} : memref<4096xi32, #tpu.memory_space<vmem>>, vector<16xi32>,
      %add3A_395 = arith.addi %add3A_388, %get3A_394 : vector<16xi32>
      %mul3A_396 = arith.constant 16 : i32
      %mul3A_397 = arith.muli %scan3A_321, %mul3A_396 : i32
      %add3A_398 = arith.constant 2816 : i32
      %add3A_399 = arith.addi %add3A_398, %mul3A_397 : i32
      %get3A_400 = arith.index_cast %add3A_399 : i32 to index
      %get3A_401 = tpu.vector_load %arg7[%get3A_400] {strides = array<i32>} : memref<4096xi32, #tpu.memory_space<vmem>>, vector<16xi32>,
      %add3A_402 = arith.addi %add3A_395, %get3A_401 : vector<16xi32>
      %mul3A_403 = arith.constant 16 : i32
      %mul3A_404 = arith.muli %scan3A_321, %mul3A_403 : i32
      %add3A_405 = arith.constant 3072 : i32
      %add3A_406 = arith.addi %add3A_405, %mul3A_404 : i32
      %get3A_407 = arith.index_cast %add3A_406 : i32 to index
      %get3A_408 = tpu.vector_load %arg7[%get3A_407] {strides = array<i32>} : memref<4096xi32, #tpu.memory_space<vmem>>, vector<16xi32>,
      %add3A_409 = arith.addi %add3A_402, %get3A_408 : vector<16xi32>
      %mul3A_410 = arith.constant 16 : i32
      %mul3A_411 = arith.muli %scan3A_321, %mul3A_410 : i32
      %add3A_412 = arith.constant 3328 : i32
      %add3A_413 = arith.addi %add3A_412, %mul3A_411 : i32
      %get3A_414 = arith.index_cast %add3A_413 : i32 to index
      %get3A_415 = tpu.vector_load %arg7[%get3A_414] {strides = array<i32>} : memref<4096xi32, #tpu.memory_space<vmem>>, vector<16xi32>,
      %add3A_416 = arith.addi %add3A_409, %get3A_415 : vector<16xi32>
      %mul3A_417 = arith.constant 16 : i32
      %mul3A_418 = arith.muli %scan3A_321, %mul3A_417 : i32
      %add3A_419 = arith.constant 3584 : i32
      %add3A_420 = arith.addi %add3A_419, %mul3A_418 : i32
      %get3A_421 = arith.index_cast %add3A_420 : i32 to index
      %get3A_422 = tpu.vector_load %arg7[%get3A_421] {strides = array<i32>} : memref<4096xi32, #tpu.memory_space<vmem>>, vector<16xi32>,
      %add3A_423 = arith.addi %add3A_416, %get3A_422 : vector<16xi32>
      %mul3A_424 = arith.constant 16 : i32
      %mul3A_425 = arith.muli %scan3A_321, %mul3A_424 : i32
      %add3A_426 = arith.constant 3840 : i32
      %add3A_427 = arith.addi %add3A_426, %mul3A_425 : i32
      %get3A_428 = arith.index_cast %add3A_427 : i32 to index
      %get3A_429 = tpu.vector_load %arg7[%get3A_428] {strides = array<i32>} : memref<4096xi32, #tpu.memory_space<vmem>>, vector<16xi32>,
      %add3A_430 = arith.addi %add3A_423, %get3A_429 : vector<16xi32>
      %mul3A_431 = arith.constant 16 : i32
      %mul3A_432 = arith.muli %scan3A_321, %mul3A_431 : i32
      %swap3A_433 = arith.index_cast %mul3A_432 : i32 to index
      %swap3A_434 = tpu.vector_load %arg8[%swap3A_433] {strides = array<i32>} : memref<256xi32, #tpu.memory_space<vmem>>, vector<16xi32>,
      tpu.vector_store %arg8[%swap3A_433], %add3A_430 {strides = array<i32>} : memref<256xi32, #tpu.memory_space<vmem>>, vector<16xi32>,
      %scan3A_435 = arith.constant 0 : i32
      %scan3A_436 = arith.constant 2 : i32
      %scan3A_437 = arith.addi %scan3A_205, %scan3A_436 : i32
      %mul3A_438 = arith.constant 16 : i32
      %mul3A_439 = arith.muli %scan3A_437, %mul3A_438 : i32
      %get3A_440 = arith.index_cast %mul3A_439 : i32 to index
      %get3A_441 = tpu.vector_load %arg7[%get3A_440] {strides = array<i32>} : memref<4096xi32, #tpu.memory_space<vmem>>, vector<16xi32>,
      %mul3A_442 = arith.constant 16 : i32
      %mul3A_443 = arith.muli %scan3A_437, %mul3A_442 : i32
      %add3A_444 = arith.constant 256 : i32
      %add3A_445 = arith.addi %add3A_444, %mul3A_443 : i32
      %get3A_446 = arith.index_cast %add3A_445 : i32 to index
      %get3A_447 = tpu.vector_load %arg7[%get3A_446] {strides = array<i32>} : memref<4096xi32, #tpu.memory_space<vmem>>, vector<16xi32>,
      %add3A_448 = arith.addi %get3A_441, %get3A_447 : vector<16xi32>
      %mul3A_449 = arith.constant 16 : i32
      %mul3A_450 = arith.muli %scan3A_437, %mul3A_449 : i32
      %add3A_451 = arith.constant 512 : i32
      %add3A_452 = arith.addi %add3A_451, %mul3A_450 : i32
      %get3A_453 = arith.index_cast %add3A_452 : i32 to index
      %get3A_454 = tpu.vector_load %arg7[%get3A_453] {strides = array<i32>} : memref<4096xi32, #tpu.memory_space<vmem>>, vector<16xi32>,
      %add3A_455 = arith.addi %add3A_448, %get3A_454 : vector<16xi32>
      %mul3A_456 = arith.constant 16 : i32
      %mul3A_457 = arith.muli %scan3A_437, %mul3A_456 : i32
      %add3A_458 = arith.constant 768 : i32
      %add3A_459 = arith.addi %add3A_458, %mul3A_457 : i32
      %get3A_460 = arith.index_cast %add3A_459 : i32 to index
      %get3A_461 = tpu.vector_load %arg7[%get3A_460] {strides = array<i32>} : memref<4096xi32, #tpu.memory_space<vmem>>, vector<16xi32>,
      %add3A_462 = arith.addi %add3A_455, %get3A_461 : vector<16xi32>
      %mul3A_463 = arith.constant 16 : i32
      %mul3A_464 = arith.muli %scan3A_437, %mul3A_463 : i32
      %add3A_465 = arith.constant 1024 : i32
      %add3A_466 = arith.addi %add3A_465, %mul3A_464 : i32
      %get3A_467 = arith.index_cast %add3A_466 : i32 to index
      %get3A_468 = tpu.vector_load %arg7[%get3A_467] {strides = array<i32>} : memref<4096xi32, #tpu.memory_space<vmem>>, vector<16xi32>,
      %add3A_469 = arith.addi %add3A_462, %get3A_468 : vector<16xi32>
      %mul3A_470 = arith.constant 16 : i32
      %mul3A_471 = arith.muli %scan3A_437, %mul3A_470 : i32
      %add3A_472 = arith.constant 1280 : i32
      %add3A_473 = arith.addi %add3A_472, %mul3A_471 : i32
      %get3A_474 = arith.index_cast %add3A_473 : i32 to index
      %get3A_475 = tpu.vector_load %arg7[%get3A_474] {strides = array<i32>} : memref<4096xi32, #tpu.memory_space<vmem>>, vector<16xi32>,
      %add3A_476 = arith.addi %add3A_469, %get3A_475 : vector<16xi32>
      %mul3A_477 = arith.constant 16 : i32
      %mul3A_478 = arith.muli %scan3A_437, %mul3A_477 : i32
      %add3A_479 = arith.constant 1536 : i32
      %add3A_480 = arith.addi %add3A_479, %mul3A_478 : i32
      %get3A_481 = arith.index_cast %add3A_480 : i32 to index
      %get3A_482 = tpu.vector_load %arg7[%get3A_481] {strides = array<i32>} : memref<4096xi32, #tpu.memory_space<vmem>>, vector<16xi32>,
      %add3A_483 = arith.addi %add3A_476, %get3A_482 : vector<16xi32>
      %mul3A_484 = arith.constant 16 : i32
      %mul3A_485 = arith.muli %scan3A_437, %mul3A_484 : i32
      %add3A_486 = arith.constant 1792 : i32
      %add3A_487 = arith.addi %add3A_486, %mul3A_485 : i32
      %get3A_488 = arith.index_cast %add3A_487 : i32 to index
      %get3A_489 = tpu.vector_load %arg7[%get3A_488] {strides = array<i32>} : memref<4096xi32, #tpu.memory_space<vmem>>, vector<16xi32>,
      %add3A_490 = arith.addi %add3A_483, %get3A_489 : vector<16xi32>
      %mul3A_491 = arith.constant 16 : i32
      %mul3A_492 = arith.muli %scan3A_437, %mul3A_491 : i32
      %add3A_493 = arith.constant 2048 : i32
      %add3A_494 = arith.addi %add3A_493, %mul3A_492 : i32
      %get3A_495 = arith.index_cast %add3A_494 : i32 to index
      %get3A_496 = tpu.vector_load %arg7[%get3A_495] {strides = array<i32>} : memref<4096xi32, #tpu.memory_space<vmem>>, vector<16xi32>,
      %add3A_497 = arith.addi %add3A_490, %get3A_496 : vector<16xi32>
      %mul3A_498 = arith.constant 16 : i32
      %mul3A_499 = arith.muli %scan3A_437, %mul3A_498 : i32
      %add3A_500 = arith.constant 2304 : i32
      %add3A_501 = arith.addi %add3A_500, %mul3A_499 : i32
      %get3A_502 = arith.index_cast %add3A_501 : i32 to index
      %get3A_503 = tpu.vector_load %arg7[%get3A_502] {strides = array<i32>} : memref<4096xi32, #tpu.memory_space<vmem>>, vector<16xi32>,
      %add3A_504 = arith.addi %add3A_497, %get3A_503 : vector<16xi32>
      %mul3A_505 = arith.constant 16 : i32
      %mul3A_506 = arith.muli %scan3A_437, %mul3A_505 : i32
      %add3A_507 = arith.constant 2560 : i32
      %add3A_508 = arith.addi %add3A_507, %mul3A_506 : i32
      %get3A_509 = arith.index_cast %add3A_508 : i32 to index
      %get3A_510 = tpu.vector_load %arg7[%get3A_509] {strides = array<i32>} : memref<4096xi32, #tpu.memory_space<vmem>>, vector<16xi32>,
      %add3A_511 = arith.addi %add3A_504, %get3A_510 : vector<16xi32>
      %mul3A_512 = arith.constant 16 : i32
      %mul3A_513 = arith.muli %scan3A_437, %mul3A_512 : i32
      %add3A_514 = arith.constant 2816 : i32
      %add3A_515 = arith.addi %add3A_514, %mul3A_513 : i32
      %get3A_516 = arith.index_cast %add3A_515 : i32 to index
      %get3A_517 = tpu.vector_load %arg7[%get3A_516] {strides = array<i32>} : memref<4096xi32, #tpu.memory_space<vmem>>, vector<16xi32>,
      %add3A_518 = arith.addi %add3A_511, %get3A_517 : vector<16xi32>
      %mul3A_519 = arith.constant 16 : i32
      %mul3A_520 = arith.muli %scan3A_437, %mul3A_519 : i32
      %add3A_521 = arith.constant 3072 : i32
      %add3A_522 = arith.addi %add3A_521, %mul3A_520 : i32
      %get3A_523 = arith.index_cast %add3A_522 : i32 to index
      %get3A_524 = tpu.vector_load %arg7[%get3A_523] {strides = array<i32>} : memref<4096xi32, #tpu.memory_space<vmem>>, vector<16xi32>,
      %add3A_525 = arith.addi %add3A_518, %get3A_524 : vector<16xi32>
      %mul3A_526 = arith.constant 16 : i32
      %mul3A_527 = arith.muli %scan3A_437, %mul3A_526 : i32
      %add3A_528 = arith.constant 3328 : i32
      %add3A_529 = arith.addi %add3A_528, %mul3A_527 : i32
      %get3A_530 = arith.index_cast %add3A_529 : i32 to index
      %get3A_531 = tpu.vector_load %arg7[%get3A_530] {strides = array<i32>} : memref<4096xi32, #tpu.memory_space<vmem>>, vector<16xi32>,
      %add3A_532 = arith.addi %add3A_525, %get3A_531 : vector<16xi32>
      %mul3A_533 = arith.constant 16 : i32
      %mul3A_534 = arith.muli %scan3A_437, %mul3A_533 : i32
      %add3A_535 = arith.constant 3584 : i32
      %add3A_536 = arith.addi %add3A_535, %mul3A_534 : i32
      %get3A_537 = arith.index_cast %add3A_536 : i32 to index
      %get3A_538 = tpu.vector_load %arg7[%get3A_537] {strides = array<i32>} : memref<4096xi32, #tpu.memory_space<vmem>>, vector<16xi32>,
      %add3A_539 = arith.addi %add3A_532, %get3A_538 : vector<16xi32>
      %mul3A_540 = arith.constant 16 : i32
      %mul3A_541 = arith.muli %scan3A_437, %mul3A_540 : i32
      %add3A_542 = arith.constant 3840 : i32
      %add3A_543 = arith.addi %add3A_542, %mul3A_541 : i32
      %get3A_544 = arith.index_cast %add3A_543 : i32 to index
      %get3A_545 = tpu.vector_load %arg7[%get3A_544] {strides = array<i32>} : memref<4096xi32, #tpu.memory_space<vmem>>, vector<16xi32>,
      %add3A_546 = arith.addi %add3A_539, %get3A_545 : vector<16xi32>
      %mul3A_547 = arith.constant 16 : i32
      %mul3A_548 = arith.muli %scan3A_437, %mul3A_547 : i32
      %swap3A_549 = arith.index_cast %mul3A_548 : i32 to index
      %swap3A_550 = tpu.vector_load %arg8[%swap3A_549] {strides = array<i32>} : memref<256xi32, #tpu.memory_space<vmem>>, vector<16xi32>,
      tpu.vector_store %arg8[%swap3A_549], %add3A_546 {strides = array<i32>} : memref<256xi32, #tpu.memory_space<vmem>>, vector<16xi32>,
      %scan3A_551 = arith.constant 0 : i32
      %scan3A_552 = arith.constant 3 : i32
      %scan3A_553 = arith.addi %scan3A_205, %scan3A_552 : i32
      %mul3A_554 = arith.constant 16 : i32
      %mul3A_555 = arith.muli %scan3A_553, %mul3A_554 : i32
      %get3A_556 = arith.index_cast %mul3A_555 : i32 to index
      %get3A_557 = tpu.vector_load %arg7[%get3A_556] {strides = array<i32>} : memref<4096xi32, #tpu.memory_space<vmem>>, vector<16xi32>,
      %mul3A_558 = arith.constant 16 : i32
      %mul3A_559 = arith.muli %scan3A_553, %mul3A_558 : i32
      %add3A_560 = arith.constant 256 : i32
      %add3A_561 = arith.addi %add3A_560, %mul3A_559 : i32
      %get3A_562 = arith.index_cast %add3A_561 : i32 to index
      %get3A_563 = tpu.vector_load %arg7[%get3A_562] {strides = array<i32>} : memref<4096xi32, #tpu.memory_space<vmem>>, vector<16xi32>,
      %add3A_564 = arith.addi %get3A_557, %get3A_563 : vector<16xi32>
      %mul3A_565 = arith.constant 16 : i32
      %mul3A_566 = arith.muli %scan3A_553, %mul3A_565 : i32
      %add3A_567 = arith.constant 512 : i32
      %add3A_568 = arith.addi %add3A_567, %mul3A_566 : i32
      %get3A_569 = arith.index_cast %add3A_568 : i32 to index
      %get3A_570 = tpu.vector_load %arg7[%get3A_569] {strides = array<i32>} : memref<4096xi32, #tpu.memory_space<vmem>>, vector<16xi32>,
      %add3A_571 = arith.addi %add3A_564, %get3A_570 : vector<16xi32>
      %mul3A_572 = arith.constant 16 : i32
      %mul3A_573 = arith.muli %scan3A_553, %mul3A_572 : i32
      %add3A_574 = arith.constant 768 : i32
      %add3A_575 = arith.addi %add3A_574, %mul3A_573 : i32
      %get3A_576 = arith.index_cast %add3A_575 : i32 to index
      %get3A_577 = tpu.vector_load %arg7[%get3A_576] {strides = array<i32>} : memref<4096xi32, #tpu.memory_space<vmem>>, vector<16xi32>,
      %add3A_578 = arith.addi %add3A_571, %get3A_577 : vector<16xi32>
      %mul3A_579 = arith.constant 16 : i32
      %mul3A_580 = arith.muli %scan3A_553, %mul3A_579 : i32
      %add3A_581 = arith.constant 1024 : i32
      %add3A_582 = arith.addi %add3A_581, %mul3A_580 : i32
      %get3A_583 = arith.index_cast %add3A_582 : i32 to index
      %get3A_584 = tpu.vector_load %arg7[%get3A_583] {strides = array<i32>} : memref<4096xi32, #tpu.memory_space<vmem>>, vector<16xi32>,
      %add3A_585 = arith.addi %add3A_578, %get3A_584 : vector<16xi32>
      %mul3A_586 = arith.constant 16 : i32
      %mul3A_587 = arith.muli %scan3A_553, %mul3A_586 : i32
      %add3A_588 = arith.constant 1280 : i32
      %add3A_589 = arith.addi %add3A_588, %mul3A_587 : i32
      %get3A_590 = arith.index_cast %add3A_589 : i32 to index
      %get3A_591 = tpu.vector_load %arg7[%get3A_590] {strides = array<i32>} : memref<4096xi32, #tpu.memory_space<vmem>>, vector<16xi32>,
      %add3A_592 = arith.addi %add3A_585, %get3A_591 : vector<16xi32>
      %mul3A_593 = arith.constant 16 : i32
      %mul3A_594 = arith.muli %scan3A_553, %mul3A_593 : i32
      %add3A_595 = arith.constant 1536 : i32
      %add3A_596 = arith.addi %add3A_595, %mul3A_594 : i32
      %get3A_597 = arith.index_cast %add3A_596 : i32 to index
      %get3A_598 = tpu.vector_load %arg7[%get3A_597] {strides = array<i32>} : memref<4096xi32, #tpu.memory_space<vmem>>, vector<16xi32>,
      %add3A_599 = arith.addi %add3A_592, %get3A_598 : vector<16xi32>
      %mul3A_600 = arith.constant 16 : i32
      %mul3A_601 = arith.muli %scan3A_553, %mul3A_600 : i32
      %add3A_602 = arith.constant 1792 : i32
      %add3A_603 = arith.addi %add3A_602, %mul3A_601 : i32
      %get3A_604 = arith.index_cast %add3A_603 : i32 to index
      %get3A_605 = tpu.vector_load %arg7[%get3A_604] {strides = array<i32>} : memref<4096xi32, #tpu.memory_space<vmem>>, vector<16xi32>,
      %add3A_606 = arith.addi %add3A_599, %get3A_605 : vector<16xi32>
      %mul3A_607 = arith.constant 16 : i32
      %mul3A_608 = arith.muli %scan3A_553, %mul3A_607 : i32
      %add3A_609 = arith.constant 2048 : i32
      %add3A_610 = arith.addi %add3A_609, %mul3A_608 : i32
      %get3A_611 = arith.index_cast %add3A_610 : i32 to index
      %get3A_612 = tpu.vector_load %arg7[%get3A_611] {strides = array<i32>} : memref<4096xi32, #tpu.memory_space<vmem>>, vector<16xi32>,
      %add3A_613 = arith.addi %add3A_606, %get3A_612 : vector<16xi32>
      %mul3A_614 = arith.constant 16 : i32
      %mul3A_615 = arith.muli %scan3A_553, %mul3A_614 : i32
      %add3A_616 = arith.constant 2304 : i32
      %add3A_617 = arith.addi %add3A_616, %mul3A_615 : i32
      %get3A_618 = arith.index_cast %add3A_617 : i32 to index
      %get3A_619 = tpu.vector_load %arg7[%get3A_618] {strides = array<i32>} : memref<4096xi32, #tpu.memory_space<vmem>>, vector<16xi32>,
      %add3A_620 = arith.addi %add3A_613, %get3A_619 : vector<16xi32>
      %mul3A_621 = arith.constant 16 : i32
      %mul3A_622 = arith.muli %scan3A_553, %mul3A_621 : i32
      %add3A_623 = arith.constant 2560 : i32
      %add3A_624 = arith.addi %add3A_623, %mul3A_622 : i32
      %get3A_625 = arith.index_cast %add3A_624 : i32 to index
      %get3A_626 = tpu.vector_load %arg7[%get3A_625] {strides = array<i32>} : memref<4096xi32, #tpu.memory_space<vmem>>, vector<16xi32>,
      %add3A_627 = arith.addi %add3A_620, %get3A_626 : vector<16xi32>
      %mul3A_628 = arith.constant 16 : i32
      %mul3A_629 = arith.muli %scan3A_553, %mul3A_628 : i32
      %add3A_630 = arith.constant 2816 : i32
      %add3A_631 = arith.addi %add3A_630, %mul3A_629 : i32
      %get3A_632 = arith.index_cast %add3A_631 : i32 to index
      %get3A_633 = tpu.vector_load %arg7[%get3A_632] {strides = array<i32>} : memref<4096xi32, #tpu.memory_space<vmem>>, vector<16xi32>,
      %add3A_634 = arith.addi %add3A_627, %get3A_633 : vector<16xi32>
      %mul3A_635 = arith.constant 16 : i32
      %mul3A_636 = arith.muli %scan3A_553, %mul3A_635 : i32
      %add3A_637 = arith.constant 3072 : i32
      %add3A_638 = arith.addi %add3A_637, %mul3A_636 : i32
      %get3A_639 = arith.index_cast %add3A_638 : i32 to index
      %get3A_640 = tpu.vector_load %arg7[%get3A_639] {strides = array<i32>} : memref<4096xi32, #tpu.memory_space<vmem>>, vector<16xi32>,
      %add3A_641 = arith.addi %add3A_634, %get3A_640 : vector<16xi32>
      %mul3A_642 = arith.constant 16 : i32
      %mul3A_643 = arith.muli %scan3A_553, %mul3A_642 : i32
      %add3A_644 = arith.constant 3328 : i32
      %add3A_645 = arith.addi %add3A_644, %mul3A_643 : i32
      %get3A_646 = arith.index_cast %add3A_645 : i32 to index
      %get3A_647 = tpu.vector_load %arg7[%get3A_646] {strides = array<i32>} : memref<4096xi32, #tpu.memory_space<vmem>>, vector<16xi32>,
      %add3A_648 = arith.addi %add3A_641, %get3A_647 : vector<16xi32>
      %mul3A_649 = arith.constant 16 : i32
      %mul3A_650 = arith.muli %scan3A_553, %mul3A_649 : i32
      %add3A_651 = arith.constant 3584 : i32
      %add3A_652 = arith.addi %add3A_651, %mul3A_650 : i32
      %get3A_653 = arith.index_cast %add3A_652 : i32 to index
      %get3A_654 = tpu.vector_load %arg7[%get3A_653] {strides = array<i32>} : memref<4096xi32, #tpu.memory_space<vmem>>, vector<16xi32>,
      %add3A_655 = arith.addi %add3A_648, %get3A_654 : vector<16xi32>
      %mul3A_656 = arith.constant 16 : i32
      %mul3A_657 = arith.muli %scan3A_553, %mul3A_656 : i32
      %add3A_658 = arith.constant 3840 : i32
      %add3A_659 = arith.addi %add3A_658, %mul3A_657 : i32
      %get3A_660 = arith.index_cast %add3A_659 : i32 to index
      %get3A_661 = tpu.vector_load %arg7[%get3A_660] {strides = array<i32>} : memref<4096xi32, #tpu.memory_space<vmem>>, vector<16xi32>,
      %add3A_662 = arith.addi %add3A_655, %get3A_661 : vector<16xi32>
      %mul3A_663 = arith.constant 16 : i32
      %mul3A_664 = arith.muli %scan3A_553, %mul3A_663 : i32
      %swap3A_665 = arith.index_cast %mul3A_664 : i32 to index
      %swap3A_666 = tpu.vector_load %arg8[%swap3A_665] {strides = array<i32>} : memref<256xi32, #tpu.memory_space<vmem>>, vector<16xi32>,
      tpu.vector_store %arg8[%swap3A_665], %add3A_662 {strides = array<i32>} : memref<256xi32, #tpu.memory_space<vmem>>, vector<16xi32>,
      %scan3A_667 = arith.constant 0 : i32
      scf.yield %scan3A_667 : i32
    }
    %scan3A_66 = arith.constant 16 : i32
    %run_scoped3A_67 = arith.constant 1 : i32
    "tpu.region"() ({
      %run_scoped3A_205 = tpu.sem_alloc : memref<!tpu.dma_semaphore, #tpu.memory_space<semaphore_mem>>
      %dma_start3A = arith.constant 0 : i32
      %dma_start3A_206 = tpu.memref_slice %arg10[%run_scoped3A_67, %arg1, %dma_start3A] : memref<4x16x256xi32, #tpu.memory_space<vmem_shared>> -> memref<1x1x256xi32, #tpu.memory_space<vmem_shared>>
      %dma_start3A_207 = tpu.memref_squeeze %dma_start3A_206 : memref<1x1x256xi32, #tpu.memory_space<vmem_shared>> -> memref<256xi32, #tpu.memory_space<vmem_shared>>
      %dma_start3A_208 = arith.constant 0 : i32
      %dma_start3A_209 = tpu.memref_slice %arg10[%run_scoped3A_67, %arg1, %dma_start3A_208] : memref<4x16x256xi32, #tpu.memory_space<vmem_shared>> -> memref<1x1x256xi32, #tpu.memory_space<vmem_shared>>
      %dma_start3A_210 = tpu.memref_squeeze %dma_start3A_209 : memref<1x1x256xi32, #tpu.memory_space<vmem_shared>> -> memref<256xi32, #tpu.memory_space<vmem_shared>>
      tpu.enqueue_dma source(%arg8 : memref<256xi32, #tpu.memory_space<vmem>>) target(%dma_start3A_210 : memref<256xi32, #tpu.memory_space<vmem_shared>>) target_semaphore(%run_scoped3A_205 : memref<!tpu.dma_semaphore, #tpu.memory_space<semaphore_mem>>)
      %dma_wait3A = arith.constant 0 : i32
      %dma_wait3A_211 = tpu.memref_slice %arg10[%run_scoped3A_67, %arg1, %dma_wait3A] : memref<4x16x256xi32, #tpu.memory_space<vmem_shared>> -> memref<1x1x256xi32, #tpu.memory_space<vmem_shared>>
      %dma_wait3A_212 = tpu.memref_squeeze %dma_wait3A_211 : memref<1x1x256xi32, #tpu.memory_space<vmem_shared>> -> memref<256xi32, #tpu.memory_space<vmem_shared>>
      %dma_wait3A_213 = arith.constant 0 : i32
      %dma_wait3A_214 = tpu.memref_slice %arg10[%run_scoped3A_67, %arg1, %dma_wait3A_213] : memref<4x16x256xi32, #tpu.memory_space<vmem_shared>> -> memref<1x1x256xi32, #tpu.memory_space<vmem_shared>>
      %dma_wait3A_215 = tpu.memref_squeeze %dma_wait3A_214 : memref<1x1x256xi32, #tpu.memory_space<vmem_shared>> -> memref<256xi32, #tpu.memory_space<vmem_shared>>
      tpu.wait_dma2 semaphore(%run_scoped3A_205 : memref<!tpu.dma_semaphore, #tpu.memory_space<semaphore_mem>>) src(%arg8 : memref<256xi32, #tpu.memory_space<vmem>>) dst(%dma_wait3A_215 : memref<256xi32, #tpu.memory_space<vmem_shared>>)
      tpu.yield
    }) : () -> ()
    %barrier3A_68 = arith.constant 0 : index
    tpu.barrier barrier_id(%barrier3A_68)
    %xor3A_69 = arith.constant 1 : i32
    %xor3A_70 = arith.xori %arg1, %xor3A_69 : i32
    %run_scoped3A_71 = arith.constant 1 : i32
    "tpu.region"() ({
      %run_scoped3A_205 = tpu.sem_alloc : memref<!tpu.dma_semaphore, #tpu.memory_space<semaphore_mem>>
      %dma_start3A = arith.constant 0 : i32
      %dma_start3A_206 = tpu.memref_slice %arg10[%run_scoped3A_71, %xor3A_70, %dma_start3A] : memref<4x16x256xi32, #tpu.memory_space<vmem_shared>> -> memref<1x1x256xi32, #tpu.memory_space<vmem_shared>>
      %dma_start3A_207 = tpu.memref_squeeze %dma_start3A_206 : memref<1x1x256xi32, #tpu.memory_space<vmem_shared>> -> memref<256xi32, #tpu.memory_space<vmem_shared>>
      %dma_start3A_208 = arith.constant 0 : i32
      %dma_start3A_209 = tpu.memref_slice %arg10[%run_scoped3A_71, %xor3A_70, %dma_start3A_208] : memref<4x16x256xi32, #tpu.memory_space<vmem_shared>> -> memref<1x1x256xi32, #tpu.memory_space<vmem_shared>>
      %dma_start3A_210 = tpu.memref_squeeze %dma_start3A_209 : memref<1x1x256xi32, #tpu.memory_space<vmem_shared>> -> memref<256xi32, #tpu.memory_space<vmem_shared>>
      tpu.enqueue_dma source(%dma_start3A_210 : memref<256xi32, #tpu.memory_space<vmem_shared>>) target(%arg9 : memref<256xi32, #tpu.memory_space<vmem>>) target_semaphore(%run_scoped3A_205 : memref<!tpu.dma_semaphore, #tpu.memory_space<semaphore_mem>>)
      %dma_wait3A = arith.constant 0 : i32
      %dma_wait3A_211 = tpu.memref_slice %arg10[%run_scoped3A_71, %xor3A_70, %dma_wait3A] : memref<4x16x256xi32, #tpu.memory_space<vmem_shared>> -> memref<1x1x256xi32, #tpu.memory_space<vmem_shared>>
      %dma_wait3A_212 = tpu.memref_squeeze %dma_wait3A_211 : memref<1x1x256xi32, #tpu.memory_space<vmem_shared>> -> memref<256xi32, #tpu.memory_space<vmem_shared>>
      %dma_wait3A_213 = arith.constant 0 : i32
      %dma_wait3A_214 = tpu.memref_slice %arg10[%run_scoped3A_71, %xor3A_70, %dma_wait3A_213] : memref<4x16x256xi32, #tpu.memory_space<vmem_shared>> -> memref<1x1x256xi32, #tpu.memory_space<vmem_shared>>
      %dma_wait3A_215 = tpu.memref_squeeze %dma_wait3A_214 : memref<1x1x256xi32, #tpu.memory_space<vmem_shared>> -> memref<256xi32, #tpu.memory_space<vmem_shared>>
      tpu.wait_dma2 semaphore(%run_scoped3A_205 : memref<!tpu.dma_semaphore, #tpu.memory_space<semaphore_mem>>) src(%dma_wait3A_215 : memref<256xi32, #tpu.memory_space<vmem_shared>>) dst(%arg9 : memref<256xi32, #tpu.memory_space<vmem>>)
      tpu.yield
    }) : () -> ()
    %scan3A_72 = arith.constant 0 : i32
    %scan3A_73 = arith.constant 0 : i32
    %scan3A_74 = arith.constant 0 : i32
    %scan3A_75 = arith.constant 0 : i32
    %scan3A_76 = arith.constant 16 : i32
    %scan3A_77 = arith.addi %scan3A_75, %scan3A_76 : i32
    %scan3A_78 = arith.constant 1 : i32
    %scan3A_79:3 = scf.for %scan3A_205 = %scan3A_75 to %scan3A_77 step %scan3A_78 iter_args(%scan3A_206 = %scan3A_72, %scan3A_207 = %scan3A_73, %scan3A_208 = %scan3A_74) -> (i32, i32, i32)  : i32 {
      %mul3A_209 = arith.constant 16 : i32
      %mul3A_210 = arith.muli %scan3A_205, %mul3A_209 : i32
      %get3A_211 = arith.index_cast %mul3A_210 : i32 to index
      %get3A_212 = tpu.vector_load %arg8[%get3A_211] {strides = array<i32>} : memref<256xi32, #tpu.memory_space<vmem>>, vector<16xi32>,
      %mul3A_213 = arith.constant 16 : i32
      %mul3A_214 = arith.muli %scan3A_205, %mul3A_213 : i32
      %get3A_215 = arith.index_cast %mul3A_214 : i32 to index
      %get3A_216 = tpu.vector_load %arg9[%get3A_215] {strides = array<i32>} : memref<256xi32, #tpu.memory_space<vmem>>, vector<16xi32>,
      %add3A_217 = arith.addi %get3A_212, %get3A_216 : vector<16xi32>
      %broadcast_in_dim3A_218 = arith.constant true
      %broadcast_in_dim3A_219 = vector.broadcast %broadcast_in_dim3A_218 : i1 to vector<16xi1>
      %masked_cumsum3A = tpu.scan <sum>, %add3A_217 masked %broadcast_in_dim3A_219 : vector<16xi32>, vector<16xi1> -> vector<16xi32>
      %add3A_220 = vector.broadcast %scan3A_208 : i32 to vector<16xi32>
      %add3A_221 = arith.addi %add3A_220, %masked_cumsum3A : vector<16xi32>
      %lt3A = vector.broadcast %sub3A_45 : i32 to vector<16xi32>
      %lt3A_222 = arith.cmpi slt, %add3A_221, %lt3A : vector<16xi32>
      %convert_element_type3A = arith.extui %lt3A_222 : vector<16xi1> to vector<16xi32>
      %reduce_sum3A_223 = arith.constant true
      %reduce_sum3A_224 = vector.broadcast %reduce_sum3A_223 : i1 to vector<16xi1>
      %reduce_sum3A_225 = tpu.scan <sum>, %convert_element_type3A masked %reduce_sum3A_224 : vector<16xi32>, vector<16xi1> -> vector<16xi32>
      %reduce_sum3A_226 = vector.extract %reduce_sum3A_225[15] : i32 from vector<16xi32>
      %add3A_227 = arith.addi %scan3A_206, %reduce_sum3A_226 : i32
      %jit3A_228 = arith.constant 0 : i32
      %broadcast_in_dim3A_229 = vector.broadcast %jit3A_228 : i32 to vector<16xi32>
      %select_n3A_230 = arith.select %lt3A_222, %add3A_217, %broadcast_in_dim3A_229 : vector<16xi1>, vector<16xi32>
      %reduce_sum3A_231 = arith.constant true
      %reduce_sum3A_232 = vector.broadcast %reduce_sum3A_231 : i1 to vector<16xi1>
      %reduce_sum3A_233 = tpu.scan <sum>, %select_n3A_230 masked %reduce_sum3A_232 : vector<16xi32>, vector<16xi1> -> vector<16xi32>
      %reduce_sum3A_234 = vector.extract %reduce_sum3A_233[15] : i32 from vector<16xi32>
      %add3A_235 = arith.addi %scan3A_207, %reduce_sum3A_234 : i32
      %reduce_sum3A_236 = arith.constant true
      %reduce_sum3A_237 = vector.broadcast %reduce_sum3A_236 : i1 to vector<16xi1>
      %reduce_sum3A_238 = tpu.scan <sum>, %add3A_217 masked %reduce_sum3A_237 : vector<16xi32>, vector<16xi1> -> vector<16xi32>
      %reduce_sum3A_239 = vector.extract %reduce_sum3A_238[15] : i32 from vector<16xi32>
      %add3A_240 = arith.addi %scan3A_208, %reduce_sum3A_239 : i32
      scf.yield %add3A_227, %add3A_235, %add3A_240 : i32, i32, i32
    }
    %scan3A_80 = arith.constant 16 : i32
    %shift_left3A_81 = arith.constant 8 : i32
    %shift_left3A_82 = arith.shli %or3A, %shift_left3A_81 : i32
    %or3A_83 = arith.ori %shift_left3A_82, %scan3A_79#0 : i32
    %sub3A_84 = arith.subi %sub3A_45, %scan3A_79#1 : i32
    %add3A_85 = arith.constant 15 : i32
    %add3A_86 = arith.addi %scan3A_58, %add3A_85 : i32
    %shift_right_arithmetic3A_87 = arith.constant 4 : i32
    %shift_right_arithmetic3A_88 = arith.shrsi %add3A_86, %shift_right_arithmetic3A_87 : i32
    %scan3A_89 = arith.constant 0 : i32
    %scan3A_90 = arith.constant 0 : i32
    %scan3A_91 = arith.constant 256 : i32
    %scan3A_92 = arith.addi %scan3A_90, %scan3A_91 : i32
    %scan3A_93 = arith.constant 8 : i32
    %scan3A_94 = scf.for %scan3A_205 = %scan3A_90 to %scan3A_92 step %scan3A_93 iter_args(%scan3A_206 = %scan3A_89) -> (i32)  : i32 {
      %mul3A_207 = arith.constant 16 : i32
      %mul3A_208 = arith.muli %scan3A_205, %mul3A_207 : i32
      %swap3A = arith.index_cast %mul3A_208 : i32 to index
      %swap3A_209 = tpu.vector_load %arg7[%swap3A] {strides = array<i32>} : memref<4096xi32, #tpu.memory_space<vmem>>, vector<16xi32>,
      tpu.vector_store %arg7[%swap3A], %broadcast_in_dim3A_10 {strides = array<i32>} : memref<4096xi32, #tpu.memory_space<vmem>>, vector<16xi32>,
      %scan3A_210 = arith.constant 0 : i32
      %scan3A_211 = arith.constant 1 : i32
      %scan3A_212 = arith.addi %scan3A_205, %scan3A_211 : i32
      %mul3A_213 = arith.constant 16 : i32
      %mul3A_214 = arith.muli %scan3A_212, %mul3A_213 : i32
      %swap3A_215 = arith.index_cast %mul3A_214 : i32 to index
      %swap3A_216 = tpu.vector_load %arg7[%swap3A_215] {strides = array<i32>} : memref<4096xi32, #tpu.memory_space<vmem>>, vector<16xi32>,
      tpu.vector_store %arg7[%swap3A_215], %broadcast_in_dim3A_10 {strides = array<i32>} : memref<4096xi32, #tpu.memory_space<vmem>>, vector<16xi32>,
      %scan3A_217 = arith.constant 0 : i32
      %scan3A_218 = arith.constant 2 : i32
      %scan3A_219 = arith.addi %scan3A_205, %scan3A_218 : i32
      %mul3A_220 = arith.constant 16 : i32
      %mul3A_221 = arith.muli %scan3A_219, %mul3A_220 : i32
      %swap3A_222 = arith.index_cast %mul3A_221 : i32 to index
      %swap3A_223 = tpu.vector_load %arg7[%swap3A_222] {strides = array<i32>} : memref<4096xi32, #tpu.memory_space<vmem>>, vector<16xi32>,
      tpu.vector_store %arg7[%swap3A_222], %broadcast_in_dim3A_10 {strides = array<i32>} : memref<4096xi32, #tpu.memory_space<vmem>>, vector<16xi32>,
      %scan3A_224 = arith.constant 0 : i32
      %scan3A_225 = arith.constant 3 : i32
      %scan3A_226 = arith.addi %scan3A_205, %scan3A_225 : i32
      %mul3A_227 = arith.constant 16 : i32
      %mul3A_228 = arith.muli %scan3A_226, %mul3A_227 : i32
      %swap3A_229 = arith.index_cast %mul3A_228 : i32 to index
      %swap3A_230 = tpu.vector_load %arg7[%swap3A_229] {strides = array<i32>} : memref<4096xi32, #tpu.memory_space<vmem>>, vector<16xi32>,
      tpu.vector_store %arg7[%swap3A_229], %broadcast_in_dim3A_10 {strides = array<i32>} : memref<4096xi32, #tpu.memory_space<vmem>>, vector<16xi32>,
      %scan3A_231 = arith.constant 0 : i32
      %scan3A_232 = arith.constant 4 : i32
      %scan3A_233 = arith.addi %scan3A_205, %scan3A_232 : i32
      %mul3A_234 = arith.constant 16 : i32
      %mul3A_235 = arith.muli %scan3A_233, %mul3A_234 : i32
      %swap3A_236 = arith.index_cast %mul3A_235 : i32 to index
      %swap3A_237 = tpu.vector_load %arg7[%swap3A_236] {strides = array<i32>} : memref<4096xi32, #tpu.memory_space<vmem>>, vector<16xi32>,
      tpu.vector_store %arg7[%swap3A_236], %broadcast_in_dim3A_10 {strides = array<i32>} : memref<4096xi32, #tpu.memory_space<vmem>>, vector<16xi32>,
      %scan3A_238 = arith.constant 0 : i32
      %scan3A_239 = arith.constant 5 : i32
      %scan3A_240 = arith.addi %scan3A_205, %scan3A_239 : i32
      %mul3A_241 = arith.constant 16 : i32
      %mul3A_242 = arith.muli %scan3A_240, %mul3A_241 : i32
      %swap3A_243 = arith.index_cast %mul3A_242 : i32 to index
      %swap3A_244 = tpu.vector_load %arg7[%swap3A_243] {strides = array<i32>} : memref<4096xi32, #tpu.memory_space<vmem>>, vector<16xi32>,
      tpu.vector_store %arg7[%swap3A_243], %broadcast_in_dim3A_10 {strides = array<i32>} : memref<4096xi32, #tpu.memory_space<vmem>>, vector<16xi32>,
      %scan3A_245 = arith.constant 0 : i32
      %scan3A_246 = arith.constant 6 : i32
      %scan3A_247 = arith.addi %scan3A_205, %scan3A_246 : i32
      %mul3A_248 = arith.constant 16 : i32
      %mul3A_249 = arith.muli %scan3A_247, %mul3A_248 : i32
      %swap3A_250 = arith.index_cast %mul3A_249 : i32 to index
      %swap3A_251 = tpu.vector_load %arg7[%swap3A_250] {strides = array<i32>} : memref<4096xi32, #tpu.memory_space<vmem>>, vector<16xi32>,
      tpu.vector_store %arg7[%swap3A_250], %broadcast_in_dim3A_10 {strides = array<i32>} : memref<4096xi32, #tpu.memory_space<vmem>>, vector<16xi32>,
      %scan3A_252 = arith.constant 0 : i32
      %scan3A_253 = arith.constant 7 : i32
      %scan3A_254 = arith.addi %scan3A_205, %scan3A_253 : i32
      %mul3A_255 = arith.constant 16 : i32
      %mul3A_256 = arith.muli %scan3A_254, %mul3A_255 : i32
      %swap3A_257 = arith.index_cast %mul3A_256 : i32 to index
      %swap3A_258 = tpu.vector_load %arg7[%swap3A_257] {strides = array<i32>} : memref<4096xi32, #tpu.memory_space<vmem>>, vector<16xi32>,
      tpu.vector_store %arg7[%swap3A_257], %broadcast_in_dim3A_10 {strides = array<i32>} : memref<4096xi32, #tpu.memory_space<vmem>>, vector<16xi32>,
      %scan3A_259 = arith.constant 0 : i32
      scf.yield %scan3A_259 : i32
    }
    %scan3A_95 = arith.constant 256 : i32
    %while3A = arith.constant 0 : i32
    %while3A_96 = arith.constant 0 : i32
    %while3A_97 = arith.subi %shift_right_arithmetic3A_88, %while3A : i32
    %while3A_98 = arith.addi %while3A, %while3A_97 : i32
    %while3A_99 = arith.constant 1 : i32
    %while3A_100 = arith.divsi %while3A_97, %while3A_99 : i32
    %while3A_101 = arith.muli %while3A_100, %while3A_99 : i32
    %while3A_102 = arith.addi %while3A, %while3A_101 : i32
    %while3A_103 = arith.constant 1 : i32
    %while3A_104 = scf.for %while3A_205 = %while3A to %while3A_102 step %while3A_103 iter_args(%while3A_206 = %while3A_96) -> (i32)  : i32 {
      %mul3A_207 = arith.constant 16 : i32
      %mul3A_208 = arith.muli %while3A_205, %mul3A_207 : i32
      %add3A_209 = vector.broadcast %mul3A_208 : i32 to vector<16xi32>
      %add3A_210 = arith.addi %add3A_209, %iota3A : vector<16xi32>
      %lt3A = vector.broadcast %scan3A_58 : i32 to vector<16xi32>
      %lt3A_211 = arith.cmpi slt, %add3A_210, %lt3A : vector<16xi32>
      %mul3A_212 = arith.constant 16 : i32
      %mul3A_213 = arith.muli %while3A_205, %mul3A_212 : i32
      %get3A_214 = arith.index_cast %mul3A_213 : i32 to index
      %get3A_215 = tpu.vector_load %arg6[%get3A_214] {strides = array<i32>} : memref<25088xi32, #tpu.memory_space<vmem>>, vector<16xi32>,
      %jit3A_216 = arith.constant 0 : i32
      %broadcast_in_dim3A_217 = vector.broadcast %jit3A_216 : i32 to vector<16xi32>
      %select_n3A_218 = arith.select %lt3A_211, %get3A_215, %broadcast_in_dim3A_217 : vector<16xi1>, vector<16xi32>
      %gather3A = tpu.vector_load_idx %arg4[%select_n3A_218] : memref<25088xi32, #tpu.memory_space<vmem>>[vector<16xi32>], vector<16xi32>,
      %shift_right_logical3A = arith.constant 16 : i32
      %shift_right_logical3A_219 = vector.broadcast %shift_right_logical3A : i32 to vector<16xi32>
      %shift_right_logical3A_220 = arith.shrui %gather3A, %shift_right_logical3A_219 : vector<16xi32>
      %eq3A_221 = vector.broadcast %or3A_83 : i32 to vector<16xi32>
      %eq3A_222 = arith.cmpi eq, %shift_right_logical3A_220, %eq3A_221 : vector<16xi32>
      %and3A_223 = arith.andi %eq3A_222, %lt3A_211 : vector<16xi1>
      %shift_right_logical3A_224 = arith.constant 8 : i32
      %shift_right_logical3A_225 = vector.broadcast %shift_right_logical3A_224 : i32 to vector<16xi32>
      %shift_right_logical3A_226 = arith.shrui %gather3A, %shift_right_logical3A_225 : vector<16xi32>
      %and3A_227 = arith.constant 255 : i32
      %and3A_228 = vector.broadcast %and3A_227 : i32 to vector<16xi32>
      %and3A_229 = arith.andi %shift_right_logical3A_226, %and3A_228 : vector<16xi32>
      %add3A_230 = vector.broadcast %while3A_205 : i32 to vector<16xi32>
      %add3A_231 = arith.addi %iota3A, %add3A_230 : vector<16xi32>
      %and3A_232 = arith.constant 15 : i32
      %and3A_233 = vector.broadcast %and3A_232 : i32 to vector<16xi32>
      %and3A_234 = arith.andi %add3A_231, %and3A_233 : vector<16xi32>
      %mul3A_235 = arith.constant 256 : i32
      %mul3A_236 = vector.broadcast %mul3A_235 : i32 to vector<16xi32>
      %mul3A_237 = arith.muli %and3A_234, %mul3A_236 : vector<16xi32>
      %add3A_238 = arith.addi %mul3A_237, %and3A_229 : vector<16xi32>
      tpu.vector_store_idx %arg7[%add3A_238], %broadcast_in_dim3A_8 masked %and3A_223 {add = true} : memref<4096xi32, #tpu.memory_space<vmem>>[vector<16xi32>], vector<16xi32>, vector<16xi1>
      %while3A_239 = arith.constant 0 : i32
      scf.yield %while3A_239 : i32
    }
    %while3A_105 = arith.constant 1 : i32
    %while3A_106 = scf.for %while3A_205 = %while3A_102 to %while3A_98 step %while3A_105 iter_args(%while3A_206 = %while3A_104) -> (i32)  : i32 {
      %mul3A_207 = arith.constant 16 : i32
      %mul3A_208 = arith.muli %while3A_205, %mul3A_207 : i32
      %add3A_209 = vector.broadcast %mul3A_208 : i32 to vector<16xi32>
      %add3A_210 = arith.addi %add3A_209, %iota3A : vector<16xi32>
      %lt3A = vector.broadcast %scan3A_58 : i32 to vector<16xi32>
      %lt3A_211 = arith.cmpi slt, %add3A_210, %lt3A : vector<16xi32>
      %mul3A_212 = arith.constant 16 : i32
      %mul3A_213 = arith.muli %while3A_205, %mul3A_212 : i32
      %get3A_214 = arith.index_cast %mul3A_213 : i32 to index
      %get3A_215 = tpu.vector_load %arg6[%get3A_214] {strides = array<i32>} : memref<25088xi32, #tpu.memory_space<vmem>>, vector<16xi32>,
      %jit3A_216 = arith.constant 0 : i32
      %broadcast_in_dim3A_217 = vector.broadcast %jit3A_216 : i32 to vector<16xi32>
      %select_n3A_218 = arith.select %lt3A_211, %get3A_215, %broadcast_in_dim3A_217 : vector<16xi1>, vector<16xi32>
      %gather3A = tpu.vector_load_idx %arg4[%select_n3A_218] : memref<25088xi32, #tpu.memory_space<vmem>>[vector<16xi32>], vector<16xi32>,
      %shift_right_logical3A = arith.constant 16 : i32
      %shift_right_logical3A_219 = vector.broadcast %shift_right_logical3A : i32 to vector<16xi32>
      %shift_right_logical3A_220 = arith.shrui %gather3A, %shift_right_logical3A_219 : vector<16xi32>
      %eq3A_221 = vector.broadcast %or3A_83 : i32 to vector<16xi32>
      %eq3A_222 = arith.cmpi eq, %shift_right_logical3A_220, %eq3A_221 : vector<16xi32>
      %and3A_223 = arith.andi %eq3A_222, %lt3A_211 : vector<16xi1>
      %shift_right_logical3A_224 = arith.constant 8 : i32
      %shift_right_logical3A_225 = vector.broadcast %shift_right_logical3A_224 : i32 to vector<16xi32>
      %shift_right_logical3A_226 = arith.shrui %gather3A, %shift_right_logical3A_225 : vector<16xi32>
      %and3A_227 = arith.constant 255 : i32
      %and3A_228 = vector.broadcast %and3A_227 : i32 to vector<16xi32>
      %and3A_229 = arith.andi %shift_right_logical3A_226, %and3A_228 : vector<16xi32>
      %add3A_230 = vector.broadcast %while3A_205 : i32 to vector<16xi32>
      %add3A_231 = arith.addi %iota3A, %add3A_230 : vector<16xi32>
      %and3A_232 = arith.constant 15 : i32
      %and3A_233 = vector.broadcast %and3A_232 : i32 to vector<16xi32>
      %and3A_234 = arith.andi %add3A_231, %and3A_233 : vector<16xi32>
      %mul3A_235 = arith.constant 256 : i32
      %mul3A_236 = vector.broadcast %mul3A_235 : i32 to vector<16xi32>
      %mul3A_237 = arith.muli %and3A_234, %mul3A_236 : vector<16xi32>
      %add3A_238 = arith.addi %mul3A_237, %and3A_229 : vector<16xi32>
      tpu.vector_store_idx %arg7[%add3A_238], %broadcast_in_dim3A_8 masked %and3A_223 {add = true} : memref<4096xi32, #tpu.memory_space<vmem>>[vector<16xi32>], vector<16xi32>, vector<16xi1>
      %while3A_239 = arith.constant 0 : i32
      scf.yield %while3A_239 : i32
    }
    %scan3A_107 = arith.constant 0 : i32
    %scan3A_108 = arith.constant 0 : i32
    %scan3A_109 = arith.constant 16 : i32
    %scan3A_110 = arith.addi %scan3A_108, %scan3A_109 : i32
    %scan3A_111 = arith.constant 4 : i32
    %scan3A_112 = scf.for %scan3A_205 = %scan3A_108 to %scan3A_110 step %scan3A_111 iter_args(%scan3A_206 = %scan3A_107) -> (i32)  : i32 {
      %mul3A_207 = arith.constant 16 : i32
      %mul3A_208 = arith.muli %scan3A_205, %mul3A_207 : i32
      %get3A_209 = arith.index_cast %mul3A_208 : i32 to index
      %get3A_210 = tpu.vector_load %arg7[%get3A_209] {strides = array<i32>} : memref<4096xi32, #tpu.memory_space<vmem>>, vector<16xi32>,
      %mul3A_211 = arith.constant 16 : i32
      %mul3A_212 = arith.muli %scan3A_205, %mul3A_211 : i32
      %add3A_213 = arith.constant 256 : i32
      %add3A_214 = arith.addi %add3A_213, %mul3A_212 : i32
      %get3A_215 = arith.index_cast %add3A_214 : i32 to index
      %get3A_216 = tpu.vector_load %arg7[%get3A_215] {strides = array<i32>} : memref<4096xi32, #tpu.memory_space<vmem>>, vector<16xi32>,
      %add3A_217 = arith.addi %get3A_210, %get3A_216 : vector<16xi32>
      %mul3A_218 = arith.constant 16 : i32
      %mul3A_219 = arith.muli %scan3A_205, %mul3A_218 : i32
      %add3A_220 = arith.constant 512 : i32
      %add3A_221 = arith.addi %add3A_220, %mul3A_219 : i32
      %get3A_222 = arith.index_cast %add3A_221 : i32 to index
      %get3A_223 = tpu.vector_load %arg7[%get3A_222] {strides = array<i32>} : memref<4096xi32, #tpu.memory_space<vmem>>, vector<16xi32>,
      %add3A_224 = arith.addi %add3A_217, %get3A_223 : vector<16xi32>
      %mul3A_225 = arith.constant 16 : i32
      %mul3A_226 = arith.muli %scan3A_205, %mul3A_225 : i32
      %add3A_227 = arith.constant 768 : i32
      %add3A_228 = arith.addi %add3A_227, %mul3A_226 : i32
      %get3A_229 = arith.index_cast %add3A_228 : i32 to index
      %get3A_230 = tpu.vector_load %arg7[%get3A_229] {strides = array<i32>} : memref<4096xi32, #tpu.memory_space<vmem>>, vector<16xi32>,
      %add3A_231 = arith.addi %add3A_224, %get3A_230 : vector<16xi32>
      %mul3A_232 = arith.constant 16 : i32
      %mul3A_233 = arith.muli %scan3A_205, %mul3A_232 : i32
      %add3A_234 = arith.constant 1024 : i32
      %add3A_235 = arith.addi %add3A_234, %mul3A_233 : i32
      %get3A_236 = arith.index_cast %add3A_235 : i32 to index
      %get3A_237 = tpu.vector_load %arg7[%get3A_236] {strides = array<i32>} : memref<4096xi32, #tpu.memory_space<vmem>>, vector<16xi32>,
      %add3A_238 = arith.addi %add3A_231, %get3A_237 : vector<16xi32>
      %mul3A_239 = arith.constant 16 : i32
      %mul3A_240 = arith.muli %scan3A_205, %mul3A_239 : i32
      %add3A_241 = arith.constant 1280 : i32
      %add3A_242 = arith.addi %add3A_241, %mul3A_240 : i32
      %get3A_243 = arith.index_cast %add3A_242 : i32 to index
      %get3A_244 = tpu.vector_load %arg7[%get3A_243] {strides = array<i32>} : memref<4096xi32, #tpu.memory_space<vmem>>, vector<16xi32>,
      %add3A_245 = arith.addi %add3A_238, %get3A_244 : vector<16xi32>
      %mul3A_246 = arith.constant 16 : i32
      %mul3A_247 = arith.muli %scan3A_205, %mul3A_246 : i32
      %add3A_248 = arith.constant 1536 : i32
      %add3A_249 = arith.addi %add3A_248, %mul3A_247 : i32
      %get3A_250 = arith.index_cast %add3A_249 : i32 to index
      %get3A_251 = tpu.vector_load %arg7[%get3A_250] {strides = array<i32>} : memref<4096xi32, #tpu.memory_space<vmem>>, vector<16xi32>,
      %add3A_252 = arith.addi %add3A_245, %get3A_251 : vector<16xi32>
      %mul3A_253 = arith.constant 16 : i32
      %mul3A_254 = arith.muli %scan3A_205, %mul3A_253 : i32
      %add3A_255 = arith.constant 1792 : i32
      %add3A_256 = arith.addi %add3A_255, %mul3A_254 : i32
      %get3A_257 = arith.index_cast %add3A_256 : i32 to index
      %get3A_258 = tpu.vector_load %arg7[%get3A_257] {strides = array<i32>} : memref<4096xi32, #tpu.memory_space<vmem>>, vector<16xi32>,
      %add3A_259 = arith.addi %add3A_252, %get3A_258 : vector<16xi32>
      %mul3A_260 = arith.constant 16 : i32
      %mul3A_261 = arith.muli %scan3A_205, %mul3A_260 : i32
      %add3A_262 = arith.constant 2048 : i32
      %add3A_263 = arith.addi %add3A_262, %mul3A_261 : i32
      %get3A_264 = arith.index_cast %add3A_263 : i32 to index
      %get3A_265 = tpu.vector_load %arg7[%get3A_264] {strides = array<i32>} : memref<4096xi32, #tpu.memory_space<vmem>>, vector<16xi32>,
      %add3A_266 = arith.addi %add3A_259, %get3A_265 : vector<16xi32>
      %mul3A_267 = arith.constant 16 : i32
      %mul3A_268 = arith.muli %scan3A_205, %mul3A_267 : i32
      %add3A_269 = arith.constant 2304 : i32
      %add3A_270 = arith.addi %add3A_269, %mul3A_268 : i32
      %get3A_271 = arith.index_cast %add3A_270 : i32 to index
      %get3A_272 = tpu.vector_load %arg7[%get3A_271] {strides = array<i32>} : memref<4096xi32, #tpu.memory_space<vmem>>, vector<16xi32>,
      %add3A_273 = arith.addi %add3A_266, %get3A_272 : vector<16xi32>
      %mul3A_274 = arith.constant 16 : i32
      %mul3A_275 = arith.muli %scan3A_205, %mul3A_274 : i32
      %add3A_276 = arith.constant 2560 : i32
      %add3A_277 = arith.addi %add3A_276, %mul3A_275 : i32
      %get3A_278 = arith.index_cast %add3A_277 : i32 to index
      %get3A_279 = tpu.vector_load %arg7[%get3A_278] {strides = array<i32>} : memref<4096xi32, #tpu.memory_space<vmem>>, vector<16xi32>,
      %add3A_280 = arith.addi %add3A_273, %get3A_279 : vector<16xi32>
      %mul3A_281 = arith.constant 16 : i32
      %mul3A_282 = arith.muli %scan3A_205, %mul3A_281 : i32
      %add3A_283 = arith.constant 2816 : i32
      %add3A_284 = arith.addi %add3A_283, %mul3A_282 : i32
      %get3A_285 = arith.index_cast %add3A_284 : i32 to index
      %get3A_286 = tpu.vector_load %arg7[%get3A_285] {strides = array<i32>} : memref<4096xi32, #tpu.memory_space<vmem>>, vector<16xi32>,
      %add3A_287 = arith.addi %add3A_280, %get3A_286 : vector<16xi32>
      %mul3A_288 = arith.constant 16 : i32
      %mul3A_289 = arith.muli %scan3A_205, %mul3A_288 : i32
      %add3A_290 = arith.constant 3072 : i32
      %add3A_291 = arith.addi %add3A_290, %mul3A_289 : i32
      %get3A_292 = arith.index_cast %add3A_291 : i32 to index
      %get3A_293 = tpu.vector_load %arg7[%get3A_292] {strides = array<i32>} : memref<4096xi32, #tpu.memory_space<vmem>>, vector<16xi32>,
      %add3A_294 = arith.addi %add3A_287, %get3A_293 : vector<16xi32>
      %mul3A_295 = arith.constant 16 : i32
      %mul3A_296 = arith.muli %scan3A_205, %mul3A_295 : i32
      %add3A_297 = arith.constant 3328 : i32
      %add3A_298 = arith.addi %add3A_297, %mul3A_296 : i32
      %get3A_299 = arith.index_cast %add3A_298 : i32 to index
      %get3A_300 = tpu.vector_load %arg7[%get3A_299] {strides = array<i32>} : memref<4096xi32, #tpu.memory_space<vmem>>, vector<16xi32>,
      %add3A_301 = arith.addi %add3A_294, %get3A_300 : vector<16xi32>
      %mul3A_302 = arith.constant 16 : i32
      %mul3A_303 = arith.muli %scan3A_205, %mul3A_302 : i32
      %add3A_304 = arith.constant 3584 : i32
      %add3A_305 = arith.addi %add3A_304, %mul3A_303 : i32
      %get3A_306 = arith.index_cast %add3A_305 : i32 to index
      %get3A_307 = tpu.vector_load %arg7[%get3A_306] {strides = array<i32>} : memref<4096xi32, #tpu.memory_space<vmem>>, vector<16xi32>,
      %add3A_308 = arith.addi %add3A_301, %get3A_307 : vector<16xi32>
      %mul3A_309 = arith.constant 16 : i32
      %mul3A_310 = arith.muli %scan3A_205, %mul3A_309 : i32
      %add3A_311 = arith.constant 3840 : i32
      %add3A_312 = arith.addi %add3A_311, %mul3A_310 : i32
      %get3A_313 = arith.index_cast %add3A_312 : i32 to index
      %get3A_314 = tpu.vector_load %arg7[%get3A_313] {strides = array<i32>} : memref<4096xi32, #tpu.memory_space<vmem>>, vector<16xi32>,
      %add3A_315 = arith.addi %add3A_308, %get3A_314 : vector<16xi32>
      %mul3A_316 = arith.constant 16 : i32
      %mul3A_317 = arith.muli %scan3A_205, %mul3A_316 : i32
      %swap3A = arith.index_cast %mul3A_317 : i32 to index
      %swap3A_318 = tpu.vector_load %arg8[%swap3A] {strides = array<i32>} : memref<256xi32, #tpu.memory_space<vmem>>, vector<16xi32>,
      tpu.vector_store %arg8[%swap3A], %add3A_315 {strides = array<i32>} : memref<256xi32, #tpu.memory_space<vmem>>, vector<16xi32>,
      %scan3A_319 = arith.constant 0 : i32
      %scan3A_320 = arith.constant 1 : i32
      %scan3A_321 = arith.addi %scan3A_205, %scan3A_320 : i32
      %mul3A_322 = arith.constant 16 : i32
      %mul3A_323 = arith.muli %scan3A_321, %mul3A_322 : i32
      %get3A_324 = arith.index_cast %mul3A_323 : i32 to index
      %get3A_325 = tpu.vector_load %arg7[%get3A_324] {strides = array<i32>} : memref<4096xi32, #tpu.memory_space<vmem>>, vector<16xi32>,
      %mul3A_326 = arith.constant 16 : i32
      %mul3A_327 = arith.muli %scan3A_321, %mul3A_326 : i32
      %add3A_328 = arith.constant 256 : i32
      %add3A_329 = arith.addi %add3A_328, %mul3A_327 : i32
      %get3A_330 = arith.index_cast %add3A_329 : i32 to index
      %get3A_331 = tpu.vector_load %arg7[%get3A_330] {strides = array<i32>} : memref<4096xi32, #tpu.memory_space<vmem>>, vector<16xi32>,
      %add3A_332 = arith.addi %get3A_325, %get3A_331 : vector<16xi32>
      %mul3A_333 = arith.constant 16 : i32
      %mul3A_334 = arith.muli %scan3A_321, %mul3A_333 : i32
      %add3A_335 = arith.constant 512 : i32
      %add3A_336 = arith.addi %add3A_335, %mul3A_334 : i32
      %get3A_337 = arith.index_cast %add3A_336 : i32 to index
      %get3A_338 = tpu.vector_load %arg7[%get3A_337] {strides = array<i32>} : memref<4096xi32, #tpu.memory_space<vmem>>, vector<16xi32>,
      %add3A_339 = arith.addi %add3A_332, %get3A_338 : vector<16xi32>
      %mul3A_340 = arith.constant 16 : i32
      %mul3A_341 = arith.muli %scan3A_321, %mul3A_340 : i32
      %add3A_342 = arith.constant 768 : i32
      %add3A_343 = arith.addi %add3A_342, %mul3A_341 : i32
      %get3A_344 = arith.index_cast %add3A_343 : i32 to index
      %get3A_345 = tpu.vector_load %arg7[%get3A_344] {strides = array<i32>} : memref<4096xi32, #tpu.memory_space<vmem>>, vector<16xi32>,
      %add3A_346 = arith.addi %add3A_339, %get3A_345 : vector<16xi32>
      %mul3A_347 = arith.constant 16 : i32
      %mul3A_348 = arith.muli %scan3A_321, %mul3A_347 : i32
      %add3A_349 = arith.constant 1024 : i32
      %add3A_350 = arith.addi %add3A_349, %mul3A_348 : i32
      %get3A_351 = arith.index_cast %add3A_350 : i32 to index
      %get3A_352 = tpu.vector_load %arg7[%get3A_351] {strides = array<i32>} : memref<4096xi32, #tpu.memory_space<vmem>>, vector<16xi32>,
      %add3A_353 = arith.addi %add3A_346, %get3A_352 : vector<16xi32>
      %mul3A_354 = arith.constant 16 : i32
      %mul3A_355 = arith.muli %scan3A_321, %mul3A_354 : i32
      %add3A_356 = arith.constant 1280 : i32
      %add3A_357 = arith.addi %add3A_356, %mul3A_355 : i32
      %get3A_358 = arith.index_cast %add3A_357 : i32 to index
      %get3A_359 = tpu.vector_load %arg7[%get3A_358] {strides = array<i32>} : memref<4096xi32, #tpu.memory_space<vmem>>, vector<16xi32>,
      %add3A_360 = arith.addi %add3A_353, %get3A_359 : vector<16xi32>
      %mul3A_361 = arith.constant 16 : i32
      %mul3A_362 = arith.muli %scan3A_321, %mul3A_361 : i32
      %add3A_363 = arith.constant 1536 : i32
      %add3A_364 = arith.addi %add3A_363, %mul3A_362 : i32
      %get3A_365 = arith.index_cast %add3A_364 : i32 to index
      %get3A_366 = tpu.vector_load %arg7[%get3A_365] {strides = array<i32>} : memref<4096xi32, #tpu.memory_space<vmem>>, vector<16xi32>,
      %add3A_367 = arith.addi %add3A_360, %get3A_366 : vector<16xi32>
      %mul3A_368 = arith.constant 16 : i32
      %mul3A_369 = arith.muli %scan3A_321, %mul3A_368 : i32
      %add3A_370 = arith.constant 1792 : i32
      %add3A_371 = arith.addi %add3A_370, %mul3A_369 : i32
      %get3A_372 = arith.index_cast %add3A_371 : i32 to index
      %get3A_373 = tpu.vector_load %arg7[%get3A_372] {strides = array<i32>} : memref<4096xi32, #tpu.memory_space<vmem>>, vector<16xi32>,
      %add3A_374 = arith.addi %add3A_367, %get3A_373 : vector<16xi32>
      %mul3A_375 = arith.constant 16 : i32
      %mul3A_376 = arith.muli %scan3A_321, %mul3A_375 : i32
      %add3A_377 = arith.constant 2048 : i32
      %add3A_378 = arith.addi %add3A_377, %mul3A_376 : i32
      %get3A_379 = arith.index_cast %add3A_378 : i32 to index
      %get3A_380 = tpu.vector_load %arg7[%get3A_379] {strides = array<i32>} : memref<4096xi32, #tpu.memory_space<vmem>>, vector<16xi32>,
      %add3A_381 = arith.addi %add3A_374, %get3A_380 : vector<16xi32>
      %mul3A_382 = arith.constant 16 : i32
      %mul3A_383 = arith.muli %scan3A_321, %mul3A_382 : i32
      %add3A_384 = arith.constant 2304 : i32
      %add3A_385 = arith.addi %add3A_384, %mul3A_383 : i32
      %get3A_386 = arith.index_cast %add3A_385 : i32 to index
      %get3A_387 = tpu.vector_load %arg7[%get3A_386] {strides = array<i32>} : memref<4096xi32, #tpu.memory_space<vmem>>, vector<16xi32>,
      %add3A_388 = arith.addi %add3A_381, %get3A_387 : vector<16xi32>
      %mul3A_389 = arith.constant 16 : i32
      %mul3A_390 = arith.muli %scan3A_321, %mul3A_389 : i32
      %add3A_391 = arith.constant 2560 : i32
      %add3A_392 = arith.addi %add3A_391, %mul3A_390 : i32
      %get3A_393 = arith.index_cast %add3A_392 : i32 to index
      %get3A_394 = tpu.vector_load %arg7[%get3A_393] {strides = array<i32>} : memref<4096xi32, #tpu.memory_space<vmem>>, vector<16xi32>,
      %add3A_395 = arith.addi %add3A_388, %get3A_394 : vector<16xi32>
      %mul3A_396 = arith.constant 16 : i32
      %mul3A_397 = arith.muli %scan3A_321, %mul3A_396 : i32
      %add3A_398 = arith.constant 2816 : i32
      %add3A_399 = arith.addi %add3A_398, %mul3A_397 : i32
      %get3A_400 = arith.index_cast %add3A_399 : i32 to index
      %get3A_401 = tpu.vector_load %arg7[%get3A_400] {strides = array<i32>} : memref<4096xi32, #tpu.memory_space<vmem>>, vector<16xi32>,
      %add3A_402 = arith.addi %add3A_395, %get3A_401 : vector<16xi32>
      %mul3A_403 = arith.constant 16 : i32
      %mul3A_404 = arith.muli %scan3A_321, %mul3A_403 : i32
      %add3A_405 = arith.constant 3072 : i32
      %add3A_406 = arith.addi %add3A_405, %mul3A_404 : i32
      %get3A_407 = arith.index_cast %add3A_406 : i32 to index
      %get3A_408 = tpu.vector_load %arg7[%get3A_407] {strides = array<i32>} : memref<4096xi32, #tpu.memory_space<vmem>>, vector<16xi32>,
      %add3A_409 = arith.addi %add3A_402, %get3A_408 : vector<16xi32>
      %mul3A_410 = arith.constant 16 : i32
      %mul3A_411 = arith.muli %scan3A_321, %mul3A_410 : i32
      %add3A_412 = arith.constant 3328 : i32
      %add3A_413 = arith.addi %add3A_412, %mul3A_411 : i32
      %get3A_414 = arith.index_cast %add3A_413 : i32 to index
      %get3A_415 = tpu.vector_load %arg7[%get3A_414] {strides = array<i32>} : memref<4096xi32, #tpu.memory_space<vmem>>, vector<16xi32>,
      %add3A_416 = arith.addi %add3A_409, %get3A_415 : vector<16xi32>
      %mul3A_417 = arith.constant 16 : i32
      %mul3A_418 = arith.muli %scan3A_321, %mul3A_417 : i32
      %add3A_419 = arith.constant 3584 : i32
      %add3A_420 = arith.addi %add3A_419, %mul3A_418 : i32
      %get3A_421 = arith.index_cast %add3A_420 : i32 to index
      %get3A_422 = tpu.vector_load %arg7[%get3A_421] {strides = array<i32>} : memref<4096xi32, #tpu.memory_space<vmem>>, vector<16xi32>,
      %add3A_423 = arith.addi %add3A_416, %get3A_422 : vector<16xi32>
      %mul3A_424 = arith.constant 16 : i32
      %mul3A_425 = arith.muli %scan3A_321, %mul3A_424 : i32
      %add3A_426 = arith.constant 3840 : i32
      %add3A_427 = arith.addi %add3A_426, %mul3A_425 : i32
      %get3A_428 = arith.index_cast %add3A_427 : i32 to index
      %get3A_429 = tpu.vector_load %arg7[%get3A_428] {strides = array<i32>} : memref<4096xi32, #tpu.memory_space<vmem>>, vector<16xi32>,
      %add3A_430 = arith.addi %add3A_423, %get3A_429 : vector<16xi32>
      %mul3A_431 = arith.constant 16 : i32
      %mul3A_432 = arith.muli %scan3A_321, %mul3A_431 : i32
      %swap3A_433 = arith.index_cast %mul3A_432 : i32 to index
      %swap3A_434 = tpu.vector_load %arg8[%swap3A_433] {strides = array<i32>} : memref<256xi32, #tpu.memory_space<vmem>>, vector<16xi32>,
      tpu.vector_store %arg8[%swap3A_433], %add3A_430 {strides = array<i32>} : memref<256xi32, #tpu.memory_space<vmem>>, vector<16xi32>,
      %scan3A_435 = arith.constant 0 : i32
      %scan3A_436 = arith.constant 2 : i32
      %scan3A_437 = arith.addi %scan3A_205, %scan3A_436 : i32
      %mul3A_438 = arith.constant 16 : i32
      %mul3A_439 = arith.muli %scan3A_437, %mul3A_438 : i32
      %get3A_440 = arith.index_cast %mul3A_439 : i32 to index
      %get3A_441 = tpu.vector_load %arg7[%get3A_440] {strides = array<i32>} : memref<4096xi32, #tpu.memory_space<vmem>>, vector<16xi32>,
      %mul3A_442 = arith.constant 16 : i32
      %mul3A_443 = arith.muli %scan3A_437, %mul3A_442 : i32
      %add3A_444 = arith.constant 256 : i32
      %add3A_445 = arith.addi %add3A_444, %mul3A_443 : i32
      %get3A_446 = arith.index_cast %add3A_445 : i32 to index
      %get3A_447 = tpu.vector_load %arg7[%get3A_446] {strides = array<i32>} : memref<4096xi32, #tpu.memory_space<vmem>>, vector<16xi32>,
      %add3A_448 = arith.addi %get3A_441, %get3A_447 : vector<16xi32>
      %mul3A_449 = arith.constant 16 : i32
      %mul3A_450 = arith.muli %scan3A_437, %mul3A_449 : i32
      %add3A_451 = arith.constant 512 : i32
      %add3A_452 = arith.addi %add3A_451, %mul3A_450 : i32
      %get3A_453 = arith.index_cast %add3A_452 : i32 to index
      %get3A_454 = tpu.vector_load %arg7[%get3A_453] {strides = array<i32>} : memref<4096xi32, #tpu.memory_space<vmem>>, vector<16xi32>,
      %add3A_455 = arith.addi %add3A_448, %get3A_454 : vector<16xi32>
      %mul3A_456 = arith.constant 16 : i32
      %mul3A_457 = arith.muli %scan3A_437, %mul3A_456 : i32
      %add3A_458 = arith.constant 768 : i32
      %add3A_459 = arith.addi %add3A_458, %mul3A_457 : i32
      %get3A_460 = arith.index_cast %add3A_459 : i32 to index
      %get3A_461 = tpu.vector_load %arg7[%get3A_460] {strides = array<i32>} : memref<4096xi32, #tpu.memory_space<vmem>>, vector<16xi32>,
      %add3A_462 = arith.addi %add3A_455, %get3A_461 : vector<16xi32>
      %mul3A_463 = arith.constant 16 : i32
      %mul3A_464 = arith.muli %scan3A_437, %mul3A_463 : i32
      %add3A_465 = arith.constant 1024 : i32
      %add3A_466 = arith.addi %add3A_465, %mul3A_464 : i32
      %get3A_467 = arith.index_cast %add3A_466 : i32 to index
      %get3A_468 = tpu.vector_load %arg7[%get3A_467] {strides = array<i32>} : memref<4096xi32, #tpu.memory_space<vmem>>, vector<16xi32>,
      %add3A_469 = arith.addi %add3A_462, %get3A_468 : vector<16xi32>
      %mul3A_470 = arith.constant 16 : i32
      %mul3A_471 = arith.muli %scan3A_437, %mul3A_470 : i32
      %add3A_472 = arith.constant 1280 : i32
      %add3A_473 = arith.addi %add3A_472, %mul3A_471 : i32
      %get3A_474 = arith.index_cast %add3A_473 : i32 to index
      %get3A_475 = tpu.vector_load %arg7[%get3A_474] {strides = array<i32>} : memref<4096xi32, #tpu.memory_space<vmem>>, vector<16xi32>,
      %add3A_476 = arith.addi %add3A_469, %get3A_475 : vector<16xi32>
      %mul3A_477 = arith.constant 16 : i32
      %mul3A_478 = arith.muli %scan3A_437, %mul3A_477 : i32
      %add3A_479 = arith.constant 1536 : i32
      %add3A_480 = arith.addi %add3A_479, %mul3A_478 : i32
      %get3A_481 = arith.index_cast %add3A_480 : i32 to index
      %get3A_482 = tpu.vector_load %arg7[%get3A_481] {strides = array<i32>} : memref<4096xi32, #tpu.memory_space<vmem>>, vector<16xi32>,
      %add3A_483 = arith.addi %add3A_476, %get3A_482 : vector<16xi32>
      %mul3A_484 = arith.constant 16 : i32
      %mul3A_485 = arith.muli %scan3A_437, %mul3A_484 : i32
      %add3A_486 = arith.constant 1792 : i32
      %add3A_487 = arith.addi %add3A_486, %mul3A_485 : i32
      %get3A_488 = arith.index_cast %add3A_487 : i32 to index
      %get3A_489 = tpu.vector_load %arg7[%get3A_488] {strides = array<i32>} : memref<4096xi32, #tpu.memory_space<vmem>>, vector<16xi32>,
      %add3A_490 = arith.addi %add3A_483, %get3A_489 : vector<16xi32>
      %mul3A_491 = arith.constant 16 : i32
      %mul3A_492 = arith.muli %scan3A_437, %mul3A_491 : i32
      %add3A_493 = arith.constant 2048 : i32
      %add3A_494 = arith.addi %add3A_493, %mul3A_492 : i32
      %get3A_495 = arith.index_cast %add3A_494 : i32 to index
      %get3A_496 = tpu.vector_load %arg7[%get3A_495] {strides = array<i32>} : memref<4096xi32, #tpu.memory_space<vmem>>, vector<16xi32>,
      %add3A_497 = arith.addi %add3A_490, %get3A_496 : vector<16xi32>
      %mul3A_498 = arith.constant 16 : i32
      %mul3A_499 = arith.muli %scan3A_437, %mul3A_498 : i32
      %add3A_500 = arith.constant 2304 : i32
      %add3A_501 = arith.addi %add3A_500, %mul3A_499 : i32
      %get3A_502 = arith.index_cast %add3A_501 : i32 to index
      %get3A_503 = tpu.vector_load %arg7[%get3A_502] {strides = array<i32>} : memref<4096xi32, #tpu.memory_space<vmem>>, vector<16xi32>,
      %add3A_504 = arith.addi %add3A_497, %get3A_503 : vector<16xi32>
      %mul3A_505 = arith.constant 16 : i32
      %mul3A_506 = arith.muli %scan3A_437, %mul3A_505 : i32
      %add3A_507 = arith.constant 2560 : i32
      %add3A_508 = arith.addi %add3A_507, %mul3A_506 : i32
      %get3A_509 = arith.index_cast %add3A_508 : i32 to index
      %get3A_510 = tpu.vector_load %arg7[%get3A_509] {strides = array<i32>} : memref<4096xi32, #tpu.memory_space<vmem>>, vector<16xi32>,
      %add3A_511 = arith.addi %add3A_504, %get3A_510 : vector<16xi32>
      %mul3A_512 = arith.constant 16 : i32
      %mul3A_513 = arith.muli %scan3A_437, %mul3A_512 : i32
      %add3A_514 = arith.constant 2816 : i32
      %add3A_515 = arith.addi %add3A_514, %mul3A_513 : i32
      %get3A_516 = arith.index_cast %add3A_515 : i32 to index
      %get3A_517 = tpu.vector_load %arg7[%get3A_516] {strides = array<i32>} : memref<4096xi32, #tpu.memory_space<vmem>>, vector<16xi32>,
      %add3A_518 = arith.addi %add3A_511, %get3A_517 : vector<16xi32>
      %mul3A_519 = arith.constant 16 : i32
      %mul3A_520 = arith.muli %scan3A_437, %mul3A_519 : i32
      %add3A_521 = arith.constant 3072 : i32
      %add3A_522 = arith.addi %add3A_521, %mul3A_520 : i32
      %get3A_523 = arith.index_cast %add3A_522 : i32 to index
      %get3A_524 = tpu.vector_load %arg7[%get3A_523] {strides = array<i32>} : memref<4096xi32, #tpu.memory_space<vmem>>, vector<16xi32>,
      %add3A_525 = arith.addi %add3A_518, %get3A_524 : vector<16xi32>
      %mul3A_526 = arith.constant 16 : i32
      %mul3A_527 = arith.muli %scan3A_437, %mul3A_526 : i32
      %add3A_528 = arith.constant 3328 : i32
      %add3A_529 = arith.addi %add3A_528, %mul3A_527 : i32
      %get3A_530 = arith.index_cast %add3A_529 : i32 to index
      %get3A_531 = tpu.vector_load %arg7[%get3A_530] {strides = array<i32>} : memref<4096xi32, #tpu.memory_space<vmem>>, vector<16xi32>,
      %add3A_532 = arith.addi %add3A_525, %get3A_531 : vector<16xi32>
      %mul3A_533 = arith.constant 16 : i32
      %mul3A_534 = arith.muli %scan3A_437, %mul3A_533 : i32
      %add3A_535 = arith.constant 3584 : i32
      %add3A_536 = arith.addi %add3A_535, %mul3A_534 : i32
      %get3A_537 = arith.index_cast %add3A_536 : i32 to index
      %get3A_538 = tpu.vector_load %arg7[%get3A_537] {strides = array<i32>} : memref<4096xi32, #tpu.memory_space<vmem>>, vector<16xi32>,
      %add3A_539 = arith.addi %add3A_532, %get3A_538 : vector<16xi32>
      %mul3A_540 = arith.constant 16 : i32
      %mul3A_541 = arith.muli %scan3A_437, %mul3A_540 : i32
      %add3A_542 = arith.constant 3840 : i32
      %add3A_543 = arith.addi %add3A_542, %mul3A_541 : i32
      %get3A_544 = arith.index_cast %add3A_543 : i32 to index
      %get3A_545 = tpu.vector_load %arg7[%get3A_544] {strides = array<i32>} : memref<4096xi32, #tpu.memory_space<vmem>>, vector<16xi32>,
      %add3A_546 = arith.addi %add3A_539, %get3A_545 : vector<16xi32>
      %mul3A_547 = arith.constant 16 : i32
      %mul3A_548 = arith.muli %scan3A_437, %mul3A_547 : i32
      %swap3A_549 = arith.index_cast %mul3A_548 : i32 to index
      %swap3A_550 = tpu.vector_load %arg8[%swap3A_549] {strides = array<i32>} : memref<256xi32, #tpu.memory_space<vmem>>, vector<16xi32>,
      tpu.vector_store %arg8[%swap3A_549], %add3A_546 {strides = array<i32>} : memref<256xi32, #tpu.memory_space<vmem>>, vector<16xi32>,
      %scan3A_551 = arith.constant 0 : i32
      %scan3A_552 = arith.constant 3 : i32
      %scan3A_553 = arith.addi %scan3A_205, %scan3A_552 : i32
      %mul3A_554 = arith.constant 16 : i32
      %mul3A_555 = arith.muli %scan3A_553, %mul3A_554 : i32
      %get3A_556 = arith.index_cast %mul3A_555 : i32 to index
      %get3A_557 = tpu.vector_load %arg7[%get3A_556] {strides = array<i32>} : memref<4096xi32, #tpu.memory_space<vmem>>, vector<16xi32>,
      %mul3A_558 = arith.constant 16 : i32
      %mul3A_559 = arith.muli %scan3A_553, %mul3A_558 : i32
      %add3A_560 = arith.constant 256 : i32
      %add3A_561 = arith.addi %add3A_560, %mul3A_559 : i32
      %get3A_562 = arith.index_cast %add3A_561 : i32 to index
      %get3A_563 = tpu.vector_load %arg7[%get3A_562] {strides = array<i32>} : memref<4096xi32, #tpu.memory_space<vmem>>, vector<16xi32>,
      %add3A_564 = arith.addi %get3A_557, %get3A_563 : vector<16xi32>
      %mul3A_565 = arith.constant 16 : i32
      %mul3A_566 = arith.muli %scan3A_553, %mul3A_565 : i32
      %add3A_567 = arith.constant 512 : i32
      %add3A_568 = arith.addi %add3A_567, %mul3A_566 : i32
      %get3A_569 = arith.index_cast %add3A_568 : i32 to index
      %get3A_570 = tpu.vector_load %arg7[%get3A_569] {strides = array<i32>} : memref<4096xi32, #tpu.memory_space<vmem>>, vector<16xi32>,
      %add3A_571 = arith.addi %add3A_564, %get3A_570 : vector<16xi32>
      %mul3A_572 = arith.constant 16 : i32
      %mul3A_573 = arith.muli %scan3A_553, %mul3A_572 : i32
      %add3A_574 = arith.constant 768 : i32
      %add3A_575 = arith.addi %add3A_574, %mul3A_573 : i32
      %get3A_576 = arith.index_cast %add3A_575 : i32 to index
      %get3A_577 = tpu.vector_load %arg7[%get3A_576] {strides = array<i32>} : memref<4096xi32, #tpu.memory_space<vmem>>, vector<16xi32>,
      %add3A_578 = arith.addi %add3A_571, %get3A_577 : vector<16xi32>
      %mul3A_579 = arith.constant 16 : i32
      %mul3A_580 = arith.muli %scan3A_553, %mul3A_579 : i32
      %add3A_581 = arith.constant 1024 : i32
      %add3A_582 = arith.addi %add3A_581, %mul3A_580 : i32
      %get3A_583 = arith.index_cast %add3A_582 : i32 to index
      %get3A_584 = tpu.vector_load %arg7[%get3A_583] {strides = array<i32>} : memref<4096xi32, #tpu.memory_space<vmem>>, vector<16xi32>,
      %add3A_585 = arith.addi %add3A_578, %get3A_584 : vector<16xi32>
      %mul3A_586 = arith.constant 16 : i32
      %mul3A_587 = arith.muli %scan3A_553, %mul3A_586 : i32
      %add3A_588 = arith.constant 1280 : i32
      %add3A_589 = arith.addi %add3A_588, %mul3A_587 : i32
      %get3A_590 = arith.index_cast %add3A_589 : i32 to index
      %get3A_591 = tpu.vector_load %arg7[%get3A_590] {strides = array<i32>} : memref<4096xi32, #tpu.memory_space<vmem>>, vector<16xi32>,
      %add3A_592 = arith.addi %add3A_585, %get3A_591 : vector<16xi32>
      %mul3A_593 = arith.constant 16 : i32
      %mul3A_594 = arith.muli %scan3A_553, %mul3A_593 : i32
      %add3A_595 = arith.constant 1536 : i32
      %add3A_596 = arith.addi %add3A_595, %mul3A_594 : i32
      %get3A_597 = arith.index_cast %add3A_596 : i32 to index
      %get3A_598 = tpu.vector_load %arg7[%get3A_597] {strides = array<i32>} : memref<4096xi32, #tpu.memory_space<vmem>>, vector<16xi32>,
      %add3A_599 = arith.addi %add3A_592, %get3A_598 : vector<16xi32>
      %mul3A_600 = arith.constant 16 : i32
      %mul3A_601 = arith.muli %scan3A_553, %mul3A_600 : i32
      %add3A_602 = arith.constant 1792 : i32
      %add3A_603 = arith.addi %add3A_602, %mul3A_601 : i32
      %get3A_604 = arith.index_cast %add3A_603 : i32 to index
      %get3A_605 = tpu.vector_load %arg7[%get3A_604] {strides = array<i32>} : memref<4096xi32, #tpu.memory_space<vmem>>, vector<16xi32>,
      %add3A_606 = arith.addi %add3A_599, %get3A_605 : vector<16xi32>
      %mul3A_607 = arith.constant 16 : i32
      %mul3A_608 = arith.muli %scan3A_553, %mul3A_607 : i32
      %add3A_609 = arith.constant 2048 : i32
      %add3A_610 = arith.addi %add3A_609, %mul3A_608 : i32
      %get3A_611 = arith.index_cast %add3A_610 : i32 to index
      %get3A_612 = tpu.vector_load %arg7[%get3A_611] {strides = array<i32>} : memref<4096xi32, #tpu.memory_space<vmem>>, vector<16xi32>,
      %add3A_613 = arith.addi %add3A_606, %get3A_612 : vector<16xi32>
      %mul3A_614 = arith.constant 16 : i32
      %mul3A_615 = arith.muli %scan3A_553, %mul3A_614 : i32
      %add3A_616 = arith.constant 2304 : i32
      %add3A_617 = arith.addi %add3A_616, %mul3A_615 : i32
      %get3A_618 = arith.index_cast %add3A_617 : i32 to index
      %get3A_619 = tpu.vector_load %arg7[%get3A_618] {strides = array<i32>} : memref<4096xi32, #tpu.memory_space<vmem>>, vector<16xi32>,
      %add3A_620 = arith.addi %add3A_613, %get3A_619 : vector<16xi32>
      %mul3A_621 = arith.constant 16 : i32
      %mul3A_622 = arith.muli %scan3A_553, %mul3A_621 : i32
      %add3A_623 = arith.constant 2560 : i32
      %add3A_624 = arith.addi %add3A_623, %mul3A_622 : i32
      %get3A_625 = arith.index_cast %add3A_624 : i32 to index
      %get3A_626 = tpu.vector_load %arg7[%get3A_625] {strides = array<i32>} : memref<4096xi32, #tpu.memory_space<vmem>>, vector<16xi32>,
      %add3A_627 = arith.addi %add3A_620, %get3A_626 : vector<16xi32>
      %mul3A_628 = arith.constant 16 : i32
      %mul3A_629 = arith.muli %scan3A_553, %mul3A_628 : i32
      %add3A_630 = arith.constant 2816 : i32
      %add3A_631 = arith.addi %add3A_630, %mul3A_629 : i32
      %get3A_632 = arith.index_cast %add3A_631 : i32 to index
      %get3A_633 = tpu.vector_load %arg7[%get3A_632] {strides = array<i32>} : memref<4096xi32, #tpu.memory_space<vmem>>, vector<16xi32>,
      %add3A_634 = arith.addi %add3A_627, %get3A_633 : vector<16xi32>
      %mul3A_635 = arith.constant 16 : i32
      %mul3A_636 = arith.muli %scan3A_553, %mul3A_635 : i32
      %add3A_637 = arith.constant 3072 : i32
      %add3A_638 = arith.addi %add3A_637, %mul3A_636 : i32
      %get3A_639 = arith.index_cast %add3A_638 : i32 to index
      %get3A_640 = tpu.vector_load %arg7[%get3A_639] {strides = array<i32>} : memref<4096xi32, #tpu.memory_space<vmem>>, vector<16xi32>,
      %add3A_641 = arith.addi %add3A_634, %get3A_640 : vector<16xi32>
      %mul3A_642 = arith.constant 16 : i32
      %mul3A_643 = arith.muli %scan3A_553, %mul3A_642 : i32
      %add3A_644 = arith.constant 3328 : i32
      %add3A_645 = arith.addi %add3A_644, %mul3A_643 : i32
      %get3A_646 = arith.index_cast %add3A_645 : i32 to index
      %get3A_647 = tpu.vector_load %arg7[%get3A_646] {strides = array<i32>} : memref<4096xi32, #tpu.memory_space<vmem>>, vector<16xi32>,
      %add3A_648 = arith.addi %add3A_641, %get3A_647 : vector<16xi32>
      %mul3A_649 = arith.constant 16 : i32
      %mul3A_650 = arith.muli %scan3A_553, %mul3A_649 : i32
      %add3A_651 = arith.constant 3584 : i32
      %add3A_652 = arith.addi %add3A_651, %mul3A_650 : i32
      %get3A_653 = arith.index_cast %add3A_652 : i32 to index
      %get3A_654 = tpu.vector_load %arg7[%get3A_653] {strides = array<i32>} : memref<4096xi32, #tpu.memory_space<vmem>>, vector<16xi32>,
      %add3A_655 = arith.addi %add3A_648, %get3A_654 : vector<16xi32>
      %mul3A_656 = arith.constant 16 : i32
      %mul3A_657 = arith.muli %scan3A_553, %mul3A_656 : i32
      %add3A_658 = arith.constant 3840 : i32
      %add3A_659 = arith.addi %add3A_658, %mul3A_657 : i32
      %get3A_660 = arith.index_cast %add3A_659 : i32 to index
      %get3A_661 = tpu.vector_load %arg7[%get3A_660] {strides = array<i32>} : memref<4096xi32, #tpu.memory_space<vmem>>, vector<16xi32>,
      %add3A_662 = arith.addi %add3A_655, %get3A_661 : vector<16xi32>
      %mul3A_663 = arith.constant 16 : i32
      %mul3A_664 = arith.muli %scan3A_553, %mul3A_663 : i32
      %swap3A_665 = arith.index_cast %mul3A_664 : i32 to index
      %swap3A_666 = tpu.vector_load %arg8[%swap3A_665] {strides = array<i32>} : memref<256xi32, #tpu.memory_space<vmem>>, vector<16xi32>,
      tpu.vector_store %arg8[%swap3A_665], %add3A_662 {strides = array<i32>} : memref<256xi32, #tpu.memory_space<vmem>>, vector<16xi32>,
      %scan3A_667 = arith.constant 0 : i32
      scf.yield %scan3A_667 : i32
    }
    %scan3A_113 = arith.constant 16 : i32
    %run_scoped3A_114 = arith.constant 2 : i32
    "tpu.region"() ({
      %run_scoped3A_205 = tpu.sem_alloc : memref<!tpu.dma_semaphore, #tpu.memory_space<semaphore_mem>>
      %dma_start3A = arith.constant 0 : i32
      %dma_start3A_206 = tpu.memref_slice %arg10[%run_scoped3A_114, %arg1, %dma_start3A] : memref<4x16x256xi32, #tpu.memory_space<vmem_shared>> -> memref<1x1x256xi32, #tpu.memory_space<vmem_shared>>
      %dma_start3A_207 = tpu.memref_squeeze %dma_start3A_206 : memref<1x1x256xi32, #tpu.memory_space<vmem_shared>> -> memref<256xi32, #tpu.memory_space<vmem_shared>>
      %dma_start3A_208 = arith.constant 0 : i32
      %dma_start3A_209 = tpu.memref_slice %arg10[%run_scoped3A_114, %arg1, %dma_start3A_208] : memref<4x16x256xi32, #tpu.memory_space<vmem_shared>> -> memref<1x1x256xi32, #tpu.memory_space<vmem_shared>>
      %dma_start3A_210 = tpu.memref_squeeze %dma_start3A_209 : memref<1x1x256xi32, #tpu.memory_space<vmem_shared>> -> memref<256xi32, #tpu.memory_space<vmem_shared>>
      tpu.enqueue_dma source(%arg8 : memref<256xi32, #tpu.memory_space<vmem>>) target(%dma_start3A_210 : memref<256xi32, #tpu.memory_space<vmem_shared>>) target_semaphore(%run_scoped3A_205 : memref<!tpu.dma_semaphore, #tpu.memory_space<semaphore_mem>>)
      %dma_wait3A = arith.constant 0 : i32
      %dma_wait3A_211 = tpu.memref_slice %arg10[%run_scoped3A_114, %arg1, %dma_wait3A] : memref<4x16x256xi32, #tpu.memory_space<vmem_shared>> -> memref<1x1x256xi32, #tpu.memory_space<vmem_shared>>
      %dma_wait3A_212 = tpu.memref_squeeze %dma_wait3A_211 : memref<1x1x256xi32, #tpu.memory_space<vmem_shared>> -> memref<256xi32, #tpu.memory_space<vmem_shared>>
      %dma_wait3A_213 = arith.constant 0 : i32
      %dma_wait3A_214 = tpu.memref_slice %arg10[%run_scoped3A_114, %arg1, %dma_wait3A_213] : memref<4x16x256xi32, #tpu.memory_space<vmem_shared>> -> memref<1x1x256xi32, #tpu.memory_space<vmem_shared>>
      %dma_wait3A_215 = tpu.memref_squeeze %dma_wait3A_214 : memref<1x1x256xi32, #tpu.memory_space<vmem_shared>> -> memref<256xi32, #tpu.memory_space<vmem_shared>>
      tpu.wait_dma2 semaphore(%run_scoped3A_205 : memref<!tpu.dma_semaphore, #tpu.memory_space<semaphore_mem>>) src(%arg8 : memref<256xi32, #tpu.memory_space<vmem>>) dst(%dma_wait3A_215 : memref<256xi32, #tpu.memory_space<vmem_shared>>)
      tpu.yield
    }) : () -> ()
    %barrier3A_115 = arith.constant 0 : index
    tpu.barrier barrier_id(%barrier3A_115)
    %xor3A_116 = arith.constant 1 : i32
    %xor3A_117 = arith.xori %arg1, %xor3A_116 : i32
    %run_scoped3A_118 = arith.constant 2 : i32
    "tpu.region"() ({
      %run_scoped3A_205 = tpu.sem_alloc : memref<!tpu.dma_semaphore, #tpu.memory_space<semaphore_mem>>
      %dma_start3A = arith.constant 0 : i32
      %dma_start3A_206 = tpu.memref_slice %arg10[%run_scoped3A_118, %xor3A_117, %dma_start3A] : memref<4x16x256xi32, #tpu.memory_space<vmem_shared>> -> memref<1x1x256xi32, #tpu.memory_space<vmem_shared>>
      %dma_start3A_207 = tpu.memref_squeeze %dma_start3A_206 : memref<1x1x256xi32, #tpu.memory_space<vmem_shared>> -> memref<256xi32, #tpu.memory_space<vmem_shared>>
      %dma_start3A_208 = arith.constant 0 : i32
      %dma_start3A_209 = tpu.memref_slice %arg10[%run_scoped3A_118, %xor3A_117, %dma_start3A_208] : memref<4x16x256xi32, #tpu.memory_space<vmem_shared>> -> memref<1x1x256xi32, #tpu.memory_space<vmem_shared>>
      %dma_start3A_210 = tpu.memref_squeeze %dma_start3A_209 : memref<1x1x256xi32, #tpu.memory_space<vmem_shared>> -> memref<256xi32, #tpu.memory_space<vmem_shared>>
      tpu.enqueue_dma source(%dma_start3A_210 : memref<256xi32, #tpu.memory_space<vmem_shared>>) target(%arg9 : memref<256xi32, #tpu.memory_space<vmem>>) target_semaphore(%run_scoped3A_205 : memref<!tpu.dma_semaphore, #tpu.memory_space<semaphore_mem>>)
      %dma_wait3A = arith.constant 0 : i32
      %dma_wait3A_211 = tpu.memref_slice %arg10[%run_scoped3A_118, %xor3A_117, %dma_wait3A] : memref<4x16x256xi32, #tpu.memory_space<vmem_shared>> -> memref<1x1x256xi32, #tpu.memory_space<vmem_shared>>
      %dma_wait3A_212 = tpu.memref_squeeze %dma_wait3A_211 : memref<1x1x256xi32, #tpu.memory_space<vmem_shared>> -> memref<256xi32, #tpu.memory_space<vmem_shared>>
      %dma_wait3A_213 = arith.constant 0 : i32
      %dma_wait3A_214 = tpu.memref_slice %arg10[%run_scoped3A_118, %xor3A_117, %dma_wait3A_213] : memref<4x16x256xi32, #tpu.memory_space<vmem_shared>> -> memref<1x1x256xi32, #tpu.memory_space<vmem_shared>>
      %dma_wait3A_215 = tpu.memref_squeeze %dma_wait3A_214 : memref<1x1x256xi32, #tpu.memory_space<vmem_shared>> -> memref<256xi32, #tpu.memory_space<vmem_shared>>
      tpu.wait_dma2 semaphore(%run_scoped3A_205 : memref<!tpu.dma_semaphore, #tpu.memory_space<semaphore_mem>>) src(%dma_wait3A_215 : memref<256xi32, #tpu.memory_space<vmem_shared>>) dst(%arg9 : memref<256xi32, #tpu.memory_space<vmem>>)
      tpu.yield
    }) : () -> ()
    %scan3A_119 = arith.constant 0 : i32
    %scan3A_120 = arith.constant 0 : i32
    %scan3A_121 = arith.constant 0 : i32
    %scan3A_122 = arith.constant 0 : i32
    %scan3A_123 = arith.constant 16 : i32
    %scan3A_124 = arith.addi %scan3A_122, %scan3A_123 : i32
    %scan3A_125 = arith.constant 1 : i32
    %scan3A_126:3 = scf.for %scan3A_205 = %scan3A_122 to %scan3A_124 step %scan3A_125 iter_args(%scan3A_206 = %scan3A_119, %scan3A_207 = %scan3A_120, %scan3A_208 = %scan3A_121) -> (i32, i32, i32)  : i32 {
      %mul3A_209 = arith.constant 16 : i32
      %mul3A_210 = arith.muli %scan3A_205, %mul3A_209 : i32
      %get3A_211 = arith.index_cast %mul3A_210 : i32 to index
      %get3A_212 = tpu.vector_load %arg8[%get3A_211] {strides = array<i32>} : memref<256xi32, #tpu.memory_space<vmem>>, vector<16xi32>,
      %mul3A_213 = arith.constant 16 : i32
      %mul3A_214 = arith.muli %scan3A_205, %mul3A_213 : i32
      %get3A_215 = arith.index_cast %mul3A_214 : i32 to index
      %get3A_216 = tpu.vector_load %arg9[%get3A_215] {strides = array<i32>} : memref<256xi32, #tpu.memory_space<vmem>>, vector<16xi32>,
      %add3A_217 = arith.addi %get3A_212, %get3A_216 : vector<16xi32>
      %broadcast_in_dim3A_218 = arith.constant true
      %broadcast_in_dim3A_219 = vector.broadcast %broadcast_in_dim3A_218 : i1 to vector<16xi1>
      %masked_cumsum3A = tpu.scan <sum>, %add3A_217 masked %broadcast_in_dim3A_219 : vector<16xi32>, vector<16xi1> -> vector<16xi32>
      %add3A_220 = vector.broadcast %scan3A_208 : i32 to vector<16xi32>
      %add3A_221 = arith.addi %add3A_220, %masked_cumsum3A : vector<16xi32>
      %lt3A = vector.broadcast %sub3A_84 : i32 to vector<16xi32>
      %lt3A_222 = arith.cmpi slt, %add3A_221, %lt3A : vector<16xi32>
      %convert_element_type3A = arith.extui %lt3A_222 : vector<16xi1> to vector<16xi32>
      %reduce_sum3A_223 = arith.constant true
      %reduce_sum3A_224 = vector.broadcast %reduce_sum3A_223 : i1 to vector<16xi1>
      %reduce_sum3A_225 = tpu.scan <sum>, %convert_element_type3A masked %reduce_sum3A_224 : vector<16xi32>, vector<16xi1> -> vector<16xi32>
      %reduce_sum3A_226 = vector.extract %reduce_sum3A_225[15] : i32 from vector<16xi32>
      %add3A_227 = arith.addi %scan3A_206, %reduce_sum3A_226 : i32
      %jit3A_228 = arith.constant 0 : i32
      %broadcast_in_dim3A_229 = vector.broadcast %jit3A_228 : i32 to vector<16xi32>
      %select_n3A_230 = arith.select %lt3A_222, %add3A_217, %broadcast_in_dim3A_229 : vector<16xi1>, vector<16xi32>
      %reduce_sum3A_231 = arith.constant true
      %reduce_sum3A_232 = vector.broadcast %reduce_sum3A_231 : i1 to vector<16xi1>
      %reduce_sum3A_233 = tpu.scan <sum>, %select_n3A_230 masked %reduce_sum3A_232 : vector<16xi32>, vector<16xi1> -> vector<16xi32>
      %reduce_sum3A_234 = vector.extract %reduce_sum3A_233[15] : i32 from vector<16xi32>
      %add3A_235 = arith.addi %scan3A_207, %reduce_sum3A_234 : i32
      %reduce_sum3A_236 = arith.constant true
      %reduce_sum3A_237 = vector.broadcast %reduce_sum3A_236 : i1 to vector<16xi1>
      %reduce_sum3A_238 = tpu.scan <sum>, %add3A_217 masked %reduce_sum3A_237 : vector<16xi32>, vector<16xi1> -> vector<16xi32>
      %reduce_sum3A_239 = vector.extract %reduce_sum3A_238[15] : i32 from vector<16xi32>
      %add3A_240 = arith.addi %scan3A_208, %reduce_sum3A_239 : i32
      scf.yield %add3A_227, %add3A_235, %add3A_240 : i32, i32, i32
    }
    %scan3A_127 = arith.constant 16 : i32
    %shift_left3A_128 = arith.constant 8 : i32
    %shift_left3A_129 = arith.shli %or3A_83, %shift_left3A_128 : i32
    %or3A_130 = arith.ori %shift_left3A_129, %scan3A_126#0 : i32
    %sub3A_131 = arith.subi %sub3A_84, %scan3A_126#1 : i32
    %scan3A_132 = arith.constant 0 : i32
    %scan3A_133 = arith.constant 0 : i32
    %scan3A_134 = arith.constant 256 : i32
    %scan3A_135 = arith.addi %scan3A_133, %scan3A_134 : i32
    %scan3A_136 = arith.constant 8 : i32
    %scan3A_137 = scf.for %scan3A_205 = %scan3A_133 to %scan3A_135 step %scan3A_136 iter_args(%scan3A_206 = %scan3A_132) -> (i32)  : i32 {
      %mul3A_207 = arith.constant 16 : i32
      %mul3A_208 = arith.muli %scan3A_205, %mul3A_207 : i32
      %swap3A = arith.index_cast %mul3A_208 : i32 to index
      %swap3A_209 = tpu.vector_load %arg7[%swap3A] {strides = array<i32>} : memref<4096xi32, #tpu.memory_space<vmem>>, vector<16xi32>,
      tpu.vector_store %arg7[%swap3A], %broadcast_in_dim3A_10 {strides = array<i32>} : memref<4096xi32, #tpu.memory_space<vmem>>, vector<16xi32>,
      %scan3A_210 = arith.constant 0 : i32
      %scan3A_211 = arith.constant 1 : i32
      %scan3A_212 = arith.addi %scan3A_205, %scan3A_211 : i32
      %mul3A_213 = arith.constant 16 : i32
      %mul3A_214 = arith.muli %scan3A_212, %mul3A_213 : i32
      %swap3A_215 = arith.index_cast %mul3A_214 : i32 to index
      %swap3A_216 = tpu.vector_load %arg7[%swap3A_215] {strides = array<i32>} : memref<4096xi32, #tpu.memory_space<vmem>>, vector<16xi32>,
      tpu.vector_store %arg7[%swap3A_215], %broadcast_in_dim3A_10 {strides = array<i32>} : memref<4096xi32, #tpu.memory_space<vmem>>, vector<16xi32>,
      %scan3A_217 = arith.constant 0 : i32
      %scan3A_218 = arith.constant 2 : i32
      %scan3A_219 = arith.addi %scan3A_205, %scan3A_218 : i32
      %mul3A_220 = arith.constant 16 : i32
      %mul3A_221 = arith.muli %scan3A_219, %mul3A_220 : i32
      %swap3A_222 = arith.index_cast %mul3A_221 : i32 to index
      %swap3A_223 = tpu.vector_load %arg7[%swap3A_222] {strides = array<i32>} : memref<4096xi32, #tpu.memory_space<vmem>>, vector<16xi32>,
      tpu.vector_store %arg7[%swap3A_222], %broadcast_in_dim3A_10 {strides = array<i32>} : memref<4096xi32, #tpu.memory_space<vmem>>, vector<16xi32>,
      %scan3A_224 = arith.constant 0 : i32
      %scan3A_225 = arith.constant 3 : i32
      %scan3A_226 = arith.addi %scan3A_205, %scan3A_225 : i32
      %mul3A_227 = arith.constant 16 : i32
      %mul3A_228 = arith.muli %scan3A_226, %mul3A_227 : i32
      %swap3A_229 = arith.index_cast %mul3A_228 : i32 to index
      %swap3A_230 = tpu.vector_load %arg7[%swap3A_229] {strides = array<i32>} : memref<4096xi32, #tpu.memory_space<vmem>>, vector<16xi32>,
      tpu.vector_store %arg7[%swap3A_229], %broadcast_in_dim3A_10 {strides = array<i32>} : memref<4096xi32, #tpu.memory_space<vmem>>, vector<16xi32>,
      %scan3A_231 = arith.constant 0 : i32
      %scan3A_232 = arith.constant 4 : i32
      %scan3A_233 = arith.addi %scan3A_205, %scan3A_232 : i32
      %mul3A_234 = arith.constant 16 : i32
      %mul3A_235 = arith.muli %scan3A_233, %mul3A_234 : i32
      %swap3A_236 = arith.index_cast %mul3A_235 : i32 to index
      %swap3A_237 = tpu.vector_load %arg7[%swap3A_236] {strides = array<i32>} : memref<4096xi32, #tpu.memory_space<vmem>>, vector<16xi32>,
      tpu.vector_store %arg7[%swap3A_236], %broadcast_in_dim3A_10 {strides = array<i32>} : memref<4096xi32, #tpu.memory_space<vmem>>, vector<16xi32>,
      %scan3A_238 = arith.constant 0 : i32
      %scan3A_239 = arith.constant 5 : i32
      %scan3A_240 = arith.addi %scan3A_205, %scan3A_239 : i32
      %mul3A_241 = arith.constant 16 : i32
      %mul3A_242 = arith.muli %scan3A_240, %mul3A_241 : i32
      %swap3A_243 = arith.index_cast %mul3A_242 : i32 to index
      %swap3A_244 = tpu.vector_load %arg7[%swap3A_243] {strides = array<i32>} : memref<4096xi32, #tpu.memory_space<vmem>>, vector<16xi32>,
      tpu.vector_store %arg7[%swap3A_243], %broadcast_in_dim3A_10 {strides = array<i32>} : memref<4096xi32, #tpu.memory_space<vmem>>, vector<16xi32>,
      %scan3A_245 = arith.constant 0 : i32
      %scan3A_246 = arith.constant 6 : i32
      %scan3A_247 = arith.addi %scan3A_205, %scan3A_246 : i32
      %mul3A_248 = arith.constant 16 : i32
      %mul3A_249 = arith.muli %scan3A_247, %mul3A_248 : i32
      %swap3A_250 = arith.index_cast %mul3A_249 : i32 to index
      %swap3A_251 = tpu.vector_load %arg7[%swap3A_250] {strides = array<i32>} : memref<4096xi32, #tpu.memory_space<vmem>>, vector<16xi32>,
      tpu.vector_store %arg7[%swap3A_250], %broadcast_in_dim3A_10 {strides = array<i32>} : memref<4096xi32, #tpu.memory_space<vmem>>, vector<16xi32>,
      %scan3A_252 = arith.constant 0 : i32
      %scan3A_253 = arith.constant 7 : i32
      %scan3A_254 = arith.addi %scan3A_205, %scan3A_253 : i32
      %mul3A_255 = arith.constant 16 : i32
      %mul3A_256 = arith.muli %scan3A_254, %mul3A_255 : i32
      %swap3A_257 = arith.index_cast %mul3A_256 : i32 to index
      %swap3A_258 = tpu.vector_load %arg7[%swap3A_257] {strides = array<i32>} : memref<4096xi32, #tpu.memory_space<vmem>>, vector<16xi32>,
      tpu.vector_store %arg7[%swap3A_257], %broadcast_in_dim3A_10 {strides = array<i32>} : memref<4096xi32, #tpu.memory_space<vmem>>, vector<16xi32>,
      %scan3A_259 = arith.constant 0 : i32
      scf.yield %scan3A_259 : i32
    }
    %scan3A_138 = arith.constant 256 : i32
    %while3A_139 = arith.constant 0 : i32
    %while3A_140 = arith.constant 0 : i32
    %while3A_141 = arith.subi %shift_right_arithmetic3A_88, %while3A_139 : i32
    %while3A_142 = arith.addi %while3A_139, %while3A_141 : i32
    %while3A_143 = arith.constant 1 : i32
    %while3A_144 = arith.divsi %while3A_141, %while3A_143 : i32
    %while3A_145 = arith.muli %while3A_144, %while3A_143 : i32
    %while3A_146 = arith.addi %while3A_139, %while3A_145 : i32
    %while3A_147 = arith.constant 1 : i32
    %while3A_148 = scf.for %while3A_205 = %while3A_139 to %while3A_146 step %while3A_147 iter_args(%while3A_206 = %while3A_140) -> (i32)  : i32 {
      %mul3A_207 = arith.constant 16 : i32
      %mul3A_208 = arith.muli %while3A_205, %mul3A_207 : i32
      %add3A_209 = vector.broadcast %mul3A_208 : i32 to vector<16xi32>
      %add3A_210 = arith.addi %add3A_209, %iota3A : vector<16xi32>
      %lt3A = vector.broadcast %scan3A_58 : i32 to vector<16xi32>
      %lt3A_211 = arith.cmpi slt, %add3A_210, %lt3A : vector<16xi32>
      %mul3A_212 = arith.constant 16 : i32
      %mul3A_213 = arith.muli %while3A_205, %mul3A_212 : i32
      %get3A_214 = arith.index_cast %mul3A_213 : i32 to index
      %get3A_215 = tpu.vector_load %arg6[%get3A_214] {strides = array<i32>} : memref<25088xi32, #tpu.memory_space<vmem>>, vector<16xi32>,
      %jit3A_216 = arith.constant 0 : i32
      %broadcast_in_dim3A_217 = vector.broadcast %jit3A_216 : i32 to vector<16xi32>
      %select_n3A_218 = arith.select %lt3A_211, %get3A_215, %broadcast_in_dim3A_217 : vector<16xi1>, vector<16xi32>
      %gather3A = tpu.vector_load_idx %arg4[%select_n3A_218] : memref<25088xi32, #tpu.memory_space<vmem>>[vector<16xi32>], vector<16xi32>,
      %shift_right_logical3A = arith.constant 8 : i32
      %shift_right_logical3A_219 = vector.broadcast %shift_right_logical3A : i32 to vector<16xi32>
      %shift_right_logical3A_220 = arith.shrui %gather3A, %shift_right_logical3A_219 : vector<16xi32>
      %eq3A_221 = vector.broadcast %or3A_130 : i32 to vector<16xi32>
      %eq3A_222 = arith.cmpi eq, %shift_right_logical3A_220, %eq3A_221 : vector<16xi32>
      %and3A_223 = arith.andi %eq3A_222, %lt3A_211 : vector<16xi1>
      %shift_right_logical3A_224 = arith.constant 0 : i32
      %shift_right_logical3A_225 = vector.broadcast %shift_right_logical3A_224 : i32 to vector<16xi32>
      %shift_right_logical3A_226 = arith.shrui %gather3A, %shift_right_logical3A_225 : vector<16xi32>
      %and3A_227 = arith.constant 255 : i32
      %and3A_228 = vector.broadcast %and3A_227 : i32 to vector<16xi32>
      %and3A_229 = arith.andi %shift_right_logical3A_226, %and3A_228 : vector<16xi32>
      %add3A_230 = vector.broadcast %while3A_205 : i32 to vector<16xi32>
      %add3A_231 = arith.addi %iota3A, %add3A_230 : vector<16xi32>
      %and3A_232 = arith.constant 15 : i32
      %and3A_233 = vector.broadcast %and3A_232 : i32 to vector<16xi32>
      %and3A_234 = arith.andi %add3A_231, %and3A_233 : vector<16xi32>
      %mul3A_235 = arith.constant 256 : i32
      %mul3A_236 = vector.broadcast %mul3A_235 : i32 to vector<16xi32>
      %mul3A_237 = arith.muli %and3A_234, %mul3A_236 : vector<16xi32>
      %add3A_238 = arith.addi %mul3A_237, %and3A_229 : vector<16xi32>
      tpu.vector_store_idx %arg7[%add3A_238], %broadcast_in_dim3A_8 masked %and3A_223 {add = true} : memref<4096xi32, #tpu.memory_space<vmem>>[vector<16xi32>], vector<16xi32>, vector<16xi1>
      %while3A_239 = arith.constant 0 : i32
      scf.yield %while3A_239 : i32
    }
    %while3A_149 = arith.constant 1 : i32
    %while3A_150 = scf.for %while3A_205 = %while3A_146 to %while3A_142 step %while3A_149 iter_args(%while3A_206 = %while3A_148) -> (i32)  : i32 {
      %mul3A_207 = arith.constant 16 : i32
      %mul3A_208 = arith.muli %while3A_205, %mul3A_207 : i32
      %add3A_209 = vector.broadcast %mul3A_208 : i32 to vector<16xi32>
      %add3A_210 = arith.addi %add3A_209, %iota3A : vector<16xi32>
      %lt3A = vector.broadcast %scan3A_58 : i32 to vector<16xi32>
      %lt3A_211 = arith.cmpi slt, %add3A_210, %lt3A : vector<16xi32>
      %mul3A_212 = arith.constant 16 : i32
      %mul3A_213 = arith.muli %while3A_205, %mul3A_212 : i32
      %get3A_214 = arith.index_cast %mul3A_213 : i32 to index
      %get3A_215 = tpu.vector_load %arg6[%get3A_214] {strides = array<i32>} : memref<25088xi32, #tpu.memory_space<vmem>>, vector<16xi32>,
      %jit3A_216 = arith.constant 0 : i32
      %broadcast_in_dim3A_217 = vector.broadcast %jit3A_216 : i32 to vector<16xi32>
      %select_n3A_218 = arith.select %lt3A_211, %get3A_215, %broadcast_in_dim3A_217 : vector<16xi1>, vector<16xi32>
      %gather3A = tpu.vector_load_idx %arg4[%select_n3A_218] : memref<25088xi32, #tpu.memory_space<vmem>>[vector<16xi32>], vector<16xi32>,
      %shift_right_logical3A = arith.constant 8 : i32
      %shift_right_logical3A_219 = vector.broadcast %shift_right_logical3A : i32 to vector<16xi32>
      %shift_right_logical3A_220 = arith.shrui %gather3A, %shift_right_logical3A_219 : vector<16xi32>
      %eq3A_221 = vector.broadcast %or3A_130 : i32 to vector<16xi32>
      %eq3A_222 = arith.cmpi eq, %shift_right_logical3A_220, %eq3A_221 : vector<16xi32>
      %and3A_223 = arith.andi %eq3A_222, %lt3A_211 : vector<16xi1>
      %shift_right_logical3A_224 = arith.constant 0 : i32
      %shift_right_logical3A_225 = vector.broadcast %shift_right_logical3A_224 : i32 to vector<16xi32>
      %shift_right_logical3A_226 = arith.shrui %gather3A, %shift_right_logical3A_225 : vector<16xi32>
      %and3A_227 = arith.constant 255 : i32
      %and3A_228 = vector.broadcast %and3A_227 : i32 to vector<16xi32>
      %and3A_229 = arith.andi %shift_right_logical3A_226, %and3A_228 : vector<16xi32>
      %add3A_230 = vector.broadcast %while3A_205 : i32 to vector<16xi32>
      %add3A_231 = arith.addi %iota3A, %add3A_230 : vector<16xi32>
      %and3A_232 = arith.constant 15 : i32
      %and3A_233 = vector.broadcast %and3A_232 : i32 to vector<16xi32>
      %and3A_234 = arith.andi %add3A_231, %and3A_233 : vector<16xi32>
      %mul3A_235 = arith.constant 256 : i32
      %mul3A_236 = vector.broadcast %mul3A_235 : i32 to vector<16xi32>
      %mul3A_237 = arith.muli %and3A_234, %mul3A_236 : vector<16xi32>
      %add3A_238 = arith.addi %mul3A_237, %and3A_229 : vector<16xi32>
      tpu.vector_store_idx %arg7[%add3A_238], %broadcast_in_dim3A_8 masked %and3A_223 {add = true} : memref<4096xi32, #tpu.memory_space<vmem>>[vector<16xi32>], vector<16xi32>, vector<16xi1>
      %while3A_239 = arith.constant 0 : i32
      scf.yield %while3A_239 : i32
    }
    %scan3A_151 = arith.constant 0 : i32
    %scan3A_152 = arith.constant 0 : i32
    %scan3A_153 = arith.constant 16 : i32
    %scan3A_154 = arith.addi %scan3A_152, %scan3A_153 : i32
    %scan3A_155 = arith.constant 4 : i32
    %scan3A_156 = scf.for %scan3A_205 = %scan3A_152 to %scan3A_154 step %scan3A_155 iter_args(%scan3A_206 = %scan3A_151) -> (i32)  : i32 {
      %mul3A_207 = arith.constant 16 : i32
      %mul3A_208 = arith.muli %scan3A_205, %mul3A_207 : i32
      %get3A_209 = arith.index_cast %mul3A_208 : i32 to index
      %get3A_210 = tpu.vector_load %arg7[%get3A_209] {strides = array<i32>} : memref<4096xi32, #tpu.memory_space<vmem>>, vector<16xi32>,
      %mul3A_211 = arith.constant 16 : i32
      %mul3A_212 = arith.muli %scan3A_205, %mul3A_211 : i32
      %add3A_213 = arith.constant 256 : i32
      %add3A_214 = arith.addi %add3A_213, %mul3A_212 : i32
      %get3A_215 = arith.index_cast %add3A_214 : i32 to index
      %get3A_216 = tpu.vector_load %arg7[%get3A_215] {strides = array<i32>} : memref<4096xi32, #tpu.memory_space<vmem>>, vector<16xi32>,
      %add3A_217 = arith.addi %get3A_210, %get3A_216 : vector<16xi32>
      %mul3A_218 = arith.constant 16 : i32
      %mul3A_219 = arith.muli %scan3A_205, %mul3A_218 : i32
      %add3A_220 = arith.constant 512 : i32
      %add3A_221 = arith.addi %add3A_220, %mul3A_219 : i32
      %get3A_222 = arith.index_cast %add3A_221 : i32 to index
      %get3A_223 = tpu.vector_load %arg7[%get3A_222] {strides = array<i32>} : memref<4096xi32, #tpu.memory_space<vmem>>, vector<16xi32>,
      %add3A_224 = arith.addi %add3A_217, %get3A_223 : vector<16xi32>
      %mul3A_225 = arith.constant 16 : i32
      %mul3A_226 = arith.muli %scan3A_205, %mul3A_225 : i32
      %add3A_227 = arith.constant 768 : i32
      %add3A_228 = arith.addi %add3A_227, %mul3A_226 : i32
      %get3A_229 = arith.index_cast %add3A_228 : i32 to index
      %get3A_230 = tpu.vector_load %arg7[%get3A_229] {strides = array<i32>} : memref<4096xi32, #tpu.memory_space<vmem>>, vector<16xi32>,
      %add3A_231 = arith.addi %add3A_224, %get3A_230 : vector<16xi32>
      %mul3A_232 = arith.constant 16 : i32
      %mul3A_233 = arith.muli %scan3A_205, %mul3A_232 : i32
      %add3A_234 = arith.constant 1024 : i32
      %add3A_235 = arith.addi %add3A_234, %mul3A_233 : i32
      %get3A_236 = arith.index_cast %add3A_235 : i32 to index
      %get3A_237 = tpu.vector_load %arg7[%get3A_236] {strides = array<i32>} : memref<4096xi32, #tpu.memory_space<vmem>>, vector<16xi32>,
      %add3A_238 = arith.addi %add3A_231, %get3A_237 : vector<16xi32>
      %mul3A_239 = arith.constant 16 : i32
      %mul3A_240 = arith.muli %scan3A_205, %mul3A_239 : i32
      %add3A_241 = arith.constant 1280 : i32
      %add3A_242 = arith.addi %add3A_241, %mul3A_240 : i32
      %get3A_243 = arith.index_cast %add3A_242 : i32 to index
      %get3A_244 = tpu.vector_load %arg7[%get3A_243] {strides = array<i32>} : memref<4096xi32, #tpu.memory_space<vmem>>, vector<16xi32>,
      %add3A_245 = arith.addi %add3A_238, %get3A_244 : vector<16xi32>
      %mul3A_246 = arith.constant 16 : i32
      %mul3A_247 = arith.muli %scan3A_205, %mul3A_246 : i32
      %add3A_248 = arith.constant 1536 : i32
      %add3A_249 = arith.addi %add3A_248, %mul3A_247 : i32
      %get3A_250 = arith.index_cast %add3A_249 : i32 to index
      %get3A_251 = tpu.vector_load %arg7[%get3A_250] {strides = array<i32>} : memref<4096xi32, #tpu.memory_space<vmem>>, vector<16xi32>,
      %add3A_252 = arith.addi %add3A_245, %get3A_251 : vector<16xi32>
      %mul3A_253 = arith.constant 16 : i32
      %mul3A_254 = arith.muli %scan3A_205, %mul3A_253 : i32
      %add3A_255 = arith.constant 1792 : i32
      %add3A_256 = arith.addi %add3A_255, %mul3A_254 : i32
      %get3A_257 = arith.index_cast %add3A_256 : i32 to index
      %get3A_258 = tpu.vector_load %arg7[%get3A_257] {strides = array<i32>} : memref<4096xi32, #tpu.memory_space<vmem>>, vector<16xi32>,
      %add3A_259 = arith.addi %add3A_252, %get3A_258 : vector<16xi32>
      %mul3A_260 = arith.constant 16 : i32
      %mul3A_261 = arith.muli %scan3A_205, %mul3A_260 : i32
      %add3A_262 = arith.constant 2048 : i32
      %add3A_263 = arith.addi %add3A_262, %mul3A_261 : i32
      %get3A_264 = arith.index_cast %add3A_263 : i32 to index
      %get3A_265 = tpu.vector_load %arg7[%get3A_264] {strides = array<i32>} : memref<4096xi32, #tpu.memory_space<vmem>>, vector<16xi32>,
      %add3A_266 = arith.addi %add3A_259, %get3A_265 : vector<16xi32>
      %mul3A_267 = arith.constant 16 : i32
      %mul3A_268 = arith.muli %scan3A_205, %mul3A_267 : i32
      %add3A_269 = arith.constant 2304 : i32
      %add3A_270 = arith.addi %add3A_269, %mul3A_268 : i32
      %get3A_271 = arith.index_cast %add3A_270 : i32 to index
      %get3A_272 = tpu.vector_load %arg7[%get3A_271] {strides = array<i32>} : memref<4096xi32, #tpu.memory_space<vmem>>, vector<16xi32>,
      %add3A_273 = arith.addi %add3A_266, %get3A_272 : vector<16xi32>
      %mul3A_274 = arith.constant 16 : i32
      %mul3A_275 = arith.muli %scan3A_205, %mul3A_274 : i32
      %add3A_276 = arith.constant 2560 : i32
      %add3A_277 = arith.addi %add3A_276, %mul3A_275 : i32
      %get3A_278 = arith.index_cast %add3A_277 : i32 to index
      %get3A_279 = tpu.vector_load %arg7[%get3A_278] {strides = array<i32>} : memref<4096xi32, #tpu.memory_space<vmem>>, vector<16xi32>,
      %add3A_280 = arith.addi %add3A_273, %get3A_279 : vector<16xi32>
      %mul3A_281 = arith.constant 16 : i32
      %mul3A_282 = arith.muli %scan3A_205, %mul3A_281 : i32
      %add3A_283 = arith.constant 2816 : i32
      %add3A_284 = arith.addi %add3A_283, %mul3A_282 : i32
      %get3A_285 = arith.index_cast %add3A_284 : i32 to index
      %get3A_286 = tpu.vector_load %arg7[%get3A_285] {strides = array<i32>} : memref<4096xi32, #tpu.memory_space<vmem>>, vector<16xi32>,
      %add3A_287 = arith.addi %add3A_280, %get3A_286 : vector<16xi32>
      %mul3A_288 = arith.constant 16 : i32
      %mul3A_289 = arith.muli %scan3A_205, %mul3A_288 : i32
      %add3A_290 = arith.constant 3072 : i32
      %add3A_291 = arith.addi %add3A_290, %mul3A_289 : i32
      %get3A_292 = arith.index_cast %add3A_291 : i32 to index
      %get3A_293 = tpu.vector_load %arg7[%get3A_292] {strides = array<i32>} : memref<4096xi32, #tpu.memory_space<vmem>>, vector<16xi32>,
      %add3A_294 = arith.addi %add3A_287, %get3A_293 : vector<16xi32>
      %mul3A_295 = arith.constant 16 : i32
      %mul3A_296 = arith.muli %scan3A_205, %mul3A_295 : i32
      %add3A_297 = arith.constant 3328 : i32
      %add3A_298 = arith.addi %add3A_297, %mul3A_296 : i32
      %get3A_299 = arith.index_cast %add3A_298 : i32 to index
      %get3A_300 = tpu.vector_load %arg7[%get3A_299] {strides = array<i32>} : memref<4096xi32, #tpu.memory_space<vmem>>, vector<16xi32>,
      %add3A_301 = arith.addi %add3A_294, %get3A_300 : vector<16xi32>
      %mul3A_302 = arith.constant 16 : i32
      %mul3A_303 = arith.muli %scan3A_205, %mul3A_302 : i32
      %add3A_304 = arith.constant 3584 : i32
      %add3A_305 = arith.addi %add3A_304, %mul3A_303 : i32
      %get3A_306 = arith.index_cast %add3A_305 : i32 to index
      %get3A_307 = tpu.vector_load %arg7[%get3A_306] {strides = array<i32>} : memref<4096xi32, #tpu.memory_space<vmem>>, vector<16xi32>,
      %add3A_308 = arith.addi %add3A_301, %get3A_307 : vector<16xi32>
      %mul3A_309 = arith.constant 16 : i32
      %mul3A_310 = arith.muli %scan3A_205, %mul3A_309 : i32
      %add3A_311 = arith.constant 3840 : i32
      %add3A_312 = arith.addi %add3A_311, %mul3A_310 : i32
      %get3A_313 = arith.index_cast %add3A_312 : i32 to index
      %get3A_314 = tpu.vector_load %arg7[%get3A_313] {strides = array<i32>} : memref<4096xi32, #tpu.memory_space<vmem>>, vector<16xi32>,
      %add3A_315 = arith.addi %add3A_308, %get3A_314 : vector<16xi32>
      %mul3A_316 = arith.constant 16 : i32
      %mul3A_317 = arith.muli %scan3A_205, %mul3A_316 : i32
      %swap3A = arith.index_cast %mul3A_317 : i32 to index
      %swap3A_318 = tpu.vector_load %arg8[%swap3A] {strides = array<i32>} : memref<256xi32, #tpu.memory_space<vmem>>, vector<16xi32>,
      tpu.vector_store %arg8[%swap3A], %add3A_315 {strides = array<i32>} : memref<256xi32, #tpu.memory_space<vmem>>, vector<16xi32>,
      %scan3A_319 = arith.constant 0 : i32
      %scan3A_320 = arith.constant 1 : i32
      %scan3A_321 = arith.addi %scan3A_205, %scan3A_320 : i32
      %mul3A_322 = arith.constant 16 : i32
      %mul3A_323 = arith.muli %scan3A_321, %mul3A_322 : i32
      %get3A_324 = arith.index_cast %mul3A_323 : i32 to index
      %get3A_325 = tpu.vector_load %arg7[%get3A_324] {strides = array<i32>} : memref<4096xi32, #tpu.memory_space<vmem>>, vector<16xi32>,
      %mul3A_326 = arith.constant 16 : i32
      %mul3A_327 = arith.muli %scan3A_321, %mul3A_326 : i32
      %add3A_328 = arith.constant 256 : i32
      %add3A_329 = arith.addi %add3A_328, %mul3A_327 : i32
      %get3A_330 = arith.index_cast %add3A_329 : i32 to index
      %get3A_331 = tpu.vector_load %arg7[%get3A_330] {strides = array<i32>} : memref<4096xi32, #tpu.memory_space<vmem>>, vector<16xi32>,
      %add3A_332 = arith.addi %get3A_325, %get3A_331 : vector<16xi32>
      %mul3A_333 = arith.constant 16 : i32
      %mul3A_334 = arith.muli %scan3A_321, %mul3A_333 : i32
      %add3A_335 = arith.constant 512 : i32
      %add3A_336 = arith.addi %add3A_335, %mul3A_334 : i32
      %get3A_337 = arith.index_cast %add3A_336 : i32 to index
      %get3A_338 = tpu.vector_load %arg7[%get3A_337] {strides = array<i32>} : memref<4096xi32, #tpu.memory_space<vmem>>, vector<16xi32>,
      %add3A_339 = arith.addi %add3A_332, %get3A_338 : vector<16xi32>
      %mul3A_340 = arith.constant 16 : i32
      %mul3A_341 = arith.muli %scan3A_321, %mul3A_340 : i32
      %add3A_342 = arith.constant 768 : i32
      %add3A_343 = arith.addi %add3A_342, %mul3A_341 : i32
      %get3A_344 = arith.index_cast %add3A_343 : i32 to index
      %get3A_345 = tpu.vector_load %arg7[%get3A_344] {strides = array<i32>} : memref<4096xi32, #tpu.memory_space<vmem>>, vector<16xi32>,
      %add3A_346 = arith.addi %add3A_339, %get3A_345 : vector<16xi32>
      %mul3A_347 = arith.constant 16 : i32
      %mul3A_348 = arith.muli %scan3A_321, %mul3A_347 : i32
      %add3A_349 = arith.constant 1024 : i32
      %add3A_350 = arith.addi %add3A_349, %mul3A_348 : i32
      %get3A_351 = arith.index_cast %add3A_350 : i32 to index
      %get3A_352 = tpu.vector_load %arg7[%get3A_351] {strides = array<i32>} : memref<4096xi32, #tpu.memory_space<vmem>>, vector<16xi32>,
      %add3A_353 = arith.addi %add3A_346, %get3A_352 : vector<16xi32>
      %mul3A_354 = arith.constant 16 : i32
      %mul3A_355 = arith.muli %scan3A_321, %mul3A_354 : i32
      %add3A_356 = arith.constant 1280 : i32
      %add3A_357 = arith.addi %add3A_356, %mul3A_355 : i32
      %get3A_358 = arith.index_cast %add3A_357 : i32 to index
      %get3A_359 = tpu.vector_load %arg7[%get3A_358] {strides = array<i32>} : memref<4096xi32, #tpu.memory_space<vmem>>, vector<16xi32>,
      %add3A_360 = arith.addi %add3A_353, %get3A_359 : vector<16xi32>
      %mul3A_361 = arith.constant 16 : i32
      %mul3A_362 = arith.muli %scan3A_321, %mul3A_361 : i32
      %add3A_363 = arith.constant 1536 : i32
      %add3A_364 = arith.addi %add3A_363, %mul3A_362 : i32
      %get3A_365 = arith.index_cast %add3A_364 : i32 to index
      %get3A_366 = tpu.vector_load %arg7[%get3A_365] {strides = array<i32>} : memref<4096xi32, #tpu.memory_space<vmem>>, vector<16xi32>,
      %add3A_367 = arith.addi %add3A_360, %get3A_366 : vector<16xi32>
      %mul3A_368 = arith.constant 16 : i32
      %mul3A_369 = arith.muli %scan3A_321, %mul3A_368 : i32
      %add3A_370 = arith.constant 1792 : i32
      %add3A_371 = arith.addi %add3A_370, %mul3A_369 : i32
      %get3A_372 = arith.index_cast %add3A_371 : i32 to index
      %get3A_373 = tpu.vector_load %arg7[%get3A_372] {strides = array<i32>} : memref<4096xi32, #tpu.memory_space<vmem>>, vector<16xi32>,
      %add3A_374 = arith.addi %add3A_367, %get3A_373 : vector<16xi32>
      %mul3A_375 = arith.constant 16 : i32
      %mul3A_376 = arith.muli %scan3A_321, %mul3A_375 : i32
      %add3A_377 = arith.constant 2048 : i32
      %add3A_378 = arith.addi %add3A_377, %mul3A_376 : i32
      %get3A_379 = arith.index_cast %add3A_378 : i32 to index
      %get3A_380 = tpu.vector_load %arg7[%get3A_379] {strides = array<i32>} : memref<4096xi32, #tpu.memory_space<vmem>>, vector<16xi32>,
      %add3A_381 = arith.addi %add3A_374, %get3A_380 : vector<16xi32>
      %mul3A_382 = arith.constant 16 : i32
      %mul3A_383 = arith.muli %scan3A_321, %mul3A_382 : i32
      %add3A_384 = arith.constant 2304 : i32
      %add3A_385 = arith.addi %add3A_384, %mul3A_383 : i32
      %get3A_386 = arith.index_cast %add3A_385 : i32 to index
      %get3A_387 = tpu.vector_load %arg7[%get3A_386] {strides = array<i32>} : memref<4096xi32, #tpu.memory_space<vmem>>, vector<16xi32>,
      %add3A_388 = arith.addi %add3A_381, %get3A_387 : vector<16xi32>
      %mul3A_389 = arith.constant 16 : i32
      %mul3A_390 = arith.muli %scan3A_321, %mul3A_389 : i32
      %add3A_391 = arith.constant 2560 : i32
      %add3A_392 = arith.addi %add3A_391, %mul3A_390 : i32
      %get3A_393 = arith.index_cast %add3A_392 : i32 to index
      %get3A_394 = tpu.vector_load %arg7[%get3A_393] {strides = array<i32>} : memref<4096xi32, #tpu.memory_space<vmem>>, vector<16xi32>,
      %add3A_395 = arith.addi %add3A_388, %get3A_394 : vector<16xi32>
      %mul3A_396 = arith.constant 16 : i32
      %mul3A_397 = arith.muli %scan3A_321, %mul3A_396 : i32
      %add3A_398 = arith.constant 2816 : i32
      %add3A_399 = arith.addi %add3A_398, %mul3A_397 : i32
      %get3A_400 = arith.index_cast %add3A_399 : i32 to index
      %get3A_401 = tpu.vector_load %arg7[%get3A_400] {strides = array<i32>} : memref<4096xi32, #tpu.memory_space<vmem>>, vector<16xi32>,
      %add3A_402 = arith.addi %add3A_395, %get3A_401 : vector<16xi32>
      %mul3A_403 = arith.constant 16 : i32
      %mul3A_404 = arith.muli %scan3A_321, %mul3A_403 : i32
      %add3A_405 = arith.constant 3072 : i32
      %add3A_406 = arith.addi %add3A_405, %mul3A_404 : i32
      %get3A_407 = arith.index_cast %add3A_406 : i32 to index
      %get3A_408 = tpu.vector_load %arg7[%get3A_407] {strides = array<i32>} : memref<4096xi32, #tpu.memory_space<vmem>>, vector<16xi32>,
      %add3A_409 = arith.addi %add3A_402, %get3A_408 : vector<16xi32>
      %mul3A_410 = arith.constant 16 : i32
      %mul3A_411 = arith.muli %scan3A_321, %mul3A_410 : i32
      %add3A_412 = arith.constant 3328 : i32
      %add3A_413 = arith.addi %add3A_412, %mul3A_411 : i32
      %get3A_414 = arith.index_cast %add3A_413 : i32 to index
      %get3A_415 = tpu.vector_load %arg7[%get3A_414] {strides = array<i32>} : memref<4096xi32, #tpu.memory_space<vmem>>, vector<16xi32>,
      %add3A_416 = arith.addi %add3A_409, %get3A_415 : vector<16xi32>
      %mul3A_417 = arith.constant 16 : i32
      %mul3A_418 = arith.muli %scan3A_321, %mul3A_417 : i32
      %add3A_419 = arith.constant 3584 : i32
      %add3A_420 = arith.addi %add3A_419, %mul3A_418 : i32
      %get3A_421 = arith.index_cast %add3A_420 : i32 to index
      %get3A_422 = tpu.vector_load %arg7[%get3A_421] {strides = array<i32>} : memref<4096xi32, #tpu.memory_space<vmem>>, vector<16xi32>,
      %add3A_423 = arith.addi %add3A_416, %get3A_422 : vector<16xi32>
      %mul3A_424 = arith.constant 16 : i32
      %mul3A_425 = arith.muli %scan3A_321, %mul3A_424 : i32
      %add3A_426 = arith.constant 3840 : i32
      %add3A_427 = arith.addi %add3A_426, %mul3A_425 : i32
      %get3A_428 = arith.index_cast %add3A_427 : i32 to index
      %get3A_429 = tpu.vector_load %arg7[%get3A_428] {strides = array<i32>} : memref<4096xi32, #tpu.memory_space<vmem>>, vector<16xi32>,
      %add3A_430 = arith.addi %add3A_423, %get3A_429 : vector<16xi32>
      %mul3A_431 = arith.constant 16 : i32
      %mul3A_432 = arith.muli %scan3A_321, %mul3A_431 : i32
      %swap3A_433 = arith.index_cast %mul3A_432 : i32 to index
      %swap3A_434 = tpu.vector_load %arg8[%swap3A_433] {strides = array<i32>} : memref<256xi32, #tpu.memory_space<vmem>>, vector<16xi32>,
      tpu.vector_store %arg8[%swap3A_433], %add3A_430 {strides = array<i32>} : memref<256xi32, #tpu.memory_space<vmem>>, vector<16xi32>,
      %scan3A_435 = arith.constant 0 : i32
      %scan3A_436 = arith.constant 2 : i32
      %scan3A_437 = arith.addi %scan3A_205, %scan3A_436 : i32
      %mul3A_438 = arith.constant 16 : i32
      %mul3A_439 = arith.muli %scan3A_437, %mul3A_438 : i32
      %get3A_440 = arith.index_cast %mul3A_439 : i32 to index
      %get3A_441 = tpu.vector_load %arg7[%get3A_440] {strides = array<i32>} : memref<4096xi32, #tpu.memory_space<vmem>>, vector<16xi32>,
      %mul3A_442 = arith.constant 16 : i32
      %mul3A_443 = arith.muli %scan3A_437, %mul3A_442 : i32
      %add3A_444 = arith.constant 256 : i32
      %add3A_445 = arith.addi %add3A_444, %mul3A_443 : i32
      %get3A_446 = arith.index_cast %add3A_445 : i32 to index
      %get3A_447 = tpu.vector_load %arg7[%get3A_446] {strides = array<i32>} : memref<4096xi32, #tpu.memory_space<vmem>>, vector<16xi32>,
      %add3A_448 = arith.addi %get3A_441, %get3A_447 : vector<16xi32>
      %mul3A_449 = arith.constant 16 : i32
      %mul3A_450 = arith.muli %scan3A_437, %mul3A_449 : i32
      %add3A_451 = arith.constant 512 : i32
      %add3A_452 = arith.addi %add3A_451, %mul3A_450 : i32
      %get3A_453 = arith.index_cast %add3A_452 : i32 to index
      %get3A_454 = tpu.vector_load %arg7[%get3A_453] {strides = array<i32>} : memref<4096xi32, #tpu.memory_space<vmem>>, vector<16xi32>,
      %add3A_455 = arith.addi %add3A_448, %get3A_454 : vector<16xi32>
      %mul3A_456 = arith.constant 16 : i32
      %mul3A_457 = arith.muli %scan3A_437, %mul3A_456 : i32
      %add3A_458 = arith.constant 768 : i32
      %add3A_459 = arith.addi %add3A_458, %mul3A_457 : i32
      %get3A_460 = arith.index_cast %add3A_459 : i32 to index
      %get3A_461 = tpu.vector_load %arg7[%get3A_460] {strides = array<i32>} : memref<4096xi32, #tpu.memory_space<vmem>>, vector<16xi32>,
      %add3A_462 = arith.addi %add3A_455, %get3A_461 : vector<16xi32>
      %mul3A_463 = arith.constant 16 : i32
      %mul3A_464 = arith.muli %scan3A_437, %mul3A_463 : i32
      %add3A_465 = arith.constant 1024 : i32
      %add3A_466 = arith.addi %add3A_465, %mul3A_464 : i32
      %get3A_467 = arith.index_cast %add3A_466 : i32 to index
      %get3A_468 = tpu.vector_load %arg7[%get3A_467] {strides = array<i32>} : memref<4096xi32, #tpu.memory_space<vmem>>, vector<16xi32>,
      %add3A_469 = arith.addi %add3A_462, %get3A_468 : vector<16xi32>
      %mul3A_470 = arith.constant 16 : i32
      %mul3A_471 = arith.muli %scan3A_437, %mul3A_470 : i32
      %add3A_472 = arith.constant 1280 : i32
      %add3A_473 = arith.addi %add3A_472, %mul3A_471 : i32
      %get3A_474 = arith.index_cast %add3A_473 : i32 to index
      %get3A_475 = tpu.vector_load %arg7[%get3A_474] {strides = array<i32>} : memref<4096xi32, #tpu.memory_space<vmem>>, vector<16xi32>,
      %add3A_476 = arith.addi %add3A_469, %get3A_475 : vector<16xi32>
      %mul3A_477 = arith.constant 16 : i32
      %mul3A_478 = arith.muli %scan3A_437, %mul3A_477 : i32
      %add3A_479 = arith.constant 1536 : i32
      %add3A_480 = arith.addi %add3A_479, %mul3A_478 : i32
      %get3A_481 = arith.index_cast %add3A_480 : i32 to index
      %get3A_482 = tpu.vector_load %arg7[%get3A_481] {strides = array<i32>} : memref<4096xi32, #tpu.memory_space<vmem>>, vector<16xi32>,
      %add3A_483 = arith.addi %add3A_476, %get3A_482 : vector<16xi32>
      %mul3A_484 = arith.constant 16 : i32
      %mul3A_485 = arith.muli %scan3A_437, %mul3A_484 : i32
      %add3A_486 = arith.constant 1792 : i32
      %add3A_487 = arith.addi %add3A_486, %mul3A_485 : i32
      %get3A_488 = arith.index_cast %add3A_487 : i32 to index
      %get3A_489 = tpu.vector_load %arg7[%get3A_488] {strides = array<i32>} : memref<4096xi32, #tpu.memory_space<vmem>>, vector<16xi32>,
      %add3A_490 = arith.addi %add3A_483, %get3A_489 : vector<16xi32>
      %mul3A_491 = arith.constant 16 : i32
      %mul3A_492 = arith.muli %scan3A_437, %mul3A_491 : i32
      %add3A_493 = arith.constant 2048 : i32
      %add3A_494 = arith.addi %add3A_493, %mul3A_492 : i32
      %get3A_495 = arith.index_cast %add3A_494 : i32 to index
      %get3A_496 = tpu.vector_load %arg7[%get3A_495] {strides = array<i32>} : memref<4096xi32, #tpu.memory_space<vmem>>, vector<16xi32>,
      %add3A_497 = arith.addi %add3A_490, %get3A_496 : vector<16xi32>
      %mul3A_498 = arith.constant 16 : i32
      %mul3A_499 = arith.muli %scan3A_437, %mul3A_498 : i32
      %add3A_500 = arith.constant 2304 : i32
      %add3A_501 = arith.addi %add3A_500, %mul3A_499 : i32
      %get3A_502 = arith.index_cast %add3A_501 : i32 to index
      %get3A_503 = tpu.vector_load %arg7[%get3A_502] {strides = array<i32>} : memref<4096xi32, #tpu.memory_space<vmem>>, vector<16xi32>,
      %add3A_504 = arith.addi %add3A_497, %get3A_503 : vector<16xi32>
      %mul3A_505 = arith.constant 16 : i32
      %mul3A_506 = arith.muli %scan3A_437, %mul3A_505 : i32
      %add3A_507 = arith.constant 2560 : i32
      %add3A_508 = arith.addi %add3A_507, %mul3A_506 : i32
      %get3A_509 = arith.index_cast %add3A_508 : i32 to index
      %get3A_510 = tpu.vector_load %arg7[%get3A_509] {strides = array<i32>} : memref<4096xi32, #tpu.memory_space<vmem>>, vector<16xi32>,
      %add3A_511 = arith.addi %add3A_504, %get3A_510 : vector<16xi32>
      %mul3A_512 = arith.constant 16 : i32
      %mul3A_513 = arith.muli %scan3A_437, %mul3A_512 : i32
      %add3A_514 = arith.constant 2816 : i32
      %add3A_515 = arith.addi %add3A_514, %mul3A_513 : i32
      %get3A_516 = arith.index_cast %add3A_515 : i32 to index
      %get3A_517 = tpu.vector_load %arg7[%get3A_516] {strides = array<i32>} : memref<4096xi32, #tpu.memory_space<vmem>>, vector<16xi32>,
      %add3A_518 = arith.addi %add3A_511, %get3A_517 : vector<16xi32>
      %mul3A_519 = arith.constant 16 : i32
      %mul3A_520 = arith.muli %scan3A_437, %mul3A_519 : i32
      %add3A_521 = arith.constant 3072 : i32
      %add3A_522 = arith.addi %add3A_521, %mul3A_520 : i32
      %get3A_523 = arith.index_cast %add3A_522 : i32 to index
      %get3A_524 = tpu.vector_load %arg7[%get3A_523] {strides = array<i32>} : memref<4096xi32, #tpu.memory_space<vmem>>, vector<16xi32>,
      %add3A_525 = arith.addi %add3A_518, %get3A_524 : vector<16xi32>
      %mul3A_526 = arith.constant 16 : i32
      %mul3A_527 = arith.muli %scan3A_437, %mul3A_526 : i32
      %add3A_528 = arith.constant 3328 : i32
      %add3A_529 = arith.addi %add3A_528, %mul3A_527 : i32
      %get3A_530 = arith.index_cast %add3A_529 : i32 to index
      %get3A_531 = tpu.vector_load %arg7[%get3A_530] {strides = array<i32>} : memref<4096xi32, #tpu.memory_space<vmem>>, vector<16xi32>,
      %add3A_532 = arith.addi %add3A_525, %get3A_531 : vector<16xi32>
      %mul3A_533 = arith.constant 16 : i32
      %mul3A_534 = arith.muli %scan3A_437, %mul3A_533 : i32
      %add3A_535 = arith.constant 3584 : i32
      %add3A_536 = arith.addi %add3A_535, %mul3A_534 : i32
      %get3A_537 = arith.index_cast %add3A_536 : i32 to index
      %get3A_538 = tpu.vector_load %arg7[%get3A_537] {strides = array<i32>} : memref<4096xi32, #tpu.memory_space<vmem>>, vector<16xi32>,
      %add3A_539 = arith.addi %add3A_532, %get3A_538 : vector<16xi32>
      %mul3A_540 = arith.constant 16 : i32
      %mul3A_541 = arith.muli %scan3A_437, %mul3A_540 : i32
      %add3A_542 = arith.constant 3840 : i32
      %add3A_543 = arith.addi %add3A_542, %mul3A_541 : i32
      %get3A_544 = arith.index_cast %add3A_543 : i32 to index
      %get3A_545 = tpu.vector_load %arg7[%get3A_544] {strides = array<i32>} : memref<4096xi32, #tpu.memory_space<vmem>>, vector<16xi32>,
      %add3A_546 = arith.addi %add3A_539, %get3A_545 : vector<16xi32>
      %mul3A_547 = arith.constant 16 : i32
      %mul3A_548 = arith.muli %scan3A_437, %mul3A_547 : i32
      %swap3A_549 = arith.index_cast %mul3A_548 : i32 to index
      %swap3A_550 = tpu.vector_load %arg8[%swap3A_549] {strides = array<i32>} : memref<256xi32, #tpu.memory_space<vmem>>, vector<16xi32>,
      tpu.vector_store %arg8[%swap3A_549], %add3A_546 {strides = array<i32>} : memref<256xi32, #tpu.memory_space<vmem>>, vector<16xi32>,
      %scan3A_551 = arith.constant 0 : i32
      %scan3A_552 = arith.constant 3 : i32
      %scan3A_553 = arith.addi %scan3A_205, %scan3A_552 : i32
      %mul3A_554 = arith.constant 16 : i32
      %mul3A_555 = arith.muli %scan3A_553, %mul3A_554 : i32
      %get3A_556 = arith.index_cast %mul3A_555 : i32 to index
      %get3A_557 = tpu.vector_load %arg7[%get3A_556] {strides = array<i32>} : memref<4096xi32, #tpu.memory_space<vmem>>, vector<16xi32>,
      %mul3A_558 = arith.constant 16 : i32
      %mul3A_559 = arith.muli %scan3A_553, %mul3A_558 : i32
      %add3A_560 = arith.constant 256 : i32
      %add3A_561 = arith.addi %add3A_560, %mul3A_559 : i32
      %get3A_562 = arith.index_cast %add3A_561 : i32 to index
      %get3A_563 = tpu.vector_load %arg7[%get3A_562] {strides = array<i32>} : memref<4096xi32, #tpu.memory_space<vmem>>, vector<16xi32>,
      %add3A_564 = arith.addi %get3A_557, %get3A_563 : vector<16xi32>
      %mul3A_565 = arith.constant 16 : i32
      %mul3A_566 = arith.muli %scan3A_553, %mul3A_565 : i32
      %add3A_567 = arith.constant 512 : i32
      %add3A_568 = arith.addi %add3A_567, %mul3A_566 : i32
      %get3A_569 = arith.index_cast %add3A_568 : i32 to index
      %get3A_570 = tpu.vector_load %arg7[%get3A_569] {strides = array<i32>} : memref<4096xi32, #tpu.memory_space<vmem>>, vector<16xi32>,
      %add3A_571 = arith.addi %add3A_564, %get3A_570 : vector<16xi32>
      %mul3A_572 = arith.constant 16 : i32
      %mul3A_573 = arith.muli %scan3A_553, %mul3A_572 : i32
      %add3A_574 = arith.constant 768 : i32
      %add3A_575 = arith.addi %add3A_574, %mul3A_573 : i32
      %get3A_576 = arith.index_cast %add3A_575 : i32 to index
      %get3A_577 = tpu.vector_load %arg7[%get3A_576] {strides = array<i32>} : memref<4096xi32, #tpu.memory_space<vmem>>, vector<16xi32>,
      %add3A_578 = arith.addi %add3A_571, %get3A_577 : vector<16xi32>
      %mul3A_579 = arith.constant 16 : i32
      %mul3A_580 = arith.muli %scan3A_553, %mul3A_579 : i32
      %add3A_581 = arith.constant 1024 : i32
      %add3A_582 = arith.addi %add3A_581, %mul3A_580 : i32
      %get3A_583 = arith.index_cast %add3A_582 : i32 to index
      %get3A_584 = tpu.vector_load %arg7[%get3A_583] {strides = array<i32>} : memref<4096xi32, #tpu.memory_space<vmem>>, vector<16xi32>,
      %add3A_585 = arith.addi %add3A_578, %get3A_584 : vector<16xi32>
      %mul3A_586 = arith.constant 16 : i32
      %mul3A_587 = arith.muli %scan3A_553, %mul3A_586 : i32
      %add3A_588 = arith.constant 1280 : i32
      %add3A_589 = arith.addi %add3A_588, %mul3A_587 : i32
      %get3A_590 = arith.index_cast %add3A_589 : i32 to index
      %get3A_591 = tpu.vector_load %arg7[%get3A_590] {strides = array<i32>} : memref<4096xi32, #tpu.memory_space<vmem>>, vector<16xi32>,
      %add3A_592 = arith.addi %add3A_585, %get3A_591 : vector<16xi32>
      %mul3A_593 = arith.constant 16 : i32
      %mul3A_594 = arith.muli %scan3A_553, %mul3A_593 : i32
      %add3A_595 = arith.constant 1536 : i32
      %add3A_596 = arith.addi %add3A_595, %mul3A_594 : i32
      %get3A_597 = arith.index_cast %add3A_596 : i32 to index
      %get3A_598 = tpu.vector_load %arg7[%get3A_597] {strides = array<i32>} : memref<4096xi32, #tpu.memory_space<vmem>>, vector<16xi32>,
      %add3A_599 = arith.addi %add3A_592, %get3A_598 : vector<16xi32>
      %mul3A_600 = arith.constant 16 : i32
      %mul3A_601 = arith.muli %scan3A_553, %mul3A_600 : i32
      %add3A_602 = arith.constant 1792 : i32
      %add3A_603 = arith.addi %add3A_602, %mul3A_601 : i32
      %get3A_604 = arith.index_cast %add3A_603 : i32 to index
      %get3A_605 = tpu.vector_load %arg7[%get3A_604] {strides = array<i32>} : memref<4096xi32, #tpu.memory_space<vmem>>, vector<16xi32>,
      %add3A_606 = arith.addi %add3A_599, %get3A_605 : vector<16xi32>
      %mul3A_607 = arith.constant 16 : i32
      %mul3A_608 = arith.muli %scan3A_553, %mul3A_607 : i32
      %add3A_609 = arith.constant 2048 : i32
      %add3A_610 = arith.addi %add3A_609, %mul3A_608 : i32
      %get3A_611 = arith.index_cast %add3A_610 : i32 to index
      %get3A_612 = tpu.vector_load %arg7[%get3A_611] {strides = array<i32>} : memref<4096xi32, #tpu.memory_space<vmem>>, vector<16xi32>,
      %add3A_613 = arith.addi %add3A_606, %get3A_612 : vector<16xi32>
      %mul3A_614 = arith.constant 16 : i32
      %mul3A_615 = arith.muli %scan3A_553, %mul3A_614 : i32
      %add3A_616 = arith.constant 2304 : i32
      %add3A_617 = arith.addi %add3A_616, %mul3A_615 : i32
      %get3A_618 = arith.index_cast %add3A_617 : i32 to index
      %get3A_619 = tpu.vector_load %arg7[%get3A_618] {strides = array<i32>} : memref<4096xi32, #tpu.memory_space<vmem>>, vector<16xi32>,
      %add3A_620 = arith.addi %add3A_613, %get3A_619 : vector<16xi32>
      %mul3A_621 = arith.constant 16 : i32
      %mul3A_622 = arith.muli %scan3A_553, %mul3A_621 : i32
      %add3A_623 = arith.constant 2560 : i32
      %add3A_624 = arith.addi %add3A_623, %mul3A_622 : i32
      %get3A_625 = arith.index_cast %add3A_624 : i32 to index
      %get3A_626 = tpu.vector_load %arg7[%get3A_625] {strides = array<i32>} : memref<4096xi32, #tpu.memory_space<vmem>>, vector<16xi32>,
      %add3A_627 = arith.addi %add3A_620, %get3A_626 : vector<16xi32>
      %mul3A_628 = arith.constant 16 : i32
      %mul3A_629 = arith.muli %scan3A_553, %mul3A_628 : i32
      %add3A_630 = arith.constant 2816 : i32
      %add3A_631 = arith.addi %add3A_630, %mul3A_629 : i32
      %get3A_632 = arith.index_cast %add3A_631 : i32 to index
      %get3A_633 = tpu.vector_load %arg7[%get3A_632] {strides = array<i32>} : memref<4096xi32, #tpu.memory_space<vmem>>, vector<16xi32>,
      %add3A_634 = arith.addi %add3A_627, %get3A_633 : vector<16xi32>
      %mul3A_635 = arith.constant 16 : i32
      %mul3A_636 = arith.muli %scan3A_553, %mul3A_635 : i32
      %add3A_637 = arith.constant 3072 : i32
      %add3A_638 = arith.addi %add3A_637, %mul3A_636 : i32
      %get3A_639 = arith.index_cast %add3A_638 : i32 to index
      %get3A_640 = tpu.vector_load %arg7[%get3A_639] {strides = array<i32>} : memref<4096xi32, #tpu.memory_space<vmem>>, vector<16xi32>,
      %add3A_641 = arith.addi %add3A_634, %get3A_640 : vector<16xi32>
      %mul3A_642 = arith.constant 16 : i32
      %mul3A_643 = arith.muli %scan3A_553, %mul3A_642 : i32
      %add3A_644 = arith.constant 3328 : i32
      %add3A_645 = arith.addi %add3A_644, %mul3A_643 : i32
      %get3A_646 = arith.index_cast %add3A_645 : i32 to index
      %get3A_647 = tpu.vector_load %arg7[%get3A_646] {strides = array<i32>} : memref<4096xi32, #tpu.memory_space<vmem>>, vector<16xi32>,
      %add3A_648 = arith.addi %add3A_641, %get3A_647 : vector<16xi32>
      %mul3A_649 = arith.constant 16 : i32
      %mul3A_650 = arith.muli %scan3A_553, %mul3A_649 : i32
      %add3A_651 = arith.constant 3584 : i32
      %add3A_652 = arith.addi %add3A_651, %mul3A_650 : i32
      %get3A_653 = arith.index_cast %add3A_652 : i32 to index
      %get3A_654 = tpu.vector_load %arg7[%get3A_653] {strides = array<i32>} : memref<4096xi32, #tpu.memory_space<vmem>>, vector<16xi32>,
      %add3A_655 = arith.addi %add3A_648, %get3A_654 : vector<16xi32>
      %mul3A_656 = arith.constant 16 : i32
      %mul3A_657 = arith.muli %scan3A_553, %mul3A_656 : i32
      %add3A_658 = arith.constant 3840 : i32
      %add3A_659 = arith.addi %add3A_658, %mul3A_657 : i32
      %get3A_660 = arith.index_cast %add3A_659 : i32 to index
      %get3A_661 = tpu.vector_load %arg7[%get3A_660] {strides = array<i32>} : memref<4096xi32, #tpu.memory_space<vmem>>, vector<16xi32>,
      %add3A_662 = arith.addi %add3A_655, %get3A_661 : vector<16xi32>
      %mul3A_663 = arith.constant 16 : i32
      %mul3A_664 = arith.muli %scan3A_553, %mul3A_663 : i32
      %swap3A_665 = arith.index_cast %mul3A_664 : i32 to index
      %swap3A_666 = tpu.vector_load %arg8[%swap3A_665] {strides = array<i32>} : memref<256xi32, #tpu.memory_space<vmem>>, vector<16xi32>,
      tpu.vector_store %arg8[%swap3A_665], %add3A_662 {strides = array<i32>} : memref<256xi32, #tpu.memory_space<vmem>>, vector<16xi32>,
      %scan3A_667 = arith.constant 0 : i32
      scf.yield %scan3A_667 : i32
    }
    %scan3A_157 = arith.constant 16 : i32
    %run_scoped3A_158 = arith.constant 3 : i32
    "tpu.region"() ({
      %run_scoped3A_205 = tpu.sem_alloc : memref<!tpu.dma_semaphore, #tpu.memory_space<semaphore_mem>>
      %dma_start3A = arith.constant 0 : i32
      %dma_start3A_206 = tpu.memref_slice %arg10[%run_scoped3A_158, %arg1, %dma_start3A] : memref<4x16x256xi32, #tpu.memory_space<vmem_shared>> -> memref<1x1x256xi32, #tpu.memory_space<vmem_shared>>
      %dma_start3A_207 = tpu.memref_squeeze %dma_start3A_206 : memref<1x1x256xi32, #tpu.memory_space<vmem_shared>> -> memref<256xi32, #tpu.memory_space<vmem_shared>>
      %dma_start3A_208 = arith.constant 0 : i32
      %dma_start3A_209 = tpu.memref_slice %arg10[%run_scoped3A_158, %arg1, %dma_start3A_208] : memref<4x16x256xi32, #tpu.memory_space<vmem_shared>> -> memref<1x1x256xi32, #tpu.memory_space<vmem_shared>>
      %dma_start3A_210 = tpu.memref_squeeze %dma_start3A_209 : memref<1x1x256xi32, #tpu.memory_space<vmem_shared>> -> memref<256xi32, #tpu.memory_space<vmem_shared>>
      tpu.enqueue_dma source(%arg8 : memref<256xi32, #tpu.memory_space<vmem>>) target(%dma_start3A_210 : memref<256xi32, #tpu.memory_space<vmem_shared>>) target_semaphore(%run_scoped3A_205 : memref<!tpu.dma_semaphore, #tpu.memory_space<semaphore_mem>>)
      %dma_wait3A = arith.constant 0 : i32
      %dma_wait3A_211 = tpu.memref_slice %arg10[%run_scoped3A_158, %arg1, %dma_wait3A] : memref<4x16x256xi32, #tpu.memory_space<vmem_shared>> -> memref<1x1x256xi32, #tpu.memory_space<vmem_shared>>
      %dma_wait3A_212 = tpu.memref_squeeze %dma_wait3A_211 : memref<1x1x256xi32, #tpu.memory_space<vmem_shared>> -> memref<256xi32, #tpu.memory_space<vmem_shared>>
      %dma_wait3A_213 = arith.constant 0 : i32
      %dma_wait3A_214 = tpu.memref_slice %arg10[%run_scoped3A_158, %arg1, %dma_wait3A_213] : memref<4x16x256xi32, #tpu.memory_space<vmem_shared>> -> memref<1x1x256xi32, #tpu.memory_space<vmem_shared>>
      %dma_wait3A_215 = tpu.memref_squeeze %dma_wait3A_214 : memref<1x1x256xi32, #tpu.memory_space<vmem_shared>> -> memref<256xi32, #tpu.memory_space<vmem_shared>>
      tpu.wait_dma2 semaphore(%run_scoped3A_205 : memref<!tpu.dma_semaphore, #tpu.memory_space<semaphore_mem>>) src(%arg8 : memref<256xi32, #tpu.memory_space<vmem>>) dst(%dma_wait3A_215 : memref<256xi32, #tpu.memory_space<vmem_shared>>)
      tpu.yield
    }) : () -> ()
    %barrier3A_159 = arith.constant 0 : index
    tpu.barrier barrier_id(%barrier3A_159)
    %xor3A_160 = arith.constant 1 : i32
    %xor3A_161 = arith.xori %arg1, %xor3A_160 : i32
    %run_scoped3A_162 = arith.constant 3 : i32
    "tpu.region"() ({
      %run_scoped3A_205 = tpu.sem_alloc : memref<!tpu.dma_semaphore, #tpu.memory_space<semaphore_mem>>
      %dma_start3A = arith.constant 0 : i32
      %dma_start3A_206 = tpu.memref_slice %arg10[%run_scoped3A_162, %xor3A_161, %dma_start3A] : memref<4x16x256xi32, #tpu.memory_space<vmem_shared>> -> memref<1x1x256xi32, #tpu.memory_space<vmem_shared>>
      %dma_start3A_207 = tpu.memref_squeeze %dma_start3A_206 : memref<1x1x256xi32, #tpu.memory_space<vmem_shared>> -> memref<256xi32, #tpu.memory_space<vmem_shared>>
      %dma_start3A_208 = arith.constant 0 : i32
      %dma_start3A_209 = tpu.memref_slice %arg10[%run_scoped3A_162, %xor3A_161, %dma_start3A_208] : memref<4x16x256xi32, #tpu.memory_space<vmem_shared>> -> memref<1x1x256xi32, #tpu.memory_space<vmem_shared>>
      %dma_start3A_210 = tpu.memref_squeeze %dma_start3A_209 : memref<1x1x256xi32, #tpu.memory_space<vmem_shared>> -> memref<256xi32, #tpu.memory_space<vmem_shared>>
      tpu.enqueue_dma source(%dma_start3A_210 : memref<256xi32, #tpu.memory_space<vmem_shared>>) target(%arg9 : memref<256xi32, #tpu.memory_space<vmem>>) target_semaphore(%run_scoped3A_205 : memref<!tpu.dma_semaphore, #tpu.memory_space<semaphore_mem>>)
      %dma_wait3A = arith.constant 0 : i32
      %dma_wait3A_211 = tpu.memref_slice %arg10[%run_scoped3A_162, %xor3A_161, %dma_wait3A] : memref<4x16x256xi32, #tpu.memory_space<vmem_shared>> -> memref<1x1x256xi32, #tpu.memory_space<vmem_shared>>
      %dma_wait3A_212 = tpu.memref_squeeze %dma_wait3A_211 : memref<1x1x256xi32, #tpu.memory_space<vmem_shared>> -> memref<256xi32, #tpu.memory_space<vmem_shared>>
      %dma_wait3A_213 = arith.constant 0 : i32
      %dma_wait3A_214 = tpu.memref_slice %arg10[%run_scoped3A_162, %xor3A_161, %dma_wait3A_213] : memref<4x16x256xi32, #tpu.memory_space<vmem_shared>> -> memref<1x1x256xi32, #tpu.memory_space<vmem_shared>>
      %dma_wait3A_215 = tpu.memref_squeeze %dma_wait3A_214 : memref<1x1x256xi32, #tpu.memory_space<vmem_shared>> -> memref<256xi32, #tpu.memory_space<vmem_shared>>
      tpu.wait_dma2 semaphore(%run_scoped3A_205 : memref<!tpu.dma_semaphore, #tpu.memory_space<semaphore_mem>>) src(%dma_wait3A_215 : memref<256xi32, #tpu.memory_space<vmem_shared>>) dst(%arg9 : memref<256xi32, #tpu.memory_space<vmem>>)
      tpu.yield
    }) : () -> ()
    %scan3A_163 = arith.constant 0 : i32
    %scan3A_164 = arith.constant 0 : i32
    %scan3A_165 = arith.constant 0 : i32
    %scan3A_166 = arith.constant 0 : i32
    %scan3A_167 = arith.constant 16 : i32
    %scan3A_168 = arith.addi %scan3A_166, %scan3A_167 : i32
    %scan3A_169 = arith.constant 1 : i32
    %scan3A_170:3 = scf.for %scan3A_205 = %scan3A_166 to %scan3A_168 step %scan3A_169 iter_args(%scan3A_206 = %scan3A_163, %scan3A_207 = %scan3A_164, %scan3A_208 = %scan3A_165) -> (i32, i32, i32)  : i32 {
      %mul3A_209 = arith.constant 16 : i32
      %mul3A_210 = arith.muli %scan3A_205, %mul3A_209 : i32
      %get3A_211 = arith.index_cast %mul3A_210 : i32 to index
      %get3A_212 = tpu.vector_load %arg8[%get3A_211] {strides = array<i32>} : memref<256xi32, #tpu.memory_space<vmem>>, vector<16xi32>,
      %mul3A_213 = arith.constant 16 : i32
      %mul3A_214 = arith.muli %scan3A_205, %mul3A_213 : i32
      %get3A_215 = arith.index_cast %mul3A_214 : i32 to index
      %get3A_216 = tpu.vector_load %arg9[%get3A_215] {strides = array<i32>} : memref<256xi32, #tpu.memory_space<vmem>>, vector<16xi32>,
      %add3A_217 = arith.addi %get3A_212, %get3A_216 : vector<16xi32>
      %broadcast_in_dim3A_218 = arith.constant true
      %broadcast_in_dim3A_219 = vector.broadcast %broadcast_in_dim3A_218 : i1 to vector<16xi1>
      %masked_cumsum3A = tpu.scan <sum>, %add3A_217 masked %broadcast_in_dim3A_219 : vector<16xi32>, vector<16xi1> -> vector<16xi32>
      %add3A_220 = vector.broadcast %scan3A_208 : i32 to vector<16xi32>
      %add3A_221 = arith.addi %add3A_220, %masked_cumsum3A : vector<16xi32>
      %lt3A = vector.broadcast %sub3A_131 : i32 to vector<16xi32>
      %lt3A_222 = arith.cmpi slt, %add3A_221, %lt3A : vector<16xi32>
      %convert_element_type3A = arith.extui %lt3A_222 : vector<16xi1> to vector<16xi32>
      %reduce_sum3A_223 = arith.constant true
      %reduce_sum3A_224 = vector.broadcast %reduce_sum3A_223 : i1 to vector<16xi1>
      %reduce_sum3A_225 = tpu.scan <sum>, %convert_element_type3A masked %reduce_sum3A_224 : vector<16xi32>, vector<16xi1> -> vector<16xi32>
      %reduce_sum3A_226 = vector.extract %reduce_sum3A_225[15] : i32 from vector<16xi32>
      %add3A_227 = arith.addi %scan3A_206, %reduce_sum3A_226 : i32
      %jit3A_228 = arith.constant 0 : i32
      %broadcast_in_dim3A_229 = vector.broadcast %jit3A_228 : i32 to vector<16xi32>
      %select_n3A_230 = arith.select %lt3A_222, %add3A_217, %broadcast_in_dim3A_229 : vector<16xi1>, vector<16xi32>
      %reduce_sum3A_231 = arith.constant true
      %reduce_sum3A_232 = vector.broadcast %reduce_sum3A_231 : i1 to vector<16xi1>
      %reduce_sum3A_233 = tpu.scan <sum>, %select_n3A_230 masked %reduce_sum3A_232 : vector<16xi32>, vector<16xi1> -> vector<16xi32>
      %reduce_sum3A_234 = vector.extract %reduce_sum3A_233[15] : i32 from vector<16xi32>
      %add3A_235 = arith.addi %scan3A_207, %reduce_sum3A_234 : i32
      %reduce_sum3A_236 = arith.constant true
      %reduce_sum3A_237 = vector.broadcast %reduce_sum3A_236 : i1 to vector<16xi1>
      %reduce_sum3A_238 = tpu.scan <sum>, %add3A_217 masked %reduce_sum3A_237 : vector<16xi32>, vector<16xi1> -> vector<16xi32>
      %reduce_sum3A_239 = vector.extract %reduce_sum3A_238[15] : i32 from vector<16xi32>
      %add3A_240 = arith.addi %scan3A_208, %reduce_sum3A_239 : i32
      scf.yield %add3A_227, %add3A_235, %add3A_240 : i32, i32, i32
    }
    %scan3A_171 = arith.constant 16 : i32
    %shift_left3A_172 = arith.constant 8 : i32
    %shift_left3A_173 = arith.shli %or3A_130, %shift_left3A_172 : i32
    %or3A_174 = arith.ori %shift_left3A_173, %scan3A_170#0 : i32
    %sub3A_175 = arith.subi %sub3A_131, %scan3A_170#1 : i32
    %xor3A_176 = arith.constant -2147483648 : i32
    %xor3A_177 = arith.xori %or3A_174, %xor3A_176 : i32
    %shift_right_arithmetic3A_178 = arith.constant 4 : i32
    %shift_right_arithmetic3A_179 = arith.shrsi %scan3A_170#0, %shift_right_arithmetic3A_178 : i32
    %mul3A_180 = arith.constant 16 : i32
    %mul3A_181 = arith.muli %shift_right_arithmetic3A_179, %mul3A_180 : i32
    %get3A = arith.index_cast %mul3A_181 : i32 to index
    %get3A_182 = tpu.vector_load %arg9[%get3A] {strides = array<i32>} : memref<256xi32, #tpu.memory_space<vmem>>, vector<16xi32>,
    %and3A_183 = arith.constant 15 : i32
    %and3A_184 = arith.andi %scan3A_170#0, %and3A_183 : i32
    %eq3A = vector.broadcast %and3A_184 : i32 to vector<16xi32>
    %eq3A_185 = arith.cmpi eq, %iota3A, %eq3A : vector<16xi32>
    %jit3A = arith.constant 0 : i32
    %broadcast_in_dim3A_186 = vector.broadcast %jit3A : i32 to vector<16xi32>
    %select_n3A = arith.select %eq3A_185, %get3A_182, %broadcast_in_dim3A_186 : vector<16xi1>, vector<16xi32>
    %reduce_sum3A = arith.constant true
    %reduce_sum3A_187 = vector.broadcast %reduce_sum3A : i1 to vector<16xi1>
    %reduce_sum3A_188 = tpu.scan <sum>, %select_n3A masked %reduce_sum3A_187 : vector<16xi32>, vector<16xi1> -> vector<16xi32>
    %reduce_sum3A_189 = vector.extract %reduce_sum3A_188[15] : i32 from vector<16xi32>
    %eq3A_190 = arith.constant 1 : i32
    %eq3A_191 = arith.cmpi eq, %and3A_2, %eq3A_190 : i32
    %jit3A_192 = arith.constant 0 : i32
    %select_n3A_193 = arith.select %eq3A_191, %reduce_sum3A_189, %jit3A_192 : i32
    %while3A_194 = arith.constant 0 : i32
    %while3A_195 = arith.subi %shift_right_arithmetic3A_88, %while3A_194 : i32
    %while3A_196 = arith.addi %while3A_194, %while3A_195 : i32
    %while3A_197 = arith.constant 1 : i32
    %while3A_198 = arith.divsi %while3A_195, %while3A_197 : i32
    %while3A_199 = arith.muli %while3A_198, %while3A_197 : i32
    %while3A_200 = arith.addi %while3A_194, %while3A_199 : i32
    %while3A_201 = arith.constant 1 : i32
    %while3A_202 = scf.for %while3A_205 = %while3A_194 to %while3A_200 step %while3A_201 iter_args(%while3A_206 = %select_n3A_193) -> (i32)  : i32 {
      %mul3A_207 = arith.constant 16 : i32
      %mul3A_208 = arith.muli %while3A_205, %mul3A_207 : i32
      %add3A_209 = vector.broadcast %mul3A_208 : i32 to vector<16xi32>
      %add3A_210 = arith.addi %add3A_209, %iota3A : vector<16xi32>
      %lt3A = vector.broadcast %scan3A_58 : i32 to vector<16xi32>
      %lt3A_211 = arith.cmpi slt, %add3A_210, %lt3A : vector<16xi32>
      %mul3A_212 = arith.constant 16 : i32
      %mul3A_213 = arith.muli %while3A_205, %mul3A_212 : i32
      %get3A_214 = arith.index_cast %mul3A_213 : i32 to index
      %get3A_215 = tpu.vector_load %arg6[%get3A_214] {strides = array<i32>} : memref<25088xi32, #tpu.memory_space<vmem>>, vector<16xi32>,
      %jit3A_216 = arith.constant 0 : i32
      %broadcast_in_dim3A_217 = vector.broadcast %jit3A_216 : i32 to vector<16xi32>
      %select_n3A_218 = arith.select %lt3A_211, %get3A_215, %broadcast_in_dim3A_217 : vector<16xi1>, vector<16xi32>
      %gather3A = tpu.vector_load_idx %arg4[%select_n3A_218] : memref<25088xi32, #tpu.memory_space<vmem>>[vector<16xi32>], vector<16xi32>,
      %eq3A_219 = vector.broadcast %or3A_174 : i32 to vector<16xi32>
      %eq3A_220 = arith.cmpi eq, %gather3A, %eq3A_219 : vector<16xi32>
      %and3A_221 = arith.andi %eq3A_220, %lt3A_211 : vector<16xi1>
      %convert_element_type3A = arith.extui %and3A_221 : vector<16xi1> to vector<16xi32>
      %broadcast_in_dim3A_222 = arith.constant true
      %broadcast_in_dim3A_223 = vector.broadcast %broadcast_in_dim3A_222 : i1 to vector<16xi1>
      %masked_cumsum3A = tpu.scan <sum>, %convert_element_type3A masked %broadcast_in_dim3A_223 : vector<16xi32>, vector<16xi1> -> vector<16xi32>
      %add3A_224 = vector.broadcast %while3A_206 : i32 to vector<16xi32>
      %add3A_225 = arith.addi %masked_cumsum3A, %add3A_224 : vector<16xi32>
      %xor3A_226 = arith.constant -2147483648 : i32
      %xor3A_227 = vector.broadcast %xor3A_226 : i32 to vector<16xi32>
      %xor3A_228 = arith.xori %gather3A, %xor3A_227 : vector<16xi32>
      %lt3A_229 = vector.broadcast %xor3A_177 : i32 to vector<16xi32>
      %lt3A_230 = arith.cmpi slt, %xor3A_228, %lt3A_229 : vector<16xi32>
      %le3A = vector.broadcast %sub3A_175 : i32 to vector<16xi32>
      %le3A_231 = arith.cmpi sle, %add3A_225, %le3A : vector<16xi32>
      %and3A_232 = arith.andi %eq3A_220, %le3A_231 : vector<16xi1>
      %or3A_233 = arith.ori %lt3A_230, %and3A_232 : vector<16xi1>
      %jit3A_234 = arith.constant 0.000000e+00 : f32
      %jit3A_235 = arith.constant 1.000000e+00 : f32
      %broadcast_in_dim3A_236 = vector.broadcast %jit3A_234 : f32 to vector<16xf32>
      %broadcast_in_dim3A_237 = vector.broadcast %jit3A_235 : f32 to vector<16xf32>
      %select_n3A_238 = arith.select %or3A_233, %broadcast_in_dim3A_236, %broadcast_in_dim3A_237 : vector<16xi1>, vector<16xf32>
      tpu.vector_store_idx %arg5[%select_n3A_218], %select_n3A_238 masked %lt3A_211 : memref<25088xf32, #tpu.memory_space<vmem>>[vector<16xi32>], vector<16xf32>, vector<16xi1>
      %reduce_sum3A_239 = arith.constant true
      %reduce_sum3A_240 = vector.broadcast %reduce_sum3A_239 : i1 to vector<16xi1>
      %reduce_sum3A_241 = tpu.scan <sum>, %convert_element_type3A masked %reduce_sum3A_240 : vector<16xi32>, vector<16xi1> -> vector<16xi32>
      %reduce_sum3A_242 = vector.extract %reduce_sum3A_241[15] : i32 from vector<16xi32>
      %add3A_243 = arith.addi %while3A_206, %reduce_sum3A_242 : i32
      scf.yield %add3A_243 : i32
    }
    %while3A_203 = arith.constant 1 : i32
    %while3A_204 = scf.for %while3A_205 = %while3A_200 to %while3A_196 step %while3A_203 iter_args(%while3A_206 = %while3A_202) -> (i32)  : i32 {
      %mul3A_207 = arith.constant 16 : i32
      %mul3A_208 = arith.muli %while3A_205, %mul3A_207 : i32
      %add3A_209 = vector.broadcast %mul3A_208 : i32 to vector<16xi32>
      %add3A_210 = arith.addi %add3A_209, %iota3A : vector<16xi32>
      %lt3A = vector.broadcast %scan3A_58 : i32 to vector<16xi32>
      %lt3A_211 = arith.cmpi slt, %add3A_210, %lt3A : vector<16xi32>
      %mul3A_212 = arith.constant 16 : i32
      %mul3A_213 = arith.muli %while3A_205, %mul3A_212 : i32
      %get3A_214 = arith.index_cast %mul3A_213 : i32 to index
      %get3A_215 = tpu.vector_load %arg6[%get3A_214] {strides = array<i32>} : memref<25088xi32, #tpu.memory_space<vmem>>, vector<16xi32>,
      %jit3A_216 = arith.constant 0 : i32
      %broadcast_in_dim3A_217 = vector.broadcast %jit3A_216 : i32 to vector<16xi32>
      %select_n3A_218 = arith.select %lt3A_211, %get3A_215, %broadcast_in_dim3A_217 : vector<16xi1>, vector<16xi32>
      %gather3A = tpu.vector_load_idx %arg4[%select_n3A_218] : memref<25088xi32, #tpu.memory_space<vmem>>[vector<16xi32>], vector<16xi32>,
      %eq3A_219 = vector.broadcast %or3A_174 : i32 to vector<16xi32>
      %eq3A_220 = arith.cmpi eq, %gather3A, %eq3A_219 : vector<16xi32>
      %and3A_221 = arith.andi %eq3A_220, %lt3A_211 : vector<16xi1>
      %convert_element_type3A = arith.extui %and3A_221 : vector<16xi1> to vector<16xi32>
      %broadcast_in_dim3A_222 = arith.constant true
      %broadcast_in_dim3A_223 = vector.broadcast %broadcast_in_dim3A_222 : i1 to vector<16xi1>
      %masked_cumsum3A = tpu.scan <sum>, %convert_element_type3A masked %broadcast_in_dim3A_223 : vector<16xi32>, vector<16xi1> -> vector<16xi32>
      %add3A_224 = vector.broadcast %while3A_206 : i32 to vector<16xi32>
      %add3A_225 = arith.addi %masked_cumsum3A, %add3A_224 : vector<16xi32>
      %xor3A_226 = arith.constant -2147483648 : i32
      %xor3A_227 = vector.broadcast %xor3A_226 : i32 to vector<16xi32>
      %xor3A_228 = arith.xori %gather3A, %xor3A_227 : vector<16xi32>
      %lt3A_229 = vector.broadcast %xor3A_177 : i32 to vector<16xi32>
      %lt3A_230 = arith.cmpi slt, %xor3A_228, %lt3A_229 : vector<16xi32>
      %le3A = vector.broadcast %sub3A_175 : i32 to vector<16xi32>
      %le3A_231 = arith.cmpi sle, %add3A_225, %le3A : vector<16xi32>
      %and3A_232 = arith.andi %eq3A_220, %le3A_231 : vector<16xi1>
      %or3A_233 = arith.ori %lt3A_230, %and3A_232 : vector<16xi1>
      %jit3A_234 = arith.constant 0.000000e+00 : f32
      %jit3A_235 = arith.constant 1.000000e+00 : f32
      %broadcast_in_dim3A_236 = vector.broadcast %jit3A_234 : f32 to vector<16xf32>
      %broadcast_in_dim3A_237 = vector.broadcast %jit3A_235 : f32 to vector<16xf32>
      %select_n3A_238 = arith.select %or3A_233, %broadcast_in_dim3A_236, %broadcast_in_dim3A_237 : vector<16xi1>, vector<16xf32>
      tpu.vector_store_idx %arg5[%select_n3A_218], %select_n3A_238 masked %lt3A_211 : memref<25088xf32, #tpu.memory_space<vmem>>[vector<16xi32>], vector<16xf32>, vector<16xi1>
      %reduce_sum3A_239 = arith.constant true
      %reduce_sum3A_240 = vector.broadcast %reduce_sum3A_239 : i1 to vector<16xi1>
      %reduce_sum3A_241 = tpu.scan <sum>, %convert_element_type3A masked %reduce_sum3A_240 : vector<16xi32>, vector<16xi1> -> vector<16xi32>
      %reduce_sum3A_242 = vector.extract %reduce_sum3A_241[15] : i32 from vector<16xi32>
      %add3A_243 = arith.addi %while3A_206, %reduce_sum3A_242 : i32
      scf.yield %add3A_243 : i32
    }
    "tpu.region"() ({
      %run_scoped3A_205 = tpu.sem_alloc : memref<!tpu.dma_semaphore, #tpu.memory_space<semaphore_mem>>
      %dma_start3A = tpu.memref_slice %arg3[%add3A, %mul3A_4] : memref<16x50176xf32, #tpu.memory_space<hbm>> -> memref<1x25088xf32, #tpu.memory_space<hbm>>
      %dma_start3A_206 = tpu.memref_squeeze %dma_start3A : memref<1x25088xf32, #tpu.memory_space<hbm>> -> memref<25088xf32, #tpu.memory_space<hbm>>
      %dma_start3A_207 = tpu.memref_slice %arg3[%add3A, %mul3A_4] : memref<16x50176xf32, #tpu.memory_space<hbm>> -> memref<1x25088xf32, #tpu.memory_space<hbm>>
      %dma_start3A_208 = tpu.memref_squeeze %dma_start3A_207 : memref<1x25088xf32, #tpu.memory_space<hbm>> -> memref<25088xf32, #tpu.memory_space<hbm>>
      tpu.enqueue_dma source(%arg5 : memref<25088xf32, #tpu.memory_space<vmem>>) target(%dma_start3A_208 : memref<25088xf32, #tpu.memory_space<hbm>>) target_semaphore(%run_scoped3A_205 : memref<!tpu.dma_semaphore, #tpu.memory_space<semaphore_mem>>)
      %dma_wait3A = tpu.memref_slice %arg3[%add3A, %mul3A_4] : memref<16x50176xf32, #tpu.memory_space<hbm>> -> memref<1x25088xf32, #tpu.memory_space<hbm>>
      %dma_wait3A_209 = tpu.memref_squeeze %dma_wait3A : memref<1x25088xf32, #tpu.memory_space<hbm>> -> memref<25088xf32, #tpu.memory_space<hbm>>
      %dma_wait3A_210 = tpu.memref_slice %arg3[%add3A, %mul3A_4] : memref<16x50176xf32, #tpu.memory_space<hbm>> -> memref<1x25088xf32, #tpu.memory_space<hbm>>
      %dma_wait3A_211 = tpu.memref_squeeze %dma_wait3A_210 : memref<1x25088xf32, #tpu.memory_space<hbm>> -> memref<25088xf32, #tpu.memory_space<hbm>>
      tpu.wait_dma2 semaphore(%run_scoped3A_205 : memref<!tpu.dma_semaphore, #tpu.memory_space<semaphore_mem>>) src(%arg5 : memref<25088xf32, #tpu.memory_space<vmem>>) dst(%dma_wait3A_211 : memref<25088xf32, #tpu.memory_space<hbm>>)
      tpu.yield
    }) : () -> ()
    return
  }
}

</mosaic_0001>

<sc_bundles>
// kernel: kernel.3.cloned.1.call-start
scs
__scs_entry_jumppad:
0x0: {  	(pc) =	sbr.rel $0x88, $3  }
0x1: {  	(tag) =	ssettag $0x0;
	lr =	simm.s32 $0x1  }
0x2: {  	[smem:$0x3FA0] =	sst lr;
	_ =	strace $0xD0000000  }
0x3: {  	_ = 	snop  }
0x4: {  	_ = 	snop  }
0x5: {  	_ = 	snop  }
0x6: {  	_ = 	snop  }
0x7: {  	_ = 	snop  }
__scs_overlays_trampoline_lowered:
0x8: {  	[smem:$0x3FAF] =	sst s0  }
0x9: {  	[smem:$0x3FB0] =	sst s1  }
0xa: {  	[smem:$0x3FB1] =	sst s2  }
0xb: {  	[smem:$0x3FB2] =	sst s3  }
0xc: {  	[smem:$0x3FB3] =	sst s4  }
0xd: {  	[smem:$0x3FB4] =	sst s5  }
0xe: {  	[smem:$0x3FB5] =	sst s6  }
0xf: {  	[smem:$0x3FB6] =	sst s7  }
0x10: {  	[smem:$0x3FB7] =	sst s8  }
0x11: {  	[smem:$0x3FB8] =	sst s9;
	s0 =	simm.s32 @!p0 $0x0  }
0x12: {  	s1 =	sld [smem:$0x3F9E];
	s0 =	simm.s32 @p0 $0x1  }
0x13: {  	[smem:$0x3FB9] =	sst s0;
	s0 =	simm.s32 @!p1 $0x0  }
0x14: {  	s2 =	sld [smem:$0x3F9D];
	s0 =	simm.s32 @p1 $0x1  }
0x15: {  	[smem:$0x3FBA] =	sst s0;
	s0 =	simm.s32 @!p2 $0x0  }
0x16: {  	s3 =	sld [smem:$0x3FDB];
	s0 =	simm.s32 @p2 $0x1  }
0x17: {  	s4 =	simm.s32 $0x1BF5;
	[smem:$0x3FBC] =	sst s0  }
0x18: {  	s0 =	sld [smem:$0x3F9F];
	_ =	swait.ge [sflag:s4], $0x0  }
0x19: {  	s7 =	sld [smem:$0x3FA0]  }
0x1a: {  	s8 =	sadd.s32 $0xFFFFE003, lr  }
0x1b: {  	s9 =	sadd.s32 $0xFFFFFEF7, lr;
	s5 =	simm.s32 $0xFFFFFFFF;
	p2 =	slt.u32 s8, $0xFFFFF086  }
0x1c: {  	p1 =	slt.u32 s9, $0xF7A;
	s5 =	simm.s32 @!p2 $0x0  }
0x1d: {  	s5 =	simm.s32 @p1 $0x1;
	p0 =	seq.s32 s7, s2  }
0x1e: {  	s7 =	smul.u32 @!p0 $0xF7A, s2;
	p2 =	seq.s32 @!p0 s5, $0x0  }
0x1f: {  	s9 =	smul.u32 $0xF7A, s1;
	s8 =	simm.s32 @!p0 $0x1BF5;
	p2 =	por !p2, p0  }
0x20: {  	[sflag:s8] =	ssyncset.s32 @!p0 $0xFFFFF086;
	s6 =	sadd.s32 @!p0 s3, s7;
	s7 =	simm.s32 @!p0 $0x108  }
0x21: {  	s3 =	sadd.s32 s3, s9;
	s6 =	sadd.s32 @!p0 $0x88, s6;
	s7 =	simm.s32 @p2 $0x1082  }
0x22: {  	[simem:s7], [sflag:s8] =	dma.local @!p0 [hbm:s6], $0xF7A  }
0x23: {  	s9 =	sor.u32 $0xD0000000, s2;
	s6 =	simm.s32 $0x108;
	_ =	swait.ge @!p0 [sflag:s8], $0x0  }
0x24: {  	s3 =	sadd.s32 $0x88, s3;
	s6 =	simm.s32 @!p1 $0x1082;
	[sflag:s4] =	ssyncset.s32 $0xFFFFF086  }
0x25: {  	[simem:s6], [sflag:s4] =	dma.local [hbm:s3], $0xF7A  }
0x26: {  	[smem:$0x3FA0] =	sst s1;
	(tag) =	ssettag s2;
	_ =	strace s9  }
0x27: {  	s1 =	sld [smem:$0x3FB0]  }
0x28: {  	s2 =	sld [smem:$0x3FB1]  }
0x29: {  	s4 =	sld [smem:$0x3FB3]  }
0x2a: {  	p0 =	seq.s32 s5, $0x0;
	s5 =	sld [smem:$0x3FB4]  }
0x2b: {  	s6 =	sld [smem:$0x3FB5]  }
0x2c: {  	s7 =	sld [smem:$0x3FB6]  }
0x2d: {  	s3 =	simm.s32 $0x108;
	s8 =	sld [smem:$0x3FB7]  }
0x2e: {  	s3 =	simm.s32 @!p0 $0x1082;
	s9 =	sld [smem:$0x3FB8]  }
0x2f: {  	lr =	sadd.s32 s0, s3;
	s0 =	sld [smem:$0x3FAF]  }
0x30: {  	s3 =	sld [smem:$0x3FB2]  }
0x31: {  	[smem:$0x3FBB] =	sst s10  }
0x32: {  	s10 =	sld [smem:$0x3FB9];
	_ =	sdelay $0x3  }
0x33: {  	p0 =	seq.s32 s10, $0x1;
	s10 =	sld [smem:$0x3FBB];
	_ =	sdelay $0x3  }
0x34: {  	[smem:$0x3FBB] =	sst s10  }
0x35: {  	s10 =	sld [smem:$0x3FBA];
	_ =	sdelay $0x3  }
0x36: {  	p1 =	seq.s32 s10, $0x1;
	s10 =	sld [smem:$0x3FBB];
	_ =	sdelay $0x3  }
0x37: {  	[smem:$0x3FBB] =	sst s10  }
0x38: {  	s10 =	sld [smem:$0x3FBC]  }
0x39: {  	_ = 	snop;
	(pc) =	sbr.ind lr, $3  }
0x3a: {  	_ = 	snop  }
0x3b: {  	_ = 	snop  }
0x3c: {  	p2 =	seq.s32 s10, $0x1;
	s10 =	sld [smem:$0x3FBB]  }
0x3d: {  	_ =	shalt  }
0x3e: {  	_ =	shalt  }
0x3f: {  	_ =	shalt  }
0x40: {  	_ =	shalt  }
0x41: {  	_ =	shalt  }
0x42: {  	_ =	shalt  }
0x43: {  	_ =	shalt  }
0x44: {  	_ =	shalt  }
0x45: {  	_ =	shalt  }
0x46: {  	_ =	shalt  }
0x47: {  	_ =	shalt  }
0x48: {  	_ =	shalt  }
0x49: {  	_ =	shalt  }
0x4a: {  	_ =	shalt  }
0x4b: {  	_ =	shalt  }
0x4c: {  	_ =	shalt  }
0x4d: {  	_ =	shalt  }
0x4e: {  	_ =	shalt  }
0x4f: {  	_ =	shalt  }
0x50: {  	_ =	shalt  }
0x51: {  	_ =	shalt  }
0x52: {  	_ =	shalt  }
0x53: {  	_ =	shalt  }
0x54: {  	_ =	shalt  }
0x55: {  	_ =	shalt  }
0x56: {  	_ =	shalt  }
0x57: {  	_ =	shalt  }
0x58: {  	_ =	shalt  }
0x59: {  	_ =	shalt  }
0x5a: {  	_ =	shalt  }
0x5b: {  	_ =	shalt  }
0x5c: {  	_ =	shalt  }
0x5d: {  	_ =	shalt  }
0x5e: {  	_ =	shalt  }
0x5f: {  	_ =	shalt  }
0x60: {  	_ =	shalt  }
0x61: {  	_ =	shalt  }
0x62: {  	_ =	shalt  }
0x63: {  	_ =	shalt  }
0x64: {  	_ =	shalt  }
0x65: {  	_ =	shalt  }
0x66: {  	_ =	shalt  }
0x67: {  	_ =	shalt  }
0x68: {  	_ =	shalt  }
0x69: {  	_ =	shalt  }
0x6a: {  	_ =	shalt  }
0x6b: {  	_ =	shalt  }
0x6c: {  	_ =	shalt  }
0x6d: {  	_ =	shalt  }
0x6e: {  	_ =	shalt  }
0x6f: {  	_ =	shalt  }
0x70: {  	_ =	shalt  }
0x71: {  	_ =	shalt  }
0x72: {  	_ =	shalt  }
0x73: {  	_ =	shalt  }
0x74: {  	_ =	shalt  }
0x75: {  	_ =	shalt  }
0x76: {  	_ =	shalt  }
0x77: {  	_ =	shalt  }
0x78: {  	_ =	shalt  }
0x79: {  	_ =	shalt  }
0x7a: {  	_ =	shalt  }
0x7b: {  	_ =	shalt  }
0x7c: {  	_ =	shalt  }
0x7d: {  	_ =	shalt  }
0x7e: {  	_ =	shalt  }
0x7f: {  	_ =	shalt  }
0x80: {  	_ =	shalt  }
0x81: {  	_ =	shalt  }
0x82: {  	_ =	shalt  }
0x83: {  	_ =	shalt  }
0x84: {  	_ =	shalt  }
0x85: {  	_ =	shalt  }
0x86: {  	_ =	shalt  }
0x87: {  	_ =	shalt  }
.Lfunc_end0:
.L_simem_size_0:
called_computation_lowered:
.L_overlay_start_0:
0x88: {  	s2 =	sld [smem:$0x3FD9]  }
0x89: {  	s3 =	sld [smem:$0x3FFE];
	_ =	sdelay $0x1  }
0x8a: {  	s1 =	srdreg.scid  }
0x8b: {  	s0 =	sand.u32 $0x1, s1  }
0x8c: {  	s17 =	sshll.u32 s0, $0xA;
	s2 =	sadd.s32 s3, s2  }
0x8d: {  	s2 =	sadd.s32 s2, s17  }
0x8e: {  	[smem:$0x3FC7] =	sst s2  }
0x8f: {  	_ = 	snop  }
0x90: {  	s2 =	sld [smem:$0x3FD0];
	(tm) =	ssettm $0x1  }
0x91: {  	s18 =	sld [smem:$0x3FFB];
	_ =	sdelay $0x3  }
0x92: {  	_ =	strace s18  }
0x93: {  	s3 =	sld [smem:$0x3FFC];
	_ =	sdelay $0x3  }
0x94: {  	_ =	strace s3  }
0x95: {  	s3 =	sld [smem:$0x3FFD];
	_ =	sdelay $0x3  }
0x96: {  	_ =	strace s3  }
0x97: {  	_ =	strace $0x8FFFFFFF  }
0x98: {  	s19 =	sld [smem:$0x3FDB];
	_ =	sdelay $0x1  }
0x99: {  	s4 =	simm.s32 $_scs_section_size  }
0x9a: {  	s5 =	simm.s32 $_size__tile_overlayer_lowered;
	s6 =	simm.s32 $_tile_overlayer_lowered  }
0x9b: {  	s22 =	simm.s32 $0x1BFF;
	s21 =	sshll.u32 s6, $0x1;
	s3 =	sadd.s32 s4, s19  }
0x9c: {  	s7 =	simm.s32 $0x0;
	s20 =	sshll.u32 s5, $0x1;
	s5 =	sadd.s32 s21, s3  }
0x9d: {  	[timem:s7], [sflag:s22] =	dma.local [hbm:s5], s20  }
0x9e: {  	_ =	swait.ge [sflag:s22], s20  }
0x9f: {  	s4 =	ssub.s32 $0x0, s20;
	[sflag:s22] =	ssyncset.done $0x0  }
0xa0: {  	[sflag:s22] =	ssyncadd.s32 s4;
	_ =	sdelay $0x1  }
0xa1: {  	s23 =	simm.s32 $0x1B8B  }
0xa2: {  	_ =	swait.ge [sflag:s23], $0x1  }
0xa3: {  	[sflag:s23] =	ssyncset.done $0x0  }
0xa4: {  	s25 =	simm.s32 $0x1B8E;
	s24 =	sld [smem:$0x3FFE];
	[sflag:s23] =	ssyncadd.s32 $0xFFFFFFFF  }
0xa5: {  	s26 =	simm.s32 $execute0_lowered;
	[smem:$0x3FD2] =	sst s25  }
0xa6: {  	s5 =	sshll.u32 s26, $0x1;
	_ =	strace $0x80000046;
	[dreg:$0x1] =	wrdreg $0xFFFFFFFF  }
0xa7: {  	s28 =	simm.s32 $_size_execute0_lowered;
	s3 =	sadd.s32 s3, s5;
	[dreg:$0x0] =	wrdreg $0x0  }
0xa8: {  	s5 =	sshll.u32 s28, $0x1;
	[dreg:$0x2] =	wrdreg s3  }
0xa9: {  	[dreg:$0x3] =	wrdreg s5  }
0xaa: {  	[dreg:$0x4] =	wrdreg $0xC0  }
0xab: {  	_ =	task [dreg:s7], $0x5FFFF  }
0xac: {  	[dreg:$0x1] =	wrdreg $0xFFFFFFFF  }
0xad: {  	[dreg:$0x0] =	wrdreg $0x60  }
0xae: {  	[dreg:$0x2] =	wrdreg s2  }
0xaf: {  	[dreg:$0x3] =	wrdreg s24  }
0xb0: {  	[dreg:$0x4] =	wrdreg $0x138000  }
0xb1: {  	[dreg:$0x5] =	wrdreg $0x9  }
0xb2: {  	_ =	task.clear_ibuf [dreg:s7], $0x6FFFF;
	_ =	strace $0x90000046  }
0xb3: {  	s29 =	simm.s32 $0x9;
	_ =	strace $0x80000048  }
0xb4: {  	_ =	swait.ge [sflag:s29], $0x1  }
0xb5: {  	[sflag:s29] =	ssyncadd.s32 $0xFFFFFFFF  }
0xb6: {  	_ =	strace $0x90000048  }
0xb7: {  	_ =	sfence  }
0xb8: {  	s30 =	sld [smem:$0x0];
	_ =	sdelay $0x2  }
0xb9: {  	s31 =	sshll.u32 s1, $0xD;
	s1 =	sshrl.u32 s1, $0x2  }
0xba: {  	s3 =	sand.u32 $0x4000, s31;
	s1 =	sadd.s32 s1, s30  }
0xbb: {  	s0 =	sor.u32 s3, s0;
	s1 =	sshll.u32 s1, $0x11  }
0xbc: {  	s0 =	sor.u32 s1, s0  }
0xbd: {  	s0 =	sadd.s32 $0x8F2B, s0  }
0xbe: {  	[sflag:s0] =	ssyncadd.remote.s32 $0x1  }
0xbf: {  	_ =	sfence.sel $0xFFFF  }
0xc0: {  	[dreg:$0x0] =	wrdreg $0xFFFFFFFF;
	(pc) =	sbr.abs _section_cstart, $3  }
0xc1: {  	[dreg:$0x1] =	wrdreg $0xFFFFFFFF  }
0xc2: {  	_ =	task.clear_ibuf [dreg:s7], $0x2FFFF;
	_ =	strace $0x9FFFFFFF  }
0xc3: {  	(tm) =	ssettm $0x7FFFFFFF  }
tec
execute0_lowered:
.L_overlay_start_1:
0x0: {  	(tag) =	ssettag $0x1  }
0x1: {  	s1 =	rddreg [dreg:$0x0]  }
0x2: {  	s0 =	srdreg.scid;
	s3 =	rddreg [dreg:$0x1]  }
0x3: {  	s9 =	stileid.u32;
	s6 =	rddreg [dreg:$0x2]  }
0x4: {  	s2 =	simm.s32 $0x0;
	s14 =	simm.s32 $0x80;
	s15 =	simm.s32 $0x400  }
0x5: {  	s16 =	simm.s32 $0x1;
	s17 =	simm.s32 $0x12600;
	s18 =	simm.s32 $0x13600  }
0x6: {  	s19 =	simm.s32 $0x13700;
	s20 =	simm.s32 $0x6200;
	s21 =	simm.s32 $0x0  }
0x7: {  	s0 =	sand.u32 $0x1, s0;
	s4 =	sand.u32 $0x1, s9;
	s8 =	sshll.u32 s9, $0x6  }
0x8: {  	[smem:$0x7FF] =	sst s2;
	s23 =	sshll.u32 s9, $0x8;
	s5 =	smul.u32 $0x62000, s0  }
0x9: {  	s9 =	sshll.u32 s9, $0x7;
	s7 =	smul.u32 $0x31000, s4;
	s22 =	sand.u32 $0x380, s8  }
0xa: {  	_ =	strace $0x80000047;
	s0 =	ssub.s32 $0x2, s0;
	s10 =	sand.u32 $0x380, s9  }
0xb: {  	p0 =	seq.s32 s4, $0x0;
	s24 =	sshrl.u32 s0, $0x1;
	s26 =	sxor.u32 $0x80, s10  }
0xc: {  	s5 =	sadd.s32 s5, s7;
	s7 =	sand.u32 $0x800, s23;
	s0 =	ssub.s32 s0, s24  }
0xd: {  	s5 =	sor.u32 s22, s5;
	s25 =	sadd.s32 s7, s6;
	s13 =	smax.u32 s0, $0x1  }
0xe: {  	s0 =	simm.s32 @!p0 $0x0;
	s5 =	sshrl.u32 s5, $0x3;
	s28 =	sadd.s32 $0x1000, s25  }
0xf: {  	s6 =	sadd.s32 s10, s25;
	s29 =	sadd.s32 s26, s25;
	s31 =	sadd.s32 $0x2000, s25  }
0x10: {  	s11 =	sadd.s32 $0x3000, s25;
	s0 =	simm.s32 @p0 $0x1;
	[dreg:$0x5] =	wrdreg s6  }
.Ltmp0:
0x11: {  	s3 =	sadd.s32 s5, s3;
	[dreg:$0x6] =	wrdreg s29;
	(pc) =	sbr.rel .LBB2_1-.Ltmp0, $4  }
0x12: {  	s1 =	sadd.s32 s1, s5;
	s30 =	sadd.s32 s10, s28;
	[smem:$0x7FD] =	sst s0  }
0x13: {  	s5 =	sadd.s32 s26, s28;
	s8 =	sadd.s32 s10, s31;
	[dreg:$0x4] =	wrdreg s1  }
0x14: {  	v0 =	vimm.s32 $0x0;
	v1 =	vlaneseq.u32;
	s9 =	sadd.s32 s26, s31;
	s10 =	sadd.s32 s10, s11;
	[dreg:$0x7] =	wrdreg s30  }
0x15: {  	v3 =	vimm.s32 $0x1;
	v4 =	vimm.f32 $1.000000000e+00;
	v2 =	vmul.u32 $0x100, v1;
	s11 =	sadd.s32 s26, s11;
	[dreg:$0x8] =	wrdreg s5;
	s12 =	sadd.s32 $0x400, s3  }
.LBB2_91:
0x16: {  	s0 =	simm.s32 $0x0;
	s1 =	smov.u32 s23  }
.LBB2_95:
0x17: {  	s0 =	sadd.s32 @p0 $0x10, s0  }
0x18: {  	s24 =	smov.u32 @p0 s0  }
0x19: {  	v10 =	vor.u32 s24, v1  }
0x1a: {  	vm0 =	vlt.s32 v10, v5  }
0x1b: {  	v5 =	vnsel vm0, $0x0, v9;
	_ =	sdelay $0x4  }
0x1c: {  	v9 =	vld.idx.msk [tilespmem:v5+s2+$0x0], $0xffff;
	_ =	sdelay $0x4  }
0x1d: {  	vm1 =	veq.s32 v9, v8  }
0x1e: {  	vm2 =	vmand vm0, vm1  }
0x1f: {  	v63 =	vsel vm2, $0x1, v0  }
0x20: {  	(xrf0) =	vadd.scan.msk.s32 $0xffff, v63;
	_ =	sdelay $0x5  }
0x21: {  	v8, _, _ =	vpop (xrf0)  }
0x22: {  	(v2sf) =	vpush v8, $0xF;
	_ =	sdelay $0x6  }
0x23: {  	s0 =	spop @p0 (v2sf)  }
0x24: {  	s0 =	sadd.s32 @p0 s1, s0  }
0x25: {  	s23 =	smov.u32 @p0 s0  }
0x26: {  	v8 =	vadd.s32 s23, v8  }
0x27: {  	v9 =	vxor.u32 $0x80000000, v9;
	vm15 =	vle.s32 v8, v7  }
0x28: {  	vm3 =	vlt.s32 v9, v6;
	vm1 =	vmand vm1, vm15  }
0x29: {  	vm1 =	vmor vm3, vm1  }
0x2a: {  	v6 =	vsel vm1, $0x0, v4  }
0x2b: {  	[tilespmem:v5+s20+$0x0] =	vst.idx.msk vm0, v6;
	s31 =	spop (v2sf)  }
.LBB2_96:
0x2c: {  	s21 =	sadd.s32 $0x1, s21  }
0x2d: {  	p0 =	sne.s32 s21, s13  }
.Ltmp1:
0x2e: {  	_ = 	snop;
	(pc) =	sbr.rel @!p0 .LBB2_97-.Ltmp1, $4  }
0x2f: {  	[hbm4b:s12+s14] =	stream.strided.scatter [tilespmem:s20], [sflag:$0x1], $0x6200, s15, s14, $0x38;
	[tilespmem:$0x13C00] =	vst v63  }
0x30: {  	_ =	swait.ge [sflag:s16], $0x6200  }
0x31: {  	[sflag:s16] =	ssyncset.done $0x0  }
0x32: {  	[sflag:s16] =	ssyncadd.s32 $0xFFFF9E00  }
.LBB2_1:
0x33: {  	s0 =	rddreg [dreg:$0x4]  }
0x34: {  	[tilespmem:s2], [sflag:$0x1] =	stream.strided.gather [hbm4b:s0+s14], $0x6200, s15, s14, $0x38;
	[tilespmem:$0x13C00] =	vst v63  }
0x35: {  	_ =	swait.ge [sflag:s16], $0x6200  }
0x36: {  	[sflag:s16] =	ssyncset.done $0x0  }
0x37: {  	s0 =	simm.s32 $0x12640;
	[sflag:s16] =	ssyncadd.s32 $0xFFFF9E00  }
0x38: {  	[tilespmem:s0+$0xFFFFFFC0] =	vst v0  }
0x39: {  	[tilespmem:s0+$0x30] =	vst v0  }
0x3a: {  	[tilespmem:s0+$0x20] =	vst v0  }
0x3b: {  	[tilespmem:s0+$0x10] =	vst v0  }
0x3c: {  	[tilespmem:s0+$0x0] =	vst v0  }
0x3d: {  	[tilespmem:s0+$0xFFFFFFF0] =	vst v0  }
0x3e: {  	s1 =	simm.s32 $0x0;
	s25 =	simm.s32 $0x20;
	[tilespmem:s0+$0xFFFFFFE0] =	vst v0  }
.LBB2_2:
0x3f: {  	s1 =	sadd.s32 $0x8, s1;
	[tilespmem:s0+$0xFFFFFFD0] =	vst v0;
	s0 =	sadd.s32 $0x80, s0  }
0x40: {  	[tilespmem:s0+$0xFFFFFFC0] =	vst v0;
	p0 =	slt.u32 s1, $0xF8  }
0x41: {  	[tilespmem:s0+$0x30] =	vst v0  }
.Ltmp2:
0x42: {  	[tilespmem:s0+$0x20] =	vst v0;
	(pc) =	sbr.rel @p0 .LBB2_2-.Ltmp2, $4  }
0x43: {  	[tilespmem:s0+$0x10] =	vst v0  }
0x44: {  	[tilespmem:s0+$0x0] =	vst v0  }
0x45: {  	[tilespmem:s0+$0xFFFFFFF0] =	vst v0  }
0x46: {  	[tilespmem:s0+$0xFFFFFFE0] =	vst v0  }
0x47: {  	[tilespmem:s0+$0xFFFFFFD0] =	vst v0;
	s22 =	simm.s32 $0x0;
	s0 =	simm.s32 $0x0  }
.LBB2_4:
0x48: {  	v5 =	vld [tilespmem:s25+$0xFFFFFFE0];
	_ =	sdelay $0x4  }
0x49: {  	v6 =	vshra.s32 v5, $0x1F  }
0x4a: {  	v8 =	vmov s0;
	v7 =	vor.u32 $0x80000000, v6  }
0x4b: {  	v5 =	vxor.u32 v5, v7;
	v7 =	vshll.u32 v8, $0x8  }
0x4c: {  	v5 =	vsub.s32 v5, v6;
	v6 =	vadd.s32 v2, v7  }
0x4d: {  	v7 =	vshrl.u32 v5, $0x18;
	v6 =	vand.u32 $0xF80, v6  }
0x4e: {  	v6 =	vor.u32 v6, v7;
	_ =	sdelay $0x3  }
0x4f: {  	[tilespmem:s25+$0xFFFFFFE0] =	vst v5  }
0x50: {  	[tilespmem:v6+s17+$0x0] =	vst.idx.add.s32.msk $0xffff, v3  }
0x51: {  	v5 =	vld [tilespmem:s25+$0xFFFFFFF0];
	_ =	sdelay $0x4  }
0x52: {  	s1 =	sadd.s32 $0x1, s0;
	v6 =	vshra.s32 v5, $0x1F  }
0x53: {  	v61 =	vmov s1;
	v7 =	vor.u32 $0x80000000, v6  }
0x54: {  	v5 =	vxor.u32 v5, v7;
	v7 =	vshll.u32 v61, $0x8  }
0x55: {  	v5 =	vsub.s32 v5, v6;
	v6 =	vadd.s32 v2, v7  }
0x56: {  	v7 =	vshrl.u32 v5, $0x18;
	v6 =	vand.u32 $0xF80, v6  }
0x57: {  	v6 =	vor.u32 v6, v7;
	_ =	sdelay $0x3  }
0x58: {  	[tilespmem:s25+$0xFFFFFFF0] =	vst v5  }
0x59: {  	[tilespmem:v6+s17+$0x0] =	vst.idx.add.s32.msk $0xffff, v3  }
0x5a: {  	v5 =	vld [tilespmem:s25+$0x0];
	_ =	sdelay $0x4  }
0x5b: {  	s30 =	sadd.s32 $0x2, s0;
	v6 =	vshra.s32 v5, $0x1F  }
0x5c: {  	v62 =	vmov s30;
	v7 =	vor.u32 $0x80000000, v6  }
0x5d: {  	v5 =	vxor.u32 v5, v7;
	v7 =	vshll.u32 v62, $0x8  }
0x5e: {  	v5 =	vsub.s32 v5, v6;
	v6 =	vadd.s32 v2, v7  }
0x5f: {  	v7 =	vshrl.u32 v5, $0x18;
	v6 =	vand.u32 $0xF80, v6  }
0x60: {  	v6 =	vor.u32 v6, v7;
	_ =	sdelay $0x3  }
0x61: {  	[tilespmem:s25+$0x0] =	vst v5  }
0x62: {  	[tilespmem:v6+s17+$0x0] =	vst.idx.add.s32.msk $0xffff, v3  }
0x63: {  	v5 =	vld [tilespmem:s25+$0x10];
	_ =	sdelay $0x4  }
0x64: {  	s31 =	sadd.s32 $0x3, s0;
	v6 =	vshra.s32 v5, $0x1F  }
0x65: {  	v63 =	vmov s31;
	v7 =	vor.u32 $0x80000000, v6  }
0x66: {  	v5 =	vxor.u32 v5, v7;
	v7 =	vshll.u32 v63, $0x8  }
0x67: {  	v5 =	vsub.s32 v5, v6;
	v6 =	vadd.s32 v2, v7  }
0x68: {  	v7 =	vshrl.u32 v5, $0x18;
	v6 =	vand.u32 $0xF80, v6  }
0x69: {  	p0 =	slt.u32 s0, $0x61C;
	v6 =	vor.u32 v6, v7  }
.Ltmp3:
0x6a: {  	_ = 	snop;
	(pc) =	sbr.rel @p0 .LBB2_4-.Ltmp3, $3  }
0x6b: {  	_ =	sdelay $0x1  }
0x6c: {  	s0 =	sadd.s32 $0x4, s0;
	[tilespmem:s25+$0x10] =	vst v5  }
0x6d: {  	s24 =	simm.s32 $0x12E10;
	s23 =	simm.s32 $0x13620;
	s25 =	sadd.s32 $0x40, s25;
	[tilespmem:v6+s17+$0x0] =	vst.idx.add.s32.msk $0xffff, v3  }
0x6e: {  	s0 =	sand.u32 $0xC0, s22;
	v6 =	vld [tilespmem:s24+$0xFFFFF7F0]  }
0x6f: {  	v5 =	vld [tilespmem:s0+$0x12700]  }
0x70: {  	v7 =	vld [tilespmem:s0+$0x12800]  }
0x71: {  	v8 =	vld [tilespmem:s0+$0x12900]  }
0x72: {  	v9 =	vld [tilespmem:s0+$0x12A00]  }
0x73: {  	v10 =	vld [tilespmem:s0+$0x12B00]  }
0x74: {  	v5 =	vadd.s32 v6, v5;
	v6 =	vld [tilespmem:s0+$0x12C00]  }
0x75: {  	v5 =	vadd.s32 v7, v5;
	v7 =	vld [tilespmem:s0+$0x12D00]  }
0x76: {  	v5 =	vadd.s32 v8, v5;
	v8 =	vld [tilespmem:s0+$0x12E00]  }
0x77: {  	v5 =	vadd.s32 v9, v5;
	v9 =	vld [tilespmem:s0+$0x12F00]  }
0x78: {  	v5 =	vadd.s32 v10, v5;
	v10 =	vld [tilespmem:s0+$0x13000]  }
0x79: {  	v5 =	vadd.s32 v6, v5;
	v6 =	vld [tilespmem:s0+$0x13100]  }
0x7a: {  	v5 =	vadd.s32 v7, v5;
	v7 =	vld [tilespmem:s0+$0x13200]  }
0x7b: {  	v5 =	vadd.s32 v8, v5;
	v8 =	vld [tilespmem:s0+$0x13300]  }
0x7c: {  	v5 =	vadd.s32 v9, v5;
	v9 =	vld [tilespmem:s0+$0x13400]  }
0x7d: {  	v5 =	vadd.s32 v10, v5;
	v10 =	vld [tilespmem:s0+$0x13500]  }
0x7e: {  	v5 =	vadd.s32 v6, v5  }
0x7f: {  	v5 =	vadd.s32 v7, v5  }
0x80: {  	v5 =	vadd.s32 v8, v5  }
0x81: {  	v5 =	vadd.s32 v9, v5  }
0x82: {  	v5 =	vadd.s32 v10, v5  }
0x83: {  	[tilespmem:s23+$0xFFFFFFE0] =	vst v5  }
0x84: {  	v5 =	vld [tilespmem:s24+$0xFFFFF800]  }
0x85: {  	v6 =	vld [tilespmem:s24+$0xFFFFF900]  }
0x86: {  	v7 =	vld [tilespmem:s24+$0xFFFFFA00]  }
0x87: {  	v8 =	vld [tilespmem:s24+$0xFFFFFB00]  }
0x88: {  	v9 =	vld [tilespmem:s24+$0xFFFFFC00]  }
0x89: {  	v10 =	vld [tilespmem:s24+$0xFFFFFD00]  }
0x8a: {  	v5 =	vadd.s32 v5, v6;
	v6 =	vld [tilespmem:s24+$0xFFFFFE00]  }
0x8b: {  	v5 =	vadd.s32 v7, v5;
	v7 =	vld [tilespmem:s24+$0xFFFFFF00]  }
0x8c: {  	v5 =	vadd.s32 v8, v5;
	v8 =	vld [tilespmem:s24+$0x0]  }
0x8d: {  	v5 =	vadd.s32 v9, v5;
	v9 =	vld [tilespmem:s24+$0x100]  }
0x8e: {  	v5 =	vadd.s32 v10, v5;
	v10 =	vld [tilespmem:s24+$0x200]  }
0x8f: {  	v5 =	vadd.s32 v6, v5;
	v6 =	vld [tilespmem:s24+$0x300]  }
0x90: {  	v5 =	vadd.s32 v7, v5;
	v7 =	vld [tilespmem:s24+$0x400]  }
0x91: {  	v5 =	vadd.s32 v8, v5;
	v8 =	vld [tilespmem:s24+$0x500]  }
0x92: {  	v5 =	vadd.s32 v9, v5;
	v9 =	vld [tilespmem:s24+$0x600]  }
0x93: {  	v5 =	vadd.s32 v10, v5;
	v10 =	vld [tilespmem:s24+$0x700]  }
0x94: {  	v5 =	vadd.s32 v6, v5  }
0x95: {  	v5 =	vadd.s32 v7, v5  }
0x96: {  	v5 =	vadd.s32 v8, v5  }
0x97: {  	v5 =	vadd.s32 v9, v5  }
0x98: {  	v5 =	vadd.s32 v10, v5  }
0x99: {  	[tilespmem:s23+$0xFFFFFFF0] =	vst v5  }
0x9a: {  	v5 =	vld [tilespmem:s24+$0xFFFFF810]  }
0x9b: {  	v6 =	vld [tilespmem:s24+$0xFFFFF910]  }
0x9c: {  	v7 =	vld [tilespmem:s24+$0xFFFFFA10]  }
0x9d: {  	v8 =	vld [tilespmem:s24+$0xFFFFFB10]  }
0x9e: {  	v9 =	vld [tilespmem:s24+$0xFFFFFC10]  }
0x9f: {  	v10 =	vld [tilespmem:s24+$0xFFFFFD10]  }
0xa0: {  	v5 =	vadd.s32 v5, v6;
	v6 =	vld [tilespmem:s24+$0xFFFFFE10]  }
0xa1: {  	v5 =	vadd.s32 v7, v5;
	v7 =	vld [tilespmem:s24+$0xFFFFFF10]  }
0xa2: {  	v5 =	vadd.s32 v8, v5;
	v8 =	vld [tilespmem:s24+$0x10]  }
0xa3: {  	v5 =	vadd.s32 v9, v5;
	v9 =	vld [tilespmem:s24+$0x110]  }
0xa4: {  	v5 =	vadd.s32 v10, v5;
	v10 =	vld [tilespmem:s24+$0x210]  }
0xa5: {  	v5 =	vadd.s32 v6, v5;
	v6 =	vld [tilespmem:s24+$0x310]  }
0xa6: {  	v5 =	vadd.s32 v7, v5;
	v7 =	vld [tilespmem:s24+$0x410]  }
0xa7: {  	v5 =	vadd.s32 v8, v5;
	v8 =	vld [tilespmem:s24+$0x510]  }
0xa8: {  	v5 =	vadd.s32 v9, v5;
	v9 =	vld [tilespmem:s24+$0x610]  }
0xa9: {  	v5 =	vadd.s32 v10, v5;
	v10 =	vld [tilespmem:s24+$0x710]  }
0xaa: {  	v5 =	vadd.s32 v6, v5  }
0xab: {  	v5 =	vadd.s32 v7, v5  }
0xac: {  	v5 =	vadd.s32 v8, v5  }
0xad: {  	v5 =	vadd.s32 v9, v5  }
0xae: {  	v5 =	vadd.s32 v10, v5  }
0xaf: {  	[tilespmem:s23+$0x0] =	vst v5  }
0xb0: {  	v5 =	vld [tilespmem:s24+$0xFFFFF820]  }
0xb1: {  	v6 =	vld [tilespmem:s24+$0xFFFFF920]  }
0xb2: {  	v7 =	vld [tilespmem:s24+$0xFFFFFA20]  }
0xb3: {  	v8 =	vld [tilespmem:s24+$0xFFFFFB20]  }
0xb4: {  	v9 =	vld [tilespmem:s24+$0xFFFFFC20]  }
0xb5: {  	v10 =	vld [tilespmem:s24+$0xFFFFFD20]  }
0xb6: {  	v5 =	vadd.s32 v5, v6;
	v6 =	vld [tilespmem:s24+$0xFFFFFE20]  }
0xb7: {  	v5 =	vadd.s32 v7, v5;
	v7 =	vld [tilespmem:s24+$0xFFFFFF20]  }
0xb8: {  	v5 =	vadd.s32 v8, v5;
	v8 =	vld [tilespmem:s24+$0x20]  }
0xb9: {  	v5 =	vadd.s32 v9, v5;
	v9 =	vld [tilespmem:s24+$0x120]  }
0xba: {  	v5 =	vadd.s32 v10, v5;
	v10 =	vld [tilespmem:s24+$0x220]  }
0xbb: {  	v5 =	vadd.s32 v6, v5;
	v6 =	vld [tilespmem:s24+$0x320]  }
0xbc: {  	v7 =	vadd.s32 v7, v5;
	v5 =	vld [tilespmem:s24+$0x420]  }
0xbd: {  	v8 =	vadd.s32 v8, v7;
	v7 =	vld [tilespmem:s24+$0x520]  }
0xbe: {  	v9 =	vadd.s32 v9, v8;
	v8 =	vld [tilespmem:s24+$0x620]  }
0xbf: {  	s25 =	simm.s32 $0x0;
	s26 =	simm.s32 $0x13660;
	v10 =	vadd.s32 v10, v9;
	v9 =	vld [tilespmem:s24+$0x720]  }
.LBB2_6:
0xc0: {  	s25 =	sadd.s32 $0x4, s25;
	v6 =	vadd.s32 v6, v10;
	s24 =	sadd.s32 $0x40, s24;
	s22 =	sadd.s32 $0x40, s22  }
0xc1: {  	p0 =	slt.u32 s25, $0xC;
	v5 =	vadd.s32 v5, v6  }
0xc2: {  	v5 =	vadd.s32 v7, v5  }
0xc3: {  	v5 =	vadd.s32 v8, v5  }
0xc4: {  	v5 =	vadd.s32 v9, v5  }
0xc5: {  	s0 =	sand.u32 $0xC0, s22;
	[tilespmem:s23+$0x10] =	vst v5;
	s23 =	smov.u32 s26  }
0xc6: {  	v5 =	vld [tilespmem:s0+$0x12800]  }
0xc7: {  	v6 =	vld [tilespmem:s0+$0x12700]  }
0xc8: {  	v7 =	vld [tilespmem:s24+$0xFFFFF7F0];
	_ =	sdelay $0x1  }
0xc9: {  	v8 =	vld [tilespmem:s0+$0x12900]  }
0xca: {  	v9 =	vld [tilespmem:s0+$0x12A00]  }
0xcb: {  	v10 =	vld [tilespmem:s0+$0x12B00]  }
0xcc: {  	v6 =	vadd.s32 v7, v6;
	v7 =	vld [tilespmem:s0+$0x12C00]  }
0xcd: {  	v5 =	vadd.s32 v5, v6;
	v6 =	vld [tilespmem:s0+$0x12D00]  }
0xce: {  	v5 =	vadd.s32 v8, v5;
	v8 =	vld [tilespmem:s0+$0x12E00]  }
0xcf: {  	v5 =	vadd.s32 v9, v5;
	v9 =	vld [tilespmem:s0+$0x12F00]  }
0xd0: {  	v5 =	vadd.s32 v10, v5;
	v10 =	vld [tilespmem:s0+$0x13000]  }
0xd1: {  	v5 =	vadd.s32 v7, v5;
	v7 =	vld [tilespmem:s0+$0x13100]  }
0xd2: {  	v5 =	vadd.s32 v6, v5;
	v6 =	vld [tilespmem:s0+$0x13200]  }
0xd3: {  	v5 =	vadd.s32 v8, v5;
	v8 =	vld [tilespmem:s0+$0x13300]  }
0xd4: {  	v5 =	vadd.s32 v9, v5;
	v9 =	vld [tilespmem:s0+$0x13400]  }
0xd5: {  	v5 =	vadd.s32 v10, v5;
	v10 =	vld [tilespmem:s0+$0x13500]  }
0xd6: {  	v5 =	vadd.s32 v7, v5  }
0xd7: {  	v5 =	vadd.s32 v6, v5  }
0xd8: {  	v5 =	vadd.s32 v8, v5  }
0xd9: {  	v5 =	vadd.s32 v9, v5  }
0xda: {  	v5 =	vadd.s32 v10, v5  }
0xdb: {  	[tilespmem:s26+$0xFFFFFFE0] =	vst v5  }
0xdc: {  	v5 =	vld [tilespmem:s24+$0xFFFFF800]  }
0xdd: {  	v6 =	vld [tilespmem:s24+$0xFFFFF900]  }
0xde: {  	v7 =	vld [tilespmem:s24+$0xFFFFFA00]  }
0xdf: {  	v8 =	vld [tilespmem:s24+$0xFFFFFB00]  }
0xe0: {  	v9 =	vld [tilespmem:s24+$0xFFFFFC00]  }
0xe1: {  	v10 =	vld [tilespmem:s24+$0xFFFFFD00]  }
0xe2: {  	v5 =	vadd.s32 v5, v6;
	v6 =	vld [tilespmem:s24+$0xFFFFFE00]  }
0xe3: {  	v5 =	vadd.s32 v7, v5;
	v7 =	vld [tilespmem:s24+$0xFFFFFF00]  }
0xe4: {  	v5 =	vadd.s32 v8, v5;
	v8 =	vld [tilespmem:s24+$0x0]  }
0xe5: {  	v5 =	vadd.s32 v9, v5;
	v9 =	vld [tilespmem:s24+$0x100]  }
0xe6: {  	v5 =	vadd.s32 v10, v5;
	v10 =	vld [tilespmem:s24+$0x200]  }
0xe7: {  	v5 =	vadd.s32 v6, v5;
	v6 =	vld [tilespmem:s24+$0x300]  }
0xe8: {  	v5 =	vadd.s32 v7, v5;
	v7 =	vld [tilespmem:s24+$0x400]  }
0xe9: {  	v5 =	vadd.s32 v8, v5;
	v8 =	vld [tilespmem:s24+$0x500]  }
0xea: {  	v5 =	vadd.s32 v9, v5;
	v9 =	vld [tilespmem:s24+$0x600]  }
0xeb: {  	v5 =	vadd.s32 v10, v5;
	v10 =	vld [tilespmem:s24+$0x700]  }
0xec: {  	v5 =	vadd.s32 v6, v5  }
0xed: {  	v5 =	vadd.s32 v7, v5  }
0xee: {  	v5 =	vadd.s32 v8, v5  }
0xef: {  	v5 =	vadd.s32 v9, v5  }
0xf0: {  	v5 =	vadd.s32 v10, v5  }
0xf1: {  	[tilespmem:s26+$0xFFFFFFF0] =	vst v5  }
0xf2: {  	v5 =	vld [tilespmem:s24+$0xFFFFF810]  }
0xf3: {  	v6 =	vld [tilespmem:s24+$0xFFFFF910]  }
0xf4: {  	v7 =	vld [tilespmem:s24+$0xFFFFFA10]  }
0xf5: {  	v8 =	vld [tilespmem:s24+$0xFFFFFB10]  }
0xf6: {  	v9 =	vld [tilespmem:s24+$0xFFFFFC10]  }
0xf7: {  	v10 =	vld [tilespmem:s24+$0xFFFFFD10]  }
0xf8: {  	v5 =	vadd.s32 v5, v6;
	v6 =	vld [tilespmem:s24+$0xFFFFFE10]  }
0xf9: {  	v5 =	vadd.s32 v7, v5;
	v7 =	vld [tilespmem:s24+$0xFFFFFF10]  }
0xfa: {  	v5 =	vadd.s32 v8, v5;
	v8 =	vld [tilespmem:s24+$0x10]  }
0xfb: {  	v5 =	vadd.s32 v9, v5;
	v9 =	vld [tilespmem:s24+$0x110]  }
0xfc: {  	v5 =	vadd.s32 v10, v5;
	v10 =	vld [tilespmem:s24+$0x210]  }
0xfd: {  	v5 =	vadd.s32 v6, v5;
	v6 =	vld [tilespmem:s24+$0x310]  }
0xfe: {  	v5 =	vadd.s32 v7, v5;
	v7 =	vld [tilespmem:s24+$0x410]  }
0xff: {  	v5 =	vadd.s32 v8, v5;
	v8 =	vld [tilespmem:s24+$0x510]  }
0x100: {  	v5 =	vadd.s32 v9, v5;
	v9 =	vld [tilespmem:s24+$0x610]  }
0x101: {  	v5 =	vadd.s32 v10, v5;
	v10 =	vld [tilespmem:s24+$0x710]  }
0x102: {  	v5 =	vadd.s32 v6, v5  }
0x103: {  	v5 =	vadd.s32 v7, v5  }
0x104: {  	v5 =	vadd.s32 v8, v5  }
0x105: {  	v5 =	vadd.s32 v9, v5  }
0x106: {  	v5 =	vadd.s32 v10, v5  }
0x107: {  	[tilespmem:s26+$0x0] =	vst v5  }
0x108: {  	v5 =	vld [tilespmem:s24+$0xFFFFF820]  }
0x109: {  	v6 =	vld [tilespmem:s24+$0xFFFFF920]  }
0x10a: {  	v7 =	vld [tilespmem:s24+$0xFFFFFA20]  }
0x10b: {  	v8 =	vld [tilespmem:s24+$0xFFFFFB20]  }
0x10c: {  	v9 =	vld [tilespmem:s24+$0xFFFFFC20]  }
0x10d: {  	v10 =	vld [tilespmem:s24+$0xFFFFFD20]  }
0x10e: {  	v5 =	vadd.s32 v5, v6;
	v6 =	vld [tilespmem:s24+$0xFFFFFE20]  }
0x10f: {  	v5 =	vadd.s32 v7, v5;
	v7 =	vld [tilespmem:s24+$0xFFFFFF20]  }
0x110: {  	v5 =	vadd.s32 v8, v5;
	v8 =	vld [tilespmem:s24+$0x20]  }
0x111: {  	v5 =	vadd.s32 v9, v5;
	v9 =	vld [tilespmem:s24+$0x120]  }
0x112: {  	v5 =	vadd.s32 v10, v5;
	v10 =	vld [tilespmem:s24+$0x220]  }
.Ltmp4:
0x113: {  	v5 =	vadd.s32 v6, v5;
	v6 =	vld [tilespmem:s24+$0x320];
	(pc) =	sbr.rel @p0 .LBB2_6-.Ltmp4, $4  }
0x114: {  	v7 =	vadd.s32 v7, v5;
	v5 =	vld [tilespmem:s24+$0x420]  }
0x115: {  	v8 =	vadd.s32 v8, v7;
	v7 =	vld [tilespmem:s24+$0x520]  }
0x116: {  	v9 =	vadd.s32 v9, v8;
	v8 =	vld [tilespmem:s24+$0x620]  }
0x117: {  	s26 =	sadd.s32 $0x40, s26;
	v10 =	vadd.s32 v10, v9;
	v9 =	vld [tilespmem:s24+$0x720]  }
0x118: {  	v6 =	vadd.s32 v6, v10  }
0x119: {  	v5 =	vadd.s32 v5, v6  }
0x11a: {  	v5 =	vadd.s32 v7, v5  }
0x11b: {  	v5 =	vadd.s32 v8, v5  }
0x11c: {  	v5 =	vadd.s32 v9, v5  }
0x11d: {  	s0 =	rddreg [dreg:$0x5];
	[tilespmem:s23+$0x10] =	vst v5  }
0x11e: {  	[spmem:s0] =	stream.strided.scatter [tilespmem:s18], [sflag:$0x1], $0x100, s15, s14, $0x38;
	[tilespmem:$0x13C00] =	vst v63  }
0x11f: {  	p0 =	por $0x0, $0x0;
	s31 =	simm.s32 $0x0;
	_ =	swait.ge [sflag:s16], $0x100  }
0x120: {  	p1 =	por $0x0, $0x0;
	p2 =	por $0x0, $0x0;
	[sflag:s16] =	ssyncset.done $0x0  }
0x121: {  	p3 =	por $0x0, $0x0;
	p4 =	por $0x0, $0x0;
	[sflag:s16] =	ssyncadd.s32 $0xFFFFFF00  }
0x122: {  	p6 =	por $0x0, $0x0;
	p5 =	por $0x0, $0x0;
	[bflag:$0x0] =	sbarrier.arrive $0xFFFF  }
0x123: {  	s1 =	simm.s32 @!p1 $0x0;
	s0 =	simm.s32 @!p6 $0x0;
	s30 =	rddreg [dreg:$0x6]  }
0x124: {  	[tilespmem:s19], [sflag:$0x1] =	stream.strided.gather [spmem:s30], $0x100, s15, s14, $0x38;
	[tilespmem:$0x13C00] =	vst v63  }
0x125: {  	s1 =	simm.s32 @p1 $0x1;
	s0 =	simm.s32 @p6 $0x1;
	_ =	swait.ge [sflag:s16], $0x100  }
0x126: {  	p6 =	por $0x0, $0x0;
	[sflag:s16] =	ssyncset.done $0x0;
	[smem:$0x7F6] =	sst s1  }
0x127: {  	s1 =	simm.s32 @!p2 $0x0;
	[smem:$0x7FA] =	sst s0;
	s0 =	simm.s32 @!p5 $0x0  }
0x128: {  	[sflag:s16] =	ssyncadd.s32 $0xFFFFFF00;
	s1 =	simm.s32 @p2 $0x1;
	s0 =	simm.s32 @p5 $0x1  }
.Ltmp5:
0x129: {  	[smem:$0x7F7] =	sst s1;
	s1 =	simm.s32 @!p3 $0x0;
	(pc) =	sbr.rel @p0 .LBB2_8-.Ltmp5, $4  }
0x12a: {  	[smem:$0x7FB] =	sst s0;
	s0 =	simm.s32 @!p6 $0x0;
	s1 =	simm.s32 @p3 $0x1  }
0x12b: {  	s0 =	simm.s32 @p6 $0x1;
	[smem:$0x7F8] =	sst s1;
	s1 =	simm.s32 @!p4 $0x0  }
0x12c: {  	v7 =	vld [tilespmem:s31+$0x13600];
	[smem:$0x7FC] =	sst s0;
	s1 =	simm.s32 @p4 $0x1  }
0x12d: {  	s22 =	simm.s32 $0x0;
	v5 =	vld [tilespmem:s31+$0x13700];
	[smem:$0x7F9] =	sst s1  }
0x12e: {  	p0 =	por $0x0, $0x0  }
.Ltmp6:
0x12f: {  	_ = 	snop;
	(pc) =	sbr.rel @p0 .LBB2_10-.Ltmp6, $4  }
0x130: {  	_ = 	snop  }
0x131: {  	s0 =	simm.s32 $0x10  }
0x132: {  	v6 =	vld [tilespmem:s0+$0x13600];
	v13 =	vadd.s32 v7, v5  }
0x133: {  	v5 =	vld [tilespmem:s0+$0x13700];
	(xrf0) =	vadd.scan.msk.s32 $0xffff, v13  }
0x134: {  	p0 =	por $0x0, $0x0  }
.Ltmp7:
0x135: {  	_ = 	snop;
	(pc) =	sbr.rel @p0 .LBB2_12-.Ltmp7, $4  }
0x136: {  	_ = 	snop  }
0x137: {  	s0 =	simm.s32 $0x20  }
0x138: {  	v7 =	vld [tilespmem:s0+$0x13600];
	v6 =	vadd.s32 v6, v5  }
0x139: {  	v5 =	vld [tilespmem:s0+$0x13700];
	(xrf0) =	vadd.scan.msk.s32 $0xffff, v6;
	v23, _, _ =	vpop (xrf0)  }
0x13a: {  	_ = 	snop  }
0x13b: {  	p0 =	por $0x0, $0x0  }
.Ltmp8:
0x13c: {  	s0 =	simm.s32 $0x30;
	(pc) =	sbr.rel @p0 .LBB2_14-.Ltmp8, $4  }
0x13d: {  	p2 =	por $0x1, $0x1;
	v8 =	vld [tilespmem:s0+$0x13600]  }
0x13e: {  	v11 =	vadd.s32 v7, v5;
	v5 =	vld [tilespmem:s0+$0x13700];
	s0 =	simm.s32 @!p2 $0x0  }
0x13f: {  	s0 =	simm.s32 @p2 $0x1  }
0x140: {  	(v2sf) =	vpush v23, $0xF;
	(xrf0) =	vadd.scan.msk.s32 $0xffff, v11;
	v12, _, _ =	vpop (xrf0);
	[smem:$0x7F7] =	sst s0  }
0x141: {  	p0 =	por $0x1, $0x1  }
0x142: {  	s0 =	simm.s32 @!p0 $0x0  }
0x143: {  	s0 =	simm.s32 @p0 $0x1;
	p0 =	por $0x0, $0x0  }
.Ltmp9:
0x144: {  	_ = 	snop;
	(pc) =	sbr.rel @p0 .LBB2_16-.Ltmp9, $4  }
0x145: {  	p3 =	por $0x1, $0x1  }
0x146: {  	s31 =	simm.s32 $0x40;
	[smem:$0x7F6] =	sst s0;
	s0 =	simm.s32 @!p3 $0x0  }
0x147: {  	v7 =	vld [tilespmem:s31+$0x13600];
	v8 =	vadd.s32 v8, v5;
	s0 =	simm.s32 @p3 $0x1  }
0x148: {  	(v2sf) =	vpush v12, $0xF;
	v17 =	vadd.s32 s22, v23;
	v5 =	vld [tilespmem:s31+$0x13700];
	(xrf0) =	vadd.scan.msk.s32 $0xffff, v8;
	v19, _, _ =	vpop (xrf0);
	[smem:$0x7F8] =	sst s0  }
0x149: {  	_ =	sdelay $0x2  }
0x14a: {  	p0 =	por $0x0, $0x0  }
.Ltmp10:
0x14b: {  	vm0 =	vlt.s32 v17, $0x3100;
	s0 =	simm.s32 $0x50;
	(pc) =	sbr.rel @p0 .LBB2_18-.Ltmp10, $4  }
0x14c: {  	p4 =	por $0x1, $0x1;
	v9 =	vsel vm0, $0x1, v0;
	v20 =	vld [tilespmem:s0+$0x13600]  }
0x14d: {  	v10 =	vnsel vm0, $0x0, v13;
	(xrf0) =	vadd.scan.msk.s32 $0xffff, v9;
	v14 =	vadd.s32 v7, v5;
	v5 =	vld [tilespmem:s0+$0x13700];
	s0 =	simm.s32 @!p4 $0x0;
	s1 =	spop (v2sf)  }
0x14e: {  	(xrf0) =	vadd.scan.msk.s32 $0xffff, v10;
	s0 =	simm.s32 @p4 $0x1;
	s24 =	sadd.s32 $0x0, s1  }
0x14f: {  	(v2sf) =	vpush v19, $0xF;
	(xrf0) =	vadd.scan.msk.s32 $0xffff, v14;
	v15, _, _ =	vpop (xrf0);
	[smem:$0x7F9] =	sst s0;
	v12 =	vadd.s32 s24, v12  }
0x150: {  	vm0 =	vlt.s32 v12, $0x3100  }
0x151: {  	v7 =	vsel vm0, $0x1, v0  }
0x152: {  	v9 =	vnsel vm0, $0x0, v6;
	_ =	sdelay $0x1  }
0x153: {  	(v2sf) =	vpush v15, $0xF;
	(xrf0) =	vadd.scan.msk.s32 $0xffff, v7;
	v7, _, _ =	vpop (xrf0)  }
0x154: {  	(xrf0) =	vadd.scan.msk.s32 $0xffff, v9;
	(v2sf) =	vpush v7, $0xF;
	v9, _, _ =	vpop (xrf0)  }
0x155: {  	(v2sf) =	vpush v9, $0xF;
	_ =	sdelay $0x6  }
0x156: {  	p0 =	por $0x0, $0x0  }
.Ltmp11:
0x157: {  	s0 =	simm.s32 $0x60;
	(pc) =	sbr.rel @p0 .LBB2_20-.Ltmp11, $4  }
0x158: {  	p6 =	por $0x1, $0x1;
	v20 =	vadd.s32 v20, v5;
	v5 =	vld [tilespmem:s0+$0x13700]  }
0x159: {  	s1 =	spop (v2sf);
	v7 =	vld [tilespmem:s0+$0x13600];
	s0 =	simm.s32 @!p6 $0x0  }
0x15a: {  	s24 =	sadd.s32 s24, s1;
	s0 =	simm.s32 @p6 $0x1  }
0x15b: {  	(xrf0) =	vadd.scan.msk.s32 $0xffff, v20;
	v21, _, _ =	vpop (xrf0);
	v19 =	vadd.s32 s24, v19;
	[smem:$0x7FA] =	sst s0  }
0x15c: {  	vm0 =	vlt.s32 v19, $0x3100  }
0x15d: {  	v9 =	vsel vm0, $0x1, v0  }
0x15e: {  	v10 =	vnsel vm0, $0x0, v11;
	_ =	sdelay $0x1  }
0x15f: {  	(v2sf) =	vpush v21, $0xF;
	(xrf0) =	vadd.scan.msk.s32 $0xffff, v9;
	v9, _, _ =	vpop (xrf0)  }
0x160: {  	(xrf0) =	vadd.scan.msk.s32 $0xffff, v10;
	(v2sf) =	vpush v9, $0xF;
	v10, _, _ =	vpop (xrf0)  }
0x161: {  	(v2sf) =	vpush v10, $0xF;
	_ =	sdelay $0x2  }
0x162: {  	p0 =	por $0x0, $0x0  }
.Ltmp12:
0x163: {  	s0 =	simm.s32 $0x70;
	(pc) =	sbr.rel @p0 .LBB2_22-.Ltmp12, $4  }
0x164: {  	p5 =	por $0x1, $0x1;
	v23 =	vld [tilespmem:s0+$0x13600]  }
0x165: {  	s1 =	spop (v2sf);
	v9 =	vadd.s32 v7, v5;
	v5 =	vld [tilespmem:s0+$0x13700];
	s0 =	simm.s32 @!p5 $0x0  }
0x166: {  	s24 =	sadd.s32 s24, s1;
	s0 =	simm.s32 @p5 $0x1  }
0x167: {  	p2 =	por $0x1, $0x1;
	v22 =	vadd.s32 s24, v15;
	(xrf0) =	vadd.scan.msk.s32 $0xffff, v9;
	v24, _, _ =	vpop (xrf0);
	[smem:$0x7FB] =	sst s0  }
0x168: {  	vm0 =	vlt.s32 v22, $0x3100  }
0x169: {  	v7 =	vsel vm0, $0x1, v0  }
0x16a: {  	v10 =	vnsel vm0, $0x0, v8;
	_ =	sdelay $0x1  }
0x16b: {  	(v2sf) =	vpush v24, $0xF;
	(xrf0) =	vadd.scan.msk.s32 $0xffff, v7;
	v7, _, _ =	vpop (xrf0)  }
0x16c: {  	(xrf0) =	vadd.scan.msk.s32 $0xffff, v10;
	(v2sf) =	vpush v7, $0xF;
	v10, _, _ =	vpop (xrf0)  }
0x16d: {  	(v2sf) =	vpush v10, $0xF;
	_ =	sdelay $0x2  }
0x16e: {  	p0 =	por $0x0, $0x0  }
.Ltmp13:
0x16f: {  	s1 =	simm.s32 $0x80;
	(pc) =	sbr.rel @p0 .LBB2_24-.Ltmp13, $4  }
0x170: {  	p6 =	por $0x1, $0x1;
	v25 =	vadd.s32 v23, v5;
	v5 =	vld [tilespmem:s1+$0x13700]  }
0x171: {  	s3 =	spop (v2sf);
	v7 =	vld [tilespmem:s1+$0x13600];
	s1 =	simm.s32 @!p6 $0x0  }
0x172: {  	s0 =	simm.s32 $0x240;
	v16 =	vmov v14;
	s24 =	sadd.s32 s24, s3;
	s1 =	simm.s32 @p6 $0x1  }
0x173: {  	s23 =	simm.s32 $0x0;
	v18 =	vmov v20;
	s25 =	simm.s32 $0x0;
	v17 =	vadd.s32 s24, v21;
	v23 =	vmov v24;
	(xrf0) =	vadd.scan.msk.s32 $0xffff, v25;
	v10, _, _ =	vpop (xrf0);
	[smem:$0x7FC] =	sst s1  }
.LBB2_25:
0x174: {  	p0 =	seq.s32 s0, $0x3C0  }
0x175: {  	(v2sf) =	vpush v10, $0xF;
	vm0 =	vlt.s32 v17, $0x3100;
	s1 =	spop (v2sf);
	s3 =	smov.u32 s0;
	s0 =	sadd.s32 $0x40, s0  }
.Ltmp14:
0x176: {  	v26 =	vsel vm0, $0x1, v0;
	v17 =	vnsel vm0, $0x0, v16;
	s23 =	sadd.s32 s23, s1;
	s1 =	spop (v2sf);
	v16 =	vmovc v18;
	v18 =	vmovc v9;
	v9 =	vmov v25;
	(pc) =	sbr.rel @!p0 .LBB2_25-.Ltmp14, $4  }
0x177: {  	(xrf0) =	vadd.scan.msk.s32 $0xffff, v26;
	v13, _, _ =	vpop (xrf0);
	s25 =	sadd.s32 s25, s1  }
0x178: {  	s1 =	sshra.s32 s3, $0x2;
	(xrf0) =	vadd.scan.msk.s32 $0xffff, v17;
	s3 =	spop (v2sf);
	(v2sf) =	vpush v13, $0xF;
	v13, _, _ =	vpop (xrf0)  }
0x179: {  	v25 =	vadd.s32 v7, v5;
	v7 =	vld [tilespmem:s1+$0x13600];
	s24 =	sadd.s32 s24, s3;
	(v2sf) =	vpush v13, $0xF  }
0x17a: {  	v5 =	vld [tilespmem:s1+$0x13700];
	(xrf0) =	vadd.scan.msk.s32 $0xffff, v25;
	v17 =	vadd.s32 s24, v23;
	v23 =	vmov v10;
	v10, _, _ =	vpop (xrf0)  }
0x17b: {  	v13 =	vmov v9;
	v9 =	vmov v25  }
.LBB2_27:
0x17c: {  	s0 =	sld [smem:$0x7F9]  }
0x17d: {  	s3 =	sld [smem:$0x7F6];
	_ =	sdelay $0x2  }
0x17e: {  	p4 =	seq.s32 s0, $0x1;
	p1 =	seq.s32 s3, $0x1  }
0x17f: {  	v25, _, _ =	vpop @p4 (xrf0);
	(v2sf) =	vpush @p1 v10, $0xF  }
0x180: {  	s4 =	sld [smem:$0x7FC];
	v26, _, _ =	vpop @p4 (xrf0)  }
0x181: {  	s5 =	sld [smem:$0x7F8];
	(v2sf) =	vpush @p4 v25, $0xF;
	v25, _, _ =	vpop @p2 (xrf0)  }
0x182: {  	s3 =	sld [smem:$0x7FB];
	(v2sf) =	vpush @p4 v26, $0xF;
	v24 =	vpsel p2, v25, v24  }
0x183: {  	p6 =	seq.s32 s4, $0x1;
	(v2sf) =	vpush @p2 v24, $0xF  }
0x184: {  	s1 =	simm.s32 $0x0;
	s6 =	sld [smem:$0x7F7];
	s29 =	spop @p6 (v2sf)  }
0x185: {  	p3 =	seq.s32 s5, $0x1;
	s26 =	spop @p6 (v2sf);
	p0 =	seq.s32 s3, $0x1  }
0x186: {  	s7 =	sld [smem:$0x7FA];
	vm0 =	vlt.s32 @p3 v17, $0x3100;
	s0 =	spop @p3 (v2sf);
	s3 =	simm.s32 @!p0 $0x0  }
0x187: {  	v17 =	vsel @p3 vm0, $0x1, v0;
	s0 =	sadd.s32 @p3 s24, s0;
	s24 =	spop @p0 (v2sf);
	s3 =	simm.s32 @p0 $0x1  }
0x188: {  	v16 =	vnsel @p3 vm0, $0x0, v16;
	(xrf0) =	vadd.scan.msk.s32 @p3 $0xffff, v17;
	s1 =	smov.u32 @p3 s0;
	s28 =	spop @p0 (v2sf);
	p0 =	seq.s32 s6, $0x1  }
0x189: {  	(xrf0) =	vadd.scan.msk.s32 @p3 $0xffff, v16;
	v16 =	vadd.s32 @p0 s1, v23  }
0x18a: {  	v5 =	vadd.s32 v7, v5;
	p5 =	seq.s32 s7, $0x1;
	v7 =	vmov @p1 v10;
	s0 =	spop @p0 (v2sf);
	v10 =	vpsel p0, v16, v22  }
0x18b: {  	[smem:$0x7FB] =	sst s3;
	v17 =	vmov @p0 v18;
	s3 =	simm.s32 $0x0;
	s0 =	sadd.s32 @p0 s1, s0;
	vm0 =	vlt.s32 @p0 v10, $0x3100  }
0x18c: {  	v7 =	vpsel p1, v7, v21;
	v16 =	vpsel p0, v17, v8;
	s1 =	spop @p5 (v2sf);
	s3 =	smov.u32 @p0 s0;
	v10 =	vsel @p0 vm0, $0x1, v0  }
0x18d: {  	s0 =	spop @p5 (v2sf);
	v7 =	vadd.s32 @p1 s3, v7  }
0x18e: {  	(xrf0) =	vadd.scan.msk.s32 $0xffff, v5;
	v7 =	vpsel p1, v7, v19;
	s4 =	spop @p1 (v2sf)  }
0x18f: {  	s5 =	simm.s32 $0x0;
	v13 =	vpsel p1, v13, v14;
	v14 =	vnsel @p0 vm0, $0x0, v16;
	(xrf0) =	vadd.scan.msk.s32 @p0 $0xffff, v10;
	v16 =	vmov @p2 v24;
	v10, _, _ =	vpop @p3 (xrf0);
	s4 =	sadd.s32 @p1 s3, s4  }
0x190: {  	v9 =	vpsel p2, v9, v20;
	(v2sf) =	vpush @p3 v10, $0xF;
	v10 =	vpsel p2, v16, v15;
	s3 =	spop @p4 (v2sf);
	s5 =	smov.u32 @p1 s4  }
0x191: {  	vm0 =	vlt.s32 @p1 v7, $0x3100;
	(xrf0) =	vadd.scan.msk.s32 @p0 $0xffff, v14;
	v7 =	vmovc @p2 v9;
	v9 =	vpsel p1, v13, v11;
	s4 =	spop @p4 (v2sf);
	v10 =	vadd.s32 @p2 s5, v10  }
0x192: {  	v7 =	vpsel p2, v7, v8;
	v8 =	vnsel @p1 vm0, $0x0, v9;
	s30 =	spop @p2 (v2sf);
	v9 =	vpsel p2, v10, v12  }
0x193: {  	v11 =	vsel @p1 vm0, $0x1, v0;
	v13, _, _ =	vpop @p3 (xrf0);
	s5 =	sadd.s32 @p2 s5, s30;
	s30 =	simm.s32 $0x0;
	vm0 =	vlt.s32 @p2 v9, $0x3100  }
0x194: {  	(xrf0) =	vadd.scan.msk.s32 @p1 $0xffff, v11;
	v62, _, _ =	vpop (xrf0);
	v6 =	vpsel p2, v7, v6;
	s30 =	smov.u32 @p2 s5;
	v7 =	vsel @p2 vm0, $0x1, v0  }
0x195: {  	(v2sf) =	vpush @p3 v13, $0xF;
	(xrf0) =	vadd.scan.msk.s32 @p1 $0xffff, v8;
	v63 =	vadd.s32 s30, v62  }
0x196: {  	v6 =	vnsel @p2 vm0, $0x0, v6;
	v9, _, _ =	vpop @p0 (xrf0);
	(xrf0) =	vadd.scan.msk.s32 @p2 $0xffff, v7;
	vm15 =	vlt.s32 v63, $0x3100  }
0x197: {  	(v2sf) =	vpush v62, $0xF;
	v7, _, _ =	vpop @p0 (xrf0);
	(xrf0) =	vadd.scan.msk.s32 @p2 $0xffff, v6;
	v6 =	vsel vm15, $0x1, v0  }
0x198: {  	(v2sf) =	vpush @p0 v9, $0xF;
	v5 =	vnsel vm15, $0x0, v5  }
0x199: {  	s6 =	sld [smem:$0x7FB];
	(v2sf) =	vpush @p0 v7, $0xF  }
0x19a: {  	s5 =	sadd.s32 @p6 s23, s29;
	s23 =	simm.s32 $0x0;
	(xrf0) =	vadd.scan.msk.s32 $0xffff, v6;
	v6, _, _ =	vpop @p1 (xrf0)  }
0x19b: {  	s25 =	sadd.s32 @p6 s25, s26;
	s23 =	smov.u32 @p6 s5;
	s5 =	simm.s32 $0x0;
	(xrf0) =	vadd.scan.msk.s32 $0xffff, v5;
	v5, _, _ =	vpop @p1 (xrf0);
	(v2sf) =	vpush @p1 v6, $0xF  }
0x19c: {  	s5 =	smov.u32 @p6 s25;
	p6 =	seq.s32 s6, $0x1;
	(v2sf) =	vpush @p1 v5, $0xF  }
0x19d: {  	s23 =	sadd.s32 @p6 s23, s24;
	s24 =	simm.s32 $0x0;
	v5, _, _ =	vpop @p2 (xrf0)  }
0x19e: {  	s5 =	sadd.s32 @p6 s5, s28;
	s24 =	smov.u32 @p6 s23;
	s23 =	simm.s32 $0x0;
	(v2sf) =	vpush @p2 v5, $0xF  }
0x19f: {  	s23 =	smov.u32 @p6 s5;
	s1 =	sadd.s32 @p5 s24, s1  }
0x1a0: {  	s5 =	simm.s32 $0x0;
	s0 =	sadd.s32 @p5 s23, s0;
	s23 =	simm.s32 $0x0  }
0x1a1: {  	s5 =	smov.u32 @p5 s1;
	s23 =	smov.u32 @p5 s0  }
0x1a2: {  	s0 =	sadd.s32 @p4 s5, s3;
	s3 =	simm.s32 $0x0;
	s1 =	sadd.s32 @p4 s23, s4  }
0x1a3: {  	s4 =	spop @p3 (v2sf);
	s3 =	smov.u32 @p4 s0;
	s0 =	simm.s32 $0x0;
	v5, _, _ =	vpop @p2 (xrf0)  }
0x1a4: {  	s0 =	smov.u32 @p4 s1;
	s1 =	spop @p3 (v2sf);
	(v2sf) =	vpush @p2 v5, $0xF;
	v5, _, _ =	vpop (xrf0)  }
0x1a5: {  	s3 =	sadd.s32 @p3 s3, s4;
	s0 =	sadd.s32 @p3 s0, s1;
	s1 =	simm.s32 $0x0;
	(v2sf) =	vpush v5, $0xF;
	v5, _, _ =	vpop (xrf0)  }
0x1a6: {  	s29 =	spop (v2sf);
	s1 =	smov.u32 @p3 s3;
	s3 =	simm.s32 $0x0;
	(v2sf) =	vpush v5, $0xF  }
0x1a7: {  	s3 =	smov.u32 @p3 s0;
	s0 =	spop @p0 (v2sf)  }
0x1a8: {  	s4 =	simm.s32 $0x0;
	s0 =	sadd.s32 @p0 s1, s0;
	s1 =	spop @p0 (v2sf)  }
0x1a9: {  	s4 =	smov.u32 @p0 s0;
	s0 =	simm.s32 $0x0;
	s1 =	sadd.s32 @p0 s3, s1  }
0x1aa: {  	s0 =	smov.u32 @p0 s1;
	s1 =	spop @p1 (v2sf)  }
0x1ab: {  	s1 =	sadd.s32 @p1 s4, s1;
	s3 =	spop @p1 (v2sf);
	s4 =	simm.s32 $0x0  }
0x1ac: {  	s0 =	sadd.s32 @p1 s0, s3;
	s4 =	smov.u32 @p1 s1;
	s1 =	simm.s32 $0x0  }
0x1ad: {  	s1 =	smov.u32 @p1 s0;
	s0 =	spop @p2 (v2sf)  }
0x1ae: {  	s0 =	sadd.s32 @p2 s4, s0;
	s4 =	simm.s32 $0x0  }
0x1af: {  	s4 =	smov.u32 @p2 s0;
	s0 =	simm.s32 $0x12640  }
0x1b0: {  	[tilespmem:s0+$0xFFFFFFC0] =	vst v0  }
0x1b1: {  	[tilespmem:s0+$0x30] =	vst v0  }
0x1b2: {  	[tilespmem:s0+$0x20] =	vst v0  }
0x1b3: {  	s3 =	spop @p2 (v2sf);
	[tilespmem:s0+$0x10] =	vst v0  }
0x1b4: {  	s1 =	sadd.s32 @p2 s1, s3;
	s30 =	spop (v2sf);
	[tilespmem:s0+$0x0] =	vst v0  }
0x1b5: {  	s22 =	smov.u32 @p2 s1;
	s31 =	spop (v2sf);
	[tilespmem:s0+$0xFFFFFFF0] =	vst v0  }
0x1b6: {  	s23 =	sadd.s32 s4, s30;
	s1 =	simm.s32 $0x0;
	[tilespmem:s0+$0xFFFFFFE0] =	vst v0;
	s22 =	sadd.s32 s22, s31  }
.LBB2_28:
0x1b7: {  	s1 =	sadd.s32 $0x8, s1;
	[tilespmem:s0+$0xFFFFFFD0] =	vst v0;
	s0 =	sadd.s32 $0x80, s0  }
0x1b8: {  	[tilespmem:s0+$0xFFFFFFC0] =	vst v0;
	p0 =	slt.u32 s1, $0xF8  }
0x1b9: {  	[tilespmem:s0+$0x30] =	vst v0  }
.Ltmp15:
0x1ba: {  	[tilespmem:s0+$0x20] =	vst v0;
	(pc) =	sbr.rel @p0 .LBB2_28-.Ltmp15, $4  }
0x1bb: {  	[tilespmem:s0+$0x10] =	vst v0  }
0x1bc: {  	[tilespmem:s0+$0x0] =	vst v0  }
0x1bd: {  	[tilespmem:s0+$0xFFFFFFF0] =	vst v0  }
0x1be: {  	[tilespmem:s0+$0xFFFFFFE0] =	vst v0  }
0x1bf: {  	[tilespmem:s0+$0xFFFFFFD0] =	vst v0;
	s1 =	simm.s32 $0x20  }
0x1c0: {  	v6 =	vld [tilespmem:s1+$0xFFFFFFE0];
	_ =	sdelay $0x1  }
0x1c1: {  	s25 =	simm.s32 $0x0  }
0x1c2: {  	v7 =	vmov s25  }
0x1c3: {  	v5 =	vmov s23;
	v7 =	vshll.u32 v7, $0x8  }
0x1c4: {  	v7 =	vadd.s32 v2, v7;
	v8 =	vshrl.u32 v6, $0x18;
	v6 =	vshrl.u32 v6, $0x10  }
0x1c5: {  	v7 =	vand.u32 $0xF00, v7;
	vm0 =	veq.s32 v8, v5;
	v6 =	vand.u32 $0xFF, v6  }
0x1c6: {  	v6 =	vor.u32 v7, v6  }
0x1c7: {  	v7 =	vmpcnt.ones.xlane vm0  }
0x1c8: {  	vm1 =	vlt.s32 v8, v5  }
0x1c9: {  	s31 =	simm.s32 $0x6220;
	v8 =	vsel vm1, $0x0, v4;
	(v2sf) =	vpush v7, $0x0  }
0x1ca: {  	[tilespmem:s31+$0xFFFFFFE0] =	vst v8  }
0x1cb: {  	v7 =	vor.u32 s25, v1;
	[tilespmem:v6+s17+$0x0] =	vst.idx.add.s32.msk vm0, v3  }
0x1cc: {  	[tilespmem:s25+$0xC400] =	vst.msk vm0, v7  }
0x1cd: {  	v6 =	vld [tilespmem:s1+$0xFFFFFFF0];
	_ =	sdelay $0x1  }
0x1ce: {  	s3 =	simm.s32 $0x1  }
0x1cf: {  	v7 =	vmov s3  }
0x1d0: {  	v7 =	vshll.u32 v7, $0x8  }
0x1d1: {  	v7 =	vadd.s32 v2, v7;
	v8 =	vshrl.u32 v6, $0x18;
	v6 =	vshrl.u32 v6, $0x10  }
0x1d2: {  	v7 =	vand.u32 $0xF00, v7;
	vm0 =	veq.s32 v8, v5;
	v6 =	vand.u32 $0xFF, v6  }
0x1d3: {  	v6 =	vor.u32 v7, v6  }
0x1d4: {  	v7 =	vmpcnt.ones.xlane vm0  }
0x1d5: {  	vm1 =	vlt.s32 v8, v5  }
0x1d6: {  	v8 =	vsel vm1, $0x0, v4;
	(v2sf) =	vpush v7, $0x0  }
0x1d7: {  	s6 =	simm.s32 $0x10;
	[tilespmem:s31+$0xFFFFFFF0] =	vst v8;
	s4 =	spop (v2sf)  }
0x1d8: {  	v7 =	vor.u32 s6, v1;
	s4 =	sadd.s32 $0x0, s4;
	[tilespmem:v6+s17+$0x0] =	vst.idx.add.s32.msk vm0, v3  }
0x1d9: {  	[tilespmem:s4+$0xC400] =	vst.msk vm0, v7  }
0x1da: {  	v6 =	vld [tilespmem:s1+$0x0];
	_ =	sdelay $0x1  }
0x1db: {  	s7 =	simm.s32 $0x2  }
0x1dc: {  	v7 =	vmov s7  }
0x1dd: {  	v7 =	vshll.u32 v7, $0x8  }
0x1de: {  	v7 =	vadd.s32 v2, v7;
	v8 =	vshrl.u32 v6, $0x18;
	v6 =	vshrl.u32 v6, $0x10  }
0x1df: {  	v7 =	vand.u32 $0xF00, v7;
	vm0 =	veq.s32 v8, v5;
	v6 =	vand.u32 $0xFF, v6  }
0x1e0: {  	v6 =	vor.u32 v7, v6  }
0x1e1: {  	v7 =	vmpcnt.ones.xlane vm0  }
0x1e2: {  	vm1 =	vlt.s32 v8, v5  }
0x1e3: {  	v8 =	vsel vm1, $0x0, v4;
	(v2sf) =	vpush v7, $0x0  }
0x1e4: {  	s24 =	simm.s32 $0x20;
	[tilespmem:s31+$0x0] =	vst v8;
	s5 =	spop (v2sf)  }
0x1e5: {  	v7 =	vor.u32 s24, v1;
	s4 =	sadd.s32 s4, s5;
	[tilespmem:v6+s17+$0x0] =	vst.idx.add.s32.msk vm0, v3  }
0x1e6: {  	[tilespmem:s4+$0xC400] =	vst.msk vm0, v7  }
0x1e7: {  	v6 =	vld [tilespmem:s1+$0x10];
	_ =	sdelay $0x1  }
0x1e8: {  	s26 =	simm.s32 $0x3  }
0x1e9: {  	v7 =	vmov s26  }
0x1ea: {  	v7 =	vshll.u32 v7, $0x8  }
0x1eb: {  	v7 =	vadd.s32 v2, v7;
	v8 =	vshrl.u32 v6, $0x18;
	v6 =	vshrl.u32 v6, $0x10  }
0x1ec: {  	v7 =	vand.u32 $0xF00, v7;
	vm0 =	veq.s32 v8, v5;
	v6 =	vand.u32 $0xFF, v6  }
0x1ed: {  	v6 =	vor.u32 v7, v6;
	_ =	sdelay $0x1  }
0x1ee: {  	vm1 =	vlt.s32 v8, v5  }
0x1ef: {  	v7 =	vsel vm1, $0x0, v4  }
0x1f0: {  	s30 =	simm.s32 $0x30;
	[tilespmem:s31+$0x10] =	vst v7;
	s31 =	spop (v2sf)  }
0x1f1: {  	v7 =	vor.u32 s30, v1;
	s0 =	sadd.s32 s4, s31;
	[tilespmem:v6+s17+$0x0] =	vst.idx.add.s32.msk vm0, v3  }
0x1f2: {  	[tilespmem:s0+$0xC400] =	vst.msk vm0, v7;
	v7 =	vmpcnt.ones.xlane vm0;
	_ =	sdelay $0x1  }
0x1f3: {  	(v2sf) =	vpush v7, $0x0;
	_ =	sdelay $0x2  }
0x1f4: {  	s24 =	simm.s32 $0x60  }
0x1f5: {  	v6 =	vld [tilespmem:s24+$0xFFFFFFE0];
	_ =	sdelay $0x1  }
0x1f6: {  	s26 =	simm.s32 $0x4  }
0x1f7: {  	v8 =	vmov s26  }
0x1f8: {  	v8 =	vshll.u32 v8, $0x8  }
0x1f9: {  	v7 =	vadd.s32 v2, v8;
	v9 =	vshrl.u32 v6, $0x18  }
0x1fa: {  	v7 =	vand.u32 $0xF00, v7;
	v6 =	vshrl.u32 v6, $0x10;
	vm0 =	veq.s32 v9, v5  }
0x1fb: {  	vm1 =	vlt.s32 v9, v5;
	v6 =	vand.u32 $0xFF, v6;
	v8 =	vmpcnt.ones.xlane vm0  }
0x1fc: {  	s28 =	simm.s32 $0x6260;
	v9 =	vsel vm1, $0x0, v4;
	v6 =	vor.u32 v7, v6  }
0x1fd: {  	s29 =	simm.s32 $0x0;
	s1 =	simm.s32 $0x8;
	[tilespmem:s28+$0xFFFFFFE0] =	vst v9;
	(v2sf) =	vpush v8, $0x0  }
.LBB2_30:
0x1fe: {  	s29 =	sadd.s32 $0x40, s29  }
0x1ff: {  	s3 =	spop (v2sf);
	s31 =	smov.u32 s1;
	s30 =	sadd.s32 $0x4, s1  }
0x200: {  	p0 =	slt.u32 s1, $0x61C;
	v7 =	vor.u32 s29, v1;
	s0 =	sadd.s32 s0, s3  }
0x201: {  	[tilespmem:v6+s17+$0x0] =	vst.idx.add.s32.msk vm0, v3  }
0x202: {  	[tilespmem:s0+$0xC400] =	vst.msk vm0, v7  }
0x203: {  	v6 =	vld [tilespmem:s24+$0xFFFFFFF0]  }
0x204: {  	s1 =	sadd.s32 $0x1, s26  }
0x205: {  	v7 =	vmov s1  }
0x206: {  	v7 =	vshll.u32 v7, $0x8  }
0x207: {  	v7 =	vadd.s32 v2, v7  }
0x208: {  	v7 =	vand.u32 $0xF00, v7;
	v8 =	vshrl.u32 v6, $0x18;
	v6 =	vshrl.u32 v6, $0x10  }
0x209: {  	vm0 =	vlt.s32 v8, v5;
	vm1 =	veq.s32 v8, v5;
	v6 =	vand.u32 $0xFF, v6  }
0x20a: {  	v8 =	vsel vm0, $0x0, v4;
	v6 =	vor.u32 v7, v6;
	v7 =	vmpcnt.ones.xlane vm1;
	_ =	sdelay $0x1  }
0x20b: {  	(v2sf) =	vpush v7, $0x0  }
0x20c: {  	s1 =	sadd.s32 $0x10, s29;
	[tilespmem:s28+$0xFFFFFFF0] =	vst v8;
	s3 =	spop (v2sf)  }
0x20d: {  	v7 =	vor.u32 s1, v1;
	s0 =	sadd.s32 s0, s3  }
0x20e: {  	[tilespmem:v6+s17+$0x0] =	vst.idx.add.s32.msk vm1, v3  }
0x20f: {  	[tilespmem:s0+$0xC400] =	vst.msk vm1, v7  }
0x210: {  	v6 =	vld [tilespmem:s24+$0x0]  }
0x211: {  	s1 =	sadd.s32 $0x2, s26  }
0x212: {  	v7 =	vmov s1  }
0x213: {  	v7 =	vshll.u32 v7, $0x8  }
0x214: {  	v7 =	vadd.s32 v2, v7  }
0x215: {  	v7 =	vand.u32 $0xF00, v7;
	v8 =	vshrl.u32 v6, $0x18;
	v6 =	vshrl.u32 v6, $0x10  }
0x216: {  	vm0 =	vlt.s32 v8, v5;
	vm1 =	veq.s32 v8, v5;
	v6 =	vand.u32 $0xFF, v6  }
0x217: {  	v8 =	vsel vm0, $0x0, v4;
	v6 =	vor.u32 v7, v6;
	v7 =	vmpcnt.ones.xlane vm1  }
0x218: {  	[tilespmem:s28+$0x0] =	vst v8  }
0x219: {  	(v2sf) =	vpush v7, $0x0  }
0x21a: {  	s1 =	sadd.s32 $0x20, s29;
	s3 =	spop (v2sf)  }
0x21b: {  	v7 =	vor.u32 s1, v1;
	s0 =	sadd.s32 s0, s3  }
0x21c: {  	[tilespmem:v6+s17+$0x0] =	vst.idx.add.s32.msk vm1, v3  }
0x21d: {  	[tilespmem:s0+$0xC400] =	vst.msk vm1, v7  }
0x21e: {  	v6 =	vld [tilespmem:s24+$0x10]  }
0x21f: {  	s1 =	sadd.s32 $0x3, s26;
	s26 =	smov.u32 s31  }
0x220: {  	v7 =	vmov s1  }
0x221: {  	v7 =	vshll.u32 v7, $0x8  }
0x222: {  	v7 =	vadd.s32 v2, v7  }
0x223: {  	v7 =	vand.u32 $0xF00, v7;
	v8 =	vshrl.u32 v6, $0x18;
	v6 =	vshrl.u32 v6, $0x10  }
0x224: {  	vm0 =	vlt.s32 v8, v5;
	vm1 =	veq.s32 v8, v5;
	v6 =	vand.u32 $0xFF, v6  }
0x225: {  	v8 =	vsel vm0, $0x0, v4;
	v6 =	vor.u32 v7, v6;
	v7 =	vmpcnt.ones.xlane vm1  }
0x226: {  	[tilespmem:s28+$0x10] =	vst v8  }
0x227: {  	(v2sf) =	vpush v7, $0x0  }
0x228: {  	s1 =	sadd.s32 $0x30, s29;
	s3 =	spop (v2sf)  }
0x229: {  	v7 =	vor.u32 s1, v1;
	s0 =	sadd.s32 s0, s3  }
0x22a: {  	s24 =	sadd.s32 $0x40, s24;
	[tilespmem:v6+s17+$0x0] =	vst.idx.add.s32.msk vm1, v3  }
0x22b: {  	[tilespmem:s0+$0xC400] =	vst.msk vm1, v7  }
0x22c: {  	v6 =	vld [tilespmem:s24+$0xFFFFFFE0];
	_ =	sdelay $0x1  }
0x22d: {  	v7 =	vmov s26  }
0x22e: {  	v7 =	vshll.u32 v7, $0x8  }
0x22f: {  	v7 =	vadd.s32 v2, v7  }
.Ltmp16:
0x230: {  	v8 =	vshrl.u32 v6, $0x18;
	v6 =	vshrl.u32 v6, $0x10;
	(pc) =	sbr.rel @p0 .LBB2_30-.Ltmp16, $4  }
0x231: {  	s28 =	sadd.s32 $0x40, s28;
	v7 =	vand.u32 $0xF00, v7;
	vm0 =	veq.s32 v8, v5;
	v6 =	vand.u32 $0xFF, v6  }
0x232: {  	vm1 =	vlt.s32 v8, v5;
	v6 =	vor.u32 v7, v6;
	v7 =	vmpcnt.ones.xlane vm0  }
0x233: {  	v8 =	vsel vm1, $0x0, v4  }
0x234: {  	s1 =	smov.u32 s30;
	[tilespmem:s28+$0xFFFFFFE0] =	vst v8;
	(v2sf) =	vpush v7, $0x0  }
0x235: {  	_ =	sdelay $0x3  }
0x236: {  	s1 =	sadd.s32 $0x40, s29;
	s3 =	spop (v2sf)  }
0x237: {  	[tilespmem:v6+s17+$0x0] =	vst.idx.add.s32.msk vm0, v3;
	v7 =	vor.u32 s1, v1;
	s0 =	sadd.s32 s0, s3  }
0x238: {  	[tilespmem:s0+$0xC400] =	vst.msk vm0, v7  }
0x239: {  	v6 =	vld [tilespmem:s24+$0xFFFFFFF0];
	_ =	sdelay $0x1  }
0x23a: {  	s4 =	sadd.s32 $0x1, s26  }
0x23b: {  	v7 =	vmov s4  }
0x23c: {  	v7 =	vshll.u32 v7, $0x8  }
0x23d: {  	v7 =	vadd.s32 v2, v7;
	v8 =	vshrl.u32 v6, $0x18;
	v6 =	vshrl.u32 v6, $0x10  }
0x23e: {  	v7 =	vand.u32 $0xF00, v7;
	vm11 =	veq.s32 v8, v5;
	v6 =	vand.u32 $0xFF, v6  }
0x23f: {  	v6 =	vor.u32 v7, v6  }
0x240: {  	v7 =	vmpcnt.ones.xlane vm11  }
0x241: {  	vm1 =	vlt.s32 v8, v5  }
0x242: {  	v8 =	vsel vm1, $0x0, v4;
	(v2sf) =	vpush v7, $0x0  }
0x243: {  	s5 =	sadd.s32 $0x10, s1;
	[tilespmem:s28+$0xFFFFFFF0] =	vst v8;
	s4 =	spop (v2sf)  }
0x244: {  	v7 =	vor.u32 s5, v1;
	s0 =	sadd.s32 s0, s4;
	[tilespmem:v6+s17+$0x0] =	vst.idx.add.s32.msk vm11, v3  }
0x245: {  	[tilespmem:s0+$0xC400] =	vst.msk vm11, v7  }
0x246: {  	v6 =	vld [tilespmem:s24+$0x0];
	_ =	sdelay $0x1  }
0x247: {  	s6 =	sadd.s32 $0x2, s26  }
0x248: {  	v7 =	vmov s6  }
0x249: {  	v7 =	vshll.u32 v7, $0x8  }
0x24a: {  	v7 =	vadd.s32 v2, v7;
	v8 =	vshrl.u32 v6, $0x18;
	v6 =	vshrl.u32 v6, $0x10  }
0x24b: {  	v7 =	vand.u32 $0xF00, v7;
	vm12 =	veq.s32 v8, v5;
	v6 =	vand.u32 $0xFF, v6  }
0x24c: {  	v6 =	vor.u32 v7, v6  }
0x24d: {  	v7 =	vmpcnt.ones.xlane vm12  }
0x24e: {  	vm13 =	vlt.s32 v8, v5  }
0x24f: {  	v8 =	vsel vm13, $0x0, v4;
	(v2sf) =	vpush v7, $0x0  }
0x250: {  	s7 =	sadd.s32 $0x20, s1;
	[tilespmem:s28+$0x0] =	vst v8;
	s31 =	spop (v2sf)  }
0x251: {  	v7 =	vor.u32 s7, v1;
	s0 =	sadd.s32 s0, s31;
	[tilespmem:v6+s17+$0x0] =	vst.idx.add.s32.msk vm12, v3  }
0x252: {  	[tilespmem:s0+$0xC400] =	vst.msk vm12, v7  }
0x253: {  	v6 =	vld [tilespmem:s24+$0x10];
	_ =	sdelay $0x1  }
0x254: {  	s4 =	sadd.s32 $0x3, s26  }
0x255: {  	v7 =	vmov s4  }
0x256: {  	v7 =	vshll.u32 v7, $0x8  }
0x257: {  	v7 =	vadd.s32 v2, v7;
	v8 =	vshrl.u32 v6, $0x18;
	v6 =	vshrl.u32 v6, $0x10  }
0x258: {  	v7 =	vand.u32 $0xF00, v7;
	vm14 =	veq.s32 v8, v5;
	v6 =	vand.u32 $0xFF, v6  }
0x259: {  	v6 =	vor.u32 v7, v6;
	_ =	sdelay $0x1  }
0x25a: {  	vm15 =	vlt.s32 v8, v5  }
0x25b: {  	v5 =	vsel vm15, $0x0, v4  }
0x25c: {  	s1 =	sadd.s32 $0x30, s1;
	[tilespmem:s28+$0x10] =	vst v5;
	s5 =	spop (v2sf)  }
0x25d: {  	v5 =	vor.u32 s1, v1;
	s6 =	sadd.s32 s0, s5;
	[tilespmem:v6+s17+$0x0] =	vst.idx.add.s32.msk vm14, v3  }
0x25e: {  	s7 =	sand.u32 $0xC0, s25;
	[tilespmem:s6+$0xC400] =	vst.msk vm14, v5  }
0x25f: {  	s26 =	simm.s32 $0x12E10;
	v5 =	vld [tilespmem:s7+$0x12700]  }
0x260: {  	v6 =	vld [tilespmem:s26+$0xFFFFF7F0]  }
0x261: {  	v7 =	vld [tilespmem:s7+$0x12800]  }
0x262: {  	v8 =	vld [tilespmem:s7+$0x12900]  }
0x263: {  	v9 =	vld [tilespmem:s7+$0x12A00]  }
0x264: {  	v10 =	vld [tilespmem:s7+$0x12B00]  }
0x265: {  	v5 =	vadd.s32 v6, v5;
	v6 =	vld [tilespmem:s7+$0x12C00]  }
0x266: {  	v5 =	vadd.s32 v7, v5;
	v7 =	vld [tilespmem:s7+$0x12D00]  }
0x267: {  	v5 =	vadd.s32 v8, v5;
	v8 =	vld [tilespmem:s7+$0x12E00]  }
0x268: {  	v5 =	vadd.s32 v9, v5;
	v9 =	vld [tilespmem:s7+$0x12F00]  }
0x269: {  	v5 =	vadd.s32 v10, v5;
	v10 =	vld [tilespmem:s7+$0x13000]  }
0x26a: {  	v5 =	vadd.s32 v6, v5;
	v6 =	vld [tilespmem:s7+$0x13100]  }
0x26b: {  	v5 =	vadd.s32 v7, v5;
	v7 =	vld [tilespmem:s7+$0x13200]  }
0x26c: {  	v5 =	vadd.s32 v8, v5;
	v8 =	vld [tilespmem:s7+$0x13300]  }
0x26d: {  	v5 =	vadd.s32 v9, v5;
	v9 =	vld [tilespmem:s7+$0x13400]  }
0x26e: {  	v5 =	vadd.s32 v10, v5;
	v10 =	vld [tilespmem:s7+$0x13500]  }
0x26f: {  	v5 =	vadd.s32 v6, v5  }
0x270: {  	v5 =	vadd.s32 v7, v5  }
0x271: {  	v5 =	vadd.s32 v8, v5  }
0x272: {  	v5 =	vadd.s32 v9, v5  }
0x273: {  	s28 =	simm.s32 $0x13620;
	v5 =	vadd.s32 v10, v5  }
0x274: {  	[tilespmem:s28+$0xFFFFFFE0] =	vst v5  }
0x275: {  	v5 =	vld [tilespmem:s26+$0xFFFFF800]  }
0x276: {  	v6 =	vld [tilespmem:s26+$0xFFFFF900]  }
0x277: {  	v7 =	vld [tilespmem:s26+$0xFFFFFA00]  }
0x278: {  	v8 =	vld [tilespmem:s26+$0xFFFFFB00]  }
0x279: {  	v9 =	vld [tilespmem:s26+$0xFFFFFC00]  }
0x27a: {  	v10 =	vld [tilespmem:s26+$0xFFFFFD00]  }
0x27b: {  	v5 =	vadd.s32 v5, v6;
	v6 =	vld [tilespmem:s26+$0xFFFFFE00]  }
0x27c: {  	v5 =	vadd.s32 v7, v5;
	v7 =	vld [tilespmem:s26+$0xFFFFFF00]  }
0x27d: {  	v5 =	vadd.s32 v8, v5;
	v8 =	vld [tilespmem:s26+$0x0]  }
0x27e: {  	v5 =	vadd.s32 v9, v5;
	v9 =	vld [tilespmem:s26+$0x100]  }
0x27f: {  	v5 =	vadd.s32 v10, v5;
	v10 =	vld [tilespmem:s26+$0x200]  }
0x280: {  	v5 =	vadd.s32 v6, v5;
	v6 =	vld [tilespmem:s26+$0x300]  }
0x281: {  	v5 =	vadd.s32 v7, v5;
	v7 =	vld [tilespmem:s26+$0x400]  }
0x282: {  	v5 =	vadd.s32 v8, v5;
	v8 =	vld [tilespmem:s26+$0x500]  }
0x283: {  	v5 =	vadd.s32 v9, v5;
	v9 =	vld [tilespmem:s26+$0x600]  }
0x284: {  	v5 =	vadd.s32 v10, v5;
	v10 =	vld [tilespmem:s26+$0x700]  }
0x285: {  	v5 =	vadd.s32 v6, v5  }
0x286: {  	v5 =	vadd.s32 v7, v5  }
0x287: {  	v5 =	vadd.s32 v8, v5  }
0x288: {  	v5 =	vadd.s32 v9, v5  }
0x289: {  	v5 =	vadd.s32 v10, v5  }
0x28a: {  	[tilespmem:s28+$0xFFFFFFF0] =	vst v5  }
0x28b: {  	v5 =	vld [tilespmem:s26+$0xFFFFF810]  }
0x28c: {  	v6 =	vld [tilespmem:s26+$0xFFFFF910]  }
0x28d: {  	v7 =	vld [tilespmem:s26+$0xFFFFFA10]  }
0x28e: {  	v8 =	vld [tilespmem:s26+$0xFFFFFB10]  }
0x28f: {  	v9 =	vld [tilespmem:s26+$0xFFFFFC10]  }
0x290: {  	v10 =	vld [tilespmem:s26+$0xFFFFFD10]  }
0x291: {  	v5 =	vadd.s32 v5, v6;
	v6 =	vld [tilespmem:s26+$0xFFFFFE10]  }
0x292: {  	v5 =	vadd.s32 v7, v5;
	v7 =	vld [tilespmem:s26+$0xFFFFFF10]  }
0x293: {  	v5 =	vadd.s32 v8, v5;
	v8 =	vld [tilespmem:s26+$0x10]  }
0x294: {  	v5 =	vadd.s32 v9, v5;
	v9 =	vld [tilespmem:s26+$0x110]  }
0x295: {  	v5 =	vadd.s32 v10, v5;
	v10 =	vld [tilespmem:s26+$0x210]  }
0x296: {  	v5 =	vadd.s32 v6, v5;
	v6 =	vld [tilespmem:s26+$0x310]  }
0x297: {  	v5 =	vadd.s32 v7, v5;
	v7 =	vld [tilespmem:s26+$0x410]  }
0x298: {  	v5 =	vadd.s32 v8, v5;
	v8 =	vld [tilespmem:s26+$0x510]  }
0x299: {  	v5 =	vadd.s32 v9, v5;
	v9 =	vld [tilespmem:s26+$0x610]  }
0x29a: {  	v5 =	vadd.s32 v10, v5;
	v10 =	vld [tilespmem:s26+$0x710]  }
0x29b: {  	v5 =	vadd.s32 v6, v5  }
0x29c: {  	v5 =	vadd.s32 v7, v5  }
0x29d: {  	v5 =	vadd.s32 v8, v5  }
0x29e: {  	v6 =	vmpcnt.ones.xlane vm14;
	v5 =	vadd.s32 v9, v5  }
0x29f: {  	v5 =	vadd.s32 v10, v5  }
0x2a0: {  	(v2sf) =	vpush v6, $0x0;
	[tilespmem:s28+$0x0] =	vst v5  }
0x2a1: {  	v5 =	vld [tilespmem:s26+$0xFFFFF820]  }
0x2a2: {  	v6 =	vld [tilespmem:s26+$0xFFFFF920]  }
0x2a3: {  	v7 =	vld [tilespmem:s26+$0xFFFFFA20]  }
0x2a4: {  	v8 =	vld [tilespmem:s26+$0xFFFFFB20]  }
0x2a5: {  	v9 =	vld [tilespmem:s26+$0xFFFFFC20]  }
0x2a6: {  	v10 =	vld [tilespmem:s26+$0xFFFFFD20]  }
0x2a7: {  	v5 =	vadd.s32 v5, v6;
	v6 =	vld [tilespmem:s26+$0xFFFFFE20]  }
0x2a8: {  	v5 =	vadd.s32 v7, v5;
	v7 =	vld [tilespmem:s26+$0xFFFFFF20]  }
0x2a9: {  	v5 =	vadd.s32 v8, v5;
	v8 =	vld [tilespmem:s26+$0x20]  }
0x2aa: {  	v5 =	vadd.s32 v9, v5;
	v9 =	vld [tilespmem:s26+$0x120]  }
0x2ab: {  	p0 =	por $0x1, $0x1;
	v5 =	vadd.s32 v10, v5;
	v10 =	vld [tilespmem:s26+$0x220]  }
.Ltmp17:
0x2ac: {  	v5 =	vadd.s32 v6, v5;
	v6 =	vld [tilespmem:s26+$0x320];
	(pc) =	sbr.rel @!p0 .LBB2_33-.Ltmp17, $4  }
0x2ad: {  	v7 =	vadd.s32 v7, v5;
	v5 =	vld [tilespmem:s26+$0x420]  }
0x2ae: {  	v8 =	vadd.s32 v8, v7;
	v7 =	vld [tilespmem:s26+$0x520]  }
0x2af: {  	s31 =	spop (v2sf);
	v9 =	vadd.s32 v9, v8;
	v8 =	vld [tilespmem:s26+$0x620]  }
0x2b0: {  	s29 =	simm.s32 $0x0;
	s30 =	simm.s32 $0x13660;
	s24 =	sadd.s32 s6, s31;
	v10 =	vadd.s32 v10, v9;
	v9 =	vld [tilespmem:s26+$0x720]  }
.LBB2_32:
0x2b1: {  	s29 =	sadd.s32 $0x4, s29;
	v6 =	vadd.s32 v6, v10;
	s26 =	sadd.s32 $0x40, s26;
	s25 =	sadd.s32 $0x40, s25  }
0x2b2: {  	p0 =	slt.u32 s29, $0xC;
	v5 =	vadd.s32 v5, v6  }
0x2b3: {  	v5 =	vadd.s32 v7, v5  }
0x2b4: {  	v5 =	vadd.s32 v8, v5  }
0x2b5: {  	v5 =	vadd.s32 v9, v5  }
0x2b6: {  	s0 =	sand.u32 $0xC0, s25;
	[tilespmem:s28+$0x10] =	vst v5;
	s28 =	smov.u32 s30  }
0x2b7: {  	v5 =	vld [tilespmem:s0+$0x12800]  }
0x2b8: {  	v6 =	vld [tilespmem:s0+$0x12700]  }
0x2b9: {  	v7 =	vld [tilespmem:s26+$0xFFFFF7F0];
	_ =	sdelay $0x1  }
0x2ba: {  	v8 =	vld [tilespmem:s0+$0x12900]  }
0x2bb: {  	v9 =	vld [tilespmem:s0+$0x12A00]  }
0x2bc: {  	v10 =	vld [tilespmem:s0+$0x12B00]  }
0x2bd: {  	v6 =	vadd.s32 v7, v6;
	v7 =	vld [tilespmem:s0+$0x12C00]  }
0x2be: {  	v5 =	vadd.s32 v5, v6;
	v6 =	vld [tilespmem:s0+$0x12D00]  }
0x2bf: {  	v5 =	vadd.s32 v8, v5;
	v8 =	vld [tilespmem:s0+$0x12E00]  }
0x2c0: {  	v5 =	vadd.s32 v9, v5;
	v9 =	vld [tilespmem:s0+$0x12F00]  }
0x2c1: {  	v5 =	vadd.s32 v10, v5;
	v10 =	vld [tilespmem:s0+$0x13000]  }
0x2c2: {  	v5 =	vadd.s32 v7, v5;
	v7 =	vld [tilespmem:s0+$0x13100]  }
0x2c3: {  	v5 =	vadd.s32 v6, v5;
	v6 =	vld [tilespmem:s0+$0x13200]  }
0x2c4: {  	v5 =	vadd.s32 v8, v5;
	v8 =	vld [tilespmem:s0+$0x13300]  }
0x2c5: {  	v5 =	vadd.s32 v9, v5;
	v9 =	vld [tilespmem:s0+$0x13400]  }
0x2c6: {  	v5 =	vadd.s32 v10, v5;
	v10 =	vld [tilespmem:s0+$0x13500]  }
0x2c7: {  	v5 =	vadd.s32 v7, v5  }
0x2c8: {  	v5 =	vadd.s32 v6, v5  }
0x2c9: {  	v5 =	vadd.s32 v8, v5  }
0x2ca: {  	v5 =	vadd.s32 v9, v5  }
0x2cb: {  	v5 =	vadd.s32 v10, v5  }
0x2cc: {  	[tilespmem:s30+$0xFFFFFFE0] =	vst v5  }
0x2cd: {  	v5 =	vld [tilespmem:s26+$0xFFFFF800]  }
0x2ce: {  	v6 =	vld [tilespmem:s26+$0xFFFFF900]  }
0x2cf: {  	v7 =	vld [tilespmem:s26+$0xFFFFFA00]  }
0x2d0: {  	v8 =	vld [tilespmem:s26+$0xFFFFFB00]  }
0x2d1: {  	v9 =	vld [tilespmem:s26+$0xFFFFFC00]  }
0x2d2: {  	v10 =	vld [tilespmem:s26+$0xFFFFFD00]  }
0x2d3: {  	v5 =	vadd.s32 v5, v6;
	v6 =	vld [tilespmem:s26+$0xFFFFFE00]  }
0x2d4: {  	v5 =	vadd.s32 v7, v5;
	v7 =	vld [tilespmem:s26+$0xFFFFFF00]  }
0x2d5: {  	v5 =	vadd.s32 v8, v5;
	v8 =	vld [tilespmem:s26+$0x0]  }
0x2d6: {  	v5 =	vadd.s32 v9, v5;
	v9 =	vld [tilespmem:s26+$0x100]  }
0x2d7: {  	v5 =	vadd.s32 v10, v5;
	v10 =	vld [tilespmem:s26+$0x200]  }
0x2d8: {  	v5 =	vadd.s32 v6, v5;
	v6 =	vld [tilespmem:s26+$0x300]  }
0x2d9: {  	v5 =	vadd.s32 v7, v5;
	v7 =	vld [tilespmem:s26+$0x400]  }
0x2da: {  	v5 =	vadd.s32 v8, v5;
	v8 =	vld [tilespmem:s26+$0x500]  }
0x2db: {  	v5 =	vadd.s32 v9, v5;
	v9 =	vld [tilespmem:s26+$0x600]  }
0x2dc: {  	v5 =	vadd.s32 v10, v5;
	v10 =	vld [tilespmem:s26+$0x700]  }
0x2dd: {  	v5 =	vadd.s32 v6, v5  }
0x2de: {  	v5 =	vadd.s32 v7, v5  }
0x2df: {  	v5 =	vadd.s32 v8, v5  }
0x2e0: {  	v5 =	vadd.s32 v9, v5  }
0x2e1: {  	v5 =	vadd.s32 v10, v5  }
0x2e2: {  	[tilespmem:s30+$0xFFFFFFF0] =	vst v5  }
0x2e3: {  	v5 =	vld [tilespmem:s26+$0xFFFFF810]  }
0x2e4: {  	v6 =	vld [tilespmem:s26+$0xFFFFF910]  }
0x2e5: {  	v7 =	vld [tilespmem:s26+$0xFFFFFA10]  }
0x2e6: {  	v8 =	vld [tilespmem:s26+$0xFFFFFB10]  }
0x2e7: {  	v9 =	vld [tilespmem:s26+$0xFFFFFC10]  }
0x2e8: {  	v10 =	vld [tilespmem:s26+$0xFFFFFD10]  }
0x2e9: {  	v5 =	vadd.s32 v5, v6;
	v6 =	vld [tilespmem:s26+$0xFFFFFE10]  }
0x2ea: {  	v5 =	vadd.s32 v7, v5;
	v7 =	vld [tilespmem:s26+$0xFFFFFF10]  }
0x2eb: {  	v5 =	vadd.s32 v8, v5;
	v8 =	vld [tilespmem:s26+$0x10]  }
0x2ec: {  	v5 =	vadd.s32 v9, v5;
	v9 =	vld [tilespmem:s26+$0x110]  }
0x2ed: {  	v5 =	vadd.s32 v10, v5;
	v10 =	vld [tilespmem:s26+$0x210]  }
0x2ee: {  	v5 =	vadd.s32 v6, v5;
	v6 =	vld [tilespmem:s26+$0x310]  }
0x2ef: {  	v5 =	vadd.s32 v7, v5;
	v7 =	vld [tilespmem:s26+$0x410]  }
0x2f0: {  	v5 =	vadd.s32 v8, v5;
	v8 =	vld [tilespmem:s26+$0x510]  }
0x2f1: {  	v5 =	vadd.s32 v9, v5;
	v9 =	vld [tilespmem:s26+$0x610]  }
0x2f2: {  	v5 =	vadd.s32 v10, v5;
	v10 =	vld [tilespmem:s26+$0x710]  }
0x2f3: {  	v5 =	vadd.s32 v6, v5  }
0x2f4: {  	v5 =	vadd.s32 v7, v5  }
0x2f5: {  	v5 =	vadd.s32 v8, v5  }
0x2f6: {  	v5 =	vadd.s32 v9, v5  }
0x2f7: {  	v5 =	vadd.s32 v10, v5  }
0x2f8: {  	[tilespmem:s30+$0x0] =	vst v5  }
0x2f9: {  	v5 =	vld [tilespmem:s26+$0xFFFFF820]  }
0x2fa: {  	v6 =	vld [tilespmem:s26+$0xFFFFF920]  }
0x2fb: {  	v7 =	vld [tilespmem:s26+$0xFFFFFA20]  }
0x2fc: {  	v8 =	vld [tilespmem:s26+$0xFFFFFB20]  }
0x2fd: {  	v9 =	vld [tilespmem:s26+$0xFFFFFC20]  }
0x2fe: {  	v10 =	vld [tilespmem:s26+$0xFFFFFD20]  }
0x2ff: {  	v5 =	vadd.s32 v5, v6;
	v6 =	vld [tilespmem:s26+$0xFFFFFE20]  }
0x300: {  	v5 =	vadd.s32 v7, v5;
	v7 =	vld [tilespmem:s26+$0xFFFFFF20]  }
0x301: {  	v5 =	vadd.s32 v8, v5;
	v8 =	vld [tilespmem:s26+$0x20]  }
0x302: {  	v5 =	vadd.s32 v9, v5;
	v9 =	vld [tilespmem:s26+$0x120]  }
0x303: {  	v5 =	vadd.s32 v10, v5;
	v10 =	vld [tilespmem:s26+$0x220]  }
.Ltmp18:
0x304: {  	v5 =	vadd.s32 v6, v5;
	v6 =	vld [tilespmem:s26+$0x320];
	(pc) =	sbr.rel @p0 .LBB2_32-.Ltmp18, $4  }
0x305: {  	v7 =	vadd.s32 v7, v5;
	v5 =	vld [tilespmem:s26+$0x420]  }
0x306: {  	v8 =	vadd.s32 v8, v7;
	v7 =	vld [tilespmem:s26+$0x520]  }
0x307: {  	v9 =	vadd.s32 v9, v8;
	v8 =	vld [tilespmem:s26+$0x620]  }
0x308: {  	s30 =	sadd.s32 $0x40, s30;
	v10 =	vadd.s32 v10, v9;
	v9 =	vld [tilespmem:s26+$0x720]  }
.LBB2_33:
0x309: {  	v6 =	vadd.s32 v6, v10  }
0x30a: {  	v5 =	vadd.s32 v5, v6  }
0x30b: {  	v5 =	vadd.s32 v7, v5  }
0x30c: {  	v5 =	vadd.s32 v8, v5  }
0x30d: {  	v5 =	vadd.s32 v9, v5  }
0x30e: {  	s0 =	rddreg [dreg:$0x7];
	[tilespmem:s28+$0x10] =	vst v5  }
0x30f: {  	[spmem:s0] =	stream.strided.scatter [tilespmem:s18], [sflag:$0x1], $0x100, s15, s14, $0x38;
	[tilespmem:$0x13C00] =	vst v63  }
0x310: {  	p0 =	por $0x0, $0x0;
	s31 =	simm.s32 $0x0;
	_ =	swait.ge [sflag:s16], $0x100  }
0x311: {  	p1 =	por $0x0, $0x0;
	p2 =	por $0x0, $0x0;
	[sflag:s16] =	ssyncset.done $0x0  }
0x312: {  	p3 =	por $0x0, $0x0;
	p4 =	por $0x0, $0x0;
	[sflag:s16] =	ssyncadd.s32 $0xFFFFFF00  }
0x313: {  	p6 =	por $0x0, $0x0;
	p5 =	por $0x0, $0x0;
	[bflag:$0x0] =	sbarrier.arrive $0xFFFF  }
0x314: {  	s1 =	simm.s32 @!p1 $0x0;
	s0 =	simm.s32 @!p6 $0x0;
	s30 =	rddreg [dreg:$0x8]  }
0x315: {  	[tilespmem:s19], [sflag:$0x1] =	stream.strided.gather [spmem:s30], $0x100, s15, s14, $0x38;
	[tilespmem:$0x13C00] =	vst v63  }
0x316: {  	s1 =	simm.s32 @p1 $0x1;
	s0 =	simm.s32 @p6 $0x1;
	_ =	swait.ge [sflag:s16], $0x100  }
0x317: {  	p6 =	por $0x0, $0x0;
	[sflag:s16] =	ssyncset.done $0x0;
	[smem:$0x7EF] =	sst s1  }
0x318: {  	s1 =	simm.s32 @!p2 $0x0;
	[smem:$0x7F3] =	sst s0;
	s0 =	simm.s32 @!p5 $0x0  }
0x319: {  	[sflag:s16] =	ssyncadd.s32 $0xFFFFFF00;
	s1 =	simm.s32 @p2 $0x1;
	s0 =	simm.s32 @p5 $0x1  }
.Ltmp19:
0x31a: {  	[smem:$0x7F0] =	sst s1;
	s1 =	simm.s32 @!p3 $0x0;
	(pc) =	sbr.rel @p0 .LBB2_34-.Ltmp19, $4  }
0x31b: {  	[smem:$0x7F4] =	sst s0;
	s0 =	simm.s32 @!p6 $0x0;
	s1 =	simm.s32 @p3 $0x1  }
0x31c: {  	s0 =	simm.s32 @p6 $0x1;
	[smem:$0x7F1] =	sst s1;
	s1 =	simm.s32 @!p4 $0x0  }
0x31d: {  	s25 =	ssub.s32 $0x3100, s22;
	v8 =	vld [tilespmem:s31+$0x13600];
	[smem:$0x7F5] =	sst s0;
	s1 =	simm.s32 @p4 $0x1  }
0x31e: {  	s22 =	simm.s32 $0x0;
	v5 =	vmov s25;
	v6 =	vld [tilespmem:s31+$0x13700];
	[smem:$0x7F2] =	sst s1  }
0x31f: {  	p0 =	por $0x0, $0x0  }
.Ltmp20:
0x320: {  	_ = 	snop;
	(pc) =	sbr.rel @p0 .LBB2_36-.Ltmp20, $4  }
0x321: {  	_ = 	snop  }
0x322: {  	s0 =	simm.s32 $0x10  }
0x323: {  	v7 =	vld [tilespmem:s0+$0x13600];
	v14 =	vadd.s32 v8, v6  }
0x324: {  	v6 =	vld [tilespmem:s0+$0x13700];
	(xrf0) =	vadd.scan.msk.s32 $0xffff, v14  }
0x325: {  	p0 =	por $0x0, $0x0  }
.Ltmp21:
0x326: {  	_ = 	snop;
	(pc) =	sbr.rel @p0 .LBB2_38-.Ltmp21, $4  }
0x327: {  	_ = 	snop  }
0x328: {  	s0 =	simm.s32 $0x20  }
0x329: {  	v8 =	vld [tilespmem:s0+$0x13600];
	v7 =	vadd.s32 v7, v6  }
0x32a: {  	v6 =	vld [tilespmem:s0+$0x13700];
	(xrf0) =	vadd.scan.msk.s32 $0xffff, v7;
	v24, _, _ =	vpop (xrf0)  }
0x32b: {  	_ = 	snop  }
0x32c: {  	p0 =	por $0x0, $0x0  }
.Ltmp22:
0x32d: {  	s0 =	simm.s32 $0x30;
	(pc) =	sbr.rel @p0 .LBB2_40-.Ltmp22, $4  }
0x32e: {  	p2 =	por $0x1, $0x1;
	v9 =	vld [tilespmem:s0+$0x13600]  }
0x32f: {  	v11 =	vadd.s32 v8, v6;
	v6 =	vld [tilespmem:s0+$0x13700];
	s0 =	simm.s32 @!p2 $0x0  }
0x330: {  	s0 =	simm.s32 @p2 $0x1  }
0x331: {  	(v2sf) =	vpush v24, $0xF;
	(xrf0) =	vadd.scan.msk.s32 $0xffff, v11;
	v13, _, _ =	vpop (xrf0);
	[smem:$0x7F0] =	sst s0  }
0x332: {  	p0 =	por $0x1, $0x1  }
0x333: {  	s0 =	simm.s32 @!p0 $0x0  }
0x334: {  	s0 =	simm.s32 @p0 $0x1;
	p0 =	por $0x0, $0x0  }
.Ltmp23:
0x335: {  	_ = 	snop;
	(pc) =	sbr.rel @p0 .LBB2_42-.Ltmp23, $4  }
0x336: {  	p3 =	por $0x1, $0x1  }
0x337: {  	s31 =	simm.s32 $0x40;
	[smem:$0x7EF] =	sst s0;
	s0 =	simm.s32 @!p3 $0x0  }
0x338: {  	v8 =	vld [tilespmem:s31+$0x13600];
	v9 =	vadd.s32 v9, v6;
	s0 =	simm.s32 @p3 $0x1  }
0x339: {  	(v2sf) =	vpush v13, $0xF;
	v18 =	vadd.s32 s22, v24;
	v6 =	vld [tilespmem:s31+$0x13700];
	(xrf0) =	vadd.scan.msk.s32 $0xffff, v9;
	v20, _, _ =	vpop (xrf0);
	[smem:$0x7F1] =	sst s0  }
0x33a: {  	_ =	sdelay $0x2  }
0x33b: {  	p0 =	por $0x0, $0x0  }
.Ltmp24:
0x33c: {  	vm0 =	vlt.s32 v18, v5;
	s0 =	simm.s32 $0x50;
	(pc) =	sbr.rel @p0 .LBB2_44-.Ltmp24, $4  }
0x33d: {  	p4 =	por $0x1, $0x1;
	v10 =	vsel vm0, $0x1, v0;
	v21 =	vld [tilespmem:s0+$0x13600]  }
0x33e: {  	v12 =	vnsel vm0, $0x0, v14;
	(xrf0) =	vadd.scan.msk.s32 $0xffff, v10;
	v15 =	vadd.s32 v8, v6;
	v6 =	vld [tilespmem:s0+$0x13700];
	s0 =	simm.s32 @!p4 $0x0;
	s1 =	spop (v2sf)  }
0x33f: {  	(xrf0) =	vadd.scan.msk.s32 $0xffff, v12;
	s0 =	simm.s32 @p4 $0x1;
	s28 =	sadd.s32 $0x0, s1  }
0x340: {  	(v2sf) =	vpush v20, $0xF;
	(xrf0) =	vadd.scan.msk.s32 $0xffff, v15;
	v16, _, _ =	vpop (xrf0);
	[smem:$0x7F2] =	sst s0;
	v13 =	vadd.s32 s28, v13  }
0x341: {  	vm0 =	vlt.s32 v13, v5  }
0x342: {  	v8 =	vsel vm0, $0x1, v0  }
0x343: {  	v10 =	vnsel vm0, $0x0, v7;
	_ =	sdelay $0x1  }
0x344: {  	(v2sf) =	vpush v16, $0xF;
	(xrf0) =	vadd.scan.msk.s32 $0xffff, v8;
	v8, _, _ =	vpop (xrf0)  }
0x345: {  	(xrf0) =	vadd.scan.msk.s32 $0xffff, v10;
	(v2sf) =	vpush v8, $0xF;
	v10, _, _ =	vpop (xrf0)  }
0x346: {  	(v2sf) =	vpush v10, $0xF;
	_ =	sdelay $0x6  }
0x347: {  	p0 =	por $0x0, $0x0  }
.Ltmp25:
0x348: {  	s0 =	simm.s32 $0x60;
	(pc) =	sbr.rel @p0 .LBB2_46-.Ltmp25, $4  }
0x349: {  	p6 =	por $0x1, $0x1;
	v21 =	vadd.s32 v21, v6;
	v6 =	vld [tilespmem:s0+$0x13700]  }
0x34a: {  	s1 =	spop (v2sf);
	v8 =	vld [tilespmem:s0+$0x13600];
	s0 =	simm.s32 @!p6 $0x0  }
0x34b: {  	s28 =	sadd.s32 s28, s1;
	s0 =	simm.s32 @p6 $0x1  }
0x34c: {  	(xrf0) =	vadd.scan.msk.s32 $0xffff, v21;
	v22, _, _ =	vpop (xrf0);
	v20 =	vadd.s32 s28, v20;
	[smem:$0x7F3] =	sst s0  }
0x34d: {  	vm0 =	vlt.s32 v20, v5  }
0x34e: {  	v10 =	vsel vm0, $0x1, v0;
	_ =	sdelay $0x2  }
0x34f: {  	(v2sf) =	vpush v22, $0xF;
	(xrf0) =	vadd.scan.msk.s32 $0xffff, v10;
	v10, _, _ =	vpop (xrf0)  }
0x350: {  	(v2sf) =	vpush v10, $0xF;
	v10, _, _ =	vpop (xrf0)  }
0x351: {  	(v2sf) =	vpush v10, $0xF;
	_ =	sdelay $0x2  }
0x352: {  	p0 =	por $0x0, $0x0  }
.Ltmp26:
0x353: {  	s0 =	simm.s32 $0x70;
	(pc) =	sbr.rel @p0 .LBB2_48-.Ltmp26, $4  }
0x354: {  	p5 =	por $0x1, $0x1;
	v12 =	vnsel vm0, $0x0, v11;
	v24 =	vld [tilespmem:s0+$0x13600]  }
0x355: {  	s1 =	spop (v2sf);
	(xrf0) =	vadd.scan.msk.s32 $0xffff, v12;
	v12 =	vadd.s32 v8, v6;
	v6 =	vld [tilespmem:s0+$0x13700];
	s0 =	simm.s32 @!p5 $0x0  }
0x356: {  	s28 =	sadd.s32 s28, s1;
	s0 =	simm.s32 @p5 $0x1  }
0x357: {  	p2 =	por $0x1, $0x1;
	v23 =	vadd.s32 s28, v16;
	(xrf0) =	vadd.scan.msk.s32 $0xffff, v12;
	[smem:$0x7F4] =	sst s0;
	v25, _, _ =	vpop (xrf0)  }
0x358: {  	vm0 =	vlt.s32 v23, v5  }
0x359: {  	v8 =	vsel vm0, $0x1, v0  }
0x35a: {  	v10 =	vnsel vm0, $0x0, v9;
	_ =	sdelay $0x1  }
0x35b: {  	(v2sf) =	vpush v25, $0xF;
	(xrf0) =	vadd.scan.msk.s32 $0xffff, v8;
	v8, _, _ =	vpop (xrf0)  }
0x35c: {  	(xrf0) =	vadd.scan.msk.s32 $0xffff, v10;
	(v2sf) =	vpush v8, $0xF;
	v10, _, _ =	vpop (xrf0)  }
0x35d: {  	(v2sf) =	vpush v10, $0xF;
	_ =	sdelay $0x2  }
0x35e: {  	p0 =	por $0x0, $0x0  }
.Ltmp27:
0x35f: {  	s1 =	simm.s32 $0x80;
	(pc) =	sbr.rel @p0 .LBB2_50-.Ltmp27, $4  }
0x360: {  	p6 =	por $0x1, $0x1;
	v26 =	vadd.s32 v24, v6;
	v6 =	vld [tilespmem:s1+$0x13700]  }
0x361: {  	s3 =	spop (v2sf);
	v8 =	vld [tilespmem:s1+$0x13600];
	s1 =	simm.s32 @!p6 $0x0  }
0x362: {  	s0 =	simm.s32 $0x240;
	v17 =	vmov v15;
	s28 =	sadd.s32 s28, s3;
	s1 =	simm.s32 @p6 $0x1  }
0x363: {  	s26 =	simm.s32 $0x0;
	v19 =	vmov v21;
	s29 =	simm.s32 $0x0;
	v18 =	vadd.s32 s28, v22;
	v24 =	vmov v25;
	(xrf0) =	vadd.scan.msk.s32 $0xffff, v26;
	v10, _, _ =	vpop (xrf0);
	[smem:$0x7F5] =	sst s1  }
.LBB2_51:
0x364: {  	p0 =	seq.s32 s0, $0x3C0  }
0x365: {  	(v2sf) =	vpush v10, $0xF;
	vm0 =	vlt.s32 v18, v5;
	s1 =	spop (v2sf);
	s3 =	smov.u32 s0;
	s0 =	sadd.s32 $0x40, s0  }
.Ltmp28:
0x366: {  	v27 =	vsel vm0, $0x1, v0;
	v18 =	vnsel vm0, $0x0, v17;
	s26 =	sadd.s32 s26, s1;
	s1 =	spop (v2sf);
	v17 =	vmovc v19;
	v19 =	vmovc v12;
	v12 =	vmov v26;
	(pc) =	sbr.rel @!p0 .LBB2_51-.Ltmp28, $4  }
0x367: {  	(xrf0) =	vadd.scan.msk.s32 $0xffff, v27;
	v14, _, _ =	vpop (xrf0);
	s29 =	sadd.s32 s29, s1  }
0x368: {  	s1 =	sshra.s32 s3, $0x2;
	(xrf0) =	vadd.scan.msk.s32 $0xffff, v18;
	s3 =	spop (v2sf);
	(v2sf) =	vpush v14, $0xF;
	v14, _, _ =	vpop (xrf0)  }
0x369: {  	v26 =	vadd.s32 v8, v6;
	v8 =	vld [tilespmem:s1+$0x13600];
	s28 =	sadd.s32 s28, s3;
	(v2sf) =	vpush v14, $0xF  }
0x36a: {  	v6 =	vld [tilespmem:s1+$0x13700];
	(xrf0) =	vadd.scan.msk.s32 $0xffff, v26;
	v18 =	vadd.s32 s28, v24;
	v24 =	vmov v10;
	v10, _, _ =	vpop (xrf0)  }
0x36b: {  	v14 =	vmov v12;
	v12 =	vmov v26  }
.LBB2_53:
0x36c: {  	s0 =	sld [smem:$0x7F2]  }
0x36d: {  	s3 =	sld [smem:$0x7EF];
	_ =	sdelay $0x2  }
0x36e: {  	p4 =	seq.s32 s0, $0x1;
	p1 =	seq.s32 s3, $0x1  }
0x36f: {  	s4 =	sld [smem:$0x7F5];
	v26, _, _ =	vpop @p4 (xrf0);
	(v2sf) =	vpush @p1 v10, $0xF  }
0x370: {  	v27, _, _ =	vpop @p4 (xrf0)  }
0x371: {  	s5 =	sld [smem:$0x7F1];
	(v2sf) =	vpush @p4 v26, $0xF;
	v26, _, _ =	vpop @p2 (xrf0)  }
0x372: {  	p6 =	seq.s32 s4, $0x1;
	s4 =	sld [smem:$0x7F4];
	(v2sf) =	vpush @p4 v27, $0xF;
	v25 =	vpsel p2, v26, v25  }
0x373: {  	s6 =	sld [smem:$0x7F0];
	(v2sf) =	vpush @p2 v25, $0xF  }
0x374: {  	s7 =	sld [smem:$0x7F3];
	s1 =	spop @p6 (v2sf)  }
0x375: {  	p3 =	seq.s32 s5, $0x1;
	s30 =	spop @p6 (v2sf);
	p0 =	seq.s32 s4, $0x1  }
0x376: {  	s3 =	simm.s32 $0x0;
	vm0 =	vlt.s32 @p3 v18, v5;
	s0 =	spop @p3 (v2sf);
	s4 =	simm.s32 @!p0 $0x0  }
0x377: {  	v18 =	vsel @p3 vm0, $0x1, v0;
	s0 =	sadd.s32 @p3 s28, s0;
	s28 =	spop @p0 (v2sf);
	s4 =	simm.s32 @p0 $0x1  }
0x378: {  	v17 =	vnsel @p3 vm0, $0x0, v17;
	(xrf0) =	vadd.scan.msk.s32 @p3 $0xffff, v18;
	s3 =	smov.u32 @p3 s0;
	s31 =	spop @p0 (v2sf);
	p0 =	seq.s32 s6, $0x1  }
0x379: {  	(xrf0) =	vadd.scan.msk.s32 @p3 $0xffff, v17;
	v17 =	vadd.s32 @p0 s3, v24  }
0x37a: {  	v6 =	vadd.s32 v8, v6;
	p5 =	seq.s32 s7, $0x1;
	v8 =	vmov @p1 v10;
	s0 =	spop @p0 (v2sf);
	v10 =	vpsel p0, v17, v23  }
0x37b: {  	v8 =	vpsel p1, v8, v22;
	[smem:$0x7F4] =	sst s4;
	v18 =	vmov @p0 v19;
	s4 =	simm.s32 $0x0;
	s3 =	sadd.s32 @p0 s3, s0;
	vm0 =	vlt.s32 @p0 v10, v5  }
0x37c: {  	v17 =	vpsel p0, v18, v9;
	s0 =	spop @p5 (v2sf);
	s4 =	smov.u32 @p0 s3;
	v10 =	vpsel p2, v12, v21;
	v12 =	vsel @p0 vm0, $0x1, v0  }
0x37d: {  	s3 =	spop @p5 (v2sf);
	v8 =	vadd.s32 @p1 s4, v8  }
0x37e: {  	(xrf0) =	vadd.scan.msk.s32 $0xffff, v6;
	v8 =	vpsel p1, v8, v20;
	s5 =	spop @p1 (v2sf)  }
0x37f: {  	v14 =	vpsel p1, v14, v15;
	s6 =	simm.s32 $0x0;
	v15 =	vnsel @p0 vm0, $0x0, v17;
	(xrf0) =	vadd.scan.msk.s32 @p0 $0xffff, v12;
	v17 =	vmov @p2 v25;
	v12, _, _ =	vpop @p3 (xrf0);
	s5 =	sadd.s32 @p1 s4, s5  }
0x380: {  	vm0 =	vlt.s32 @p1 v8, v5;
	(xrf0) =	vadd.scan.msk.s32 @p0 $0xffff, v15;
	(v2sf) =	vpush @p3 v12, $0xF;
	v12 =	vpsel p2, v17, v16;
	s4 =	spop @p4 (v2sf);
	s6 =	smov.u32 @p1 s5  }
0x381: {  	v8 =	vmovc @p2 v10;
	v10 =	vpsel p1, v14, v11;
	v11 =	vsel @p1 vm0, $0x1, v0;
	s5 =	spop @p4 (v2sf);
	v12 =	vadd.s32 @p2 s6, v12  }
0x382: {  	v8 =	vpsel p2, v8, v9;
	v9 =	vnsel @p1 vm0, $0x0, v10;
	s7 =	spop @p2 (v2sf);
	v10 =	vpsel p2, v12, v13  }
0x383: {  	v14, _, _ =	vpop @p3 (xrf0);
	(xrf0) =	vadd.scan.msk.s32 @p1 $0xffff, v11;
	s6 =	sadd.s32 @p2 s6, s7;
	s7 =	simm.s32 $0x0  }
0x384: {  	(v2sf) =	vpush @p3 v14, $0xF;
	v62, _, _ =	vpop (xrf0);
	(xrf0) =	vadd.scan.msk.s32 @p1 $0xffff, v9;
	v7 =	vpsel p2, v8, v7;
	vm0 =	vlt.s32 @p2 v10, v5;
	s7 =	smov.u32 @p2 s6  }
0x385: {  	(v2sf) =	vpush v62, $0xF;
	v8 =	vsel @p2 vm0, $0x1, v0;
	v63 =	vadd.s32 s7, v62;
	v10, _, _ =	vpop @p0 (xrf0)  }
0x386: {  	v7 =	vnsel @p2 vm0, $0x0, v7;
	(xrf0) =	vadd.scan.msk.s32 @p2 $0xffff, v8;
	vm15 =	vlt.s32 v63, v5;
	(v2sf) =	vpush @p0 v10, $0xF;
	v5, _, _ =	vpop @p0 (xrf0)  }
0x387: {  	(xrf0) =	vadd.scan.msk.s32 @p2 $0xffff, v7;
	(v2sf) =	vpush @p0 v5, $0xF;
	v5 =	vnsel vm15, $0x0, v6  }
0x388: {  	s1 =	sadd.s32 @p6 s26, s1;
	s26 =	sld [smem:$0x7F4];
	v7 =	vsel vm15, $0x1, v0  }
0x389: {  	s6 =	simm.s32 $0x0;
	v6, _, _ =	vpop @p1 (xrf0);
	(xrf0) =	vadd.scan.msk.s32 $0xffff, v7  }
0x38a: {  	s7 =	sadd.s32 @p6 s29, s30;
	s6 =	smov.u32 @p6 s1;
	s1 =	simm.s32 $0x0;
	(v2sf) =	vpush @p1 v6, $0xF;
	(xrf0) =	vadd.scan.msk.s32 $0xffff, v5;
	v5, _, _ =	vpop @p1 (xrf0)  }
0x38b: {  	s1 =	smov.u32 @p6 s7;
	p6 =	seq.s32 s26, $0x1;
	(v2sf) =	vpush @p1 v5, $0xF  }
0x38c: {  	s7 =	simm.s32 $0x0;
	s6 =	sadd.s32 @p6 s6, s28;
	v5, _, _ =	vpop @p2 (xrf0)  }
0x38d: {  	s1 =	sadd.s32 @p6 s1, s31;
	s7 =	smov.u32 @p6 s6;
	s6 =	simm.s32 $0x0;
	(v2sf) =	vpush @p2 v5, $0xF;
	v5, _, _ =	vpop @p2 (xrf0)  }
0x38e: {  	s6 =	smov.u32 @p6 s1;
	s0 =	sadd.s32 @p5 s7, s0;
	(v2sf) =	vpush @p2 v5, $0xF  }
0x38f: {  	s1 =	sadd.s32 @p5 s6, s3;
	s3 =	simm.s32 $0x0;
	s6 =	simm.s32 $0x0  }
0x390: {  	s3 =	smov.u32 @p5 s0;
	s6 =	smov.u32 @p5 s1  }
0x391: {  	s0 =	sadd.s32 @p4 s3, s4;
	s1 =	sadd.s32 @p4 s6, s5;
	s3 =	simm.s32 $0x0  }
0x392: {  	s4 =	spop @p3 (v2sf);
	s3 =	smov.u32 @p4 s0;
	s0 =	simm.s32 $0x0  }
0x393: {  	s0 =	smov.u32 @p4 s1;
	s1 =	spop @p3 (v2sf)  }
0x394: {  	v5, _, _ =	vpop (xrf0);
	s3 =	sadd.s32 @p3 s3, s4;
	s0 =	sadd.s32 @p3 s0, s1;
	s1 =	simm.s32 $0x0  }
0x395: {  	(v2sf) =	vpush v5, $0xF;
	v5, _, _ =	vpop (xrf0);
	s28 =	spop (v2sf);
	s1 =	smov.u32 @p3 s3;
	s3 =	simm.s32 $0x0  }
0x396: {  	(v2sf) =	vpush v5, $0xF;
	s3 =	smov.u32 @p3 s0;
	s0 =	spop @p0 (v2sf)  }
0x397: {  	s4 =	simm.s32 $0x0;
	s0 =	sadd.s32 @p0 s1, s0;
	s1 =	spop @p0 (v2sf)  }
0x398: {  	s1 =	sadd.s32 @p0 s3, s1;
	s4 =	smov.u32 @p0 s0;
	s0 =	simm.s32 $0x0  }
0x399: {  	s0 =	smov.u32 @p0 s1;
	s1 =	spop @p1 (v2sf)  }
0x39a: {  	s1 =	sadd.s32 @p1 s4, s1;
	s4 =	simm.s32 $0x0;
	s3 =	spop @p1 (v2sf)  }
0x39b: {  	s4 =	smov.u32 @p1 s1;
	s1 =	simm.s32 $0x0;
	s0 =	sadd.s32 @p1 s0, s3  }
0x39c: {  	s1 =	smov.u32 @p1 s0;
	s0 =	spop @p2 (v2sf)  }
0x39d: {  	s3 =	spop @p2 (v2sf)  }
0x39e: {  	s1 =	sadd.s32 @p2 s1, s3  }
0x39f: {  	s22 =	smov.u32 @p2 s1;
	s1 =	simm.s32 $0x12640  }
0x3a0: {  	[tilespmem:s1+$0xFFFFFFC0] =	vst v0  }
0x3a1: {  	[tilespmem:s1+$0x30] =	vst v0  }
0x3a2: {  	[tilespmem:s1+$0x20] =	vst v0  }
0x3a3: {  	[tilespmem:s1+$0x10] =	vst v0  }
0x3a4: {  	s0 =	sadd.s32 @p2 s4, s0;
	s4 =	simm.s32 $0x0;
	s29 =	spop (v2sf);
	[tilespmem:s1+$0x0] =	vst v0  }
0x3a5: {  	s4 =	smov.u32 @p2 s0;
	s31 =	spop (v2sf);
	[tilespmem:s1+$0xFFFFFFF0] =	vst v0  }
0x3a6: {  	s3 =	simm.s32 $0x0;
	s0 =	sadd.s32 s4, s29;
	s30 =	sadd.s32 s22, s31;
	[tilespmem:s1+$0xFFFFFFE0] =	vst v0  }
.LBB2_54:
0x3a7: {  	s3 =	sadd.s32 $0x8, s3;
	[tilespmem:s1+$0xFFFFFFD0] =	vst v0;
	s1 =	sadd.s32 $0x80, s1  }
0x3a8: {  	[tilespmem:s1+$0xFFFFFFC0] =	vst v0;
	p0 =	slt.u32 s3, $0xF8  }
0x3a9: {  	[tilespmem:s1+$0x30] =	vst v0  }
.Ltmp29:
0x3aa: {  	[tilespmem:s1+$0x20] =	vst v0;
	(pc) =	sbr.rel @p0 .LBB2_54-.Ltmp29, $4  }
0x3ab: {  	[tilespmem:s1+$0x10] =	vst v0  }
0x3ac: {  	[tilespmem:s1+$0x0] =	vst v0  }
0x3ad: {  	[tilespmem:s1+$0xFFFFFFF0] =	vst v0  }
0x3ae: {  	[tilespmem:s1+$0xFFFFFFE0] =	vst v0  }
0x3af: {  	s29 =	sadd.s32 $0xF, s24  }
0x3b0: {  	s22 =	sshra.s32 s29, $0x4  }
0x3b1: {  	p1 =	slt.s32 s22, $0x1  }
.Ltmp30:
0x3b2: {  	_ = 	snop;
	(pc) =	sbr.rel @p1 .LBB2_58-.Ltmp30, $3  }
0x3b3: {  	_ =	sdelay $0x1  }
0x3b4: {  	s31 =	sshll.u32 s23, $0x8  }
0x3b5: {  	[tilespmem:s1+$0xFFFFFFD0] =	vst v0;
	v5 =	vmov s24;
	s23 =	sor.u32 s31, s0  }
0x3b6: {  	v6 =	vmov s23;
	s0 =	simm.s32 $0xC400;
	s1 =	simm.s32 $0x0;
	s3 =	simm.s32 $0x0  }
.LBB2_57:
0x3b7: {  	v7 =	vld [tilespmem:s0+$0x0];
	_ =	sdelay $0x2  }
0x3b8: {  	v8 =	vor.u32 s1, v1  }
0x3b9: {  	vm0 =	vlt.s32 v8, v5  }
0x3ba: {  	v7 =	vnsel vm0, $0x0, v7;
	_ =	sdelay $0x4  }
0x3bb: {  	v7 =	vld.idx.msk [tilespmem:v7+s2+$0x0], $0xffff;
	_ =	sdelay $0x3  }
0x3bc: {  	v8 =	vmov s3  }
0x3bd: {  	v8 =	vshll.u32 v8, $0x8;
	v9 =	vshrl.u32 v7, $0x10  }
0x3be: {  	v8 =	vadd.s32 v2, v8;
	v7 =	vshrl.u32 v7, $0x8;
	vm1 =	veq.s32 v9, v6  }
0x3bf: {  	s3 =	sadd.s32 $0x1, s3;
	v8 =	vand.u32 $0xF00, v8;
	v7 =	vand.u32 $0xFF, v7;
	vm0 =	vmand vm0, vm1  }
0x3c0: {  	p0 =	sne.s32 s22, s3;
	v7 =	vor.u32 v8, v7  }
.Ltmp31:
0x3c1: {  	_ = 	snop;
	(pc) =	sbr.rel @p0 .LBB2_57-.Ltmp31, $2  }
0x3c2: {  	_ =	sdelay $0x2  }
0x3c3: {  	s0 =	sadd.s32 $0x10, s0;
	s1 =	sadd.s32 $0x10, s1;
	[tilespmem:v7+s17+$0x0] =	vst.idx.add.s32.msk vm0, v3  }
.LBB2_58:
0x3c4: {  	s26 =	simm.s32 $0x0;
	s28 =	simm.s32 $0x12E10  }
0x3c5: {  	s31 =	sand.u32 $0xC0, s26;
	v7 =	vld [tilespmem:s28+$0xFFFFF7F0]  }
0x3c6: {  	v6 =	vld [tilespmem:s31+$0x12700]  }
0x3c7: {  	v8 =	vld [tilespmem:s31+$0x12800]  }
0x3c8: {  	v9 =	vld [tilespmem:s31+$0x12900]  }
0x3c9: {  	v10 =	vld [tilespmem:s31+$0x12A00]  }
0x3ca: {  	v11 =	vld [tilespmem:s31+$0x12B00]  }
0x3cb: {  	v6 =	vadd.s32 v7, v6;
	v7 =	vld [tilespmem:s31+$0x12C00]  }
0x3cc: {  	v6 =	vadd.s32 v8, v6;
	v8 =	vld [tilespmem:s31+$0x12D00]  }
0x3cd: {  	v6 =	vadd.s32 v9, v6;
	v9 =	vld [tilespmem:s31+$0x12E00]  }
0x3ce: {  	v6 =	vadd.s32 v10, v6;
	v10 =	vld [tilespmem:s31+$0x12F00]  }
0x3cf: {  	v6 =	vadd.s32 v11, v6;
	v11 =	vld [tilespmem:s31+$0x13000]  }
0x3d0: {  	v6 =	vadd.s32 v7, v6;
	v7 =	vld [tilespmem:s31+$0x13100]  }
0x3d1: {  	v6 =	vadd.s32 v8, v6;
	v8 =	vld [tilespmem:s31+$0x13200]  }
0x3d2: {  	v6 =	vadd.s32 v9, v6;
	v9 =	vld [tilespmem:s31+$0x13300]  }
0x3d3: {  	v6 =	vadd.s32 v10, v6;
	v10 =	vld [tilespmem:s31+$0x13400]  }
0x3d4: {  	v6 =	vadd.s32 v11, v6;
	v11 =	vld [tilespmem:s31+$0x13500]  }
0x3d5: {  	v6 =	vadd.s32 v7, v6  }
0x3d6: {  	v6 =	vadd.s32 v8, v6  }
0x3d7: {  	v6 =	vadd.s32 v9, v6  }
0x3d8: {  	v6 =	vadd.s32 v10, v6  }
0x3d9: {  	s29 =	simm.s32 $0x13620;
	v6 =	vadd.s32 v11, v6  }
0x3da: {  	[tilespmem:s29+$0xFFFFFFE0] =	vst v6  }
0x3db: {  	v6 =	vld [tilespmem:s28+$0xFFFFF800]  }
0x3dc: {  	v7 =	vld [tilespmem:s28+$0xFFFFF900]  }
0x3dd: {  	v8 =	vld [tilespmem:s28+$0xFFFFFA00]  }
0x3de: {  	v9 =	vld [tilespmem:s28+$0xFFFFFB00]  }
0x3df: {  	v10 =	vld [tilespmem:s28+$0xFFFFFC00]  }
0x3e0: {  	v11 =	vld [tilespmem:s28+$0xFFFFFD00]  }
0x3e1: {  	v6 =	vadd.s32 v6, v7;
	v7 =	vld [tilespmem:s28+$0xFFFFFE00]  }
0x3e2: {  	v6 =	vadd.s32 v8, v6;
	v8 =	vld [tilespmem:s28+$0xFFFFFF00]  }
0x3e3: {  	v6 =	vadd.s32 v9, v6;
	v9 =	vld [tilespmem:s28+$0x0]  }
0x3e4: {  	v6 =	vadd.s32 v10, v6;
	v10 =	vld [tilespmem:s28+$0x100]  }
0x3e5: {  	v6 =	vadd.s32 v11, v6;
	v11 =	vld [tilespmem:s28+$0x200]  }
0x3e6: {  	v6 =	vadd.s32 v7, v6;
	v7 =	vld [tilespmem:s28+$0x300]  }
0x3e7: {  	v6 =	vadd.s32 v8, v6;
	v8 =	vld [tilespmem:s28+$0x400]  }
0x3e8: {  	v6 =	vadd.s32 v9, v6;
	v9 =	vld [tilespmem:s28+$0x500]  }
0x3e9: {  	v6 =	vadd.s32 v10, v6;
	v10 =	vld [tilespmem:s28+$0x600]  }
0x3ea: {  	v6 =	vadd.s32 v11, v6;
	v11 =	vld [tilespmem:s28+$0x700]  }
0x3eb: {  	v6 =	vadd.s32 v7, v6  }
0x3ec: {  	v6 =	vadd.s32 v8, v6  }
0x3ed: {  	v6 =	vadd.s32 v9, v6  }
0x3ee: {  	v6 =	vadd.s32 v10, v6  }
0x3ef: {  	v6 =	vadd.s32 v11, v6  }
0x3f0: {  	[tilespmem:s29+$0xFFFFFFF0] =	vst v6  }
0x3f1: {  	v6 =	vld [tilespmem:s28+$0xFFFFF810]  }
0x3f2: {  	v7 =	vld [tilespmem:s28+$0xFFFFF910]  }
0x3f3: {  	v8 =	vld [tilespmem:s28+$0xFFFFFA10]  }
0x3f4: {  	v9 =	vld [tilespmem:s28+$0xFFFFFB10]  }
0x3f5: {  	v10 =	vld [tilespmem:s28+$0xFFFFFC10]  }
0x3f6: {  	v11 =	vld [tilespmem:s28+$0xFFFFFD10]  }
0x3f7: {  	v6 =	vadd.s32 v6, v7;
	v7 =	vld [tilespmem:s28+$0xFFFFFE10]  }
0x3f8: {  	v6 =	vadd.s32 v8, v6;
	v8 =	vld [tilespmem:s28+$0xFFFFFF10]  }
0x3f9: {  	v6 =	vadd.s32 v9, v6;
	v9 =	vld [tilespmem:s28+$0x10]  }
0x3fa: {  	v6 =	vadd.s32 v10, v6;
	v10 =	vld [tilespmem:s28+$0x110]  }
0x3fb: {  	v6 =	vadd.s32 v11, v6;
	v11 =	vld [tilespmem:s28+$0x210]  }
0x3fc: {  	v6 =	vadd.s32 v7, v6;
	v7 =	vld [tilespmem:s28+$0x310]  }
0x3fd: {  	v6 =	vadd.s32 v8, v6;
	v8 =	vld [tilespmem:s28+$0x410]  }
0x3fe: {  	v6 =	vadd.s32 v9, v6;
	v9 =	vld [tilespmem:s28+$0x510]  }
0x3ff: {  	v6 =	vadd.s32 v10, v6;
	v10 =	vld [tilespmem:s28+$0x610]  }
0x400: {  	v6 =	vadd.s32 v11, v6;
	v11 =	vld [tilespmem:s28+$0x710]  }
0x401: {  	v6 =	vadd.s32 v7, v6  }
0x402: {  	v6 =	vadd.s32 v8, v6  }
0x403: {  	v6 =	vadd.s32 v9, v6  }
0x404: {  	v6 =	vadd.s32 v10, v6  }
0x405: {  	v6 =	vadd.s32 v11, v6  }
0x406: {  	[tilespmem:s29+$0x0] =	vst v6  }
0x407: {  	v6 =	vld [tilespmem:s28+$0xFFFFF820]  }
0x408: {  	v7 =	vld [tilespmem:s28+$0xFFFFF920]  }
0x409: {  	v8 =	vld [tilespmem:s28+$0xFFFFFA20]  }
0x40a: {  	v9 =	vld [tilespmem:s28+$0xFFFFFB20]  }
0x40b: {  	v10 =	vld [tilespmem:s28+$0xFFFFFC20]  }
0x40c: {  	v11 =	vld [tilespmem:s28+$0xFFFFFD20]  }
0x40d: {  	v6 =	vadd.s32 v6, v7;
	v7 =	vld [tilespmem:s28+$0xFFFFFE20]  }
0x40e: {  	v6 =	vadd.s32 v8, v6;
	v8 =	vld [tilespmem:s28+$0xFFFFFF20]  }
0x40f: {  	v6 =	vadd.s32 v9, v6;
	v9 =	vld [tilespmem:s28+$0x20]  }
0x410: {  	v6 =	vadd.s32 v10, v6;
	v10 =	vld [tilespmem:s28+$0x120]  }
0x411: {  	v6 =	vadd.s32 v11, v6;
	v11 =	vld [tilespmem:s28+$0x220]  }
0x412: {  	v6 =	vadd.s32 v7, v6;
	v7 =	vld [tilespmem:s28+$0x320]  }
0x413: {  	v8 =	vadd.s32 v8, v6;
	v6 =	vld [tilespmem:s28+$0x420]  }
0x414: {  	s0 =	simm.s32 @!p1 $0x0;
	v9 =	vadd.s32 v9, v8;
	v8 =	vld [tilespmem:s28+$0x520]  }
0x415: {  	s24 =	ssub.s32 s25, s30;
	s0 =	simm.s32 @p1 $0x1;
	v10 =	vadd.s32 v10, v9;
	v9 =	vld [tilespmem:s28+$0x620]  }
0x416: {  	s25 =	simm.s32 $0x0;
	s30 =	simm.s32 $0x13660;
	[smem:$0x7EE] =	sst s0;
	v11 =	vadd.s32 v11, v10;
	v10 =	vld [tilespmem:s28+$0x720]  }
.LBB2_59:
0x417: {  	s25 =	sadd.s32 $0x4, s25;
	v7 =	vadd.s32 v7, v11;
	s28 =	sadd.s32 $0x40, s28;
	s26 =	sadd.s32 $0x40, s26  }
0x418: {  	p0 =	slt.u32 s25, $0xC;
	v6 =	vadd.s32 v6, v7  }
0x419: {  	v6 =	vadd.s32 v8, v6  }
0x41a: {  	v6 =	vadd.s32 v9, v6  }
0x41b: {  	v6 =	vadd.s32 v10, v6  }
0x41c: {  	s0 =	sand.u32 $0xC0, s26;
	[tilespmem:s29+$0x10] =	vst v6;
	s29 =	smov.u32 s30  }
0x41d: {  	v6 =	vld [tilespmem:s0+$0x12800]  }
0x41e: {  	v7 =	vld [tilespmem:s0+$0x12700]  }
0x41f: {  	v8 =	vld [tilespmem:s28+$0xFFFFF7F0];
	_ =	sdelay $0x1  }
0x420: {  	v9 =	vld [tilespmem:s0+$0x12900]  }
0x421: {  	v10 =	vld [tilespmem:s0+$0x12A00]  }
0x422: {  	v11 =	vld [tilespmem:s0+$0x12B00]  }
0x423: {  	v7 =	vadd.s32 v8, v7;
	v8 =	vld [tilespmem:s0+$0x12C00]  }
0x424: {  	v6 =	vadd.s32 v6, v7;
	v7 =	vld [tilespmem:s0+$0x12D00]  }
0x425: {  	v6 =	vadd.s32 v9, v6;
	v9 =	vld [tilespmem:s0+$0x12E00]  }
0x426: {  	v6 =	vadd.s32 v10, v6;
	v10 =	vld [tilespmem:s0+$0x12F00]  }
0x427: {  	v6 =	vadd.s32 v11, v6;
	v11 =	vld [tilespmem:s0+$0x13000]  }
0x428: {  	v6 =	vadd.s32 v8, v6;
	v8 =	vld [tilespmem:s0+$0x13100]  }
0x429: {  	v6 =	vadd.s32 v7, v6;
	v7 =	vld [tilespmem:s0+$0x13200]  }
0x42a: {  	v6 =	vadd.s32 v9, v6;
	v9 =	vld [tilespmem:s0+$0x13300]  }
0x42b: {  	v6 =	vadd.s32 v10, v6;
	v10 =	vld [tilespmem:s0+$0x13400]  }
0x42c: {  	v6 =	vadd.s32 v11, v6;
	v11 =	vld [tilespmem:s0+$0x13500]  }
0x42d: {  	v6 =	vadd.s32 v8, v6  }
0x42e: {  	v6 =	vadd.s32 v7, v6  }
0x42f: {  	v6 =	vadd.s32 v9, v6  }
0x430: {  	v6 =	vadd.s32 v10, v6  }
0x431: {  	v6 =	vadd.s32 v11, v6  }
0x432: {  	[tilespmem:s30+$0xFFFFFFE0] =	vst v6  }
0x433: {  	v6 =	vld [tilespmem:s28+$0xFFFFF800]  }
0x434: {  	v7 =	vld [tilespmem:s28+$0xFFFFF900]  }
0x435: {  	v8 =	vld [tilespmem:s28+$0xFFFFFA00]  }
0x436: {  	v9 =	vld [tilespmem:s28+$0xFFFFFB00]  }
0x437: {  	v10 =	vld [tilespmem:s28+$0xFFFFFC00]  }
0x438: {  	v11 =	vld [tilespmem:s28+$0xFFFFFD00]  }
0x439: {  	v6 =	vadd.s32 v6, v7;
	v7 =	vld [tilespmem:s28+$0xFFFFFE00]  }
0x43a: {  	v6 =	vadd.s32 v8, v6;
	v8 =	vld [tilespmem:s28+$0xFFFFFF00]  }
0x43b: {  	v6 =	vadd.s32 v9, v6;
	v9 =	vld [tilespmem:s28+$0x0]  }
0x43c: {  	v6 =	vadd.s32 v10, v6;
	v10 =	vld [tilespmem:s28+$0x100]  }
0x43d: {  	v6 =	vadd.s32 v11, v6;
	v11 =	vld [tilespmem:s28+$0x200]  }
0x43e: {  	v6 =	vadd.s32 v7, v6;
	v7 =	vld [tilespmem:s28+$0x300]  }
0x43f: {  	v6 =	vadd.s32 v8, v6;
	v8 =	vld [tilespmem:s28+$0x400]  }
0x440: {  	v6 =	vadd.s32 v9, v6;
	v9 =	vld [tilespmem:s28+$0x500]  }
0x441: {  	v6 =	vadd.s32 v10, v6;
	v10 =	vld [tilespmem:s28+$0x600]  }
0x442: {  	v6 =	vadd.s32 v11, v6;
	v11 =	vld [tilespmem:s28+$0x700]  }
0x443: {  	v6 =	vadd.s32 v7, v6  }
0x444: {  	v6 =	vadd.s32 v8, v6  }
0x445: {  	v6 =	vadd.s32 v9, v6  }
0x446: {  	v6 =	vadd.s32 v10, v6  }
0x447: {  	v6 =	vadd.s32 v11, v6  }
0x448: {  	[tilespmem:s30+$0xFFFFFFF0] =	vst v6  }
0x449: {  	v6 =	vld [tilespmem:s28+$0xFFFFF810]  }
0x44a: {  	v7 =	vld [tilespmem:s28+$0xFFFFF910]  }
0x44b: {  	v8 =	vld [tilespmem:s28+$0xFFFFFA10]  }
0x44c: {  	v9 =	vld [tilespmem:s28+$0xFFFFFB10]  }
0x44d: {  	v10 =	vld [tilespmem:s28+$0xFFFFFC10]  }
0x44e: {  	v11 =	vld [tilespmem:s28+$0xFFFFFD10]  }
0x44f: {  	v6 =	vadd.s32 v6, v7;
	v7 =	vld [tilespmem:s28+$0xFFFFFE10]  }
0x450: {  	v6 =	vadd.s32 v8, v6;
	v8 =	vld [tilespmem:s28+$0xFFFFFF10]  }
0x451: {  	v6 =	vadd.s32 v9, v6;
	v9 =	vld [tilespmem:s28+$0x10]  }
0x452: {  	v6 =	vadd.s32 v10, v6;
	v10 =	vld [tilespmem:s28+$0x110]  }
0x453: {  	v6 =	vadd.s32 v11, v6;
	v11 =	vld [tilespmem:s28+$0x210]  }
0x454: {  	v6 =	vadd.s32 v7, v6;
	v7 =	vld [tilespmem:s28+$0x310]  }
0x455: {  	v6 =	vadd.s32 v8, v6;
	v8 =	vld [tilespmem:s28+$0x410]  }
0x456: {  	v6 =	vadd.s32 v9, v6;
	v9 =	vld [tilespmem:s28+$0x510]  }
0x457: {  	v6 =	vadd.s32 v10, v6;
	v10 =	vld [tilespmem:s28+$0x610]  }
0x458: {  	v6 =	vadd.s32 v11, v6;
	v11 =	vld [tilespmem:s28+$0x710]  }
0x459: {  	v6 =	vadd.s32 v7, v6  }
0x45a: {  	v6 =	vadd.s32 v8, v6  }
0x45b: {  	v6 =	vadd.s32 v9, v6  }
0x45c: {  	v6 =	vadd.s32 v10, v6  }
0x45d: {  	v6 =	vadd.s32 v11, v6  }
0x45e: {  	[tilespmem:s30+$0x0] =	vst v6  }
0x45f: {  	v6 =	vld [tilespmem:s28+$0xFFFFF820]  }
0x460: {  	v7 =	vld [tilespmem:s28+$0xFFFFF920]  }
0x461: {  	v8 =	vld [tilespmem:s28+$0xFFFFFA20]  }
0x462: {  	v9 =	vld [tilespmem:s28+$0xFFFFFB20]  }
0x463: {  	v10 =	vld [tilespmem:s28+$0xFFFFFC20]  }
0x464: {  	v11 =	vld [tilespmem:s28+$0xFFFFFD20]  }
0x465: {  	v6 =	vadd.s32 v6, v7;
	v7 =	vld [tilespmem:s28+$0xFFFFFE20]  }
0x466: {  	v6 =	vadd.s32 v8, v6;
	v8 =	vld [tilespmem:s28+$0xFFFFFF20]  }
0x467: {  	v6 =	vadd.s32 v9, v6;
	v9 =	vld [tilespmem:s28+$0x20]  }
0x468: {  	v6 =	vadd.s32 v10, v6;
	v10 =	vld [tilespmem:s28+$0x120]  }
0x469: {  	v6 =	vadd.s32 v11, v6;
	v11 =	vld [tilespmem:s28+$0x220]  }
.Ltmp32:
0x46a: {  	v6 =	vadd.s32 v7, v6;
	v7 =	vld [tilespmem:s28+$0x320];
	(pc) =	sbr.rel @p0 .LBB2_59-.Ltmp32, $4  }
0x46b: {  	v8 =	vadd.s32 v8, v6;
	v6 =	vld [tilespmem:s28+$0x420]  }
0x46c: {  	v9 =	vadd.s32 v9, v8;
	v8 =	vld [tilespmem:s28+$0x520]  }
0x46d: {  	v10 =	vadd.s32 v10, v9;
	v9 =	vld [tilespmem:s28+$0x620]  }
0x46e: {  	s30 =	sadd.s32 $0x40, s30;
	v11 =	vadd.s32 v11, v10;
	v10 =	vld [tilespmem:s28+$0x720]  }
0x46f: {  	v7 =	vadd.s32 v7, v11  }
0x470: {  	v6 =	vadd.s32 v6, v7  }
0x471: {  	v6 =	vadd.s32 v8, v6  }
0x472: {  	v6 =	vadd.s32 v9, v6  }
0x473: {  	v6 =	vadd.s32 v10, v6  }
0x474: {  	[tilespmem:s29+$0x10] =	vst v6  }
0x475: {  	[spmem:s8] =	stream.strided.scatter [tilespmem:s18], [sflag:$0x1], $0x100, s15, s14, $0x38;
	[tilespmem:$0x13C00] =	vst v63  }
0x476: {  	_ =	swait.ge [sflag:s16], $0x100  }
0x477: {  	[sflag:s16] =	ssyncset.done $0x0  }
0x478: {  	[sflag:s16] =	ssyncadd.s32 $0xFFFFFF00  }
0x479: {  	[bflag:$0x0] =	sbarrier.arrive $0xFFFF  }
0x47a: {  	[tilespmem:s19], [sflag:$0x1] =	stream.strided.gather [spmem:s9], $0x100, s15, s14, $0x38;
	[tilespmem:$0x13C00] =	vst v63  }
0x47b: {  	_ =	swait.ge [sflag:s16], $0x100  }
0x47c: {  	[sflag:s16] =	ssyncset.done $0x0  }
0x47d: {  	s0 =	simm.s32 $0x0;
	[sflag:s16] =	ssyncadd.s32 $0xFFFFFF00  }
0x47e: {  	p0 =	por $0x0, $0x0;
	v9 =	vld [tilespmem:s0+$0x13600]  }
0x47f: {  	v7 =	vld [tilespmem:s0+$0x13700];
	s0 =	simm.s32 @!p0 $0x0  }
0x480: {  	p1 =	por $0x0, $0x0;
	s0 =	simm.s32 @p0 $0x1;
	p0 =	por $0x0, $0x0  }
.Ltmp33:
0x481: {  	[smem:$0x7EB] =	sst s0;
	s0 =	simm.s32 @!p0 $0x0;
	(pc) =	sbr.rel @p1 .LBB2_61-.Ltmp33, $4  }
0x482: {  	s0 =	simm.s32 @p0 $0x1;
	p0 =	por $0x0, $0x0  }
0x483: {  	s25 =	simm.s32 $0x0;
	[smem:$0x7EC] =	sst s0;
	s0 =	simm.s32 @!p0 $0x0  }
0x484: {  	p2 =	por $0x0, $0x0;
	p3 =	por $0x0, $0x0;
	s0 =	simm.s32 @p0 $0x1  }
0x485: {  	p5 =	por $0x0, $0x0;
	p4 =	por $0x0, $0x0;
	v6 =	vmov s24;
	[smem:$0x7ED] =	sst s0  }
0x486: {  	p1 =	por $0x0, $0x0  }
.Ltmp34:
0x487: {  	_ = 	snop;
	(pc) =	sbr.rel @p1 .LBB2_63-.Ltmp34, $4  }
0x488: {  	_ = 	snop  }
0x489: {  	s0 =	simm.s32 $0x10  }
0x48a: {  	v15 =	vadd.s32 v9, v7;
	v8 =	vld [tilespmem:s0+$0x13600]  }
0x48b: {  	p2 =	por $0x1, $0x1;
	v7 =	vld [tilespmem:s0+$0x13700];
	(xrf0) =	vadd.scan.msk.s32 $0xffff, v15  }
0x48c: {  	p1 =	por $0x0, $0x0  }
.Ltmp35:
0x48d: {  	_ = 	snop;
	(pc) =	sbr.rel @p1 .LBB2_65-.Ltmp35, $4  }
0x48e: {  	_ = 	snop  }
0x48f: {  	s0 =	simm.s32 $0x20  }
0x490: {  	v9 =	vld [tilespmem:s0+$0x13600];
	v8 =	vadd.s32 v8, v7  }
0x491: {  	p3 =	por $0x1, $0x1;
	v7 =	vld [tilespmem:s0+$0x13700];
	(xrf0) =	vadd.scan.msk.s32 $0xffff, v8;
	v25, _, _ =	vpop (xrf0)  }
0x492: {  	p1 =	por $0x0, $0x0  }
.Ltmp36:
0x493: {  	_ = 	snop;
	(pc) =	sbr.rel @p1 .LBB2_67-.Ltmp36, $4  }
0x494: {  	_ = 	snop  }
0x495: {  	s0 =	simm.s32 $0x30  }
0x496: {  	v10 =	vld [tilespmem:s0+$0x13600];
	v12 =	vadd.s32 v9, v7  }
0x497: {  	(v2sf) =	vpush v25, $0xF;
	v7 =	vld [tilespmem:s0+$0x13700];
	(xrf0) =	vadd.scan.msk.s32 $0xffff, v12;
	v14, _, _ =	vpop (xrf0)  }
0x498: {  	p1 =	por $0x0, $0x0  }
.Ltmp37:
0x499: {  	_ = 	snop;
	(pc) =	sbr.rel @p1 .LBB2_69-.Ltmp37, $4  }
0x49a: {  	_ = 	snop  }
0x49b: {  	s0 =	simm.s32 $0x40  }
0x49c: {  	v9 =	vld [tilespmem:s0+$0x13600];
	v10 =	vadd.s32 v10, v7  }
0x49d: {  	(v2sf) =	vpush v14, $0xF;
	v19 =	vadd.s32 s25, v25;
	p5 =	por $0x1, $0x1;
	v7 =	vld [tilespmem:s0+$0x13700];
	(xrf0) =	vadd.scan.msk.s32 $0xffff, v10;
	v21, _, _ =	vpop (xrf0)  }
0x49e: {  	_ =	sdelay $0x4  }
0x49f: {  	p1 =	por $0x0, $0x0  }
.Ltmp38:
0x4a0: {  	vm0 =	vlt.s32 v19, v6;
	(pc) =	sbr.rel @p1 .LBB2_71-.Ltmp38, $4  }
0x4a1: {  	v11 =	vsel vm0, $0x1, v0  }
0x4a2: {  	s0 =	simm.s32 $0x50;
	v13 =	vnsel vm0, $0x0, v15;
	(xrf0) =	vadd.scan.msk.s32 $0xffff, v11;
	s1 =	spop (v2sf)  }
0x4a3: {  	v22 =	vld [tilespmem:s0+$0x13600];
	(xrf0) =	vadd.scan.msk.s32 $0xffff, v13;
	v16 =	vadd.s32 v9, v7;
	s28 =	sadd.s32 $0x0, s1  }
0x4a4: {  	(v2sf) =	vpush v21, $0xF;
	p4 =	por $0x1, $0x1;
	v7 =	vld [tilespmem:s0+$0x13700];
	(xrf0) =	vadd.scan.msk.s32 $0xffff, v16;
	v17, _, _ =	vpop (xrf0);
	v14 =	vadd.s32 s28, v14  }
0x4a5: {  	vm0 =	vlt.s32 v14, v6  }
0x4a6: {  	v9 =	vsel vm0, $0x1, v0  }
0x4a7: {  	v11 =	vnsel vm0, $0x0, v8;
	_ =	sdelay $0x1  }
0x4a8: {  	(v2sf) =	vpush v17, $0xF;
	(xrf0) =	vadd.scan.msk.s32 $0xffff, v9;
	v9, _, _ =	vpop (xrf0)  }
0x4a9: {  	(xrf0) =	vadd.scan.msk.s32 $0xffff, v11;
	(v2sf) =	vpush v9, $0xF;
	v11, _, _ =	vpop (xrf0)  }
0x4aa: {  	(v2sf) =	vpush v11, $0xF;
	_ =	sdelay $0x6  }
0x4ab: {  	p1 =	por $0x0, $0x0  }
.Ltmp39:
0x4ac: {  	s0 =	simm.s32 $0x60;
	(pc) =	sbr.rel @p1 .LBB2_73-.Ltmp39, $4  }
0x4ad: {  	p0 =	por $0x1, $0x1;
	v22 =	vadd.s32 v22, v7;
	v7 =	vld [tilespmem:s0+$0x13700]  }
0x4ae: {  	s1 =	spop (v2sf);
	v9 =	vld [tilespmem:s0+$0x13600];
	s0 =	simm.s32 @!p0 $0x0  }
0x4af: {  	s28 =	sadd.s32 s28, s1;
	s0 =	simm.s32 @p0 $0x1  }
0x4b0: {  	(xrf0) =	vadd.scan.msk.s32 $0xffff, v22;
	v21 =	vadd.s32 s28, v21;
	v23, _, _ =	vpop (xrf0);
	[smem:$0x7EB] =	sst s0  }
0x4b1: {  	vm0 =	vlt.s32 v21, v6  }
0x4b2: {  	v11 =	vsel vm0, $0x1, v0;
	_ =	sdelay $0x2  }
0x4b3: {  	(v2sf) =	vpush v23, $0xF;
	(xrf0) =	vadd.scan.msk.s32 $0xffff, v11;
	v11, _, _ =	vpop (xrf0)  }
0x4b4: {  	(v2sf) =	vpush v11, $0xF;
	v11, _, _ =	vpop (xrf0)  }
0x4b5: {  	(v2sf) =	vpush v11, $0xF;
	_ =	sdelay $0x2  }
0x4b6: {  	p1 =	por $0x0, $0x0  }
.Ltmp40:
0x4b7: {  	s0 =	simm.s32 $0x70;
	(pc) =	sbr.rel @p1 .LBB2_75-.Ltmp40, $4  }
0x4b8: {  	p0 =	por $0x1, $0x1;
	v13 =	vnsel vm0, $0x0, v12;
	v25 =	vld [tilespmem:s0+$0x13600]  }
0x4b9: {  	s1 =	spop (v2sf);
	(xrf0) =	vadd.scan.msk.s32 $0xffff, v13;
	v13 =	vadd.s32 v9, v7;
	v7 =	vld [tilespmem:s0+$0x13700];
	s0 =	simm.s32 @!p0 $0x0  }
0x4ba: {  	s28 =	sadd.s32 s28, s1;
	s0 =	simm.s32 @p0 $0x1  }
0x4bb: {  	v24 =	vadd.s32 s28, v17;
	(xrf0) =	vadd.scan.msk.s32 $0xffff, v13;
	[smem:$0x7EC] =	sst s0;
	v26, _, _ =	vpop (xrf0)  }
0x4bc: {  	vm0 =	vlt.s32 v24, v6  }
0x4bd: {  	v9 =	vsel vm0, $0x1, v0  }
0x4be: {  	v11 =	vnsel vm0, $0x0, v10;
	_ =	sdelay $0x1  }
0x4bf: {  	(v2sf) =	vpush v26, $0xF;
	(xrf0) =	vadd.scan.msk.s32 $0xffff, v9;
	v9, _, _ =	vpop (xrf0)  }
0x4c0: {  	(xrf0) =	vadd.scan.msk.s32 $0xffff, v11;
	(v2sf) =	vpush v9, $0xF;
	v11, _, _ =	vpop (xrf0)  }
0x4c1: {  	(v2sf) =	vpush v11, $0xF;
	_ =	sdelay $0x2  }
0x4c2: {  	p1 =	por $0x0, $0x0  }
.Ltmp41:
0x4c3: {  	s1 =	simm.s32 $0x80;
	(pc) =	sbr.rel @p1 .LBB2_77-.Ltmp41, $4  }
0x4c4: {  	p0 =	por $0x1, $0x1;
	v27 =	vadd.s32 v25, v7;
	v7 =	vld [tilespmem:s1+$0x13700]  }
0x4c5: {  	s3 =	spop (v2sf);
	v9 =	vld [tilespmem:s1+$0x13600];
	s1 =	simm.s32 @!p0 $0x0  }
0x4c6: {  	s0 =	simm.s32 $0x240;
	v18 =	vmov v16;
	s28 =	sadd.s32 s28, s3;
	s1 =	simm.s32 @p0 $0x1  }
0x4c7: {  	s26 =	simm.s32 $0x0;
	v20 =	vmov v22;
	s29 =	simm.s32 $0x0;
	v19 =	vadd.s32 s28, v23;
	v25 =	vmov v26;
	(xrf0) =	vadd.scan.msk.s32 $0xffff, v27;
	v11, _, _ =	vpop (xrf0);
	[smem:$0x7ED] =	sst s1  }
.LBB2_78:
0x4c8: {  	p1 =	seq.s32 s0, $0x3C0  }
0x4c9: {  	(v2sf) =	vpush v11, $0xF;
	vm0 =	vlt.s32 v19, v6;
	s1 =	spop (v2sf);
	s3 =	smov.u32 s0;
	s0 =	sadd.s32 $0x40, s0  }
.Ltmp42:
0x4ca: {  	v28 =	vsel vm0, $0x1, v0;
	v19 =	vnsel vm0, $0x0, v18;
	s26 =	sadd.s32 s26, s1;
	s1 =	spop (v2sf);
	v18 =	vmovc v20;
	v20 =	vmovc v13;
	v13 =	vmov v27;
	(pc) =	sbr.rel @!p1 .LBB2_78-.Ltmp42, $4  }
0x4cb: {  	(xrf0) =	vadd.scan.msk.s32 $0xffff, v28;
	v15, _, _ =	vpop (xrf0);
	s29 =	sadd.s32 s29, s1  }
0x4cc: {  	s1 =	sshra.s32 s3, $0x2;
	(xrf0) =	vadd.scan.msk.s32 $0xffff, v19;
	s3 =	spop (v2sf);
	(v2sf) =	vpush v15, $0xF;
	v15, _, _ =	vpop (xrf0)  }
0x4cd: {  	v27 =	vadd.s32 v9, v7;
	v9 =	vld [tilespmem:s1+$0x13600];
	s28 =	sadd.s32 s28, s3;
	(v2sf) =	vpush v15, $0xF  }
0x4ce: {  	v7 =	vld [tilespmem:s1+$0x13700];
	(xrf0) =	vadd.scan.msk.s32 $0xffff, v27;
	v19 =	vadd.s32 s28, v25;
	v25 =	vmov v11;
	v11, _, _ =	vpop (xrf0)  }
0x4cf: {  	p1 =	por $0x1, $0x1;
	v15 =	vmov v13;
	v13 =	vmov v27  }
.LBB2_80:
0x4d0: {  	_ = 	snop  }
0x4d1: {  	(v2sf) =	vpush @p3 v11, $0xF  }
0x4d2: {  	v27, _, _ =	vpop @p4 (xrf0)  }
0x4d3: {  	s0 =	sld [smem:$0x7ED];
	v28, _, _ =	vpop @p4 (xrf0)  }
0x4d4: {  	(v2sf) =	vpush @p4 v27, $0xF;
	v27, _, _ =	vpop @p2 (xrf0)  }
0x4d5: {  	s1 =	sld [smem:$0x7EC];
	(v2sf) =	vpush @p4 v28, $0xF;
	v26 =	vpsel p2, v27, v26  }
0x4d6: {  	p6 =	seq.s32 s0, $0x1;
	(v2sf) =	vpush @p2 v26, $0xF  }
0x4d7: {  	s31 =	spop @p6 (v2sf)  }
0x4d8: {  	p0 =	seq.s32 s1, $0x1;
	s30 =	spop @p6 (v2sf)  }
0x4d9: {  	vm0 =	vlt.s32 @p5 v19, v6;
	s3 =	simm.s32 $0x0;
	s1 =	simm.s32 @!p0 $0x0;
	s0 =	spop @p5 (v2sf)  }
0x4da: {  	s7 =	sld [smem:$0x7EB];
	v19 =	vsel @p5 vm0, $0x1, v0;
	s1 =	simm.s32 @p0 $0x1;
	s0 =	sadd.s32 @p5 s28, s0  }
0x4db: {  	v18 =	vnsel @p5 vm0, $0x0, v18;
	(xrf0) =	vadd.scan.msk.s32 @p5 $0xffff, v19;
	[smem:$0x7EC] =	sst s1;
	s1 =	spop @p0 (v2sf);
	s3 =	smov.u32 @p5 s0  }
0x4dc: {  	(xrf0) =	vadd.scan.msk.s32 @p5 $0xffff, v18;
	s28 =	spop @p0 (v2sf);
	v18 =	vadd.s32 @p1 s3, v25  }
0x4dd: {  	v7 =	vadd.s32 v9, v7;
	v9 =	vmov @p3 v11;
	p0 =	seq.s32 s7, $0x1;
	s0 =	spop @p1 (v2sf);
	v11 =	vpsel p1, v18, v24  }
0x4de: {  	s4 =	simm.s32 $0x0;
	v19 =	vmov @p1 v20;
	v9 =	vpsel p3, v9, v23;
	s3 =	sadd.s32 @p1 s3, s0;
	s0 =	spop @p0 (v2sf);
	vm0 =	vlt.s32 @p1 v11, v6  }
0x4df: {  	v18 =	vpsel p1, v19, v10;
	s4 =	smov.u32 @p1 s3;
	v11 =	vpsel p2, v13, v22;
	s3 =	spop @p0 (v2sf);
	v13 =	vsel @p1 vm0, $0x1, v0  }
0x4e0: {  	v9 =	vadd.s32 @p3 s4, v9;
	s5 =	spop @p3 (v2sf)  }
0x4e1: {  	(xrf0) =	vadd.scan.msk.s32 $0xffff, v7;
	v9 =	vpsel p3, v9, v21;
	s5 =	sadd.s32 @p3 s4, s5;
	s4 =	simm.s32 @!p4 $0x0  }
0x4e2: {  	v15 =	vpsel p3, v15, v16;
	s6 =	simm.s32 $0x0;
	v16 =	vnsel @p1 vm0, $0x0, v18;
	(xrf0) =	vadd.scan.msk.s32 @p1 $0xffff, v13;
	v18 =	vmov @p2 v26;
	v13, _, _ =	vpop @p5 (xrf0);
	s4 =	simm.s32 @p4 $0x1  }
0x4e3: {  	vm0 =	vlt.s32 @p3 v9, v6;
	(xrf0) =	vadd.scan.msk.s32 @p1 $0xffff, v16;
	(v2sf) =	vpush @p5 v13, $0xF;
	v13 =	vpsel p2, v18, v17;
	s6 =	smov.u32 @p3 s5;
	[smem:$0x7EA] =	sst s4;
	s4 =	spop @p4 (v2sf)  }
0x4e4: {  	v9 =	vmovc @p2 v11;
	v11 =	vpsel p3, v15, v12;
	v12 =	vsel @p3 vm0, $0x1, v0;
	v13 =	vadd.s32 @p2 s6, v13;
	s5 =	spop @p4 (v2sf)  }
0x4e5: {  	v9 =	vpsel p2, v9, v10;
	v10 =	vnsel @p3 vm0, $0x0, v11;
	v11 =	vpsel p2, v13, v14;
	s7 =	spop @p2 (v2sf)  }
0x4e6: {  	v15, _, _ =	vpop @p5 (xrf0);
	(xrf0) =	vadd.scan.msk.s32 @p3 $0xffff, v12;
	s6 =	sadd.s32 @p2 s6, s7;
	s7 =	simm.s32 $0x0  }
0x4e7: {  	(v2sf) =	vpush @p5 v15, $0xF;
	v61, _, _ =	vpop (xrf0);
	(xrf0) =	vadd.scan.msk.s32 @p3 $0xffff, v10;
	v8 =	vpsel p2, v9, v8;
	vm0 =	vlt.s32 @p2 v11, v6;
	s7 =	smov.u32 @p2 s6  }
0x4e8: {  	(v2sf) =	vpush v61, $0xF;
	v9 =	vsel @p2 vm0, $0x1, v0;
	v11, _, _ =	vpop @p1 (xrf0);
	v62 =	vadd.s32 s7, v61  }
0x4e9: {  	v8 =	vnsel @p2 vm0, $0x0, v8;
	(xrf0) =	vadd.scan.msk.s32 @p2 $0xffff, v9;
	(v2sf) =	vpush @p1 v11, $0xF;
	vm15 =	vlt.s32 v62, v6;
	v6, _, _ =	vpop @p1 (xrf0)  }
0x4ea: {  	s6 =	sadd.s32 @p6 s26, s31;
	s31 =	sld [smem:$0x7EC];
	(xrf0) =	vadd.scan.msk.s32 @p2 $0xffff, v8;
	(v2sf) =	vpush @p1 v6, $0xF;
	v6 =	vnsel vm15, $0x0, v7  }
0x4eb: {  	v63 =	vsel vm15, $0x1, v0  }
0x4ec: {  	s26 =	sadd.s32 @p6 s29, s30;
	s7 =	simm.s32 $0x0;
	v7, _, _ =	vpop @p3 (xrf0);
	(xrf0) =	vadd.scan.msk.s32 $0xffff, v63  }
0x4ed: {  	s7 =	smov.u32 @p6 s6;
	s6 =	simm.s32 $0x0;
	p4 =	seq.s32 s31, $0x1;
	(v2sf) =	vpush @p3 v7, $0xF;
	(xrf0) =	vadd.scan.msk.s32 $0xffff, v6;
	v6, _, _ =	vpop @p3 (xrf0)  }
0x4ee: {  	s6 =	smov.u32 @p6 s26;
	s1 =	sadd.s32 @p4 s7, s1;
	s7 =	simm.s32 $0x0;
	(v2sf) =	vpush @p3 v6, $0xF  }
0x4ef: {  	s6 =	sadd.s32 @p4 s6, s28;
	s7 =	smov.u32 @p4 s1;
	v6, _, _ =	vpop @p2 (xrf0)  }
0x4f0: {  	s1 =	simm.s32 $0x0;
	s0 =	sadd.s32 @p0 s7, s0;
	s7 =	sld [smem:$0x7EA];
	(v2sf) =	vpush @p2 v6, $0xF;
	v6, _, _ =	vpop @p2 (xrf0)  }
0x4f1: {  	s1 =	smov.u32 @p4 s6;
	(v2sf) =	vpush @p2 v6, $0xF  }
0x4f2: {  	s6 =	simm.s32 $0x0;
	s1 =	sadd.s32 @p0 s1, s3;
	s3 =	simm.s32 $0x0  }
0x4f3: {  	s3 =	smov.u32 @p0 s0;
	s6 =	smov.u32 @p0 s1;
	p0 =	seq.s32 s7, $0x1  }
0x4f4: {  	s0 =	sadd.s32 @p0 s3, s4;
	s1 =	sadd.s32 @p0 s6, s5;
	s3 =	simm.s32 $0x0  }
0x4f5: {  	s4 =	spop @p5 (v2sf);
	s3 =	smov.u32 @p0 s0;
	s0 =	simm.s32 $0x0  }
0x4f6: {  	s0 =	smov.u32 @p0 s1;
	s1 =	spop @p5 (v2sf)  }
0x4f7: {  	v6, _, _ =	vpop (xrf0);
	s3 =	sadd.s32 @p5 s3, s4;
	s0 =	sadd.s32 @p5 s0, s1;
	s1 =	simm.s32 $0x0  }
0x4f8: {  	(v2sf) =	vpush v6, $0xF;
	v6, _, _ =	vpop (xrf0);
	s26 =	spop (v2sf);
	s1 =	smov.u32 @p5 s3;
	s3 =	simm.s32 $0x0  }
0x4f9: {  	(v2sf) =	vpush v6, $0xF;
	s3 =	smov.u32 @p5 s0;
	s0 =	spop @p1 (v2sf)  }
0x4fa: {  	s4 =	simm.s32 $0x0;
	s0 =	sadd.s32 @p1 s1, s0;
	s1 =	spop @p1 (v2sf)  }
0x4fb: {  	s4 =	smov.u32 @p1 s0;
	s0 =	simm.s32 $0x0;
	s1 =	sadd.s32 @p1 s3, s1  }
0x4fc: {  	s0 =	smov.u32 @p1 s1;
	s1 =	spop @p3 (v2sf)  }
0x4fd: {  	s1 =	sadd.s32 @p3 s4, s1;
	s4 =	simm.s32 $0x0;
	s3 =	spop @p3 (v2sf)  }
0x4fe: {  	s4 =	smov.u32 @p3 s1;
	s1 =	simm.s32 $0x0;
	s0 =	sadd.s32 @p3 s0, s3  }
0x4ff: {  	s1 =	smov.u32 @p3 s0;
	s0 =	spop @p2 (v2sf)  }
0x500: {  	s3 =	spop @p2 (v2sf)  }
0x501: {  	s1 =	sadd.s32 @p2 s1, s3  }
0x502: {  	s25 =	smov.u32 @p2 s1;
	s1 =	simm.s32 $0x12640  }
0x503: {  	[tilespmem:s1+$0xFFFFFFC0] =	vst v0  }
0x504: {  	[tilespmem:s1+$0x30] =	vst v0  }
0x505: {  	s31 =	sld [smem:$0x7EE];
	[tilespmem:s1+$0x20] =	vst v0  }
0x506: {  	[tilespmem:s1+$0x10] =	vst v0  }
0x507: {  	s0 =	sadd.s32 @p2 s4, s0;
	s4 =	simm.s32 $0x0;
	s28 =	spop (v2sf);
	[tilespmem:s1+$0x0] =	vst v0  }
0x508: {  	p1 =	seq.s32 s31, $0x1;
	s4 =	smov.u32 @p2 s0;
	s30 =	spop (v2sf);
	[tilespmem:s1+$0xFFFFFFF0] =	vst v0  }
0x509: {  	s3 =	simm.s32 $0x0;
	s0 =	sadd.s32 s4, s28;
	s29 =	sadd.s32 s25, s30;
	[tilespmem:s1+$0xFFFFFFE0] =	vst v0  }
.LBB2_81:
0x50a: {  	s3 =	sadd.s32 $0x8, s3;
	[tilespmem:s1+$0xFFFFFFD0] =	vst v0;
	s1 =	sadd.s32 $0x80, s1  }
0x50b: {  	[tilespmem:s1+$0xFFFFFFC0] =	vst v0;
	p0 =	slt.u32 s3, $0xF8  }
0x50c: {  	[tilespmem:s1+$0x30] =	vst v0  }
.Ltmp43:
0x50d: {  	[tilespmem:s1+$0x20] =	vst v0;
	(pc) =	sbr.rel @p0 .LBB2_81-.Ltmp43, $4  }
0x50e: {  	[tilespmem:s1+$0x10] =	vst v0  }
0x50f: {  	[tilespmem:s1+$0x0] =	vst v0  }
0x510: {  	[tilespmem:s1+$0xFFFFFFF0] =	vst v0  }
0x511: {  	[tilespmem:s1+$0xFFFFFFE0] =	vst v0  }
.Ltmp44:
0x512: {  	(pc) =	sbr.rel @p1 .LBB2_85-.Ltmp44, $3  }
0x513: {  	_ =	sdelay $0x1  }
0x514: {  	s31 =	sshll.u32 s23, $0x8  }
0x515: {  	[tilespmem:s1+$0xFFFFFFD0] =	vst v0;
	s23 =	sor.u32 s31, s0  }
0x516: {  	v6 =	vmov s23;
	s0 =	simm.s32 $0xC400;
	s1 =	simm.s32 $0x0;
	s3 =	simm.s32 $0x0  }
.LBB2_84:
0x517: {  	v7 =	vld [tilespmem:s0+$0x0];
	_ =	sdelay $0x2  }
0x518: {  	v8 =	vor.u32 s1, v1  }
0x519: {  	vm0 =	vlt.s32 v8, v5  }
0x51a: {  	v7 =	vnsel vm0, $0x0, v7;
	_ =	sdelay $0x4  }
0x51b: {  	v7 =	vld.idx.msk [tilespmem:v7+s2+$0x0], $0xffff;
	_ =	sdelay $0x3  }
0x51c: {  	v8 =	vmov s3  }
0x51d: {  	v8 =	vshll.u32 v8, $0x8;
	v9 =	vshrl.u32 v7, $0x8  }
0x51e: {  	v8 =	vadd.s32 v2, v8;
	vm1 =	veq.s32 v9, v6  }
0x51f: {  	s3 =	sadd.s32 $0x1, s3;
	v8 =	vand.u32 $0xF00, v8;
	v7 =	vand.u32 $0xFF, v7;
	vm0 =	vmand vm0, vm1  }
0x520: {  	p0 =	sne.s32 s22, s3;
	v7 =	vor.u32 v8, v7  }
.Ltmp45:
0x521: {  	_ = 	snop;
	(pc) =	sbr.rel @p0 .LBB2_84-.Ltmp45, $2  }
0x522: {  	_ =	sdelay $0x2  }
0x523: {  	s0 =	sadd.s32 $0x10, s0;
	s1 =	sadd.s32 $0x10, s1;
	[tilespmem:v7+s17+$0x0] =	vst.idx.add.s32.msk vm0, v3  }
.LBB2_85:
0x524: {  	s25 =	simm.s32 $0x0;
	s26 =	simm.s32 $0x12E10  }
0x525: {  	s0 =	sand.u32 $0xC0, s25;
	v7 =	vld [tilespmem:s26+$0xFFFFF7F0]  }
0x526: {  	v6 =	vld [tilespmem:s0+$0x12700]  }
0x527: {  	v8 =	vld [tilespmem:s0+$0x12800]  }
0x528: {  	v9 =	vld [tilespmem:s0+$0x12900]  }
0x529: {  	v10 =	vld [tilespmem:s0+$0x12A00]  }
0x52a: {  	v11 =	vld [tilespmem:s0+$0x12B00]  }
0x52b: {  	v6 =	vadd.s32 v7, v6;
	v7 =	vld [tilespmem:s0+$0x12C00]  }
0x52c: {  	v6 =	vadd.s32 v8, v6;
	v8 =	vld [tilespmem:s0+$0x12D00]  }
0x52d: {  	v6 =	vadd.s32 v9, v6;
	v9 =	vld [tilespmem:s0+$0x12E00]  }
0x52e: {  	v6 =	vadd.s32 v10, v6;
	v10 =	vld [tilespmem:s0+$0x12F00]  }
0x52f: {  	v6 =	vadd.s32 v11, v6;
	v11 =	vld [tilespmem:s0+$0x13000]  }
0x530: {  	v6 =	vadd.s32 v7, v6;
	v7 =	vld [tilespmem:s0+$0x13100]  }
0x531: {  	v6 =	vadd.s32 v8, v6;
	v8 =	vld [tilespmem:s0+$0x13200]  }
0x532: {  	v6 =	vadd.s32 v9, v6;
	v9 =	vld [tilespmem:s0+$0x13300]  }
0x533: {  	v6 =	vadd.s32 v10, v6;
	v10 =	vld [tilespmem:s0+$0x13400]  }
0x534: {  	v6 =	vadd.s32 v11, v6;
	v11 =	vld [tilespmem:s0+$0x13500]  }
0x535: {  	v6 =	vadd.s32 v7, v6  }
0x536: {  	v6 =	vadd.s32 v8, v6  }
0x537: {  	v6 =	vadd.s32 v9, v6  }
0x538: {  	v6 =	vadd.s32 v10, v6  }
0x539: {  	s28 =	simm.s32 $0x13620;
	v6 =	vadd.s32 v11, v6  }
0x53a: {  	[tilespmem:s28+$0xFFFFFFE0] =	vst v6  }
0x53b: {  	v6 =	vld [tilespmem:s26+$0xFFFFF800]  }
0x53c: {  	v7 =	vld [tilespmem:s26+$0xFFFFF900]  }
0x53d: {  	v8 =	vld [tilespmem:s26+$0xFFFFFA00]  }
0x53e: {  	v9 =	vld [tilespmem:s26+$0xFFFFFB00]  }
0x53f: {  	v10 =	vld [tilespmem:s26+$0xFFFFFC00]  }
0x540: {  	v11 =	vld [tilespmem:s26+$0xFFFFFD00]  }
0x541: {  	v6 =	vadd.s32 v6, v7;
	v7 =	vld [tilespmem:s26+$0xFFFFFE00]  }
0x542: {  	v6 =	vadd.s32 v8, v6;
	v8 =	vld [tilespmem:s26+$0xFFFFFF00]  }
0x543: {  	v6 =	vadd.s32 v9, v6;
	v9 =	vld [tilespmem:s26+$0x0]  }
0x544: {  	v6 =	vadd.s32 v10, v6;
	v10 =	vld [tilespmem:s26+$0x100]  }
0x545: {  	v6 =	vadd.s32 v11, v6;
	v11 =	vld [tilespmem:s26+$0x200]  }
0x546: {  	v6 =	vadd.s32 v7, v6;
	v7 =	vld [tilespmem:s26+$0x300]  }
0x547: {  	v6 =	vadd.s32 v8, v6;
	v8 =	vld [tilespmem:s26+$0x400]  }
0x548: {  	v6 =	vadd.s32 v9, v6;
	v9 =	vld [tilespmem:s26+$0x500]  }
0x549: {  	v6 =	vadd.s32 v10, v6;
	v10 =	vld [tilespmem:s26+$0x600]  }
0x54a: {  	v6 =	vadd.s32 v11, v6;
	v11 =	vld [tilespmem:s26+$0x700]  }
0x54b: {  	v6 =	vadd.s32 v7, v6  }
0x54c: {  	v6 =	vadd.s32 v8, v6  }
0x54d: {  	v6 =	vadd.s32 v9, v6  }
0x54e: {  	v6 =	vadd.s32 v10, v6  }
0x54f: {  	v6 =	vadd.s32 v11, v6  }
0x550: {  	[tilespmem:s28+$0xFFFFFFF0] =	vst v6  }
0x551: {  	v6 =	vld [tilespmem:s26+$0xFFFFF810]  }
0x552: {  	v7 =	vld [tilespmem:s26+$0xFFFFF910]  }
0x553: {  	v8 =	vld [tilespmem:s26+$0xFFFFFA10]  }
0x554: {  	v9 =	vld [tilespmem:s26+$0xFFFFFB10]  }
0x555: {  	v10 =	vld [tilespmem:s26+$0xFFFFFC10]  }
0x556: {  	v11 =	vld [tilespmem:s26+$0xFFFFFD10]  }
0x557: {  	v6 =	vadd.s32 v6, v7;
	v7 =	vld [tilespmem:s26+$0xFFFFFE10]  }
0x558: {  	v6 =	vadd.s32 v8, v6;
	v8 =	vld [tilespmem:s26+$0xFFFFFF10]  }
0x559: {  	v6 =	vadd.s32 v9, v6;
	v9 =	vld [tilespmem:s26+$0x10]  }
0x55a: {  	v6 =	vadd.s32 v10, v6;
	v10 =	vld [tilespmem:s26+$0x110]  }
0x55b: {  	v6 =	vadd.s32 v11, v6;
	v11 =	vld [tilespmem:s26+$0x210]  }
0x55c: {  	v6 =	vadd.s32 v7, v6;
	v7 =	vld [tilespmem:s26+$0x310]  }
0x55d: {  	v6 =	vadd.s32 v8, v6;
	v8 =	vld [tilespmem:s26+$0x410]  }
0x55e: {  	v6 =	vadd.s32 v9, v6;
	v9 =	vld [tilespmem:s26+$0x510]  }
0x55f: {  	v6 =	vadd.s32 v10, v6;
	v10 =	vld [tilespmem:s26+$0x610]  }
0x560: {  	v6 =	vadd.s32 v11, v6;
	v11 =	vld [tilespmem:s26+$0x710]  }
0x561: {  	v6 =	vadd.s32 v7, v6  }
0x562: {  	v6 =	vadd.s32 v8, v6  }
0x563: {  	v6 =	vadd.s32 v9, v6  }
0x564: {  	v6 =	vadd.s32 v10, v6  }
0x565: {  	v6 =	vadd.s32 v11, v6  }
0x566: {  	[tilespmem:s28+$0x0] =	vst v6  }
0x567: {  	v6 =	vld [tilespmem:s26+$0xFFFFF820]  }
0x568: {  	v7 =	vld [tilespmem:s26+$0xFFFFF920]  }
0x569: {  	v8 =	vld [tilespmem:s26+$0xFFFFFA20]  }
0x56a: {  	v9 =	vld [tilespmem:s26+$0xFFFFFB20]  }
0x56b: {  	v10 =	vld [tilespmem:s26+$0xFFFFFC20]  }
0x56c: {  	v11 =	vld [tilespmem:s26+$0xFFFFFD20]  }
0x56d: {  	v6 =	vadd.s32 v6, v7;
	v7 =	vld [tilespmem:s26+$0xFFFFFE20]  }
0x56e: {  	v6 =	vadd.s32 v8, v6;
	v8 =	vld [tilespmem:s26+$0xFFFFFF20]  }
0x56f: {  	v6 =	vadd.s32 v9, v6;
	v9 =	vld [tilespmem:s26+$0x20]  }
0x570: {  	v6 =	vadd.s32 v10, v6;
	v10 =	vld [tilespmem:s26+$0x120]  }
0x571: {  	v6 =	vadd.s32 v11, v6;
	v11 =	vld [tilespmem:s26+$0x220]  }
0x572: {  	v6 =	vadd.s32 v7, v6;
	v7 =	vld [tilespmem:s26+$0x320]  }
0x573: {  	v8 =	vadd.s32 v8, v6;
	v6 =	vld [tilespmem:s26+$0x420]  }
0x574: {  	v9 =	vadd.s32 v9, v8;
	v8 =	vld [tilespmem:s26+$0x520]  }
0x575: {  	v10 =	vadd.s32 v10, v9;
	v9 =	vld [tilespmem:s26+$0x620]  }
0x576: {  	s24 =	ssub.s32 s24, s29;
	s29 =	simm.s32 $0x0;
	s30 =	simm.s32 $0x13660;
	v11 =	vadd.s32 v11, v10;
	v10 =	vld [tilespmem:s26+$0x720]  }
.LBB2_86:
0x577: {  	s29 =	sadd.s32 $0x4, s29;
	v7 =	vadd.s32 v7, v11;
	s26 =	sadd.s32 $0x40, s26;
	s25 =	sadd.s32 $0x40, s25  }
0x578: {  	p0 =	slt.u32 s29, $0xC;
	v6 =	vadd.s32 v6, v7  }
0x579: {  	v6 =	vadd.s32 v8, v6  }
0x57a: {  	v6 =	vadd.s32 v9, v6  }
0x57b: {  	v6 =	vadd.s32 v10, v6  }
0x57c: {  	s0 =	sand.u32 $0xC0, s25;
	[tilespmem:s28+$0x10] =	vst v6;
	s28 =	smov.u32 s30  }
0x57d: {  	v6 =	vld [tilespmem:s0+$0x12800]  }
0x57e: {  	v7 =	vld [tilespmem:s0+$0x12700]  }
0x57f: {  	v8 =	vld [tilespmem:s26+$0xFFFFF7F0];
	_ =	sdelay $0x1  }
0x580: {  	v9 =	vld [tilespmem:s0+$0x12900]  }
0x581: {  	v10 =	vld [tilespmem:s0+$0x12A00]  }
0x582: {  	v11 =	vld [tilespmem:s0+$0x12B00]  }
0x583: {  	v7 =	vadd.s32 v8, v7;
	v8 =	vld [tilespmem:s0+$0x12C00]  }
0x584: {  	v6 =	vadd.s32 v6, v7;
	v7 =	vld [tilespmem:s0+$0x12D00]  }
0x585: {  	v6 =	vadd.s32 v9, v6;
	v9 =	vld [tilespmem:s0+$0x12E00]  }
0x586: {  	v6 =	vadd.s32 v10, v6;
	v10 =	vld [tilespmem:s0+$0x12F00]  }
0x587: {  	v6 =	vadd.s32 v11, v6;
	v11 =	vld [tilespmem:s0+$0x13000]  }
0x588: {  	v6 =	vadd.s32 v8, v6;
	v8 =	vld [tilespmem:s0+$0x13100]  }
0x589: {  	v6 =	vadd.s32 v7, v6;
	v7 =	vld [tilespmem:s0+$0x13200]  }
0x58a: {  	v6 =	vadd.s32 v9, v6;
	v9 =	vld [tilespmem:s0+$0x13300]  }
0x58b: {  	v6 =	vadd.s32 v10, v6;
	v10 =	vld [tilespmem:s0+$0x13400]  }
0x58c: {  	v6 =	vadd.s32 v11, v6;
	v11 =	vld [tilespmem:s0+$0x13500]  }
0x58d: {  	v6 =	vadd.s32 v8, v6  }
0x58e: {  	v6 =	vadd.s32 v7, v6  }
0x58f: {  	v6 =	vadd.s32 v9, v6  }
0x590: {  	v6 =	vadd.s32 v10, v6  }
0x591: {  	v6 =	vadd.s32 v11, v6  }
0x592: {  	[tilespmem:s30+$0xFFFFFFE0] =	vst v6  }
0x593: {  	v6 =	vld [tilespmem:s26+$0xFFFFF800]  }
0x594: {  	v7 =	vld [tilespmem:s26+$0xFFFFF900]  }
0x595: {  	v8 =	vld [tilespmem:s26+$0xFFFFFA00]  }
0x596: {  	v9 =	vld [tilespmem:s26+$0xFFFFFB00]  }
0x597: {  	v10 =	vld [tilespmem:s26+$0xFFFFFC00]  }
0x598: {  	v11 =	vld [tilespmem:s26+$0xFFFFFD00]  }
0x599: {  	v6 =	vadd.s32 v6, v7;
	v7 =	vld [tilespmem:s26+$0xFFFFFE00]  }
0x59a: {  	v6 =	vadd.s32 v8, v6;
	v8 =	vld [tilespmem:s26+$0xFFFFFF00]  }
0x59b: {  	v6 =	vadd.s32 v9, v6;
	v9 =	vld [tilespmem:s26+$0x0]  }
0x59c: {  	v6 =	vadd.s32 v10, v6;
	v10 =	vld [tilespmem:s26+$0x100]  }
0x59d: {  	v6 =	vadd.s32 v11, v6;
	v11 =	vld [tilespmem:s26+$0x200]  }
0x59e: {  	v6 =	vadd.s32 v7, v6;
	v7 =	vld [tilespmem:s26+$0x300]  }
0x59f: {  	v6 =	vadd.s32 v8, v6;
	v8 =	vld [tilespmem:s26+$0x400]  }
0x5a0: {  	v6 =	vadd.s32 v9, v6;
	v9 =	vld [tilespmem:s26+$0x500]  }
0x5a1: {  	v6 =	vadd.s32 v10, v6;
	v10 =	vld [tilespmem:s26+$0x600]  }
0x5a2: {  	v6 =	vadd.s32 v11, v6;
	v11 =	vld [tilespmem:s26+$0x700]  }
0x5a3: {  	v6 =	vadd.s32 v7, v6  }
0x5a4: {  	v6 =	vadd.s32 v8, v6  }
0x5a5: {  	v6 =	vadd.s32 v9, v6  }
0x5a6: {  	v6 =	vadd.s32 v10, v6  }
0x5a7: {  	v6 =	vadd.s32 v11, v6  }
0x5a8: {  	[tilespmem:s30+$0xFFFFFFF0] =	vst v6  }
0x5a9: {  	v6 =	vld [tilespmem:s26+$0xFFFFF810]  }
0x5aa: {  	v7 =	vld [tilespmem:s26+$0xFFFFF910]  }
0x5ab: {  	v8 =	vld [tilespmem:s26+$0xFFFFFA10]  }
0x5ac: {  	v9 =	vld [tilespmem:s26+$0xFFFFFB10]  }
0x5ad: {  	v10 =	vld [tilespmem:s26+$0xFFFFFC10]  }
0x5ae: {  	v11 =	vld [tilespmem:s26+$0xFFFFFD10]  }
0x5af: {  	v6 =	vadd.s32 v6, v7;
	v7 =	vld [tilespmem:s26+$0xFFFFFE10]  }
0x5b0: {  	v6 =	vadd.s32 v8, v6;
	v8 =	vld [tilespmem:s26+$0xFFFFFF10]  }
0x5b1: {  	v6 =	vadd.s32 v9, v6;
	v9 =	vld [tilespmem:s26+$0x10]  }
0x5b2: {  	v6 =	vadd.s32 v10, v6;
	v10 =	vld [tilespmem:s26+$0x110]  }
0x5b3: {  	v6 =	vadd.s32 v11, v6;
	v11 =	vld [tilespmem:s26+$0x210]  }
0x5b4: {  	v6 =	vadd.s32 v7, v6;
	v7 =	vld [tilespmem:s26+$0x310]  }
0x5b5: {  	v6 =	vadd.s32 v8, v6;
	v8 =	vld [tilespmem:s26+$0x410]  }
0x5b6: {  	v6 =	vadd.s32 v9, v6;
	v9 =	vld [tilespmem:s26+$0x510]  }
0x5b7: {  	v6 =	vadd.s32 v10, v6;
	v10 =	vld [tilespmem:s26+$0x610]  }
0x5b8: {  	v6 =	vadd.s32 v11, v6;
	v11 =	vld [tilespmem:s26+$0x710]  }
0x5b9: {  	v6 =	vadd.s32 v7, v6  }
0x5ba: {  	v6 =	vadd.s32 v8, v6  }
0x5bb: {  	v6 =	vadd.s32 v9, v6  }
0x5bc: {  	v6 =	vadd.s32 v10, v6  }
0x5bd: {  	v6 =	vadd.s32 v11, v6  }
0x5be: {  	[tilespmem:s30+$0x0] =	vst v6  }
0x5bf: {  	v6 =	vld [tilespmem:s26+$0xFFFFF820]  }
0x5c0: {  	v7 =	vld [tilespmem:s26+$0xFFFFF920]  }
0x5c1: {  	v8 =	vld [tilespmem:s26+$0xFFFFFA20]  }
0x5c2: {  	v9 =	vld [tilespmem:s26+$0xFFFFFB20]  }
0x5c3: {  	v10 =	vld [tilespmem:s26+$0xFFFFFC20]  }
0x5c4: {  	v11 =	vld [tilespmem:s26+$0xFFFFFD20]  }
0x5c5: {  	v6 =	vadd.s32 v6, v7;
	v7 =	vld [tilespmem:s26+$0xFFFFFE20]  }
0x5c6: {  	v6 =	vadd.s32 v8, v6;
	v8 =	vld [tilespmem:s26+$0xFFFFFF20]  }
0x5c7: {  	v6 =	vadd.s32 v9, v6;
	v9 =	vld [tilespmem:s26+$0x20]  }
0x5c8: {  	v6 =	vadd.s32 v10, v6;
	v10 =	vld [tilespmem:s26+$0x120]  }
0x5c9: {  	v6 =	vadd.s32 v11, v6;
	v11 =	vld [tilespmem:s26+$0x220]  }
.Ltmp46:
0x5ca: {  	v6 =	vadd.s32 v7, v6;
	v7 =	vld [tilespmem:s26+$0x320];
	(pc) =	sbr.rel @p0 .LBB2_86-.Ltmp46, $4  }
0x5cb: {  	v8 =	vadd.s32 v8, v6;
	v6 =	vld [tilespmem:s26+$0x420]  }
0x5cc: {  	v9 =	vadd.s32 v9, v8;
	v8 =	vld [tilespmem:s26+$0x520]  }
0x5cd: {  	v10 =	vadd.s32 v10, v9;
	v9 =	vld [tilespmem:s26+$0x620]  }
0x5ce: {  	s30 =	sadd.s32 $0x40, s30;
	v11 =	vadd.s32 v11, v10;
	v10 =	vld [tilespmem:s26+$0x720]  }
0x5cf: {  	v7 =	vadd.s32 v7, v11  }
0x5d0: {  	v6 =	vadd.s32 v6, v7  }
0x5d1: {  	v6 =	vadd.s32 v8, v6  }
0x5d2: {  	v6 =	vadd.s32 v9, v6  }
0x5d3: {  	v6 =	vadd.s32 v10, v6  }
0x5d4: {  	[tilespmem:s28+$0x10] =	vst v6  }
0x5d5: {  	[spmem:s10] =	stream.strided.scatter [tilespmem:s18], [sflag:$0x1], $0x100, s15, s14, $0x38;
	[tilespmem:$0x13C00] =	vst v63  }
0x5d6: {  	_ =	swait.ge [sflag:s16], $0x100  }
0x5d7: {  	[sflag:s16] =	ssyncset.done $0x0  }
0x5d8: {  	[sflag:s16] =	ssyncadd.s32 $0xFFFFFF00  }
0x5d9: {  	[bflag:$0x0] =	sbarrier.arrive $0xFFFF  }
0x5da: {  	[tilespmem:s19], [sflag:$0x1] =	stream.strided.gather [spmem:s11], $0x100, s15, s14, $0x38;
	[tilespmem:$0x13C00] =	vst v63  }
0x5db: {  	_ =	swait.ge [sflag:s16], $0x100  }
0x5dc: {  	[sflag:s16] =	ssyncset.done $0x0  }
0x5dd: {  	s0 =	simm.s32 $0x0;
	[sflag:s16] =	ssyncadd.s32 $0xFFFFFF00  }
0x5de: {  	v6 =	vld [tilespmem:s0+$0x13600]  }
0x5df: {  	s3 =	simm.s32 $0x10;
	v7 =	vld [tilespmem:s0+$0x13700]  }
0x5e0: {  	v8 =	vld [tilespmem:s3+$0x13600]  }
0x5e1: {  	v9 =	vld [tilespmem:s3+$0x13700];
	_ =	sdelay $0x2  }
0x5e2: {  	s4 =	simm.s32 $0x20;
	v7 =	vadd.s32 v6, v7  }
0x5e3: {  	v6 =	vld [tilespmem:s4+$0x13600];
	(xrf0) =	vadd.scan.msk.s32 $0xffff, v7  }
0x5e4: {  	v8 =	vadd.s32 v8, v9;
	v9 =	vld [tilespmem:s4+$0x13700];
	_ =	sdelay $0x1  }
0x5e5: {  	(xrf0) =	vadd.scan.msk.s32 $0xffff, v8;
	_ =	sdelay $0x2  }
0x5e6: {  	s5 =	simm.s32 $0x30;
	v12 =	vadd.s32 v6, v9;
	v10, _, _ =	vpop (xrf0)  }
0x5e7: {  	v11 =	vld [tilespmem:s5+$0x13600];
	(xrf0) =	vadd.scan.msk.s32 $0xffff, v12;
	(v2sf) =	vpush v10, $0xF  }
0x5e8: {  	v6 =	vld [tilespmem:s5+$0x13700]  }
0x5e9: {  	v9, _, _ =	vpop (xrf0)  }
0x5ea: {  	(v2sf) =	vpush v9, $0xF;
	_ =	sdelay $0x2  }
0x5eb: {  	v13 =	vadd.s32 v11, v6;
	v11, _, _ =	vpop (xrf0)  }
0x5ec: {  	(v2sf) =	vpush v11, $0xF  }
0x5ed: {  	(xrf0) =	vadd.scan.msk.s32 $0xffff, v13;
	_ =	sdelay $0x2  }
0x5ee: {  	s6 =	simm.s32 $0x40  }
0x5ef: {  	v14 =	vld [tilespmem:s6+$0x13600]  }
0x5f0: {  	s25 =	simm.s32 $0x0;
	v15 =	vld [tilespmem:s6+$0x13700]  }
0x5f1: {  	s7 =	simm.s32 $0x50;
	v10 =	vadd.s32 s25, v10;
	v6 =	vmov s24;
	v16, _, _ =	vpop (xrf0)  }
0x5f2: {  	v18 =	vld [tilespmem:s7+$0x13700];
	vm0 =	vlt.s32 v10, v6;
	(v2sf) =	vpush v16, $0xF;
	s1 =	spop (v2sf)  }
0x5f3: {  	v10 =	vld [tilespmem:s7+$0x13600];
	v17 =	vsel vm0, $0x1, v0;
	s1 =	sadd.s32 $0x0, s1  }
0x5f4: {  	s26 =	simm.s32 $0x60;
	v7 =	vnsel vm0, $0x0, v7;
	(xrf0) =	vadd.scan.msk.s32 $0xffff, v17;
	v17 =	vadd.s32 s1, v9  }
0x5f5: {  	(xrf0) =	vadd.scan.msk.s32 $0xffff, v7;
	s3 =	spop (v2sf);
	v9 =	vadd.s32 v14, v15;
	v14 =	vld [tilespmem:s26+$0x13600];
	vm13 =	vlt.s32 v17, v6  }
0x5f6: {  	s1 =	sadd.s32 s1, s3;
	v15 =	vld [tilespmem:s26+$0x13700];
	(xrf0) =	vadd.scan.msk.s32 $0xffff, v9;
	v7 =	vsel vm13, $0x1, v0  }
0x5f7: {  	(xrf0) =	vadd.scan.msk.s32 $0xffff, v7;
	v7 =	vnsel vm13, $0x0, v8;
	v8 =	vadd.s32 s1, v11  }
0x5f8: {  	(xrf0) =	vadd.scan.msk.s32 $0xffff, v7;
	v7 =	vadd.s32 v10, v18;
	vm14 =	vlt.s32 v8, v6  }
0x5f9: {  	s29 =	spop (v2sf);
	(xrf0) =	vadd.scan.msk.s32 $0xffff, v7;
	v8 =	vsel vm14, $0x1, v0  }
0x5fa: {  	v10, _, _ =	vpop (xrf0);
	s1 =	sadd.s32 s1, s29;
	v11 =	vnsel vm14, $0x0, v12;
	(xrf0) =	vadd.scan.msk.s32 $0xffff, v8  }
0x5fb: {  	(v2sf) =	vpush v10, $0xF;
	v10, _, _ =	vpop (xrf0);
	v8 =	vadd.s32 v14, v15;
	v14 =	vadd.s32 s1, v16;
	(xrf0) =	vadd.scan.msk.s32 $0xffff, v11  }
0x5fc: {  	(v2sf) =	vpush v10, $0xF;
	v15, _, _ =	vpop (xrf0);
	vm15 =	vlt.s32 v14, v6  }
0x5fd: {  	(v2sf) =	vpush v15, $0xF;
	v14 =	vsel vm15, $0x1, v0;
	v11, _, _ =	vpop (xrf0)  }
0x5fe: {  	v16, _, _ =	vpop (xrf0);
	(v2sf) =	vpush v11, $0xF  }
0x5ff: {  	(xrf0) =	vadd.scan.msk.s32 $0xffff, v8;
	(v2sf) =	vpush v16, $0xF;
	v11, _, _ =	vpop (xrf0)  }
0x600: {  	(xrf0) =	vadd.scan.msk.s32 $0xffff, v14;
	(v2sf) =	vpush v11, $0xF;
	v14, _, _ =	vpop (xrf0)  }
0x601: {  	s31 =	spop (v2sf);
	(v2sf) =	vpush v14, $0xF;
	v14, _, _ =	vpop (xrf0)  }
0x602: {  	s28 =	simm.s32 $0x70;
	(v2sf) =	vpush v14, $0xF  }
0x603: {  	v12 =	vld [tilespmem:s28+$0x13600]  }
0x604: {  	v10 =	vld [tilespmem:s28+$0x13700];
	_ =	sdelay $0x3  }
0x605: {  	s30 =	simm.s32 $0x80;
	v13 =	vnsel vm15, $0x0, v13  }
0x606: {  	s0 =	sadd.s32 s1, s31;
	(xrf0) =	vadd.scan.msk.s32 $0xffff, v13;
	v13 =	vld [tilespmem:s30+$0x13600];
	v10 =	vadd.s32 v12, v10  }
0x607: {  	s26 =	simm.s32 $0x0;
	s1 =	simm.s32 $0x240;
	v15 =	vadd.s32 s0, v15;
	(xrf0) =	vadd.scan.msk.s32 $0xffff, v10;
	v14 =	vld [tilespmem:s30+$0x13700];
	v12, _, _ =	vpop (xrf0)  }
.LBB2_88:
0x608: {  	p0 =	sne.s32 s1, $0x3C0  }
0x609: {  	(v2sf) =	vpush v12, $0xF;
	vm0 =	vlt.s32 v15, v6;
	s3 =	spop (v2sf);
	s4 =	smov.u32 s1;
	s1 =	sadd.s32 $0x40, s1  }
.Ltmp47:
0x60a: {  	v17 =	vsel vm0, $0x1, v0;
	v16 =	vnsel vm0, $0x0, v9;
	s25 =	sadd.s32 s25, s3;
	s3 =	spop (v2sf);
	v9 =	vmovc v7;
	v7 =	vmovc v8;
	v8 =	vmov v10;
	(pc) =	sbr.rel @p0 .LBB2_88-.Ltmp47, $4  }
0x60b: {  	(xrf0) =	vadd.scan.msk.s32 $0xffff, v17;
	v10, _, _ =	vpop (xrf0);
	s26 =	sadd.s32 s26, s3  }
0x60c: {  	s3 =	sshra.s32 s4, $0x2;
	(xrf0) =	vadd.scan.msk.s32 $0xffff, v16;
	s4 =	spop (v2sf);
	(v2sf) =	vpush v10, $0xF;
	v15, _, _ =	vpop (xrf0)  }
0x60d: {  	v10 =	vadd.s32 v13, v14;
	v13 =	vld [tilespmem:s3+$0x13600];
	s0 =	sadd.s32 s0, s4;
	(v2sf) =	vpush v15, $0xF  }
0x60e: {  	v14 =	vld [tilespmem:s3+$0x13700];
	(xrf0) =	vadd.scan.msk.s32 $0xffff, v10;
	v15 =	vadd.s32 s0, v11;
	v11 =	vmov v12;
	v12, _, _ =	vpop (xrf0)  }
0x60f: {  	_ =	sdelay $0x2  }
0x610: {  	(v2sf) =	vpush v12, $0xF;
	v16, _, _ =	vpop (xrf0)  }
0x611: {  	(v2sf) =	vpush v16, $0xF;
	v54, _, _ =	vpop (xrf0)  }
0x612: {  	(v2sf) =	vpush v54, $0xF;
	v55, _, _ =	vpop (xrf0)  }
0x613: {  	(v2sf) =	vpush v55, $0xF;
	_ =	sdelay $0x3  }
0x614: {  	s1 =	spop (v2sf)  }
0x615: {  	s3 =	spop (v2sf)  }
0x616: {  	vm0 =	vlt.s32 v15, v6;
	s5 =	spop (v2sf)  }
0x617: {  	v15 =	vsel vm0, $0x1, v0;
	s4 =	spop (v2sf)  }
0x618: {  	v9 =	vnsel vm0, $0x0, v9;
	(xrf0) =	vadd.scan.msk.s32 $0xffff, v15;
	s28 =	spop (v2sf)  }
0x619: {  	(xrf0) =	vadd.scan.msk.s32 $0xffff, v9;
	s7 =	sadd.s32 s0, s5;
	v56 =	vadd.s32 v13, v14;
	s6 =	spop (v2sf)  }
0x61a: {  	v11 =	vadd.s32 s7, v11;
	(xrf0) =	vadd.scan.msk.s32 $0xffff, v56;
	s0 =	spop (v2sf)  }
0x61b: {  	vm12 =	vlt.s32 v11, v6;
	s5 =	spop (v2sf)  }
0x61c: {  	v7 =	vnsel vm12, $0x0, v7;
	s30 =	spop (v2sf)  }
0x61d: {  	v11 =	vsel vm12, $0x1, v0;
	s6 =	sadd.s32 s7, s6;
	s29 =	spop (v2sf)  }
0x61e: {  	(xrf0) =	vadd.scan.msk.s32 $0xffff, v11;
	v58, _, _ =	vpop (xrf0);
	v57 =	vadd.s32 s6, v12;
	s7 =	spop (v2sf)  }
0x61f: {  	(xrf0) =	vadd.scan.msk.s32 $0xffff, v7;
	v7, _, _ =	vpop (xrf0);
	vm13 =	vlt.s32 v57, v6;
	s6 =	sadd.s32 s6, s30;
	s30 =	spop (v2sf)  }
0x620: {  	v60, _, _ =	vpop (xrf0);
	v12 =	vsel vm13, $0x1, v0;
	v59 =	vadd.s32 s6, v55;
	s6 =	sadd.s32 s6, s30  }
0x621: {  	v8 =	vnsel vm13, $0x0, v8;
	(xrf0) =	vadd.scan.msk.s32 $0xffff, v12;
	vm14 =	vlt.s32 v59, v6;
	v62 =	vadd.s32 s6, v60  }
0x622: {  	(xrf0) =	vadd.scan.msk.s32 $0xffff, v8;
	v61 =	vsel vm14, $0x1, v0;
	vm15 =	vlt.s32 v62, v6  }
0x623: {  	(v2sf) =	vpush v58, $0xF;
	v10 =	vnsel vm14, $0x0, v10;
	(xrf0) =	vadd.scan.msk.s32 $0xffff, v61;
	v6 =	vsel vm15, $0x1, v0  }
0x624: {  	(v2sf) =	vpush v7, $0xF;
	(xrf0) =	vadd.scan.msk.s32 $0xffff, v10  }
0x625: {  	(v2sf) =	vpush v60, $0xF;
	v7, _, _ =	vpop (xrf0);
	v63 =	vnsel vm15, $0x0, v56;
	(xrf0) =	vadd.scan.msk.s32 $0xffff, v6  }
0x626: {  	(v2sf) =	vpush v7, $0xF;
	v6, _, _ =	vpop (xrf0);
	(xrf0) =	vadd.scan.msk.s32 $0xffff, v63  }
0x627: {  	v7, _, _ =	vpop (xrf0);
	(v2sf) =	vpush v6, $0xF  }
0x628: {  	v6, _, _ =	vpop (xrf0);
	(v2sf) =	vpush v7, $0xF  }
0x629: {  	(v2sf) =	vpush v6, $0xF;
	v6, _, _ =	vpop (xrf0)  }
0x62a: {  	(v2sf) =	vpush v6, $0xF;
	v6, _, _ =	vpop (xrf0)  }
0x62b: {  	(v2sf) =	vpush v6, $0xF;
	v6, _, _ =	vpop (xrf0)  }
0x62c: {  	(v2sf) =	vpush v6, $0xF;
	v6, _, _ =	vpop (xrf0)  }
0x62d: {  	(v2sf) =	vpush v6, $0xF;
	_ =	sdelay $0x4  }
0x62e: {  	s6 =	spop (v2sf)  }
0x62f: {  	s30 =	spop (v2sf)  }
0x630: {  	s1 =	sadd.s32 s25, s1;
	s31 =	spop (v2sf)  }
0x631: {  	s3 =	sadd.s32 s26, s3;
	s1 =	sadd.s32 s1, s4;
	s25 =	spop (v2sf)  }
0x632: {  	s3 =	sadd.s32 s3, s28;
	s0 =	sadd.s32 s1, s0;
	s31 =	spop (v2sf)  }
0x633: {  	s3 =	sadd.s32 s3, s5;
	s0 =	sadd.s32 s0, s29;
	s5 =	spop (v2sf)  }
0x634: {  	s1 =	sadd.s32 s3, s7;
	s0 =	sadd.s32 s0, s6;
	s26 =	spop (v2sf)  }
.Ltmp48:
0x635: {  	s1 =	sadd.s32 s1, s30;
	s28 =	spop (v2sf);
	(pc) =	sbr.rel @p1 .LBB2_96-.Ltmp48, $4  }
0x636: {  	s0 =	sadd.s32 s0, s25;
	s1 =	sadd.s32 s1, s31;
	s29 =	spop (v2sf)  }
0x637: {  	s0 =	sadd.s32 s0, s5;
	s1 =	sadd.s32 s1, s26;
	s30 =	spop (v2sf)  }
0x638: {  	s0 =	sadd.s32 s0, s28;
	s4 =	sadd.s32 s1, s29;
	s31 =	spop (v2sf)  }
0x639: {  	s1 =	sadd.s32 s0, s30;
	s0 =	sadd.s32 s4, s31  }
0x63a: {  	s3 =	sand.u32 $0xFFFFFFF0, s1  }
0x63b: {  	v6 =	vld [tilespmem:s3+$0x13700];
	_ =	sdelay $0x1  }
0x63c: {  	s26 =	sand.u32 $0xF, s1  }
0x63d: {  	v7 =	vmov s26  }
0x63e: {  	vm0 =	veq.s32 v7, v1  }
0x63f: {  	v6 =	vnsel vm0, $0x0, v6  }
0x640: {  	(xrf0) =	vadd.scan.msk.s32 $0xffff, v6;
	_ =	sdelay $0x5  }
0x641: {  	v6, _, _ =	vpop (xrf0)  }
0x642: {  	(v2sf) =	vpush v6, $0xF;
	_ =	sdelay $0xa  }
0x643: {  	p1 =	sne.s32 s22, $0x1  }
.Ltmp49:
0x644: {  	s30 =	sld [smem:$0x7FD];
	(pc) =	sbr.rel @!p1 .LBB2_91-.Ltmp49, $4  }
0x645: {  	s28 =	sshll.u32 s23, $0x8;
	s0 =	ssub.s32 s24, s0  }
0x646: {  	s4 =	simm.s32 $0xC400;
	s24 =	simm.s32 $0x0;
	s29 =	sor.u32 s28, s1  }
0x647: {  	s31 =	sxor.u32 $0x80000000, s29;
	p0 =	seq.s32 s30, $0x1;
	s23 =	spop (v2sf)  }
0x648: {  	v9 =	vld [tilespmem:s4+$0x0];
	v8 =	vmov s29;
	v7 =	vmov s0;
	s0 =	sadd.s32 $0xFFFFFFFF, s22;
	v6 =	vmov s31;
	s23 =	simm.s32 @p0 $0x0;
	p0 =	por $0x0, $0x0  }
0x649: {  	_ =	sdelay $0x1  }
0x64a: {  	v10 =	vor.u32 s24, v1  }
0x64b: {  	vm0 =	vlt.s32 v10, v5  }
0x64c: {  	v9 =	vnsel vm0, $0x0, v9;
	_ =	sdelay $0x4  }
0x64d: {  	v10 =	vld.idx.msk [tilespmem:v9+s2+$0x0], $0xffff;
	_ =	sdelay $0x4  }
0x64e: {  	vm1 =	veq.s32 v10, v8  }
0x64f: {  	vm2 =	vmand vm0, vm1  }
0x650: {  	v11 =	vsel vm2, $0x1, v0  }
0x651: {  	(xrf0) =	vadd.scan.msk.s32 $0xffff, v11;
	_ =	sdelay $0x5  }
0x652: {  	v11, _, _ =	vpop (xrf0)  }
0x653: {  	v12 =	vadd.s32 s23, v11;
	(v2sf) =	vpush v11, $0xF  }
0x654: {  	p1 =	sne.s32 s0, $0x1;
	v10 =	vxor.u32 $0x80000000, v10;
	vm15 =	vle.s32 v12, v7  }
.Ltmp50:
0x655: {  	vm3 =	vlt.s32 v10, v6;
	vm1 =	vmand vm1, vm15;
	(pc) =	sbr.rel @!p1 .LBB2_93-.Ltmp50, $4  }
0x656: {  	vm1 =	vmor vm3, vm1  }
0x657: {  	v10 =	vsel vm1, $0x0, v4  }
0x658: {  	s3 =	simm.s32 $0xC410;
	s4 =	sadd.s32 $0xFFFFFFFF, s0;
	[tilespmem:v9+s20+$0x0] =	vst.idx.msk vm0, v10  }
0x659: {  	p0 =	por $0x1, $0x1;
	s0 =	simm.s32 $0x0;
	s1 =	smov.u32 s23;
	v9 =	vld [tilespmem:s3+$0x0]  }
.LBB2_94:
0x65a: {  	p1 =	sne.s32 s4, $0x1  }
0x65b: {  	s0 =	sadd.s32 $0x10, s0  }
0x65c: {  	v10 =	vor.u32 s0, v1  }
0x65d: {  	vm0 =	vlt.s32 v10, v5  }
0x65e: {  	v9 =	vnsel vm0, $0x0, v9;
	_ =	sdelay $0x3  }
0x65f: {  	s5 =	spop (v2sf)  }
0x660: {  	v10 =	vld.idx.msk [tilespmem:v9+s2+$0x0], $0xffff;
	s1 =	sadd.s32 s1, s5;
	_ =	sdelay $0x5  }
0x661: {  	vm1 =	veq.s32 v10, v8;
	v10 =	vxor.u32 $0x80000000, v10  }
0x662: {  	vm2 =	vmand vm0, vm1  }
0x663: {  	v11 =	vsel vm2, $0x1, v0  }
0x664: {  	(xrf0) =	vadd.scan.msk.s32 $0xffff, v11;
	_ =	sdelay $0x5  }
0x665: {  	v11, _, _ =	vpop (xrf0)  }
0x666: {  	v12 =	vadd.s32 s1, v11;
	(v2sf) =	vpush v11, $0xF  }
0x667: {  	vm2 =	vle.s32 v12, v7  }
.Ltmp51:
0x668: {  	vm3 =	vlt.s32 v10, v6;
	vm1 =	vmand vm1, vm2;
	(pc) =	sbr.rel @p1 .LBB2_94-.Ltmp51, $4  }
0x669: {  	vm1 =	vmor vm3, vm1  }
0x66a: {  	v10 =	vsel vm1, $0x0, v4  }
0x66b: {  	s3 =	sadd.s32 $0x10, s3;
	[tilespmem:v9+s20+$0x0] =	vst.idx.msk vm0, v10  }
0x66c: {  	s4 =	sadd.s32 $0xFFFFFFFF, s4;
	v9 =	vld [tilespmem:s3+$0x0]  }
.Ltmp52:
0x66d: {  	_ = 	snop;
	(pc) =	sbr.rel .LBB2_95-.Ltmp52, $1  }
0x66e: {  	_ =	sdelay $0x3  }
.LBB2_8:
.Ltmp53:
0x66f: {  	(pc) =	sbr.rel .LBB2_27-.Ltmp53, $3  }
0x670: {  	_ =	sdelay $0x1  }
0x671: {  	p2 =	por $0x0, $0x0  }
0x672: {  	s23 =	simm.s32 $0x0;
	s25 =	simm.s32 $0x0;
	s24 =	simm.s32 $0x0  }
.LBB2_34:
.Ltmp54:
0x673: {  	(pc) =	sbr.rel .LBB2_53-.Ltmp54, $3  }
0x674: {  	_ =	sdelay $0x1  }
0x675: {  	p2 =	por $0x0, $0x0  }
0x676: {  	s26 =	simm.s32 $0x0;
	s29 =	simm.s32 $0x0;
	s28 =	simm.s32 $0x0  }
.LBB2_61:
.Ltmp55:
0x677: {  	(pc) =	sbr.rel .LBB2_80-.Ltmp55, $3  }
0x678: {  	_ =	sdelay $0x1  }
0x679: {  	p1 =	por $0x0, $0x0  }
0x67a: {  	s26 =	simm.s32 $0x0;
	s29 =	simm.s32 $0x0;
	s28 =	simm.s32 $0x0  }
.LBB2_10:
.Ltmp56:
0x67b: {  	(pc) =	sbr.rel .LBB2_27-.Ltmp56, $3  }
0x67c: {  	_ =	sdelay $0x1  }
0x67d: {  	p2 =	por $0x1, $0x1  }
0x67e: {  	s23 =	simm.s32 $0x0;
	v9 =	vmov v13;
	s25 =	simm.s32 $0x0;
	s24 =	simm.s32 $0x0;
	v7 =	vmov v6  }
.LBB2_36:
.Ltmp57:
0x67f: {  	(pc) =	sbr.rel .LBB2_53-.Ltmp57, $3  }
0x680: {  	_ =	sdelay $0x1  }
0x681: {  	p2 =	por $0x1, $0x1  }
0x682: {  	s26 =	simm.s32 $0x0;
	v12 =	vmov v14;
	s29 =	simm.s32 $0x0;
	s28 =	simm.s32 $0x0;
	v8 =	vmov v7  }
.LBB2_63:
.Ltmp58:
0x683: {  	(pc) =	sbr.rel .LBB2_80-.Ltmp58, $3  }
0x684: {  	_ =	sdelay $0x1  }
0x685: {  	p1 =	por $0x0, $0x0  }
0x686: {  	s26 =	simm.s32 $0x0;
	v13 =	vmov v15;
	s29 =	simm.s32 $0x0;
	s28 =	simm.s32 $0x0;
	v9 =	vmov v8  }
.LBB2_12:
.Ltmp59:
0x687: {  	(pc) =	sbr.rel .LBB2_27-.Ltmp59, $4  }
0x688: {  	p0 =	por $0x1, $0x1  }
0x689: {  	s0 =	simm.s32 @!p0 $0x0  }
0x68a: {  	p2 =	por $0x1, $0x1;
	s23 =	simm.s32 $0x0;
	s0 =	simm.s32 @p0 $0x1  }
0x68b: {  	v10 =	vmov v23;
	v9 =	vmov v6;
	s25 =	simm.s32 $0x0;
	s24 =	simm.s32 $0x0;
	[smem:$0x7F6] =	sst s0  }
.LBB2_38:
.Ltmp60:
0x68c: {  	(pc) =	sbr.rel .LBB2_53-.Ltmp60, $4  }
0x68d: {  	p0 =	por $0x1, $0x1  }
0x68e: {  	s0 =	simm.s32 @!p0 $0x0  }
0x68f: {  	p2 =	por $0x1, $0x1;
	s26 =	simm.s32 $0x0;
	s0 =	simm.s32 @p0 $0x1  }
0x690: {  	v10 =	vmov v24;
	v12 =	vmov v7;
	s29 =	simm.s32 $0x0;
	s28 =	simm.s32 $0x0;
	[smem:$0x7EF] =	sst s0  }
.LBB2_65:
.Ltmp61:
0x691: {  	(pc) =	sbr.rel .LBB2_80-.Ltmp61, $3  }
0x692: {  	_ =	sdelay $0x1  }
0x693: {  	p1 =	por $0x0, $0x0  }
0x694: {  	v11 =	vmov v25;
	v13 =	vmov v8;
	s26 =	simm.s32 $0x0;
	s29 =	simm.s32 $0x0;
	s28 =	simm.s32 $0x0  }
.LBB2_14:
.Ltmp62:
0x695: {  	(pc) =	sbr.rel .LBB2_27-.Ltmp62, $4  }
0x696: {  	p0 =	por $0x1, $0x1  }
0x697: {  	s0 =	simm.s32 @!p0 $0x0  }
0x698: {  	p2 =	por $0x1, $0x1;
	s23 =	simm.s32 $0x0;
	s0 =	simm.s32 @p0 $0x1  }
0x699: {  	v18 =	vmovc v13;
	v13 =	vmovc v6;
	v9 =	vmov v11;
	v10 =	vmov v12;
	s25 =	simm.s32 $0x0;
	s24 =	simm.s32 $0x0;
	v7 =	vmov v8;
	[smem:$0x7F6] =	sst s0  }
.LBB2_40:
.Ltmp63:
0x69a: {  	(pc) =	sbr.rel .LBB2_53-.Ltmp63, $4  }
0x69b: {  	p0 =	por $0x1, $0x1  }
0x69c: {  	s0 =	simm.s32 @!p0 $0x0  }
0x69d: {  	p2 =	por $0x1, $0x1;
	s26 =	simm.s32 $0x0;
	s0 =	simm.s32 @p0 $0x1  }
0x69e: {  	v19 =	vmovc v14;
	v14 =	vmovc v7;
	v12 =	vmov v11;
	v10 =	vmov v13;
	s29 =	simm.s32 $0x0;
	s28 =	simm.s32 $0x0;
	v8 =	vmov v9;
	[smem:$0x7EF] =	sst s0  }
.LBB2_67:
.Ltmp64:
0x69f: {  	(pc) =	sbr.rel .LBB2_80-.Ltmp64, $3  }
0x6a0: {  	_ =	sdelay $0x1  }
0x6a1: {  	p1 =	por $0x1, $0x1  }
0x6a2: {  	v20 =	vmovc v15;
	v15 =	vmovc v8;
	v13 =	vmov v12;
	v11 =	vmov v14;
	s26 =	simm.s32 $0x0;
	s29 =	simm.s32 $0x0;
	s28 =	simm.s32 $0x0;
	v9 =	vmov v10  }
.LBB2_16:
.Ltmp65:
0x6a3: {  	(pc) =	sbr.rel .LBB2_27-.Ltmp65, $3  }
0x6a4: {  	_ =	sdelay $0x1  }
0x6a5: {  	p2 =	por $0x1, $0x1;
	v16 =	vmov v13  }
0x6a6: {  	v18 =	vmovc v6;
	v13 =	vmovc v11;
	v9 =	vmov v8;
	v10 =	vmov v19;
	s23 =	simm.s32 $0x0;
	s25 =	simm.s32 $0x0;
	s24 =	simm.s32 $0x0;
	v23 =	vmov v12  }
.LBB2_42:
.Ltmp66:
0x6a7: {  	(pc) =	sbr.rel .LBB2_53-.Ltmp66, $3  }
0x6a8: {  	_ =	sdelay $0x1  }
0x6a9: {  	p2 =	por $0x1, $0x1;
	v17 =	vmov v14  }
0x6aa: {  	v19 =	vmovc v7;
	v14 =	vmovc v11;
	v12 =	vmov v9;
	v10 =	vmov v20;
	s26 =	simm.s32 $0x0;
	s29 =	simm.s32 $0x0;
	s28 =	simm.s32 $0x0;
	v24 =	vmov v13  }
.LBB2_69:
.Ltmp67:
0x6ab: {  	(pc) =	sbr.rel .LBB2_80-.Ltmp67, $3  }
0x6ac: {  	_ =	sdelay $0x1  }
0x6ad: {  	p1 =	por $0x1, $0x1;
	v18 =	vmov v15  }
0x6ae: {  	v20 =	vmovc v8;
	v15 =	vmovc v12;
	v13 =	vmov v10;
	v11 =	vmov v21;
	s26 =	simm.s32 $0x0;
	s29 =	simm.s32 $0x0;
	s28 =	simm.s32 $0x0;
	v25 =	vmov v14  }
.LBB2_18:
.Ltmp68:
0x6af: {  	(pc) =	sbr.rel .LBB2_27-.Ltmp68, $3  }
0x6b0: {  	_ =	sdelay $0x1  }
0x6b1: {  	v10 =	vmov v15;
	v18 =	vmov v11;
	v13 =	vmov v8  }
0x6b2: {  	p2 =	por $0x1, $0x1;
	v9 =	vmovc v14;
	v17 =	vmovc v12;
	v16 =	vmov v6;
	s23 =	simm.s32 $0x0;
	s25 =	simm.s32 $0x0;
	v23 =	vmov v19;
	v7 =	vmov v20  }
.LBB2_44:
.Ltmp69:
0x6b3: {  	(pc) =	sbr.rel .LBB2_53-.Ltmp69, $3  }
0x6b4: {  	_ =	sdelay $0x1  }
0x6b5: {  	v10 =	vmov v16;
	v19 =	vmov v11;
	v14 =	vmov v9  }
0x6b6: {  	p2 =	por $0x1, $0x1;
	v12 =	vmovc v15;
	v18 =	vmovc v13;
	v17 =	vmov v7;
	s26 =	simm.s32 $0x0;
	s29 =	simm.s32 $0x0;
	v24 =	vmov v20;
	v8 =	vmov v21  }
.LBB2_71:
.Ltmp70:
0x6b7: {  	(pc) =	sbr.rel .LBB2_80-.Ltmp70, $3  }
0x6b8: {  	_ =	sdelay $0x1  }
0x6b9: {  	v11 =	vmov v17;
	v20 =	vmov v12;
	v15 =	vmov v10  }
0x6ba: {  	p1 =	por $0x1, $0x1;
	v13 =	vmovc v16;
	v19 =	vmovc v14;
	v18 =	vmov v8;
	s26 =	simm.s32 $0x0;
	s29 =	simm.s32 $0x0;
	v25 =	vmov v21;
	v9 =	vmov v22  }
.LBB2_20:
.Ltmp71:
0x6bb: {  	(pc) =	sbr.rel .LBB2_27-.Ltmp71, $3  }
0x6bc: {  	_ =	sdelay $0x1  }
0x6bd: {  	v10 =	vmov v21;
	v13 =	vmov v14  }
0x6be: {  	p2 =	por $0x1, $0x1;
	v9 =	vmovc v20;
	v17 =	vmovc v19;
	v16 =	vmov v11;
	s23 =	simm.s32 $0x0;
	v18 =	vmov v8;
	s25 =	simm.s32 $0x0;
	v23 =	vmov v15  }
.LBB2_46:
.Ltmp72:
0x6bf: {  	(pc) =	sbr.rel .LBB2_53-.Ltmp72, $3  }
0x6c0: {  	_ =	sdelay $0x1  }
0x6c1: {  	v10 =	vmov v22;
	v14 =	vmov v15  }
0x6c2: {  	p2 =	por $0x1, $0x1;
	v12 =	vmovc v21;
	v18 =	vmovc v20;
	v17 =	vmov v11;
	s26 =	simm.s32 $0x0;
	v19 =	vmov v9;
	s29 =	simm.s32 $0x0;
	v24 =	vmov v16  }
.LBB2_73:
.Ltmp73:
0x6c3: {  	(pc) =	sbr.rel .LBB2_80-.Ltmp73, $3  }
0x6c4: {  	_ =	sdelay $0x1  }
0x6c5: {  	v11 =	vmov v23;
	v15 =	vmov v16  }
0x6c6: {  	p1 =	por $0x1, $0x1;
	v13 =	vmovc v22;
	v19 =	vmovc v21;
	v18 =	vmov v12;
	s26 =	simm.s32 $0x0;
	v20 =	vmov v10;
	s29 =	simm.s32 $0x0;
	v25 =	vmov v17  }
.LBB2_22:
.Ltmp74:
0x6c7: {  	(pc) =	sbr.rel .LBB2_27-.Ltmp74, $3  }
0x6c8: {  	_ =	sdelay $0x1  }
0x6c9: {  	v10 =	vmov v24;
	v17 =	vmov v22;
	_ =	sdelay $0x1  }
0x6ca: {  	v16 =	vmovc v8;
	s23 =	simm.s32 $0x0;
	v18 =	vmovc v14;
	v13 =	vmov v20;
	s25 =	simm.s32 $0x0;
	v7 =	vmov v23;
	v23 =	vmov v21  }
.LBB2_48:
.Ltmp75:
0x6cb: {  	(pc) =	sbr.rel .LBB2_53-.Ltmp75, $3  }
0x6cc: {  	_ =	sdelay $0x1  }
0x6cd: {  	v10 =	vmov v25;
	v18 =	vmov v23;
	_ =	sdelay $0x1  }
0x6ce: {  	v17 =	vmovc v9;
	s26 =	simm.s32 $0x0;
	v19 =	vmovc v15;
	v14 =	vmov v21;
	s29 =	simm.s32 $0x0;
	v8 =	vmov v24;
	v24 =	vmov v22  }
.LBB2_75:
.Ltmp76:
0x6cf: {  	(pc) =	sbr.rel .LBB2_80-.Ltmp76, $3  }
0x6d0: {  	_ =	sdelay $0x1  }
0x6d1: {  	v11 =	vmov v26;
	v19 =	vmov v24;
	_ =	sdelay $0x1  }
0x6d2: {  	p1 =	por $0x1, $0x1;
	v18 =	vmovc v10;
	s26 =	simm.s32 $0x0;
	v20 =	vmovc v16;
	v15 =	vmov v22;
	s29 =	simm.s32 $0x0;
	v9 =	vmov v25;
	v25 =	vmov v23  }
.LBB2_24:
.Ltmp77:
0x6d3: {  	(pc) =	sbr.rel .LBB2_27-.Ltmp77, $2  }
0x6d4: {  	_ =	sdelay $0x2  }
0x6d5: {  	v13 =	vmovc v9;
	v16 =	vmovc v14;
	s23 =	simm.s32 $0x0;
	v18 =	vmov v20;
	v9 =	vmov v25;
	s25 =	simm.s32 $0x0;
	v23 =	vmov v24  }
.LBB2_50:
.Ltmp78:
0x6d6: {  	(pc) =	sbr.rel .LBB2_53-.Ltmp78, $2  }
0x6d7: {  	_ =	sdelay $0x2  }
0x6d8: {  	v14 =	vmovc v12;
	v17 =	vmovc v15;
	s26 =	simm.s32 $0x0;
	v19 =	vmov v21;
	v12 =	vmov v26;
	s29 =	simm.s32 $0x0;
	v24 =	vmov v25  }
.LBB2_77:
.Ltmp79:
0x6d9: {  	(pc) =	sbr.rel .LBB2_80-.Ltmp79, $2  }
0x6da: {  	_ =	sdelay $0x2  }
0x6db: {  	p1 =	por $0x1, $0x1;
	v15 =	vmovc v13;
	v18 =	vmovc v16;
	s26 =	simm.s32 $0x0;
	v20 =	vmov v22;
	v13 =	vmov v27;
	s29 =	simm.s32 $0x0;
	v25 =	vmov v26  }
.LBB2_93:
.Ltmp80:
0x6dc: {  	(pc) =	sbr.rel .LBB2_95-.Ltmp80, $2  }
0x6dd: {  	_ =	sdelay $0x2  }
0x6de: {  	s0 =	simm.s32 $0x0;
	s1 =	smov.u32 s23  }
.LBB2_97:
0x6df: {  	_ =	sfence.sel $0x180000  }
0x6e0: {  	[bflag:$0x0] =	sbarrier.arrive $0xFFFF  }
0x6e1: {  	_ =	strace $0x90000047  }
0x6e2: {  	s0 =	stileid.u32;
	[bflag:$0x2] =	sbarrier.arrive $0xFFFF  }
0x6e3: {  	p0 =	sne.s32 s0, $0x0;
	s0 =	rddreg [dreg:$0x3]  }
0x6e4: {  	s0 =	sadd.s32 @!p0 $0x100000, s0  }
0x6e5: {  	[sflag:s0] =	ssyncadd.tile.s32 @!p0 $0x1;
	_ =	shalt  }
.Lfunc_end2:
_tile_overlayer_lowered:
.L_overlay_start_2:
0x6e6: {  	(tag) =	ssettag $0x2  }
0x6e7: {  	s0 =	rddreg [dreg:$0x0];
	s2 =	stileid.u32  }
0x6e8: {  	s1 =	rddreg [dreg:$0x1];
	p0 =	sne.s32 s2, $0x0  }
0x6e9: {  	s3 =	rddreg [dreg:$0x2];
	[bflag:$0x3] =	sbarrier.arrive $0xFFFF;
	s2 =	simm.s32 @!p0 $0x1C01  }
0x6ea: {  	[timem:s3], [sflag:s2] =	dma.local @!p0 [hbm:s0], s1  }
0x6eb: {  	s0 =	simm.s32 @!p0 $0x1  }
0x6ec: {  	_ =	swait.ge @!p0 [sflag:s0], s1  }
0x6ed: {  	s1 =	ssub.s32 @!p0 $0x0, s1;
	[sflag:s0] =	ssyncset.done @!p0 $0x0  }
0x6ee: {  	[sflag:s0] =	ssyncadd.s32 @!p0 s1  }
0x6ef: {  	[bflag:$0x3] =	sbarrier.arrive $0xFFFF  }
0x6f0: {  	_ =	shalt  }

</sc_bundles>
